<compile_context>
chip_gen: v7x
topology: tpu7x:2x2x1
jax: 0.10.2.dev20260603
libtpu: 0.0.44.dev20260713+nightly
codegen_flags: <defaults>
</compile_context>

<pallas_src>
import functools

import jax
import jax.numpy as jnp
from jax import lax
from jax.experimental import pallas as pl
from jax.experimental.pallas import tpu as pltpu
from jax.experimental.pallas import tpu_sc as plsc

N = 100000
D_ATOM = 32
D_RES = 16
D_AR = D_ATOM + D_RES

NC, NS = 2, 16
NW = NC * NS
SUB = 80
NSUB = 5
C = SUB * NSUB
NG = C // 16
NCHUNKS = N // C
BASE_CHUNKS = NCHUNKS // NW
BIG = NCHUNKS - NW * BASE_CHUNKS
MAXC = BASE_CHUNKS + 1


def _body(atom_idx_hbm, res_idx_hbm, wcat_hbm, outT_hbm,
          idx_a, idx_r, bufs0, bufs1, sem0, sem1, semw0, semw1):
    wid = lax.axis_index("s") * NC + lax.axis_index("c")
    start = wid * BASE_CHUNKS + jnp.minimum(wid, BIG)
    count = jnp.where(wid < BIG, BASE_CHUNKS + 1, BASE_CHUNKS)
    end = start + count
    base0 = start * C
    lanes = lax.iota(jnp.int32, 16)

    pltpu.sync_copy(atom_idx_hbm.at[pl.ds(base0, BASE_CHUNKS * C)],
                    idx_a.at[pl.ds(0, BASE_CHUNKS * C)])
    pltpu.sync_copy(res_idx_hbm.at[pl.ds(base0, BASE_CHUNKS * C)],
                    idx_r.at[pl.ds(0, BASE_CHUNKS * C)])

    @pl.when(count == MAXC)
    def _():
        pltpu.sync_copy(
            atom_idx_hbm.at[pl.ds(base0 + BASE_CHUNKS * C, C)],
            idx_a.at[pl.ds(BASE_CHUNKS * C, C)])
        pltpu.sync_copy(
            res_idx_hbm.at[pl.ds(base0 + BASE_CHUNKS * C, C)],
            idx_r.at[pl.ds(BASE_CHUNKS * C, C)])

    def fire(k, bufs, sem):
        rows_a, rows_r, _ = bufs
        off = (k - start) * C
        for j in range(NSUB):
            pltpu.async_copy(wcat_hbm.at[idx_a.at[pl.ds(off + SUB * j, SUB)]],
                             rows_a.at[pl.ds(SUB * j, SUB)], sem)
            pltpu.async_copy(wcat_hbm.at[idx_r.at[pl.ds(off + SUB * j, SUB)]],
                             rows_r.at[pl.ds(SUB * j, SUB)], sem)

    def drain(bufs, sem):
        rows_a, rows_r, _ = bufs
        for j in range(NSUB):
            pltpu.make_async_copy(wcat_hbm.at[pl.ds(0, SUB)],
                                  rows_a.at[pl.ds(SUB * j, SUB)], sem).wait()
            pltpu.make_async_copy(wcat_hbm.at[pl.ds(0, SUB)],
                                  rows_r.at[pl.ds(SUB * j, SUB)], sem).wait()

    def proc(k, bufs, semw):
        rows_a, rows_r, outT_v = bufs
        base = k * C

        @pl.when(k >= start + 2)
        def _():
            pltpu.make_async_copy(outT_v, outT_hbm.at[:, pl.ds(0, C)],
                                  semw).wait()

        @plsc.parallel_loop(0, NG, unroll=2)
        def col_group(g):
            rows16 = g * 16 + lanes
            for c in range(D_ATOM):
                cols16 = jnp.full((16,), c, jnp.int32)
                outT_v[c, pl.ds(g * 16, 16)] = plsc.load_gather(
                    rows_a, [rows16, cols16])
            for c in range(D_RES):
                cols16 = jnp.full((16,), D_ATOM + c, jnp.int32)
                outT_v[D_ATOM + c, pl.ds(g * 16, 16)] = plsc.load_gather(
                    rows_r, [rows16, cols16])

        pltpu.async_copy(outT_v, outT_hbm.at[:, pl.ds(base, C)], semw)

    fire(start, bufs0, sem0)

    def pair_body(p, carry):
        k0 = start + 2 * p
        k1 = k0 + 1

        @pl.when(k1 < end)
        def _():
            fire(k1, bufs1, sem1)

        drain(bufs0, sem0)
        proc(k0, bufs0, semw0)

        @pl.when(k1 < end)
        def _():
            @pl.when(k1 + 1 < end)
            def _():
                fire(k1 + 1, bufs0, sem0)

            drain(bufs1, sem1)
            proc(k1, bufs1, semw1)

        return carry

    lax.fori_loop(0, (MAXC + 1) // 2, pair_body, 0)

    pltpu.make_async_copy(bufs0[2], outT_hbm.at[:, pl.ds(0, C)],
                          semw0).wait()
    pltpu.make_async_copy(bufs1[2], outT_hbm.at[:, pl.ds(0, C)],
                          semw1).wait()


def _buf_types():
    return (
        pltpu.VMEM((C, D_AR), jnp.float32),
        pltpu.VMEM((C, D_AR), jnp.float32),
        pltpu.VMEM((D_AR, C), jnp.float32),
    )


@jax.jit
def _sc_embed(atom_types, residue_types, W_cat):
    mesh = plsc.VectorSubcoreMesh(core_axis_name="c", subcore_axis_name="s",
                                  num_cores=NC, num_subcores=NS)
    f = functools.partial(
        pl.kernel,
        out_type=jax.ShapeDtypeStruct((D_AR, N), jnp.float32),
        mesh=mesh,
        scratch_types=[
            pltpu.VMEM((MAXC * C,), jnp.int32),
            pltpu.VMEM((MAXC * C,), jnp.int32),
            _buf_types(),
            _buf_types(),
            pltpu.SemaphoreType.DMA,
            pltpu.SemaphoreType.DMA,
            pltpu.SemaphoreType.DMA,
            pltpu.SemaphoreType.DMA,
        ],
        compiler_params=pltpu.CompilerParams(use_tc_tiling_on_sc=False,
                                             needs_layout_passes=False),
    )(_body)
    return f(atom_types, residue_types, W_cat)


def kernel(atom_types, residue_types, extra_feats, W_atom, W_res):
    W_cat = jnp.concatenate([W_atom, W_res], axis=1)
    outT_ar = _sc_embed(atom_types, residue_types, W_cat)
    return jnp.concatenate([outT_ar.T, extra_feats], axis=1)

# --- scband reference (transcript-rebuilt; emitter-appended) ---
"""Pipeline reference for scband-embedding-attrs-25177098289380 (READ-ONLY COPY).

The authoritative reference and input builder live on the scoring server;
editing this copy changes nothing except your own understanding.
"""

import jax, jax.numpy as jnp
import numpy as np

N = 100000
V = 100000
D_ATOM = 32
D_RES = 16
D_NUM = 16


def setup_inputs(seed: int = 0) -> dict:
    key = jax.random.key(seed)
    k1, k2, k3, k4, k5 = jax.random.split(key, 5)
    atom_types = jax.random.randint(k1, (N,), 0, V, dtype=jnp.int32)
    residue_types = jax.random.randint(k2, (N,), 0, V, dtype=jnp.int32)
    extra_feats = jax.random.normal(k3, (N, D_NUM), dtype=jnp.float32)
    # Embedding tables: xavier_uniform scaled by 0.3333*isqrt(dim) as in the module
    limit_a = np.sqrt(6.0 / (V + D_ATOM))
    W_atom = jax.random.uniform(k4, (V, D_ATOM), minval=-limit_a, maxval=limit_a, dtype=jnp.float32) * (0.3333 * int(np.sqrt(D_ATOM)))
    limit_r = np.sqrt(6.0 / (V + D_RES))
    W_res = jax.random.uniform(k5, (V, D_RES), minval=-limit_r, maxval=limit_r, dtype=jnp.float32) * (0.3333 * int(np.sqrt(D_RES)))
    return {"atom_types": atom_types, "residue_types": residue_types, "extra_feats": extra_feats, "W_atom": W_atom, "W_res": W_res}


def reference(atom_types, residue_types, extra_feats, W_atom, W_res):
    # use_masking=False, no equivariant attrs. Forward = embedding lookups + concat with numerical feats.
    emb_atom = jnp.take(W_atom, atom_types, axis=0)
    emb_res = jnp.take(W_res, residue_types, axis=0)
    out = jnp.concatenate([emb_atom, emb_res, extra_feats], axis=-1).astype(jnp.float32)
    return out

if __name__ == "__main__":
    import jax
    _d = setup_inputs()
    print(jax.jit(kernel)(*tuple(_d.values())))

</pallas_src>

<mosaic_0001>
#map = affine_map<(d0, d1) -> (0)>
#map1 = affine_map<(d0, d1) -> (0, 0)>
module attributes {stable_mosaic.version = 14 : i64} {
  func.func @_body(%arg0: i32, %arg1: i32, %arg2: memref<100000xi32, #tpu.memory_space<hbm>>, %arg3: memref<100000xi32, #tpu.memory_space<hbm>>, %arg4: memref<100000x48xf32, #tpu.memory_space<hbm>>, %arg5: memref<48x100000xf32, #tpu.memory_space<hbm>>, %arg6: memref<3200xi32, #tpu.memory_space<vmem>>, %arg7: memref<3200xi32, #tpu.memory_space<vmem>>, %arg8: memref<400x48xf32, #tpu.memory_space<vmem>>, %arg9: memref<400x48xf32, #tpu.memory_space<vmem>>, %arg10: memref<48x400xf32, #tpu.memory_space<vmem>>, %arg11: memref<400x48xf32, #tpu.memory_space<vmem>>, %arg12: memref<400x48xf32, #tpu.memory_space<vmem>>, %arg13: memref<48x400xf32, #tpu.memory_space<vmem>>, %arg14: memref<!tpu.dma_semaphore, #tpu.memory_space<semaphore_mem>>, %arg15: memref<!tpu.dma_semaphore, #tpu.memory_space<semaphore_mem>>, %arg16: memref<!tpu.dma_semaphore, #tpu.memory_space<semaphore_mem>>, %arg17: memref<!tpu.dma_semaphore, #tpu.memory_space<semaphore_mem>>) attributes {dimension_semantics = [#tpu.dimension_semantics<core_parallel>, #tpu.dimension_semantics<subcore_parallel>], iteration_bounds = array<i64: 2, 16>, scalar_prefetch = 0 : i64, scratch_operands = 12 : i64, tpu.core_type = #tpu.core_type<sc_vector_subcore>, window_params = [{transform_indices = #map}, {transform_indices = #map}, {transform_indices = #map1}, {transform_indices = #map1}]} {
    %mul3A = arith.constant 2 : i32
    %mul3A_0 = arith.muli %arg1, %mul3A : i32
    %add3A = arith.addi %mul3A_0, %arg0 : i32
    %mul3A_1 = arith.constant 7 : i32
    %mul3A_2 = arith.muli %add3A, %mul3A_1 : i32
    %min3A = arith.constant 26 : i32
    %min3A_3 = arith.minsi %add3A, %min3A : i32
    %add3A_4 = arith.addi %mul3A_2, %min3A_3 : i32
    %lt3A = arith.constant 26 : i32
    %lt3A_5 = arith.cmpi slt, %add3A, %lt3A : i32
    %jit3A = arith.constant 8 : i32
    %jit3A_6 = arith.constant 7 : i32
    %select_n3A = arith.select %lt3A_5, %jit3A, %jit3A_6 : i32
    %add3A_7 = arith.addi %add3A_4, %select_n3A : i32
    %mul3A_8 = arith.constant 400 : i32
    %mul3A_9 = arith.muli %add3A_4, %mul3A_8 : i32
    %iota3A = tpu.iota {dimensions = array<i32: 0>} : vector<16xi32>
    "tpu.region"() ({
      %run_scoped3A = tpu.sem_alloc : memref<!tpu.dma_semaphore, #tpu.memory_space<semaphore_mem>>
      %dma_start3A_119 = arith.constant 0 : i32
      %dma_start3A_120 = tpu.memref_slice %arg6[%dma_start3A_119] : memref<3200xi32, #tpu.memory_space<vmem>> -> memref<2800xi32, #tpu.memory_space<vmem>>
      %dma_start3A_121 = tpu.memref_slice %arg2[%mul3A_9] : memref<100000xi32, #tpu.memory_space<hbm>> -> memref<2800xi32, #tpu.memory_space<hbm>>
      %dma_start3A_122 = arith.constant 0 : i32
      %dma_start3A_123 = tpu.memref_slice %arg6[%dma_start3A_122] : memref<3200xi32, #tpu.memory_space<vmem>> -> memref<2800xi32, #tpu.memory_space<vmem>>
      %dma_start3A_124 = tpu.memref_slice %arg2[%mul3A_9] : memref<100000xi32, #tpu.memory_space<hbm>> -> memref<2800xi32, #tpu.memory_space<hbm>>
      tpu.enqueue_dma source(%dma_start3A_124 : memref<2800xi32, #tpu.memory_space<hbm>>) target(%dma_start3A_123 : memref<2800xi32, #tpu.memory_space<vmem>>) target_semaphore(%run_scoped3A : memref<!tpu.dma_semaphore, #tpu.memory_space<semaphore_mem>>)
      %dma_wait3A_125 = arith.constant 0 : i32
      %dma_wait3A_126 = tpu.memref_slice %arg6[%dma_wait3A_125] : memref<3200xi32, #tpu.memory_space<vmem>> -> memref<2800xi32, #tpu.memory_space<vmem>>
      %dma_wait3A_127 = tpu.memref_slice %arg2[%mul3A_9] : memref<100000xi32, #tpu.memory_space<hbm>> -> memref<2800xi32, #tpu.memory_space<hbm>>
      %dma_wait3A_128 = arith.constant 0 : i32
      %dma_wait3A_129 = tpu.memref_slice %arg6[%dma_wait3A_128] : memref<3200xi32, #tpu.memory_space<vmem>> -> memref<2800xi32, #tpu.memory_space<vmem>>
      %dma_wait3A_130 = tpu.memref_slice %arg2[%mul3A_9] : memref<100000xi32, #tpu.memory_space<hbm>> -> memref<2800xi32, #tpu.memory_space<hbm>>
      tpu.wait_dma2 semaphore(%run_scoped3A : memref<!tpu.dma_semaphore, #tpu.memory_space<semaphore_mem>>) src(%dma_wait3A_130 : memref<2800xi32, #tpu.memory_space<hbm>>) dst(%dma_wait3A_129 : memref<2800xi32, #tpu.memory_space<vmem>>)
      tpu.yield
    }) : () -> ()
    "tpu.region"() ({
      %run_scoped3A = tpu.sem_alloc : memref<!tpu.dma_semaphore, #tpu.memory_space<semaphore_mem>>
      %dma_start3A_119 = arith.constant 0 : i32
      %dma_start3A_120 = tpu.memref_slice %arg7[%dma_start3A_119] : memref<3200xi32, #tpu.memory_space<vmem>> -> memref<2800xi32, #tpu.memory_space<vmem>>
      %dma_start3A_121 = tpu.memref_slice %arg3[%mul3A_9] : memref<100000xi32, #tpu.memory_space<hbm>> -> memref<2800xi32, #tpu.memory_space<hbm>>
      %dma_start3A_122 = arith.constant 0 : i32
      %dma_start3A_123 = tpu.memref_slice %arg7[%dma_start3A_122] : memref<3200xi32, #tpu.memory_space<vmem>> -> memref<2800xi32, #tpu.memory_space<vmem>>
      %dma_start3A_124 = tpu.memref_slice %arg3[%mul3A_9] : memref<100000xi32, #tpu.memory_space<hbm>> -> memref<2800xi32, #tpu.memory_space<hbm>>
      tpu.enqueue_dma source(%dma_start3A_124 : memref<2800xi32, #tpu.memory_space<hbm>>) target(%dma_start3A_123 : memref<2800xi32, #tpu.memory_space<vmem>>) target_semaphore(%run_scoped3A : memref<!tpu.dma_semaphore, #tpu.memory_space<semaphore_mem>>)
      %dma_wait3A_125 = arith.constant 0 : i32
      %dma_wait3A_126 = tpu.memref_slice %arg7[%dma_wait3A_125] : memref<3200xi32, #tpu.memory_space<vmem>> -> memref<2800xi32, #tpu.memory_space<vmem>>
      %dma_wait3A_127 = tpu.memref_slice %arg3[%mul3A_9] : memref<100000xi32, #tpu.memory_space<hbm>> -> memref<2800xi32, #tpu.memory_space<hbm>>
      %dma_wait3A_128 = arith.constant 0 : i32
      %dma_wait3A_129 = tpu.memref_slice %arg7[%dma_wait3A_128] : memref<3200xi32, #tpu.memory_space<vmem>> -> memref<2800xi32, #tpu.memory_space<vmem>>
      %dma_wait3A_130 = tpu.memref_slice %arg3[%mul3A_9] : memref<100000xi32, #tpu.memory_space<hbm>> -> memref<2800xi32, #tpu.memory_space<hbm>>
      tpu.wait_dma2 semaphore(%run_scoped3A : memref<!tpu.dma_semaphore, #tpu.memory_space<semaphore_mem>>) src(%dma_wait3A_130 : memref<2800xi32, #tpu.memory_space<hbm>>) dst(%dma_wait3A_129 : memref<2800xi32, #tpu.memory_space<vmem>>)
      tpu.yield
    }) : () -> ()
    %eq3A = arith.constant 8 : i32
    %eq3A_10 = arith.cmpi eq, %select_n3A, %eq3A : i32
    %convert_element_type3A = arith.extui %eq3A_10 : i1 to i32
    %cond3A = arith.constant 0 : i32
    %cond3A_11 = arith.cmpi ne, %convert_element_type3A, %cond3A : i32
    scf.if %cond3A_11 {
      %add3A_119 = arith.constant 2800 : i32
      %add3A_120 = arith.addi %mul3A_9, %add3A_119 : i32
      "tpu.region"() ({
        %run_scoped3A = tpu.sem_alloc : memref<!tpu.dma_semaphore, #tpu.memory_space<semaphore_mem>>
        %dma_start3A_123 = arith.constant 2800 : i32
        %dma_start3A_124 = tpu.memref_slice %arg6[%dma_start3A_123] : memref<3200xi32, #tpu.memory_space<vmem>> -> memref<400xi32, #tpu.memory_space<vmem>>
        %dma_start3A_125 = tpu.memref_slice %arg2[%add3A_120] : memref<100000xi32, #tpu.memory_space<hbm>> -> memref<400xi32, #tpu.memory_space<hbm>>
        %dma_start3A_126 = arith.constant 2800 : i32
        %dma_start3A_127 = tpu.memref_slice %arg6[%dma_start3A_126] : memref<3200xi32, #tpu.memory_space<vmem>> -> memref<400xi32, #tpu.memory_space<vmem>>
        %dma_start3A_128 = tpu.memref_slice %arg2[%add3A_120] : memref<100000xi32, #tpu.memory_space<hbm>> -> memref<400xi32, #tpu.memory_space<hbm>>
        tpu.enqueue_dma source(%dma_start3A_128 : memref<400xi32, #tpu.memory_space<hbm>>) target(%dma_start3A_127 : memref<400xi32, #tpu.memory_space<vmem>>) target_semaphore(%run_scoped3A : memref<!tpu.dma_semaphore, #tpu.memory_space<semaphore_mem>>)
        %dma_wait3A_129 = arith.constant 2800 : i32
        %dma_wait3A_130 = tpu.memref_slice %arg6[%dma_wait3A_129] : memref<3200xi32, #tpu.memory_space<vmem>> -> memref<400xi32, #tpu.memory_space<vmem>>
        %dma_wait3A_131 = tpu.memref_slice %arg2[%add3A_120] : memref<100000xi32, #tpu.memory_space<hbm>> -> memref<400xi32, #tpu.memory_space<hbm>>
        %dma_wait3A_132 = arith.constant 2800 : i32
        %dma_wait3A_133 = tpu.memref_slice %arg6[%dma_wait3A_132] : memref<3200xi32, #tpu.memory_space<vmem>> -> memref<400xi32, #tpu.memory_space<vmem>>
        %dma_wait3A_134 = tpu.memref_slice %arg2[%add3A_120] : memref<100000xi32, #tpu.memory_space<hbm>> -> memref<400xi32, #tpu.memory_space<hbm>>
        tpu.wait_dma2 semaphore(%run_scoped3A : memref<!tpu.dma_semaphore, #tpu.memory_space<semaphore_mem>>) src(%dma_wait3A_134 : memref<400xi32, #tpu.memory_space<hbm>>) dst(%dma_wait3A_133 : memref<400xi32, #tpu.memory_space<vmem>>)
        tpu.yield
      }) : () -> ()
      %add3A_121 = arith.constant 2800 : i32
      %add3A_122 = arith.addi %mul3A_9, %add3A_121 : i32
      "tpu.region"() ({
        %run_scoped3A = tpu.sem_alloc : memref<!tpu.dma_semaphore, #tpu.memory_space<semaphore_mem>>
        %dma_start3A_123 = arith.constant 2800 : i32
        %dma_start3A_124 = tpu.memref_slice %arg7[%dma_start3A_123] : memref<3200xi32, #tpu.memory_space<vmem>> -> memref<400xi32, #tpu.memory_space<vmem>>
        %dma_start3A_125 = tpu.memref_slice %arg3[%add3A_122] : memref<100000xi32, #tpu.memory_space<hbm>> -> memref<400xi32, #tpu.memory_space<hbm>>
        %dma_start3A_126 = arith.constant 2800 : i32
        %dma_start3A_127 = tpu.memref_slice %arg7[%dma_start3A_126] : memref<3200xi32, #tpu.memory_space<vmem>> -> memref<400xi32, #tpu.memory_space<vmem>>
        %dma_start3A_128 = tpu.memref_slice %arg3[%add3A_122] : memref<100000xi32, #tpu.memory_space<hbm>> -> memref<400xi32, #tpu.memory_space<hbm>>
        tpu.enqueue_dma source(%dma_start3A_128 : memref<400xi32, #tpu.memory_space<hbm>>) target(%dma_start3A_127 : memref<400xi32, #tpu.memory_space<vmem>>) target_semaphore(%run_scoped3A : memref<!tpu.dma_semaphore, #tpu.memory_space<semaphore_mem>>)
        %dma_wait3A_129 = arith.constant 2800 : i32
        %dma_wait3A_130 = tpu.memref_slice %arg7[%dma_wait3A_129] : memref<3200xi32, #tpu.memory_space<vmem>> -> memref<400xi32, #tpu.memory_space<vmem>>
        %dma_wait3A_131 = tpu.memref_slice %arg3[%add3A_122] : memref<100000xi32, #tpu.memory_space<hbm>> -> memref<400xi32, #tpu.memory_space<hbm>>
        %dma_wait3A_132 = arith.constant 2800 : i32
        %dma_wait3A_133 = tpu.memref_slice %arg7[%dma_wait3A_132] : memref<3200xi32, #tpu.memory_space<vmem>> -> memref<400xi32, #tpu.memory_space<vmem>>
        %dma_wait3A_134 = tpu.memref_slice %arg3[%add3A_122] : memref<100000xi32, #tpu.memory_space<hbm>> -> memref<400xi32, #tpu.memory_space<hbm>>
        tpu.wait_dma2 semaphore(%run_scoped3A : memref<!tpu.dma_semaphore, #tpu.memory_space<semaphore_mem>>) src(%dma_wait3A_134 : memref<400xi32, #tpu.memory_space<hbm>>) dst(%dma_wait3A_133 : memref<400xi32, #tpu.memory_space<vmem>>)
        tpu.yield
      }) : () -> ()
    } else {
    }
    %sub3A = arith.subi %add3A_4, %add3A_4 : i32
    %mul3A_12 = arith.constant 400 : i32
    %mul3A_13 = arith.muli %sub3A, %mul3A_12 : i32
    %add3A_14 = arith.constant 0 : i32
    %add3A_15 = arith.addi %mul3A_13, %add3A_14 : i32
    %dma_start3A = arith.constant 0 : i32
    %dma_start3A_16 = arith.constant 0 : i32
    %dma_start3A_17 = tpu.memref_slice %arg8[%dma_start3A, %dma_start3A_16] : memref<400x48xf32, #tpu.memory_space<vmem>> -> memref<80x48xf32, #tpu.memory_space<vmem>>
    %dma_start3A_18 = tpu.memref_slice %arg6[%add3A_15] : memref<3200xi32, #tpu.memory_space<vmem>> -> memref<80xi32, #tpu.memory_space<vmem>>
    %dma_start3A_19 = arith.constant 0 : i32
    %dma_start3A_20 = arith.constant 0 : i32
    %dma_start3A_21 = tpu.memref_slice %arg4[%dma_start3A_19, %dma_start3A_20] : memref<100000x48xf32, #tpu.memory_space<hbm>> -> memref<100000x48xf32, #tpu.memory_space<hbm>>
    tpu.enqueue_indirect_dma source(%dma_start3A_21 : memref<100000x48xf32, #tpu.memory_space<hbm>>) target(%dma_start3A_17 : memref<80x48xf32, #tpu.memory_space<vmem>>) offsets(%dma_start3A_18 : memref<80xi32, #tpu.memory_space<vmem>>) semaphore(%arg14 : memref<!tpu.dma_semaphore, #tpu.memory_space<semaphore_mem>>)
    %add3A_22 = arith.constant 0 : i32
    %add3A_23 = arith.addi %mul3A_13, %add3A_22 : i32
    %dma_start3A_24 = arith.constant 0 : i32
    %dma_start3A_25 = arith.constant 0 : i32
    %dma_start3A_26 = tpu.memref_slice %arg9[%dma_start3A_24, %dma_start3A_25] : memref<400x48xf32, #tpu.memory_space<vmem>> -> memref<80x48xf32, #tpu.memory_space<vmem>>
    %dma_start3A_27 = tpu.memref_slice %arg7[%add3A_23] : memref<3200xi32, #tpu.memory_space<vmem>> -> memref<80xi32, #tpu.memory_space<vmem>>
    %dma_start3A_28 = arith.constant 0 : i32
    %dma_start3A_29 = arith.constant 0 : i32
    %dma_start3A_30 = tpu.memref_slice %arg4[%dma_start3A_28, %dma_start3A_29] : memref<100000x48xf32, #tpu.memory_space<hbm>> -> memref<100000x48xf32, #tpu.memory_space<hbm>>
    tpu.enqueue_indirect_dma source(%dma_start3A_30 : memref<100000x48xf32, #tpu.memory_space<hbm>>) target(%dma_start3A_26 : memref<80x48xf32, #tpu.memory_space<vmem>>) offsets(%dma_start3A_27 : memref<80xi32, #tpu.memory_space<vmem>>) semaphore(%arg14 : memref<!tpu.dma_semaphore, #tpu.memory_space<semaphore_mem>>)
    %add3A_31 = arith.constant 80 : i32
    %add3A_32 = arith.addi %mul3A_13, %add3A_31 : i32
    %dma_start3A_33 = arith.constant 80 : i32
    %dma_start3A_34 = arith.constant 0 : i32
    %dma_start3A_35 = tpu.memref_slice %arg8[%dma_start3A_33, %dma_start3A_34] : memref<400x48xf32, #tpu.memory_space<vmem>> -> memref<80x48xf32, #tpu.memory_space<vmem>>
    %dma_start3A_36 = tpu.memref_slice %arg6[%add3A_32] : memref<3200xi32, #tpu.memory_space<vmem>> -> memref<80xi32, #tpu.memory_space<vmem>>
    %dma_start3A_37 = arith.constant 0 : i32
    %dma_start3A_38 = arith.constant 0 : i32
    %dma_start3A_39 = tpu.memref_slice %arg4[%dma_start3A_37, %dma_start3A_38] : memref<100000x48xf32, #tpu.memory_space<hbm>> -> memref<100000x48xf32, #tpu.memory_space<hbm>>
    tpu.enqueue_indirect_dma source(%dma_start3A_39 : memref<100000x48xf32, #tpu.memory_space<hbm>>) target(%dma_start3A_35 : memref<80x48xf32, #tpu.memory_space<vmem>>) offsets(%dma_start3A_36 : memref<80xi32, #tpu.memory_space<vmem>>) semaphore(%arg14 : memref<!tpu.dma_semaphore, #tpu.memory_space<semaphore_mem>>)
    %add3A_40 = arith.constant 80 : i32
    %add3A_41 = arith.addi %mul3A_13, %add3A_40 : i32
    %dma_start3A_42 = arith.constant 80 : i32
    %dma_start3A_43 = arith.constant 0 : i32
    %dma_start3A_44 = tpu.memref_slice %arg9[%dma_start3A_42, %dma_start3A_43] : memref<400x48xf32, #tpu.memory_space<vmem>> -> memref<80x48xf32, #tpu.memory_space<vmem>>
    %dma_start3A_45 = tpu.memref_slice %arg7[%add3A_41] : memref<3200xi32, #tpu.memory_space<vmem>> -> memref<80xi32, #tpu.memory_space<vmem>>
    %dma_start3A_46 = arith.constant 0 : i32
    %dma_start3A_47 = arith.constant 0 : i32
    %dma_start3A_48 = tpu.memref_slice %arg4[%dma_start3A_46, %dma_start3A_47] : memref<100000x48xf32, #tpu.memory_space<hbm>> -> memref<100000x48xf32, #tpu.memory_space<hbm>>
    tpu.enqueue_indirect_dma source(%dma_start3A_48 : memref<100000x48xf32, #tpu.memory_space<hbm>>) target(%dma_start3A_44 : memref<80x48xf32, #tpu.memory_space<vmem>>) offsets(%dma_start3A_45 : memref<80xi32, #tpu.memory_space<vmem>>) semaphore(%arg14 : memref<!tpu.dma_semaphore, #tpu.memory_space<semaphore_mem>>)
    %add3A_49 = arith.constant 160 : i32
    %add3A_50 = arith.addi %mul3A_13, %add3A_49 : i32
    %dma_start3A_51 = arith.constant 160 : i32
    %dma_start3A_52 = arith.constant 0 : i32
    %dma_start3A_53 = tpu.memref_slice %arg8[%dma_start3A_51, %dma_start3A_52] : memref<400x48xf32, #tpu.memory_space<vmem>> -> memref<80x48xf32, #tpu.memory_space<vmem>>
    %dma_start3A_54 = tpu.memref_slice %arg6[%add3A_50] : memref<3200xi32, #tpu.memory_space<vmem>> -> memref<80xi32, #tpu.memory_space<vmem>>
    %dma_start3A_55 = arith.constant 0 : i32
    %dma_start3A_56 = arith.constant 0 : i32
    %dma_start3A_57 = tpu.memref_slice %arg4[%dma_start3A_55, %dma_start3A_56] : memref<100000x48xf32, #tpu.memory_space<hbm>> -> memref<100000x48xf32, #tpu.memory_space<hbm>>
    tpu.enqueue_indirect_dma source(%dma_start3A_57 : memref<100000x48xf32, #tpu.memory_space<hbm>>) target(%dma_start3A_53 : memref<80x48xf32, #tpu.memory_space<vmem>>) offsets(%dma_start3A_54 : memref<80xi32, #tpu.memory_space<vmem>>) semaphore(%arg14 : memref<!tpu.dma_semaphore, #tpu.memory_space<semaphore_mem>>)
    %add3A_58 = arith.constant 160 : i32
    %add3A_59 = arith.addi %mul3A_13, %add3A_58 : i32
    %dma_start3A_60 = arith.constant 160 : i32
    %dma_start3A_61 = arith.constant 0 : i32
    %dma_start3A_62 = tpu.memref_slice %arg9[%dma_start3A_60, %dma_start3A_61] : memref<400x48xf32, #tpu.memory_space<vmem>> -> memref<80x48xf32, #tpu.memory_space<vmem>>
    %dma_start3A_63 = tpu.memref_slice %arg7[%add3A_59] : memref<3200xi32, #tpu.memory_space<vmem>> -> memref<80xi32, #tpu.memory_space<vmem>>
    %dma_start3A_64 = arith.constant 0 : i32
    %dma_start3A_65 = arith.constant 0 : i32
    %dma_start3A_66 = tpu.memref_slice %arg4[%dma_start3A_64, %dma_start3A_65] : memref<100000x48xf32, #tpu.memory_space<hbm>> -> memref<100000x48xf32, #tpu.memory_space<hbm>>
    tpu.enqueue_indirect_dma source(%dma_start3A_66 : memref<100000x48xf32, #tpu.memory_space<hbm>>) target(%dma_start3A_62 : memref<80x48xf32, #tpu.memory_space<vmem>>) offsets(%dma_start3A_63 : memref<80xi32, #tpu.memory_space<vmem>>) semaphore(%arg14 : memref<!tpu.dma_semaphore, #tpu.memory_space<semaphore_mem>>)
    %add3A_67 = arith.constant 240 : i32
    %add3A_68 = arith.addi %mul3A_13, %add3A_67 : i32
    %dma_start3A_69 = arith.constant 240 : i32
    %dma_start3A_70 = arith.constant 0 : i32
    %dma_start3A_71 = tpu.memref_slice %arg8[%dma_start3A_69, %dma_start3A_70] : memref<400x48xf32, #tpu.memory_space<vmem>> -> memref<80x48xf32, #tpu.memory_space<vmem>>
    %dma_start3A_72 = tpu.memref_slice %arg6[%add3A_68] : memref<3200xi32, #tpu.memory_space<vmem>> -> memref<80xi32, #tpu.memory_space<vmem>>
    %dma_start3A_73 = arith.constant 0 : i32
    %dma_start3A_74 = arith.constant 0 : i32
    %dma_start3A_75 = tpu.memref_slice %arg4[%dma_start3A_73, %dma_start3A_74] : memref<100000x48xf32, #tpu.memory_space<hbm>> -> memref<100000x48xf32, #tpu.memory_space<hbm>>
    tpu.enqueue_indirect_dma source(%dma_start3A_75 : memref<100000x48xf32, #tpu.memory_space<hbm>>) target(%dma_start3A_71 : memref<80x48xf32, #tpu.memory_space<vmem>>) offsets(%dma_start3A_72 : memref<80xi32, #tpu.memory_space<vmem>>) semaphore(%arg14 : memref<!tpu.dma_semaphore, #tpu.memory_space<semaphore_mem>>)
    %add3A_76 = arith.constant 240 : i32
    %add3A_77 = arith.addi %mul3A_13, %add3A_76 : i32
    %dma_start3A_78 = arith.constant 240 : i32
    %dma_start3A_79 = arith.constant 0 : i32
    %dma_start3A_80 = tpu.memref_slice %arg9[%dma_start3A_78, %dma_start3A_79] : memref<400x48xf32, #tpu.memory_space<vmem>> -> memref<80x48xf32, #tpu.memory_space<vmem>>
    %dma_start3A_81 = tpu.memref_slice %arg7[%add3A_77] : memref<3200xi32, #tpu.memory_space<vmem>> -> memref<80xi32, #tpu.memory_space<vmem>>
    %dma_start3A_82 = arith.constant 0 : i32
    %dma_start3A_83 = arith.constant 0 : i32
    %dma_start3A_84 = tpu.memref_slice %arg4[%dma_start3A_82, %dma_start3A_83] : memref<100000x48xf32, #tpu.memory_space<hbm>> -> memref<100000x48xf32, #tpu.memory_space<hbm>>
    tpu.enqueue_indirect_dma source(%dma_start3A_84 : memref<100000x48xf32, #tpu.memory_space<hbm>>) target(%dma_start3A_80 : memref<80x48xf32, #tpu.memory_space<vmem>>) offsets(%dma_start3A_81 : memref<80xi32, #tpu.memory_space<vmem>>) semaphore(%arg14 : memref<!tpu.dma_semaphore, #tpu.memory_space<semaphore_mem>>)
    %add3A_85 = arith.constant 320 : i32
    %add3A_86 = arith.addi %mul3A_13, %add3A_85 : i32
    %dma_start3A_87 = arith.constant 320 : i32
    %dma_start3A_88 = arith.constant 0 : i32
    %dma_start3A_89 = tpu.memref_slice %arg8[%dma_start3A_87, %dma_start3A_88] : memref<400x48xf32, #tpu.memory_space<vmem>> -> memref<80x48xf32, #tpu.memory_space<vmem>>
    %dma_start3A_90 = tpu.memref_slice %arg6[%add3A_86] : memref<3200xi32, #tpu.memory_space<vmem>> -> memref<80xi32, #tpu.memory_space<vmem>>
    %dma_start3A_91 = arith.constant 0 : i32
    %dma_start3A_92 = arith.constant 0 : i32
    %dma_start3A_93 = tpu.memref_slice %arg4[%dma_start3A_91, %dma_start3A_92] : memref<100000x48xf32, #tpu.memory_space<hbm>> -> memref<100000x48xf32, #tpu.memory_space<hbm>>
    tpu.enqueue_indirect_dma source(%dma_start3A_93 : memref<100000x48xf32, #tpu.memory_space<hbm>>) target(%dma_start3A_89 : memref<80x48xf32, #tpu.memory_space<vmem>>) offsets(%dma_start3A_90 : memref<80xi32, #tpu.memory_space<vmem>>) semaphore(%arg14 : memref<!tpu.dma_semaphore, #tpu.memory_space<semaphore_mem>>)
    %add3A_94 = arith.constant 320 : i32
    %add3A_95 = arith.addi %mul3A_13, %add3A_94 : i32
    %dma_start3A_96 = arith.constant 320 : i32
    %dma_start3A_97 = arith.constant 0 : i32
    %dma_start3A_98 = tpu.memref_slice %arg9[%dma_start3A_96, %dma_start3A_97] : memref<400x48xf32, #tpu.memory_space<vmem>> -> memref<80x48xf32, #tpu.memory_space<vmem>>
    %dma_start3A_99 = tpu.memref_slice %arg7[%add3A_95] : memref<3200xi32, #tpu.memory_space<vmem>> -> memref<80xi32, #tpu.memory_space<vmem>>
    %dma_start3A_100 = arith.constant 0 : i32
    %dma_start3A_101 = arith.constant 0 : i32
    %dma_start3A_102 = tpu.memref_slice %arg4[%dma_start3A_100, %dma_start3A_101] : memref<100000x48xf32, #tpu.memory_space<hbm>> -> memref<100000x48xf32, #tpu.memory_space<hbm>>
    tpu.enqueue_indirect_dma source(%dma_start3A_102 : memref<100000x48xf32, #tpu.memory_space<hbm>>) target(%dma_start3A_98 : memref<80x48xf32, #tpu.memory_space<vmem>>) offsets(%dma_start3A_99 : memref<80xi32, #tpu.memory_space<vmem>>) semaphore(%arg14 : memref<!tpu.dma_semaphore, #tpu.memory_space<semaphore_mem>>)
    %scan3A = arith.constant 0 : i32
    %scan3A_103 = arith.constant 0 : i32
    %scan3A_104 = arith.constant 4 : i32
    %scan3A_105 = arith.addi %scan3A_103, %scan3A_104 : i32
    %scan3A_106 = arith.constant 1 : i32
    scf.for %scan3A_119 = %scan3A_103 to %scan3A_105 step %scan3A_106  : i32 {
      %mul3A_120 = arith.constant 2 : i32
      %mul3A_121 = arith.muli %mul3A_120, %scan3A_119 : i32
      %add3A_122 = arith.addi %add3A_4, %mul3A_121 : i32
      %add3A_123 = arith.constant 1 : i32
      %add3A_124 = arith.addi %add3A_122, %add3A_123 : i32
      %lt3A_125 = arith.cmpi slt, %add3A_124, %add3A_7 : i32
      %convert_element_type3A_126 = arith.extui %lt3A_125 : i1 to i32
      %cond3A_127 = arith.constant 0 : i32
      %cond3A_128 = arith.cmpi ne, %convert_element_type3A_126, %cond3A_127 : i32
      scf.if %cond3A_128 {
        %sub3A_266 = arith.subi %add3A_124, %add3A_4 : i32
        %mul3A_267 = arith.constant 400 : i32
        %mul3A_268 = arith.muli %sub3A_266, %mul3A_267 : i32
        %add3A_269 = arith.constant 0 : i32
        %add3A_270 = arith.addi %mul3A_268, %add3A_269 : i32
        %dma_start3A_271 = arith.constant 0 : i32
        %dma_start3A_272 = arith.constant 0 : i32
        %dma_start3A_273 = tpu.memref_slice %arg11[%dma_start3A_271, %dma_start3A_272] : memref<400x48xf32, #tpu.memory_space<vmem>> -> memref<80x48xf32, #tpu.memory_space<vmem>>
        %dma_start3A_274 = tpu.memref_slice %arg6[%add3A_270] : memref<3200xi32, #tpu.memory_space<vmem>> -> memref<80xi32, #tpu.memory_space<vmem>>
        %dma_start3A_275 = arith.constant 0 : i32
        %dma_start3A_276 = arith.constant 0 : i32
        %dma_start3A_277 = tpu.memref_slice %arg4[%dma_start3A_275, %dma_start3A_276] : memref<100000x48xf32, #tpu.memory_space<hbm>> -> memref<100000x48xf32, #tpu.memory_space<hbm>>
        tpu.enqueue_indirect_dma source(%dma_start3A_277 : memref<100000x48xf32, #tpu.memory_space<hbm>>) target(%dma_start3A_273 : memref<80x48xf32, #tpu.memory_space<vmem>>) offsets(%dma_start3A_274 : memref<80xi32, #tpu.memory_space<vmem>>) semaphore(%arg15 : memref<!tpu.dma_semaphore, #tpu.memory_space<semaphore_mem>>)
        %add3A_278 = arith.constant 0 : i32
        %add3A_279 = arith.addi %mul3A_268, %add3A_278 : i32
        %dma_start3A_280 = arith.constant 0 : i32
        %dma_start3A_281 = arith.constant 0 : i32
        %dma_start3A_282 = tpu.memref_slice %arg12[%dma_start3A_280, %dma_start3A_281] : memref<400x48xf32, #tpu.memory_space<vmem>> -> memref<80x48xf32, #tpu.memory_space<vmem>>
        %dma_start3A_283 = tpu.memref_slice %arg7[%add3A_279] : memref<3200xi32, #tpu.memory_space<vmem>> -> memref<80xi32, #tpu.memory_space<vmem>>
        %dma_start3A_284 = arith.constant 0 : i32
        %dma_start3A_285 = arith.constant 0 : i32
        %dma_start3A_286 = tpu.memref_slice %arg4[%dma_start3A_284, %dma_start3A_285] : memref<100000x48xf32, #tpu.memory_space<hbm>> -> memref<100000x48xf32, #tpu.memory_space<hbm>>
        tpu.enqueue_indirect_dma source(%dma_start3A_286 : memref<100000x48xf32, #tpu.memory_space<hbm>>) target(%dma_start3A_282 : memref<80x48xf32, #tpu.memory_space<vmem>>) offsets(%dma_start3A_283 : memref<80xi32, #tpu.memory_space<vmem>>) semaphore(%arg15 : memref<!tpu.dma_semaphore, #tpu.memory_space<semaphore_mem>>)
        %add3A_287 = arith.constant 80 : i32
        %add3A_288 = arith.addi %mul3A_268, %add3A_287 : i32
        %dma_start3A_289 = arith.constant 80 : i32
        %dma_start3A_290 = arith.constant 0 : i32
        %dma_start3A_291 = tpu.memref_slice %arg11[%dma_start3A_289, %dma_start3A_290] : memref<400x48xf32, #tpu.memory_space<vmem>> -> memref<80x48xf32, #tpu.memory_space<vmem>>
        %dma_start3A_292 = tpu.memref_slice %arg6[%add3A_288] : memref<3200xi32, #tpu.memory_space<vmem>> -> memref<80xi32, #tpu.memory_space<vmem>>
        %dma_start3A_293 = arith.constant 0 : i32
        %dma_start3A_294 = arith.constant 0 : i32
        %dma_start3A_295 = tpu.memref_slice %arg4[%dma_start3A_293, %dma_start3A_294] : memref<100000x48xf32, #tpu.memory_space<hbm>> -> memref<100000x48xf32, #tpu.memory_space<hbm>>
        tpu.enqueue_indirect_dma source(%dma_start3A_295 : memref<100000x48xf32, #tpu.memory_space<hbm>>) target(%dma_start3A_291 : memref<80x48xf32, #tpu.memory_space<vmem>>) offsets(%dma_start3A_292 : memref<80xi32, #tpu.memory_space<vmem>>) semaphore(%arg15 : memref<!tpu.dma_semaphore, #tpu.memory_space<semaphore_mem>>)
        %add3A_296 = arith.constant 80 : i32
        %add3A_297 = arith.addi %mul3A_268, %add3A_296 : i32
        %dma_start3A_298 = arith.constant 80 : i32
        %dma_start3A_299 = arith.constant 0 : i32
        %dma_start3A_300 = tpu.memref_slice %arg12[%dma_start3A_298, %dma_start3A_299] : memref<400x48xf32, #tpu.memory_space<vmem>> -> memref<80x48xf32, #tpu.memory_space<vmem>>
        %dma_start3A_301 = tpu.memref_slice %arg7[%add3A_297] : memref<3200xi32, #tpu.memory_space<vmem>> -> memref<80xi32, #tpu.memory_space<vmem>>
        %dma_start3A_302 = arith.constant 0 : i32
        %dma_start3A_303 = arith.constant 0 : i32
        %dma_start3A_304 = tpu.memref_slice %arg4[%dma_start3A_302, %dma_start3A_303] : memref<100000x48xf32, #tpu.memory_space<hbm>> -> memref<100000x48xf32, #tpu.memory_space<hbm>>
        tpu.enqueue_indirect_dma source(%dma_start3A_304 : memref<100000x48xf32, #tpu.memory_space<hbm>>) target(%dma_start3A_300 : memref<80x48xf32, #tpu.memory_space<vmem>>) offsets(%dma_start3A_301 : memref<80xi32, #tpu.memory_space<vmem>>) semaphore(%arg15 : memref<!tpu.dma_semaphore, #tpu.memory_space<semaphore_mem>>)
        %add3A_305 = arith.constant 160 : i32
        %add3A_306 = arith.addi %mul3A_268, %add3A_305 : i32
        %dma_start3A_307 = arith.constant 160 : i32
        %dma_start3A_308 = arith.constant 0 : i32
        %dma_start3A_309 = tpu.memref_slice %arg11[%dma_start3A_307, %dma_start3A_308] : memref<400x48xf32, #tpu.memory_space<vmem>> -> memref<80x48xf32, #tpu.memory_space<vmem>>
        %dma_start3A_310 = tpu.memref_slice %arg6[%add3A_306] : memref<3200xi32, #tpu.memory_space<vmem>> -> memref<80xi32, #tpu.memory_space<vmem>>
        %dma_start3A_311 = arith.constant 0 : i32
        %dma_start3A_312 = arith.constant 0 : i32
        %dma_start3A_313 = tpu.memref_slice %arg4[%dma_start3A_311, %dma_start3A_312] : memref<100000x48xf32, #tpu.memory_space<hbm>> -> memref<100000x48xf32, #tpu.memory_space<hbm>>
        tpu.enqueue_indirect_dma source(%dma_start3A_313 : memref<100000x48xf32, #tpu.memory_space<hbm>>) target(%dma_start3A_309 : memref<80x48xf32, #tpu.memory_space<vmem>>) offsets(%dma_start3A_310 : memref<80xi32, #tpu.memory_space<vmem>>) semaphore(%arg15 : memref<!tpu.dma_semaphore, #tpu.memory_space<semaphore_mem>>)
        %add3A_314 = arith.constant 160 : i32
        %add3A_315 = arith.addi %mul3A_268, %add3A_314 : i32
        %dma_start3A_316 = arith.constant 160 : i32
        %dma_start3A_317 = arith.constant 0 : i32
        %dma_start3A_318 = tpu.memref_slice %arg12[%dma_start3A_316, %dma_start3A_317] : memref<400x48xf32, #tpu.memory_space<vmem>> -> memref<80x48xf32, #tpu.memory_space<vmem>>
        %dma_start3A_319 = tpu.memref_slice %arg7[%add3A_315] : memref<3200xi32, #tpu.memory_space<vmem>> -> memref<80xi32, #tpu.memory_space<vmem>>
        %dma_start3A_320 = arith.constant 0 : i32
        %dma_start3A_321 = arith.constant 0 : i32
        %dma_start3A_322 = tpu.memref_slice %arg4[%dma_start3A_320, %dma_start3A_321] : memref<100000x48xf32, #tpu.memory_space<hbm>> -> memref<100000x48xf32, #tpu.memory_space<hbm>>
        tpu.enqueue_indirect_dma source(%dma_start3A_322 : memref<100000x48xf32, #tpu.memory_space<hbm>>) target(%dma_start3A_318 : memref<80x48xf32, #tpu.memory_space<vmem>>) offsets(%dma_start3A_319 : memref<80xi32, #tpu.memory_space<vmem>>) semaphore(%arg15 : memref<!tpu.dma_semaphore, #tpu.memory_space<semaphore_mem>>)
        %add3A_323 = arith.constant 240 : i32
        %add3A_324 = arith.addi %mul3A_268, %add3A_323 : i32
        %dma_start3A_325 = arith.constant 240 : i32
        %dma_start3A_326 = arith.constant 0 : i32
        %dma_start3A_327 = tpu.memref_slice %arg11[%dma_start3A_325, %dma_start3A_326] : memref<400x48xf32, #tpu.memory_space<vmem>> -> memref<80x48xf32, #tpu.memory_space<vmem>>
        %dma_start3A_328 = tpu.memref_slice %arg6[%add3A_324] : memref<3200xi32, #tpu.memory_space<vmem>> -> memref<80xi32, #tpu.memory_space<vmem>>
        %dma_start3A_329 = arith.constant 0 : i32
        %dma_start3A_330 = arith.constant 0 : i32
        %dma_start3A_331 = tpu.memref_slice %arg4[%dma_start3A_329, %dma_start3A_330] : memref<100000x48xf32, #tpu.memory_space<hbm>> -> memref<100000x48xf32, #tpu.memory_space<hbm>>
        tpu.enqueue_indirect_dma source(%dma_start3A_331 : memref<100000x48xf32, #tpu.memory_space<hbm>>) target(%dma_start3A_327 : memref<80x48xf32, #tpu.memory_space<vmem>>) offsets(%dma_start3A_328 : memref<80xi32, #tpu.memory_space<vmem>>) semaphore(%arg15 : memref<!tpu.dma_semaphore, #tpu.memory_space<semaphore_mem>>)
        %add3A_332 = arith.constant 240 : i32
        %add3A_333 = arith.addi %mul3A_268, %add3A_332 : i32
        %dma_start3A_334 = arith.constant 240 : i32
        %dma_start3A_335 = arith.constant 0 : i32
        %dma_start3A_336 = tpu.memref_slice %arg12[%dma_start3A_334, %dma_start3A_335] : memref<400x48xf32, #tpu.memory_space<vmem>> -> memref<80x48xf32, #tpu.memory_space<vmem>>
        %dma_start3A_337 = tpu.memref_slice %arg7[%add3A_333] : memref<3200xi32, #tpu.memory_space<vmem>> -> memref<80xi32, #tpu.memory_space<vmem>>
        %dma_start3A_338 = arith.constant 0 : i32
        %dma_start3A_339 = arith.constant 0 : i32
        %dma_start3A_340 = tpu.memref_slice %arg4[%dma_start3A_338, %dma_start3A_339] : memref<100000x48xf32, #tpu.memory_space<hbm>> -> memref<100000x48xf32, #tpu.memory_space<hbm>>
        tpu.enqueue_indirect_dma source(%dma_start3A_340 : memref<100000x48xf32, #tpu.memory_space<hbm>>) target(%dma_start3A_336 : memref<80x48xf32, #tpu.memory_space<vmem>>) offsets(%dma_start3A_337 : memref<80xi32, #tpu.memory_space<vmem>>) semaphore(%arg15 : memref<!tpu.dma_semaphore, #tpu.memory_space<semaphore_mem>>)
        %add3A_341 = arith.constant 320 : i32
        %add3A_342 = arith.addi %mul3A_268, %add3A_341 : i32
        %dma_start3A_343 = arith.constant 320 : i32
        %dma_start3A_344 = arith.constant 0 : i32
        %dma_start3A_345 = tpu.memref_slice %arg11[%dma_start3A_343, %dma_start3A_344] : memref<400x48xf32, #tpu.memory_space<vmem>> -> memref<80x48xf32, #tpu.memory_space<vmem>>
        %dma_start3A_346 = tpu.memref_slice %arg6[%add3A_342] : memref<3200xi32, #tpu.memory_space<vmem>> -> memref<80xi32, #tpu.memory_space<vmem>>
        %dma_start3A_347 = arith.constant 0 : i32
        %dma_start3A_348 = arith.constant 0 : i32
        %dma_start3A_349 = tpu.memref_slice %arg4[%dma_start3A_347, %dma_start3A_348] : memref<100000x48xf32, #tpu.memory_space<hbm>> -> memref<100000x48xf32, #tpu.memory_space<hbm>>
        tpu.enqueue_indirect_dma source(%dma_start3A_349 : memref<100000x48xf32, #tpu.memory_space<hbm>>) target(%dma_start3A_345 : memref<80x48xf32, #tpu.memory_space<vmem>>) offsets(%dma_start3A_346 : memref<80xi32, #tpu.memory_space<vmem>>) semaphore(%arg15 : memref<!tpu.dma_semaphore, #tpu.memory_space<semaphore_mem>>)
        %add3A_350 = arith.constant 320 : i32
        %add3A_351 = arith.addi %mul3A_268, %add3A_350 : i32
        %dma_start3A_352 = arith.constant 320 : i32
        %dma_start3A_353 = arith.constant 0 : i32
        %dma_start3A_354 = tpu.memref_slice %arg12[%dma_start3A_352, %dma_start3A_353] : memref<400x48xf32, #tpu.memory_space<vmem>> -> memref<80x48xf32, #tpu.memory_space<vmem>>
        %dma_start3A_355 = tpu.memref_slice %arg7[%add3A_351] : memref<3200xi32, #tpu.memory_space<vmem>> -> memref<80xi32, #tpu.memory_space<vmem>>
        %dma_start3A_356 = arith.constant 0 : i32
        %dma_start3A_357 = arith.constant 0 : i32
        %dma_start3A_358 = tpu.memref_slice %arg4[%dma_start3A_356, %dma_start3A_357] : memref<100000x48xf32, #tpu.memory_space<hbm>> -> memref<100000x48xf32, #tpu.memory_space<hbm>>
        tpu.enqueue_indirect_dma source(%dma_start3A_358 : memref<100000x48xf32, #tpu.memory_space<hbm>>) target(%dma_start3A_354 : memref<80x48xf32, #tpu.memory_space<vmem>>) offsets(%dma_start3A_355 : memref<80xi32, #tpu.memory_space<vmem>>) semaphore(%arg15 : memref<!tpu.dma_semaphore, #tpu.memory_space<semaphore_mem>>)
      } else {
      }
      %dma_wait3A_129 = arith.constant 0 : i32
      %dma_wait3A_130 = arith.constant 0 : i32
      %dma_wait3A_131 = tpu.memref_slice %arg8[%dma_wait3A_129, %dma_wait3A_130] : memref<400x48xf32, #tpu.memory_space<vmem>> -> memref<80x48xf32, #tpu.memory_space<vmem>>
      %dma_wait3A_132 = arith.constant 0 : i32
      %dma_wait3A_133 = arith.constant 0 : i32
      %dma_wait3A_134 = tpu.memref_slice %arg4[%dma_wait3A_132, %dma_wait3A_133] : memref<100000x48xf32, #tpu.memory_space<hbm>> -> memref<80x48xf32, #tpu.memory_space<hbm>>
      %dma_wait3A_135 = arith.constant 0 : i32
      %dma_wait3A_136 = arith.constant 0 : i32
      %dma_wait3A_137 = tpu.memref_slice %arg8[%dma_wait3A_135, %dma_wait3A_136] : memref<400x48xf32, #tpu.memory_space<vmem>> -> memref<80x48xf32, #tpu.memory_space<vmem>>
      %dma_wait3A_138 = arith.constant 0 : i32
      %dma_wait3A_139 = arith.constant 0 : i32
      %dma_wait3A_140 = tpu.memref_slice %arg4[%dma_wait3A_138, %dma_wait3A_139] : memref<100000x48xf32, #tpu.memory_space<hbm>> -> memref<80x48xf32, #tpu.memory_space<hbm>>
      tpu.wait_dma2 semaphore(%arg14 : memref<!tpu.dma_semaphore, #tpu.memory_space<semaphore_mem>>) src(%dma_wait3A_140 : memref<80x48xf32, #tpu.memory_space<hbm>>) dst(%dma_wait3A_137 : memref<80x48xf32, #tpu.memory_space<vmem>>)
      %dma_wait3A_141 = arith.constant 0 : i32
      %dma_wait3A_142 = arith.constant 0 : i32
      %dma_wait3A_143 = tpu.memref_slice %arg9[%dma_wait3A_141, %dma_wait3A_142] : memref<400x48xf32, #tpu.memory_space<vmem>> -> memref<80x48xf32, #tpu.memory_space<vmem>>
      %dma_wait3A_144 = arith.constant 0 : i32
      %dma_wait3A_145 = arith.constant 0 : i32
      %dma_wait3A_146 = tpu.memref_slice %arg4[%dma_wait3A_144, %dma_wait3A_145] : memref<100000x48xf32, #tpu.memory_space<hbm>> -> memref<80x48xf32, #tpu.memory_space<hbm>>
      %dma_wait3A_147 = arith.constant 0 : i32
      %dma_wait3A_148 = arith.constant 0 : i32
      %dma_wait3A_149 = tpu.memref_slice %arg9[%dma_wait3A_147, %dma_wait3A_148] : memref<400x48xf32, #tpu.memory_space<vmem>> -> memref<80x48xf32, #tpu.memory_space<vmem>>
      %dma_wait3A_150 = arith.constant 0 : i32
      %dma_wait3A_151 = arith.constant 0 : i32
      %dma_wait3A_152 = tpu.memref_slice %arg4[%dma_wait3A_150, %dma_wait3A_151] : memref<100000x48xf32, #tpu.memory_space<hbm>> -> memref<80x48xf32, #tpu.memory_space<hbm>>
      tpu.wait_dma2 semaphore(%arg14 : memref<!tpu.dma_semaphore, #tpu.memory_space<semaphore_mem>>) src(%dma_wait3A_152 : memref<80x48xf32, #tpu.memory_space<hbm>>) dst(%dma_wait3A_149 : memref<80x48xf32, #tpu.memory_space<vmem>>)
      %dma_wait3A_153 = arith.constant 80 : i32
      %dma_wait3A_154 = arith.constant 0 : i32
      %dma_wait3A_155 = tpu.memref_slice %arg8[%dma_wait3A_153, %dma_wait3A_154] : memref<400x48xf32, #tpu.memory_space<vmem>> -> memref<80x48xf32, #tpu.memory_space<vmem>>
      %dma_wait3A_156 = arith.constant 0 : i32
      %dma_wait3A_157 = arith.constant 0 : i32
      %dma_wait3A_158 = tpu.memref_slice %arg4[%dma_wait3A_156, %dma_wait3A_157] : memref<100000x48xf32, #tpu.memory_space<hbm>> -> memref<80x48xf32, #tpu.memory_space<hbm>>
      %dma_wait3A_159 = arith.constant 80 : i32
      %dma_wait3A_160 = arith.constant 0 : i32
      %dma_wait3A_161 = tpu.memref_slice %arg8[%dma_wait3A_159, %dma_wait3A_160] : memref<400x48xf32, #tpu.memory_space<vmem>> -> memref<80x48xf32, #tpu.memory_space<vmem>>
      %dma_wait3A_162 = arith.constant 0 : i32
      %dma_wait3A_163 = arith.constant 0 : i32
      %dma_wait3A_164 = tpu.memref_slice %arg4[%dma_wait3A_162, %dma_wait3A_163] : memref<100000x48xf32, #tpu.memory_space<hbm>> -> memref<80x48xf32, #tpu.memory_space<hbm>>
      tpu.wait_dma2 semaphore(%arg14 : memref<!tpu.dma_semaphore, #tpu.memory_space<semaphore_mem>>) src(%dma_wait3A_164 : memref<80x48xf32, #tpu.memory_space<hbm>>) dst(%dma_wait3A_161 : memref<80x48xf32, #tpu.memory_space<vmem>>)
      %dma_wait3A_165 = arith.constant 80 : i32
      %dma_wait3A_166 = arith.constant 0 : i32
      %dma_wait3A_167 = tpu.memref_slice %arg9[%dma_wait3A_165, %dma_wait3A_166] : memref<400x48xf32, #tpu.memory_space<vmem>> -> memref<80x48xf32, #tpu.memory_space<vmem>>
      %dma_wait3A_168 = arith.constant 0 : i32
      %dma_wait3A_169 = arith.constant 0 : i32
      %dma_wait3A_170 = tpu.memref_slice %arg4[%dma_wait3A_168, %dma_wait3A_169] : memref<100000x48xf32, #tpu.memory_space<hbm>> -> memref<80x48xf32, #tpu.memory_space<hbm>>
      %dma_wait3A_171 = arith.constant 80 : i32
      %dma_wait3A_172 = arith.constant 0 : i32
      %dma_wait3A_173 = tpu.memref_slice %arg9[%dma_wait3A_171, %dma_wait3A_172] : memref<400x48xf32, #tpu.memory_space<vmem>> -> memref<80x48xf32, #tpu.memory_space<vmem>>
      %dma_wait3A_174 = arith.constant 0 : i32
      %dma_wait3A_175 = arith.constant 0 : i32
      %dma_wait3A_176 = tpu.memref_slice %arg4[%dma_wait3A_174, %dma_wait3A_175] : memref<100000x48xf32, #tpu.memory_space<hbm>> -> memref<80x48xf32, #tpu.memory_space<hbm>>
      tpu.wait_dma2 semaphore(%arg14 : memref<!tpu.dma_semaphore, #tpu.memory_space<semaphore_mem>>) src(%dma_wait3A_176 : memref<80x48xf32, #tpu.memory_space<hbm>>) dst(%dma_wait3A_173 : memref<80x48xf32, #tpu.memory_space<vmem>>)
      %dma_wait3A_177 = arith.constant 160 : i32
      %dma_wait3A_178 = arith.constant 0 : i32
      %dma_wait3A_179 = tpu.memref_slice %arg8[%dma_wait3A_177, %dma_wait3A_178] : memref<400x48xf32, #tpu.memory_space<vmem>> -> memref<80x48xf32, #tpu.memory_space<vmem>>
      %dma_wait3A_180 = arith.constant 0 : i32
      %dma_wait3A_181 = arith.constant 0 : i32
      %dma_wait3A_182 = tpu.memref_slice %arg4[%dma_wait3A_180, %dma_wait3A_181] : memref<100000x48xf32, #tpu.memory_space<hbm>> -> memref<80x48xf32, #tpu.memory_space<hbm>>
      %dma_wait3A_183 = arith.constant 160 : i32
      %dma_wait3A_184 = arith.constant 0 : i32
      %dma_wait3A_185 = tpu.memref_slice %arg8[%dma_wait3A_183, %dma_wait3A_184] : memref<400x48xf32, #tpu.memory_space<vmem>> -> memref<80x48xf32, #tpu.memory_space<vmem>>
      %dma_wait3A_186 = arith.constant 0 : i32
      %dma_wait3A_187 = arith.constant 0 : i32
      %dma_wait3A_188 = tpu.memref_slice %arg4[%dma_wait3A_186, %dma_wait3A_187] : memref<100000x48xf32, #tpu.memory_space<hbm>> -> memref<80x48xf32, #tpu.memory_space<hbm>>
      tpu.wait_dma2 semaphore(%arg14 : memref<!tpu.dma_semaphore, #tpu.memory_space<semaphore_mem>>) src(%dma_wait3A_188 : memref<80x48xf32, #tpu.memory_space<hbm>>) dst(%dma_wait3A_185 : memref<80x48xf32, #tpu.memory_space<vmem>>)
      %dma_wait3A_189 = arith.constant 160 : i32
      %dma_wait3A_190 = arith.constant 0 : i32
      %dma_wait3A_191 = tpu.memref_slice %arg9[%dma_wait3A_189, %dma_wait3A_190] : memref<400x48xf32, #tpu.memory_space<vmem>> -> memref<80x48xf32, #tpu.memory_space<vmem>>
      %dma_wait3A_192 = arith.constant 0 : i32
      %dma_wait3A_193 = arith.constant 0 : i32
      %dma_wait3A_194 = tpu.memref_slice %arg4[%dma_wait3A_192, %dma_wait3A_193] : memref<100000x48xf32, #tpu.memory_space<hbm>> -> memref<80x48xf32, #tpu.memory_space<hbm>>
      %dma_wait3A_195 = arith.constant 160 : i32
      %dma_wait3A_196 = arith.constant 0 : i32
      %dma_wait3A_197 = tpu.memref_slice %arg9[%dma_wait3A_195, %dma_wait3A_196] : memref<400x48xf32, #tpu.memory_space<vmem>> -> memref<80x48xf32, #tpu.memory_space<vmem>>
      %dma_wait3A_198 = arith.constant 0 : i32
      %dma_wait3A_199 = arith.constant 0 : i32
      %dma_wait3A_200 = tpu.memref_slice %arg4[%dma_wait3A_198, %dma_wait3A_199] : memref<100000x48xf32, #tpu.memory_space<hbm>> -> memref<80x48xf32, #tpu.memory_space<hbm>>
      tpu.wait_dma2 semaphore(%arg14 : memref<!tpu.dma_semaphore, #tpu.memory_space<semaphore_mem>>) src(%dma_wait3A_200 : memref<80x48xf32, #tpu.memory_space<hbm>>) dst(%dma_wait3A_197 : memref<80x48xf32, #tpu.memory_space<vmem>>)
      %dma_wait3A_201 = arith.constant 240 : i32
      %dma_wait3A_202 = arith.constant 0 : i32
      %dma_wait3A_203 = tpu.memref_slice %arg8[%dma_wait3A_201, %dma_wait3A_202] : memref<400x48xf32, #tpu.memory_space<vmem>> -> memref<80x48xf32, #tpu.memory_space<vmem>>
      %dma_wait3A_204 = arith.constant 0 : i32
      %dma_wait3A_205 = arith.constant 0 : i32
      %dma_wait3A_206 = tpu.memref_slice %arg4[%dma_wait3A_204, %dma_wait3A_205] : memref<100000x48xf32, #tpu.memory_space<hbm>> -> memref<80x48xf32, #tpu.memory_space<hbm>>
      %dma_wait3A_207 = arith.constant 240 : i32
      %dma_wait3A_208 = arith.constant 0 : i32
      %dma_wait3A_209 = tpu.memref_slice %arg8[%dma_wait3A_207, %dma_wait3A_208] : memref<400x48xf32, #tpu.memory_space<vmem>> -> memref<80x48xf32, #tpu.memory_space<vmem>>
      %dma_wait3A_210 = arith.constant 0 : i32
      %dma_wait3A_211 = arith.constant 0 : i32
      %dma_wait3A_212 = tpu.memref_slice %arg4[%dma_wait3A_210, %dma_wait3A_211] : memref<100000x48xf32, #tpu.memory_space<hbm>> -> memref<80x48xf32, #tpu.memory_space<hbm>>
      tpu.wait_dma2 semaphore(%arg14 : memref<!tpu.dma_semaphore, #tpu.memory_space<semaphore_mem>>) src(%dma_wait3A_212 : memref<80x48xf32, #tpu.memory_space<hbm>>) dst(%dma_wait3A_209 : memref<80x48xf32, #tpu.memory_space<vmem>>)
      %dma_wait3A_213 = arith.constant 240 : i32
      %dma_wait3A_214 = arith.constant 0 : i32
      %dma_wait3A_215 = tpu.memref_slice %arg9[%dma_wait3A_213, %dma_wait3A_214] : memref<400x48xf32, #tpu.memory_space<vmem>> -> memref<80x48xf32, #tpu.memory_space<vmem>>
      %dma_wait3A_216 = arith.constant 0 : i32
      %dma_wait3A_217 = arith.constant 0 : i32
      %dma_wait3A_218 = tpu.memref_slice %arg4[%dma_wait3A_216, %dma_wait3A_217] : memref<100000x48xf32, #tpu.memory_space<hbm>> -> memref<80x48xf32, #tpu.memory_space<hbm>>
      %dma_wait3A_219 = arith.constant 240 : i32
      %dma_wait3A_220 = arith.constant 0 : i32
      %dma_wait3A_221 = tpu.memref_slice %arg9[%dma_wait3A_219, %dma_wait3A_220] : memref<400x48xf32, #tpu.memory_space<vmem>> -> memref<80x48xf32, #tpu.memory_space<vmem>>
      %dma_wait3A_222 = arith.constant 0 : i32
      %dma_wait3A_223 = arith.constant 0 : i32
      %dma_wait3A_224 = tpu.memref_slice %arg4[%dma_wait3A_222, %dma_wait3A_223] : memref<100000x48xf32, #tpu.memory_space<hbm>> -> memref<80x48xf32, #tpu.memory_space<hbm>>
      tpu.wait_dma2 semaphore(%arg14 : memref<!tpu.dma_semaphore, #tpu.memory_space<semaphore_mem>>) src(%dma_wait3A_224 : memref<80x48xf32, #tpu.memory_space<hbm>>) dst(%dma_wait3A_221 : memref<80x48xf32, #tpu.memory_space<vmem>>)
      %dma_wait3A_225 = arith.constant 320 : i32
      %dma_wait3A_226 = arith.constant 0 : i32
      %dma_wait3A_227 = tpu.memref_slice %arg8[%dma_wait3A_225, %dma_wait3A_226] : memref<400x48xf32, #tpu.memory_space<vmem>> -> memref<80x48xf32, #tpu.memory_space<vmem>>
      %dma_wait3A_228 = arith.constant 0 : i32
      %dma_wait3A_229 = arith.constant 0 : i32
      %dma_wait3A_230 = tpu.memref_slice %arg4[%dma_wait3A_228, %dma_wait3A_229] : memref<100000x48xf32, #tpu.memory_space<hbm>> -> memref<80x48xf32, #tpu.memory_space<hbm>>
      %dma_wait3A_231 = arith.constant 320 : i32
      %dma_wait3A_232 = arith.constant 0 : i32
      %dma_wait3A_233 = tpu.memref_slice %arg8[%dma_wait3A_231, %dma_wait3A_232] : memref<400x48xf32, #tpu.memory_space<vmem>> -> memref<80x48xf32, #tpu.memory_space<vmem>>
      %dma_wait3A_234 = arith.constant 0 : i32
      %dma_wait3A_235 = arith.constant 0 : i32
      %dma_wait3A_236 = tpu.memref_slice %arg4[%dma_wait3A_234, %dma_wait3A_235] : memref<100000x48xf32, #tpu.memory_space<hbm>> -> memref<80x48xf32, #tpu.memory_space<hbm>>
      tpu.wait_dma2 semaphore(%arg14 : memref<!tpu.dma_semaphore, #tpu.memory_space<semaphore_mem>>) src(%dma_wait3A_236 : memref<80x48xf32, #tpu.memory_space<hbm>>) dst(%dma_wait3A_233 : memref<80x48xf32, #tpu.memory_space<vmem>>)
      %dma_wait3A_237 = arith.constant 320 : i32
      %dma_wait3A_238 = arith.constant 0 : i32
      %dma_wait3A_239 = tpu.memref_slice %arg9[%dma_wait3A_237, %dma_wait3A_238] : memref<400x48xf32, #tpu.memory_space<vmem>> -> memref<80x48xf32, #tpu.memory_space<vmem>>
      %dma_wait3A_240 = arith.constant 0 : i32
      %dma_wait3A_241 = arith.constant 0 : i32
      %dma_wait3A_242 = tpu.memref_slice %arg4[%dma_wait3A_240, %dma_wait3A_241] : memref<100000x48xf32, #tpu.memory_space<hbm>> -> memref<80x48xf32, #tpu.memory_space<hbm>>
      %dma_wait3A_243 = arith.constant 320 : i32
      %dma_wait3A_244 = arith.constant 0 : i32
      %dma_wait3A_245 = tpu.memref_slice %arg9[%dma_wait3A_243, %dma_wait3A_244] : memref<400x48xf32, #tpu.memory_space<vmem>> -> memref<80x48xf32, #tpu.memory_space<vmem>>
      %dma_wait3A_246 = arith.constant 0 : i32
      %dma_wait3A_247 = arith.constant 0 : i32
      %dma_wait3A_248 = tpu.memref_slice %arg4[%dma_wait3A_246, %dma_wait3A_247] : memref<100000x48xf32, #tpu.memory_space<hbm>> -> memref<80x48xf32, #tpu.memory_space<hbm>>
      tpu.wait_dma2 semaphore(%arg14 : memref<!tpu.dma_semaphore, #tpu.memory_space<semaphore_mem>>) src(%dma_wait3A_248 : memref<80x48xf32, #tpu.memory_space<hbm>>) dst(%dma_wait3A_245 : memref<80x48xf32, #tpu.memory_space<vmem>>)
      %mul3A_249 = arith.constant 400 : i32
      %mul3A_250 = arith.muli %add3A_122, %mul3A_249 : i32
      %add3A_251 = arith.constant 2 : i32
      %add3A_252 = arith.addi %add3A_4, %add3A_251 : i32
      %ge3A = arith.cmpi sge, %add3A_122, %add3A_252 : i32
      %convert_element_type3A_253 = arith.extui %ge3A : i1 to i32
      %cond3A_254 = arith.constant 0 : i32
      %cond3A_255 = arith.cmpi ne, %convert_element_type3A_253, %cond3A_254 : i32
      scf.if %cond3A_255 {
        %dma_wait3A_266 = arith.constant 0 : i32
        %dma_wait3A_267 = arith.constant 0 : i32
        %dma_wait3A_268 = tpu.memref_slice %arg5[%dma_wait3A_266, %dma_wait3A_267] : memref<48x100000xf32, #tpu.memory_space<hbm>> -> memref<48x400xf32, #tpu.memory_space<hbm>>
        %dma_wait3A_269 = arith.constant 0 : i32
        %dma_wait3A_270 = arith.constant 0 : i32
        %dma_wait3A_271 = tpu.memref_slice %arg5[%dma_wait3A_269, %dma_wait3A_270] : memref<48x100000xf32, #tpu.memory_space<hbm>> -> memref<48x400xf32, #tpu.memory_space<hbm>>
        tpu.wait_dma2 semaphore(%arg16 : memref<!tpu.dma_semaphore, #tpu.memory_space<semaphore_mem>>) src(%arg10 : memref<48x400xf32, #tpu.memory_space<vmem>>) dst(%dma_wait3A_271 : memref<48x400xf32, #tpu.memory_space<hbm>>)
      } else {
      }
      %parallel_loop3A = arith.constant 0 : i32
      %parallel_loop3A_256 = arith.constant 25 : i32
      %parallel_loop3A_257 = arith.constant 1 : i32
      scf.for %parallel_loop3A_266 = %parallel_loop3A to %parallel_loop3A_256 step %parallel_loop3A_257  : i32 {
        %parallel_loop3A_267 = arith.constant 16 : i32
        %parallel_loop3A_268 = arith.muli %parallel_loop3A_266, %parallel_loop3A_267 : i32
        %parallel_loop3A_269 = vector.broadcast %parallel_loop3A_268 : i32 to vector<16xi32>
        %parallel_loop3A_270 = arith.addi %parallel_loop3A_269, %iota3A : vector<16xi32>
        %parallel_loop3A_271 = arith.constant 0 : i32
        %parallel_loop3A_272 = vector.broadcast %parallel_loop3A_271 : i32 to vector<16xi32>
        %parallel_loop3A_273 = tpu.vector_load_idx %arg8[%parallel_loop3A_270, %parallel_loop3A_272] : memref<400x48xf32, #tpu.memory_space<vmem>>[vector<16xi32>, vector<16xi32>], vector<16xf32>,
        %parallel_loop3A_274 = arith.constant 16 : i32
        %parallel_loop3A_275 = arith.muli %parallel_loop3A_266, %parallel_loop3A_274 : i32
        %parallel_loop3A_276 = arith.constant 0 : i32
        %parallel_loop3A_277 = arith.index_cast %parallel_loop3A_276 : i32 to index
        %parallel_loop3A_278 = arith.index_cast %parallel_loop3A_275 : i32 to index
        %parallel_loop3A_279 = tpu.vector_load %arg10[%parallel_loop3A_277, %parallel_loop3A_278] {strides = array<i32>} : memref<48x400xf32, #tpu.memory_space<vmem>>, vector<16xf32>,
        tpu.vector_store %arg10[%parallel_loop3A_277, %parallel_loop3A_278], %parallel_loop3A_273 {strides = array<i32>} : memref<48x400xf32, #tpu.memory_space<vmem>>, vector<16xf32>,
        %parallel_loop3A_280 = arith.constant 1 : i32
        %parallel_loop3A_281 = vector.broadcast %parallel_loop3A_280 : i32 to vector<16xi32>
        %parallel_loop3A_282 = tpu.vector_load_idx %arg8[%parallel_loop3A_270, %parallel_loop3A_281] : memref<400x48xf32, #tpu.memory_space<vmem>>[vector<16xi32>, vector<16xi32>], vector<16xf32>,
        %parallel_loop3A_283 = arith.constant 16 : i32
        %parallel_loop3A_284 = arith.muli %parallel_loop3A_266, %parallel_loop3A_283 : i32
        %parallel_loop3A_285 = arith.constant 1 : i32
        %parallel_loop3A_286 = arith.index_cast %parallel_loop3A_285 : i32 to index
        %parallel_loop3A_287 = arith.index_cast %parallel_loop3A_284 : i32 to index
        %parallel_loop3A_288 = tpu.vector_load %arg10[%parallel_loop3A_286, %parallel_loop3A_287] {strides = array<i32>} : memref<48x400xf32, #tpu.memory_space<vmem>>, vector<16xf32>,
        tpu.vector_store %arg10[%parallel_loop3A_286, %parallel_loop3A_287], %parallel_loop3A_282 {strides = array<i32>} : memref<48x400xf32, #tpu.memory_space<vmem>>, vector<16xf32>,
        %parallel_loop3A_289 = arith.constant 2 : i32
        %parallel_loop3A_290 = vector.broadcast %parallel_loop3A_289 : i32 to vector<16xi32>
        %parallel_loop3A_291 = tpu.vector_load_idx %arg8[%parallel_loop3A_270, %parallel_loop3A_290] : memref<400x48xf32, #tpu.memory_space<vmem>>[vector<16xi32>, vector<16xi32>], vector<16xf32>,
        %parallel_loop3A_292 = arith.constant 16 : i32
        %parallel_loop3A_293 = arith.muli %parallel_loop3A_266, %parallel_loop3A_292 : i32
        %parallel_loop3A_294 = arith.constant 2 : i32
        %parallel_loop3A_295 = arith.index_cast %parallel_loop3A_294 : i32 to index
        %parallel_loop3A_296 = arith.index_cast %parallel_loop3A_293 : i32 to index
        %parallel_loop3A_297 = tpu.vector_load %arg10[%parallel_loop3A_295, %parallel_loop3A_296] {strides = array<i32>} : memref<48x400xf32, #tpu.memory_space<vmem>>, vector<16xf32>,
        tpu.vector_store %arg10[%parallel_loop3A_295, %parallel_loop3A_296], %parallel_loop3A_291 {strides = array<i32>} : memref<48x400xf32, #tpu.memory_space<vmem>>, vector<16xf32>,
        %parallel_loop3A_298 = arith.constant 3 : i32
        %parallel_loop3A_299 = vector.broadcast %parallel_loop3A_298 : i32 to vector<16xi32>
        %parallel_loop3A_300 = tpu.vector_load_idx %arg8[%parallel_loop3A_270, %parallel_loop3A_299] : memref<400x48xf32, #tpu.memory_space<vmem>>[vector<16xi32>, vector<16xi32>], vector<16xf32>,
        %parallel_loop3A_301 = arith.constant 16 : i32
        %parallel_loop3A_302 = arith.muli %parallel_loop3A_266, %parallel_loop3A_301 : i32
        %parallel_loop3A_303 = arith.constant 3 : i32
        %parallel_loop3A_304 = arith.index_cast %parallel_loop3A_303 : i32 to index
        %parallel_loop3A_305 = arith.index_cast %parallel_loop3A_302 : i32 to index
        %parallel_loop3A_306 = tpu.vector_load %arg10[%parallel_loop3A_304, %parallel_loop3A_305] {strides = array<i32>} : memref<48x400xf32, #tpu.memory_space<vmem>>, vector<16xf32>,
        tpu.vector_store %arg10[%parallel_loop3A_304, %parallel_loop3A_305], %parallel_loop3A_300 {strides = array<i32>} : memref<48x400xf32, #tpu.memory_space<vmem>>, vector<16xf32>,
        %parallel_loop3A_307 = arith.constant 4 : i32
        %parallel_loop3A_308 = vector.broadcast %parallel_loop3A_307 : i32 to vector<16xi32>
        %parallel_loop3A_309 = tpu.vector_load_idx %arg8[%parallel_loop3A_270, %parallel_loop3A_308] : memref<400x48xf32, #tpu.memory_space<vmem>>[vector<16xi32>, vector<16xi32>], vector<16xf32>,
        %parallel_loop3A_310 = arith.constant 16 : i32
        %parallel_loop3A_311 = arith.muli %parallel_loop3A_266, %parallel_loop3A_310 : i32
        %parallel_loop3A_312 = arith.constant 4 : i32
        %parallel_loop3A_313 = arith.index_cast %parallel_loop3A_312 : i32 to index
        %parallel_loop3A_314 = arith.index_cast %parallel_loop3A_311 : i32 to index
        %parallel_loop3A_315 = tpu.vector_load %arg10[%parallel_loop3A_313, %parallel_loop3A_314] {strides = array<i32>} : memref<48x400xf32, #tpu.memory_space<vmem>>, vector<16xf32>,
        tpu.vector_store %arg10[%parallel_loop3A_313, %parallel_loop3A_314], %parallel_loop3A_309 {strides = array<i32>} : memref<48x400xf32, #tpu.memory_space<vmem>>, vector<16xf32>,
        %parallel_loop3A_316 = arith.constant 5 : i32
        %parallel_loop3A_317 = vector.broadcast %parallel_loop3A_316 : i32 to vector<16xi32>
        %parallel_loop3A_318 = tpu.vector_load_idx %arg8[%parallel_loop3A_270, %parallel_loop3A_317] : memref<400x48xf32, #tpu.memory_space<vmem>>[vector<16xi32>, vector<16xi32>], vector<16xf32>,
        %parallel_loop3A_319 = arith.constant 16 : i32
        %parallel_loop3A_320 = arith.muli %parallel_loop3A_266, %parallel_loop3A_319 : i32
        %parallel_loop3A_321 = arith.constant 5 : i32
        %parallel_loop3A_322 = arith.index_cast %parallel_loop3A_321 : i32 to index
        %parallel_loop3A_323 = arith.index_cast %parallel_loop3A_320 : i32 to index
        %parallel_loop3A_324 = tpu.vector_load %arg10[%parallel_loop3A_322, %parallel_loop3A_323] {strides = array<i32>} : memref<48x400xf32, #tpu.memory_space<vmem>>, vector<16xf32>,
        tpu.vector_store %arg10[%parallel_loop3A_322, %parallel_loop3A_323], %parallel_loop3A_318 {strides = array<i32>} : memref<48x400xf32, #tpu.memory_space<vmem>>, vector<16xf32>,
        %parallel_loop3A_325 = arith.constant 6 : i32
        %parallel_loop3A_326 = vector.broadcast %parallel_loop3A_325 : i32 to vector<16xi32>
        %parallel_loop3A_327 = tpu.vector_load_idx %arg8[%parallel_loop3A_270, %parallel_loop3A_326] : memref<400x48xf32, #tpu.memory_space<vmem>>[vector<16xi32>, vector<16xi32>], vector<16xf32>,
        %parallel_loop3A_328 = arith.constant 16 : i32
        %parallel_loop3A_329 = arith.muli %parallel_loop3A_266, %parallel_loop3A_328 : i32
        %parallel_loop3A_330 = arith.constant 6 : i32
        %parallel_loop3A_331 = arith.index_cast %parallel_loop3A_330 : i32 to index
        %parallel_loop3A_332 = arith.index_cast %parallel_loop3A_329 : i32 to index
        %parallel_loop3A_333 = tpu.vector_load %arg10[%parallel_loop3A_331, %parallel_loop3A_332] {strides = array<i32>} : memref<48x400xf32, #tpu.memory_space<vmem>>, vector<16xf32>,
        tpu.vector_store %arg10[%parallel_loop3A_331, %parallel_loop3A_332], %parallel_loop3A_327 {strides = array<i32>} : memref<48x400xf32, #tpu.memory_space<vmem>>, vector<16xf32>,
        %parallel_loop3A_334 = arith.constant 7 : i32
        %parallel_loop3A_335 = vector.broadcast %parallel_loop3A_334 : i32 to vector<16xi32>
        %parallel_loop3A_336 = tpu.vector_load_idx %arg8[%parallel_loop3A_270, %parallel_loop3A_335] : memref<400x48xf32, #tpu.memory_space<vmem>>[vector<16xi32>, vector<16xi32>], vector<16xf32>,
        %parallel_loop3A_337 = arith.constant 16 : i32
        %parallel_loop3A_338 = arith.muli %parallel_loop3A_266, %parallel_loop3A_337 : i32
        %parallel_loop3A_339 = arith.constant 7 : i32
        %parallel_loop3A_340 = arith.index_cast %parallel_loop3A_339 : i32 to index
        %parallel_loop3A_341 = arith.index_cast %parallel_loop3A_338 : i32 to index
        %parallel_loop3A_342 = tpu.vector_load %arg10[%parallel_loop3A_340, %parallel_loop3A_341] {strides = array<i32>} : memref<48x400xf32, #tpu.memory_space<vmem>>, vector<16xf32>,
        tpu.vector_store %arg10[%parallel_loop3A_340, %parallel_loop3A_341], %parallel_loop3A_336 {strides = array<i32>} : memref<48x400xf32, #tpu.memory_space<vmem>>, vector<16xf32>,
        %parallel_loop3A_343 = arith.constant 8 : i32
        %parallel_loop3A_344 = vector.broadcast %parallel_loop3A_343 : i32 to vector<16xi32>
        %parallel_loop3A_345 = tpu.vector_load_idx %arg8[%parallel_loop3A_270, %parallel_loop3A_344] : memref<400x48xf32, #tpu.memory_space<vmem>>[vector<16xi32>, vector<16xi32>], vector<16xf32>,
        %parallel_loop3A_346 = arith.constant 16 : i32
        %parallel_loop3A_347 = arith.muli %parallel_loop3A_266, %parallel_loop3A_346 : i32
        %parallel_loop3A_348 = arith.constant 8 : i32
        %parallel_loop3A_349 = arith.index_cast %parallel_loop3A_348 : i32 to index
        %parallel_loop3A_350 = arith.index_cast %parallel_loop3A_347 : i32 to index
        %parallel_loop3A_351 = tpu.vector_load %arg10[%parallel_loop3A_349, %parallel_loop3A_350] {strides = array<i32>} : memref<48x400xf32, #tpu.memory_space<vmem>>, vector<16xf32>,
        tpu.vector_store %arg10[%parallel_loop3A_349, %parallel_loop3A_350], %parallel_loop3A_345 {strides = array<i32>} : memref<48x400xf32, #tpu.memory_space<vmem>>, vector<16xf32>,
        %parallel_loop3A_352 = arith.constant 9 : i32
        %parallel_loop3A_353 = vector.broadcast %parallel_loop3A_352 : i32 to vector<16xi32>
        %parallel_loop3A_354 = tpu.vector_load_idx %arg8[%parallel_loop3A_270, %parallel_loop3A_353] : memref<400x48xf32, #tpu.memory_space<vmem>>[vector<16xi32>, vector<16xi32>], vector<16xf32>,
        %parallel_loop3A_355 = arith.constant 16 : i32
        %parallel_loop3A_356 = arith.muli %parallel_loop3A_266, %parallel_loop3A_355 : i32
        %parallel_loop3A_357 = arith.constant 9 : i32
        %parallel_loop3A_358 = arith.index_cast %parallel_loop3A_357 : i32 to index
        %parallel_loop3A_359 = arith.index_cast %parallel_loop3A_356 : i32 to index
        %parallel_loop3A_360 = tpu.vector_load %arg10[%parallel_loop3A_358, %parallel_loop3A_359] {strides = array<i32>} : memref<48x400xf32, #tpu.memory_space<vmem>>, vector<16xf32>,
        tpu.vector_store %arg10[%parallel_loop3A_358, %parallel_loop3A_359], %parallel_loop3A_354 {strides = array<i32>} : memref<48x400xf32, #tpu.memory_space<vmem>>, vector<16xf32>,
        %parallel_loop3A_361 = arith.constant 10 : i32
        %parallel_loop3A_362 = vector.broadcast %parallel_loop3A_361 : i32 to vector<16xi32>
        %parallel_loop3A_363 = tpu.vector_load_idx %arg8[%parallel_loop3A_270, %parallel_loop3A_362] : memref<400x48xf32, #tpu.memory_space<vmem>>[vector<16xi32>, vector<16xi32>], vector<16xf32>,
        %parallel_loop3A_364 = arith.constant 16 : i32
        %parallel_loop3A_365 = arith.muli %parallel_loop3A_266, %parallel_loop3A_364 : i32
        %parallel_loop3A_366 = arith.constant 10 : i32
        %parallel_loop3A_367 = arith.index_cast %parallel_loop3A_366 : i32 to index
        %parallel_loop3A_368 = arith.index_cast %parallel_loop3A_365 : i32 to index
        %parallel_loop3A_369 = tpu.vector_load %arg10[%parallel_loop3A_367, %parallel_loop3A_368] {strides = array<i32>} : memref<48x400xf32, #tpu.memory_space<vmem>>, vector<16xf32>,
        tpu.vector_store %arg10[%parallel_loop3A_367, %parallel_loop3A_368], %parallel_loop3A_363 {strides = array<i32>} : memref<48x400xf32, #tpu.memory_space<vmem>>, vector<16xf32>,
        %parallel_loop3A_370 = arith.constant 11 : i32
        %parallel_loop3A_371 = vector.broadcast %parallel_loop3A_370 : i32 to vector<16xi32>
        %parallel_loop3A_372 = tpu.vector_load_idx %arg8[%parallel_loop3A_270, %parallel_loop3A_371] : memref<400x48xf32, #tpu.memory_space<vmem>>[vector<16xi32>, vector<16xi32>], vector<16xf32>,
        %parallel_loop3A_373 = arith.constant 16 : i32
        %parallel_loop3A_374 = arith.muli %parallel_loop3A_266, %parallel_loop3A_373 : i32
        %parallel_loop3A_375 = arith.constant 11 : i32
        %parallel_loop3A_376 = arith.index_cast %parallel_loop3A_375 : i32 to index
        %parallel_loop3A_377 = arith.index_cast %parallel_loop3A_374 : i32 to index
        %parallel_loop3A_378 = tpu.vector_load %arg10[%parallel_loop3A_376, %parallel_loop3A_377] {strides = array<i32>} : memref<48x400xf32, #tpu.memory_space<vmem>>, vector<16xf32>,
        tpu.vector_store %arg10[%parallel_loop3A_376, %parallel_loop3A_377], %parallel_loop3A_372 {strides = array<i32>} : memref<48x400xf32, #tpu.memory_space<vmem>>, vector<16xf32>,
        %parallel_loop3A_379 = arith.constant 12 : i32
        %parallel_loop3A_380 = vector.broadcast %parallel_loop3A_379 : i32 to vector<16xi32>
        %parallel_loop3A_381 = tpu.vector_load_idx %arg8[%parallel_loop3A_270, %parallel_loop3A_380] : memref<400x48xf32, #tpu.memory_space<vmem>>[vector<16xi32>, vector<16xi32>], vector<16xf32>,
        %parallel_loop3A_382 = arith.constant 16 : i32
        %parallel_loop3A_383 = arith.muli %parallel_loop3A_266, %parallel_loop3A_382 : i32
        %parallel_loop3A_384 = arith.constant 12 : i32
        %parallel_loop3A_385 = arith.index_cast %parallel_loop3A_384 : i32 to index
        %parallel_loop3A_386 = arith.index_cast %parallel_loop3A_383 : i32 to index
        %parallel_loop3A_387 = tpu.vector_load %arg10[%parallel_loop3A_385, %parallel_loop3A_386] {strides = array<i32>} : memref<48x400xf32, #tpu.memory_space<vmem>>, vector<16xf32>,
        tpu.vector_store %arg10[%parallel_loop3A_385, %parallel_loop3A_386], %parallel_loop3A_381 {strides = array<i32>} : memref<48x400xf32, #tpu.memory_space<vmem>>, vector<16xf32>,
        %parallel_loop3A_388 = arith.constant 13 : i32
        %parallel_loop3A_389 = vector.broadcast %parallel_loop3A_388 : i32 to vector<16xi32>
        %parallel_loop3A_390 = tpu.vector_load_idx %arg8[%parallel_loop3A_270, %parallel_loop3A_389] : memref<400x48xf32, #tpu.memory_space<vmem>>[vector<16xi32>, vector<16xi32>], vector<16xf32>,
        %parallel_loop3A_391 = arith.constant 16 : i32
        %parallel_loop3A_392 = arith.muli %parallel_loop3A_266, %parallel_loop3A_391 : i32
        %parallel_loop3A_393 = arith.constant 13 : i32
        %parallel_loop3A_394 = arith.index_cast %parallel_loop3A_393 : i32 to index
        %parallel_loop3A_395 = arith.index_cast %parallel_loop3A_392 : i32 to index
        %parallel_loop3A_396 = tpu.vector_load %arg10[%parallel_loop3A_394, %parallel_loop3A_395] {strides = array<i32>} : memref<48x400xf32, #tpu.memory_space<vmem>>, vector<16xf32>,
        tpu.vector_store %arg10[%parallel_loop3A_394, %parallel_loop3A_395], %parallel_loop3A_390 {strides = array<i32>} : memref<48x400xf32, #tpu.memory_space<vmem>>, vector<16xf32>,
        %parallel_loop3A_397 = arith.constant 14 : i32
        %parallel_loop3A_398 = vector.broadcast %parallel_loop3A_397 : i32 to vector<16xi32>
        %parallel_loop3A_399 = tpu.vector_load_idx %arg8[%parallel_loop3A_270, %parallel_loop3A_398] : memref<400x48xf32, #tpu.memory_space<vmem>>[vector<16xi32>, vector<16xi32>], vector<16xf32>,
        %parallel_loop3A_400 = arith.constant 16 : i32
        %parallel_loop3A_401 = arith.muli %parallel_loop3A_266, %parallel_loop3A_400 : i32
        %parallel_loop3A_402 = arith.constant 14 : i32
        %parallel_loop3A_403 = arith.index_cast %parallel_loop3A_402 : i32 to index
        %parallel_loop3A_404 = arith.index_cast %parallel_loop3A_401 : i32 to index
        %parallel_loop3A_405 = tpu.vector_load %arg10[%parallel_loop3A_403, %parallel_loop3A_404] {strides = array<i32>} : memref<48x400xf32, #tpu.memory_space<vmem>>, vector<16xf32>,
        tpu.vector_store %arg10[%parallel_loop3A_403, %parallel_loop3A_404], %parallel_loop3A_399 {strides = array<i32>} : memref<48x400xf32, #tpu.memory_space<vmem>>, vector<16xf32>,
        %parallel_loop3A_406 = arith.constant 15 : i32
        %parallel_loop3A_407 = vector.broadcast %parallel_loop3A_406 : i32 to vector<16xi32>
        %parallel_loop3A_408 = tpu.vector_load_idx %arg8[%parallel_loop3A_270, %parallel_loop3A_407] : memref<400x48xf32, #tpu.memory_space<vmem>>[vector<16xi32>, vector<16xi32>], vector<16xf32>,
        %parallel_loop3A_409 = arith.constant 16 : i32
        %parallel_loop3A_410 = arith.muli %parallel_loop3A_266, %parallel_loop3A_409 : i32
        %parallel_loop3A_411 = arith.constant 15 : i32
        %parallel_loop3A_412 = arith.index_cast %parallel_loop3A_411 : i32 to index
        %parallel_loop3A_413 = arith.index_cast %parallel_loop3A_410 : i32 to index
        %parallel_loop3A_414 = tpu.vector_load %arg10[%parallel_loop3A_412, %parallel_loop3A_413] {strides = array<i32>} : memref<48x400xf32, #tpu.memory_space<vmem>>, vector<16xf32>,
        tpu.vector_store %arg10[%parallel_loop3A_412, %parallel_loop3A_413], %parallel_loop3A_408 {strides = array<i32>} : memref<48x400xf32, #tpu.memory_space<vmem>>, vector<16xf32>,
        %parallel_loop3A_415 = arith.constant 16 : i32
        %parallel_loop3A_416 = vector.broadcast %parallel_loop3A_415 : i32 to vector<16xi32>
        %parallel_loop3A_417 = tpu.vector_load_idx %arg8[%parallel_loop3A_270, %parallel_loop3A_416] : memref<400x48xf32, #tpu.memory_space<vmem>>[vector<16xi32>, vector<16xi32>], vector<16xf32>,
        %parallel_loop3A_418 = arith.constant 16 : i32
        %parallel_loop3A_419 = arith.muli %parallel_loop3A_266, %parallel_loop3A_418 : i32
        %parallel_loop3A_420 = arith.constant 16 : i32
        %parallel_loop3A_421 = arith.index_cast %parallel_loop3A_420 : i32 to index
        %parallel_loop3A_422 = arith.index_cast %parallel_loop3A_419 : i32 to index
        %parallel_loop3A_423 = tpu.vector_load %arg10[%parallel_loop3A_421, %parallel_loop3A_422] {strides = array<i32>} : memref<48x400xf32, #tpu.memory_space<vmem>>, vector<16xf32>,
        tpu.vector_store %arg10[%parallel_loop3A_421, %parallel_loop3A_422], %parallel_loop3A_417 {strides = array<i32>} : memref<48x400xf32, #tpu.memory_space<vmem>>, vector<16xf32>,
        %parallel_loop3A_424 = arith.constant 17 : i32
        %parallel_loop3A_425 = vector.broadcast %parallel_loop3A_424 : i32 to vector<16xi32>
        %parallel_loop3A_426 = tpu.vector_load_idx %arg8[%parallel_loop3A_270, %parallel_loop3A_425] : memref<400x48xf32, #tpu.memory_space<vmem>>[vector<16xi32>, vector<16xi32>], vector<16xf32>,
        %parallel_loop3A_427 = arith.constant 16 : i32
        %parallel_loop3A_428 = arith.muli %parallel_loop3A_266, %parallel_loop3A_427 : i32
        %parallel_loop3A_429 = arith.constant 17 : i32
        %parallel_loop3A_430 = arith.index_cast %parallel_loop3A_429 : i32 to index
        %parallel_loop3A_431 = arith.index_cast %parallel_loop3A_428 : i32 to index
        %parallel_loop3A_432 = tpu.vector_load %arg10[%parallel_loop3A_430, %parallel_loop3A_431] {strides = array<i32>} : memref<48x400xf32, #tpu.memory_space<vmem>>, vector<16xf32>,
        tpu.vector_store %arg10[%parallel_loop3A_430, %parallel_loop3A_431], %parallel_loop3A_426 {strides = array<i32>} : memref<48x400xf32, #tpu.memory_space<vmem>>, vector<16xf32>,
        %parallel_loop3A_433 = arith.constant 18 : i32
        %parallel_loop3A_434 = vector.broadcast %parallel_loop3A_433 : i32 to vector<16xi32>
        %parallel_loop3A_435 = tpu.vector_load_idx %arg8[%parallel_loop3A_270, %parallel_loop3A_434] : memref<400x48xf32, #tpu.memory_space<vmem>>[vector<16xi32>, vector<16xi32>], vector<16xf32>,
        %parallel_loop3A_436 = arith.constant 16 : i32
        %parallel_loop3A_437 = arith.muli %parallel_loop3A_266, %parallel_loop3A_436 : i32
        %parallel_loop3A_438 = arith.constant 18 : i32
        %parallel_loop3A_439 = arith.index_cast %parallel_loop3A_438 : i32 to index
        %parallel_loop3A_440 = arith.index_cast %parallel_loop3A_437 : i32 to index
        %parallel_loop3A_441 = tpu.vector_load %arg10[%parallel_loop3A_439, %parallel_loop3A_440] {strides = array<i32>} : memref<48x400xf32, #tpu.memory_space<vmem>>, vector<16xf32>,
        tpu.vector_store %arg10[%parallel_loop3A_439, %parallel_loop3A_440], %parallel_loop3A_435 {strides = array<i32>} : memref<48x400xf32, #tpu.memory_space<vmem>>, vector<16xf32>,
        %parallel_loop3A_442 = arith.constant 19 : i32
        %parallel_loop3A_443 = vector.broadcast %parallel_loop3A_442 : i32 to vector<16xi32>
        %parallel_loop3A_444 = tpu.vector_load_idx %arg8[%parallel_loop3A_270, %parallel_loop3A_443] : memref<400x48xf32, #tpu.memory_space<vmem>>[vector<16xi32>, vector<16xi32>], vector<16xf32>,
        %parallel_loop3A_445 = arith.constant 16 : i32
        %parallel_loop3A_446 = arith.muli %parallel_loop3A_266, %parallel_loop3A_445 : i32
        %parallel_loop3A_447 = arith.constant 19 : i32
        %parallel_loop3A_448 = arith.index_cast %parallel_loop3A_447 : i32 to index
        %parallel_loop3A_449 = arith.index_cast %parallel_loop3A_446 : i32 to index
        %parallel_loop3A_450 = tpu.vector_load %arg10[%parallel_loop3A_448, %parallel_loop3A_449] {strides = array<i32>} : memref<48x400xf32, #tpu.memory_space<vmem>>, vector<16xf32>,
        tpu.vector_store %arg10[%parallel_loop3A_448, %parallel_loop3A_449], %parallel_loop3A_444 {strides = array<i32>} : memref<48x400xf32, #tpu.memory_space<vmem>>, vector<16xf32>,
        %parallel_loop3A_451 = arith.constant 20 : i32
        %parallel_loop3A_452 = vector.broadcast %parallel_loop3A_451 : i32 to vector<16xi32>
        %parallel_loop3A_453 = tpu.vector_load_idx %arg8[%parallel_loop3A_270, %parallel_loop3A_452] : memref<400x48xf32, #tpu.memory_space<vmem>>[vector<16xi32>, vector<16xi32>], vector<16xf32>,
        %parallel_loop3A_454 = arith.constant 16 : i32
        %parallel_loop3A_455 = arith.muli %parallel_loop3A_266, %parallel_loop3A_454 : i32
        %parallel_loop3A_456 = arith.constant 20 : i32
        %parallel_loop3A_457 = arith.index_cast %parallel_loop3A_456 : i32 to index
        %parallel_loop3A_458 = arith.index_cast %parallel_loop3A_455 : i32 to index
        %parallel_loop3A_459 = tpu.vector_load %arg10[%parallel_loop3A_457, %parallel_loop3A_458] {strides = array<i32>} : memref<48x400xf32, #tpu.memory_space<vmem>>, vector<16xf32>,
        tpu.vector_store %arg10[%parallel_loop3A_457, %parallel_loop3A_458], %parallel_loop3A_453 {strides = array<i32>} : memref<48x400xf32, #tpu.memory_space<vmem>>, vector<16xf32>,
        %parallel_loop3A_460 = arith.constant 21 : i32
        %parallel_loop3A_461 = vector.broadcast %parallel_loop3A_460 : i32 to vector<16xi32>
        %parallel_loop3A_462 = tpu.vector_load_idx %arg8[%parallel_loop3A_270, %parallel_loop3A_461] : memref<400x48xf32, #tpu.memory_space<vmem>>[vector<16xi32>, vector<16xi32>], vector<16xf32>,
        %parallel_loop3A_463 = arith.constant 16 : i32
        %parallel_loop3A_464 = arith.muli %parallel_loop3A_266, %parallel_loop3A_463 : i32
        %parallel_loop3A_465 = arith.constant 21 : i32
        %parallel_loop3A_466 = arith.index_cast %parallel_loop3A_465 : i32 to index
        %parallel_loop3A_467 = arith.index_cast %parallel_loop3A_464 : i32 to index
        %parallel_loop3A_468 = tpu.vector_load %arg10[%parallel_loop3A_466, %parallel_loop3A_467] {strides = array<i32>} : memref<48x400xf32, #tpu.memory_space<vmem>>, vector<16xf32>,
        tpu.vector_store %arg10[%parallel_loop3A_466, %parallel_loop3A_467], %parallel_loop3A_462 {strides = array<i32>} : memref<48x400xf32, #tpu.memory_space<vmem>>, vector<16xf32>,
        %parallel_loop3A_469 = arith.constant 22 : i32
        %parallel_loop3A_470 = vector.broadcast %parallel_loop3A_469 : i32 to vector<16xi32>
        %parallel_loop3A_471 = tpu.vector_load_idx %arg8[%parallel_loop3A_270, %parallel_loop3A_470] : memref<400x48xf32, #tpu.memory_space<vmem>>[vector<16xi32>, vector<16xi32>], vector<16xf32>,
        %parallel_loop3A_472 = arith.constant 16 : i32
        %parallel_loop3A_473 = arith.muli %parallel_loop3A_266, %parallel_loop3A_472 : i32
        %parallel_loop3A_474 = arith.constant 22 : i32
        %parallel_loop3A_475 = arith.index_cast %parallel_loop3A_474 : i32 to index
        %parallel_loop3A_476 = arith.index_cast %parallel_loop3A_473 : i32 to index
        %parallel_loop3A_477 = tpu.vector_load %arg10[%parallel_loop3A_475, %parallel_loop3A_476] {strides = array<i32>} : memref<48x400xf32, #tpu.memory_space<vmem>>, vector<16xf32>,
        tpu.vector_store %arg10[%parallel_loop3A_475, %parallel_loop3A_476], %parallel_loop3A_471 {strides = array<i32>} : memref<48x400xf32, #tpu.memory_space<vmem>>, vector<16xf32>,
        %parallel_loop3A_478 = arith.constant 23 : i32
        %parallel_loop3A_479 = vector.broadcast %parallel_loop3A_478 : i32 to vector<16xi32>
        %parallel_loop3A_480 = tpu.vector_load_idx %arg8[%parallel_loop3A_270, %parallel_loop3A_479] : memref<400x48xf32, #tpu.memory_space<vmem>>[vector<16xi32>, vector<16xi32>], vector<16xf32>,
        %parallel_loop3A_481 = arith.constant 16 : i32
        %parallel_loop3A_482 = arith.muli %parallel_loop3A_266, %parallel_loop3A_481 : i32
        %parallel_loop3A_483 = arith.constant 23 : i32
        %parallel_loop3A_484 = arith.index_cast %parallel_loop3A_483 : i32 to index
        %parallel_loop3A_485 = arith.index_cast %parallel_loop3A_482 : i32 to index
        %parallel_loop3A_486 = tpu.vector_load %arg10[%parallel_loop3A_484, %parallel_loop3A_485] {strides = array<i32>} : memref<48x400xf32, #tpu.memory_space<vmem>>, vector<16xf32>,
        tpu.vector_store %arg10[%parallel_loop3A_484, %parallel_loop3A_485], %parallel_loop3A_480 {strides = array<i32>} : memref<48x400xf32, #tpu.memory_space<vmem>>, vector<16xf32>,
        %parallel_loop3A_487 = arith.constant 24 : i32
        %parallel_loop3A_488 = vector.broadcast %parallel_loop3A_487 : i32 to vector<16xi32>
        %parallel_loop3A_489 = tpu.vector_load_idx %arg8[%parallel_loop3A_270, %parallel_loop3A_488] : memref<400x48xf32, #tpu.memory_space<vmem>>[vector<16xi32>, vector<16xi32>], vector<16xf32>,
        %parallel_loop3A_490 = arith.constant 16 : i32
        %parallel_loop3A_491 = arith.muli %parallel_loop3A_266, %parallel_loop3A_490 : i32
        %parallel_loop3A_492 = arith.constant 24 : i32
        %parallel_loop3A_493 = arith.index_cast %parallel_loop3A_492 : i32 to index
        %parallel_loop3A_494 = arith.index_cast %parallel_loop3A_491 : i32 to index
        %parallel_loop3A_495 = tpu.vector_load %arg10[%parallel_loop3A_493, %parallel_loop3A_494] {strides = array<i32>} : memref<48x400xf32, #tpu.memory_space<vmem>>, vector<16xf32>,
        tpu.vector_store %arg10[%parallel_loop3A_493, %parallel_loop3A_494], %parallel_loop3A_489 {strides = array<i32>} : memref<48x400xf32, #tpu.memory_space<vmem>>, vector<16xf32>,
        %parallel_loop3A_496 = arith.constant 25 : i32
        %parallel_loop3A_497 = vector.broadcast %parallel_loop3A_496 : i32 to vector<16xi32>
        %parallel_loop3A_498 = tpu.vector_load_idx %arg8[%parallel_loop3A_270, %parallel_loop3A_497] : memref<400x48xf32, #tpu.memory_space<vmem>>[vector<16xi32>, vector<16xi32>], vector<16xf32>,
        %parallel_loop3A_499 = arith.constant 16 : i32
        %parallel_loop3A_500 = arith.muli %parallel_loop3A_266, %parallel_loop3A_499 : i32
        %parallel_loop3A_501 = arith.constant 25 : i32
        %parallel_loop3A_502 = arith.index_cast %parallel_loop3A_501 : i32 to index
        %parallel_loop3A_503 = arith.index_cast %parallel_loop3A_500 : i32 to index
        %parallel_loop3A_504 = tpu.vector_load %arg10[%parallel_loop3A_502, %parallel_loop3A_503] {strides = array<i32>} : memref<48x400xf32, #tpu.memory_space<vmem>>, vector<16xf32>,
        tpu.vector_store %arg10[%parallel_loop3A_502, %parallel_loop3A_503], %parallel_loop3A_498 {strides = array<i32>} : memref<48x400xf32, #tpu.memory_space<vmem>>, vector<16xf32>,
        %parallel_loop3A_505 = arith.constant 26 : i32
        %parallel_loop3A_506 = vector.broadcast %parallel_loop3A_505 : i32 to vector<16xi32>
        %parallel_loop3A_507 = tpu.vector_load_idx %arg8[%parallel_loop3A_270, %parallel_loop3A_506] : memref<400x48xf32, #tpu.memory_space<vmem>>[vector<16xi32>, vector<16xi32>], vector<16xf32>,
        %parallel_loop3A_508 = arith.constant 16 : i32
        %parallel_loop3A_509 = arith.muli %parallel_loop3A_266, %parallel_loop3A_508 : i32
        %parallel_loop3A_510 = arith.constant 26 : i32
        %parallel_loop3A_511 = arith.index_cast %parallel_loop3A_510 : i32 to index
        %parallel_loop3A_512 = arith.index_cast %parallel_loop3A_509 : i32 to index
        %parallel_loop3A_513 = tpu.vector_load %arg10[%parallel_loop3A_511, %parallel_loop3A_512] {strides = array<i32>} : memref<48x400xf32, #tpu.memory_space<vmem>>, vector<16xf32>,
        tpu.vector_store %arg10[%parallel_loop3A_511, %parallel_loop3A_512], %parallel_loop3A_507 {strides = array<i32>} : memref<48x400xf32, #tpu.memory_space<vmem>>, vector<16xf32>,
        %parallel_loop3A_514 = arith.constant 27 : i32
        %parallel_loop3A_515 = vector.broadcast %parallel_loop3A_514 : i32 to vector<16xi32>
        %parallel_loop3A_516 = tpu.vector_load_idx %arg8[%parallel_loop3A_270, %parallel_loop3A_515] : memref<400x48xf32, #tpu.memory_space<vmem>>[vector<16xi32>, vector<16xi32>], vector<16xf32>,
        %parallel_loop3A_517 = arith.constant 16 : i32
        %parallel_loop3A_518 = arith.muli %parallel_loop3A_266, %parallel_loop3A_517 : i32
        %parallel_loop3A_519 = arith.constant 27 : i32
        %parallel_loop3A_520 = arith.index_cast %parallel_loop3A_519 : i32 to index
        %parallel_loop3A_521 = arith.index_cast %parallel_loop3A_518 : i32 to index
        %parallel_loop3A_522 = tpu.vector_load %arg10[%parallel_loop3A_520, %parallel_loop3A_521] {strides = array<i32>} : memref<48x400xf32, #tpu.memory_space<vmem>>, vector<16xf32>,
        tpu.vector_store %arg10[%parallel_loop3A_520, %parallel_loop3A_521], %parallel_loop3A_516 {strides = array<i32>} : memref<48x400xf32, #tpu.memory_space<vmem>>, vector<16xf32>,
        %parallel_loop3A_523 = arith.constant 28 : i32
        %parallel_loop3A_524 = vector.broadcast %parallel_loop3A_523 : i32 to vector<16xi32>
        %parallel_loop3A_525 = tpu.vector_load_idx %arg8[%parallel_loop3A_270, %parallel_loop3A_524] : memref<400x48xf32, #tpu.memory_space<vmem>>[vector<16xi32>, vector<16xi32>], vector<16xf32>,
        %parallel_loop3A_526 = arith.constant 16 : i32
        %parallel_loop3A_527 = arith.muli %parallel_loop3A_266, %parallel_loop3A_526 : i32
        %parallel_loop3A_528 = arith.constant 28 : i32
        %parallel_loop3A_529 = arith.index_cast %parallel_loop3A_528 : i32 to index
        %parallel_loop3A_530 = arith.index_cast %parallel_loop3A_527 : i32 to index
        %parallel_loop3A_531 = tpu.vector_load %arg10[%parallel_loop3A_529, %parallel_loop3A_530] {strides = array<i32>} : memref<48x400xf32, #tpu.memory_space<vmem>>, vector<16xf32>,
        tpu.vector_store %arg10[%parallel_loop3A_529, %parallel_loop3A_530], %parallel_loop3A_525 {strides = array<i32>} : memref<48x400xf32, #tpu.memory_space<vmem>>, vector<16xf32>,
        %parallel_loop3A_532 = arith.constant 29 : i32
        %parallel_loop3A_533 = vector.broadcast %parallel_loop3A_532 : i32 to vector<16xi32>
        %parallel_loop3A_534 = tpu.vector_load_idx %arg8[%parallel_loop3A_270, %parallel_loop3A_533] : memref<400x48xf32, #tpu.memory_space<vmem>>[vector<16xi32>, vector<16xi32>], vector<16xf32>,
        %parallel_loop3A_535 = arith.constant 16 : i32
        %parallel_loop3A_536 = arith.muli %parallel_loop3A_266, %parallel_loop3A_535 : i32
        %parallel_loop3A_537 = arith.constant 29 : i32
        %parallel_loop3A_538 = arith.index_cast %parallel_loop3A_537 : i32 to index
        %parallel_loop3A_539 = arith.index_cast %parallel_loop3A_536 : i32 to index
        %parallel_loop3A_540 = tpu.vector_load %arg10[%parallel_loop3A_538, %parallel_loop3A_539] {strides = array<i32>} : memref<48x400xf32, #tpu.memory_space<vmem>>, vector<16xf32>,
        tpu.vector_store %arg10[%parallel_loop3A_538, %parallel_loop3A_539], %parallel_loop3A_534 {strides = array<i32>} : memref<48x400xf32, #tpu.memory_space<vmem>>, vector<16xf32>,
        %parallel_loop3A_541 = arith.constant 30 : i32
        %parallel_loop3A_542 = vector.broadcast %parallel_loop3A_541 : i32 to vector<16xi32>
        %parallel_loop3A_543 = tpu.vector_load_idx %arg8[%parallel_loop3A_270, %parallel_loop3A_542] : memref<400x48xf32, #tpu.memory_space<vmem>>[vector<16xi32>, vector<16xi32>], vector<16xf32>,
        %parallel_loop3A_544 = arith.constant 16 : i32
        %parallel_loop3A_545 = arith.muli %parallel_loop3A_266, %parallel_loop3A_544 : i32
        %parallel_loop3A_546 = arith.constant 30 : i32
        %parallel_loop3A_547 = arith.index_cast %parallel_loop3A_546 : i32 to index
        %parallel_loop3A_548 = arith.index_cast %parallel_loop3A_545 : i32 to index
        %parallel_loop3A_549 = tpu.vector_load %arg10[%parallel_loop3A_547, %parallel_loop3A_548] {strides = array<i32>} : memref<48x400xf32, #tpu.memory_space<vmem>>, vector<16xf32>,
        tpu.vector_store %arg10[%parallel_loop3A_547, %parallel_loop3A_548], %parallel_loop3A_543 {strides = array<i32>} : memref<48x400xf32, #tpu.memory_space<vmem>>, vector<16xf32>,
        %parallel_loop3A_550 = arith.constant 31 : i32
        %parallel_loop3A_551 = vector.broadcast %parallel_loop3A_550 : i32 to vector<16xi32>
        %parallel_loop3A_552 = tpu.vector_load_idx %arg8[%parallel_loop3A_270, %parallel_loop3A_551] : memref<400x48xf32, #tpu.memory_space<vmem>>[vector<16xi32>, vector<16xi32>], vector<16xf32>,
        %parallel_loop3A_553 = arith.constant 16 : i32
        %parallel_loop3A_554 = arith.muli %parallel_loop3A_266, %parallel_loop3A_553 : i32
        %parallel_loop3A_555 = arith.constant 31 : i32
        %parallel_loop3A_556 = arith.index_cast %parallel_loop3A_555 : i32 to index
        %parallel_loop3A_557 = arith.index_cast %parallel_loop3A_554 : i32 to index
        %parallel_loop3A_558 = tpu.vector_load %arg10[%parallel_loop3A_556, %parallel_loop3A_557] {strides = array<i32>} : memref<48x400xf32, #tpu.memory_space<vmem>>, vector<16xf32>,
        tpu.vector_store %arg10[%parallel_loop3A_556, %parallel_loop3A_557], %parallel_loop3A_552 {strides = array<i32>} : memref<48x400xf32, #tpu.memory_space<vmem>>, vector<16xf32>,
        %parallel_loop3A_559 = arith.constant 32 : i32
        %parallel_loop3A_560 = vector.broadcast %parallel_loop3A_559 : i32 to vector<16xi32>
        %parallel_loop3A_561 = tpu.vector_load_idx %arg9[%parallel_loop3A_270, %parallel_loop3A_560] : memref<400x48xf32, #tpu.memory_space<vmem>>[vector<16xi32>, vector<16xi32>], vector<16xf32>,
        %parallel_loop3A_562 = arith.constant 16 : i32
        %parallel_loop3A_563 = arith.muli %parallel_loop3A_266, %parallel_loop3A_562 : i32
        %parallel_loop3A_564 = arith.constant 32 : i32
        %parallel_loop3A_565 = arith.index_cast %parallel_loop3A_564 : i32 to index
        %parallel_loop3A_566 = arith.index_cast %parallel_loop3A_563 : i32 to index
        %parallel_loop3A_567 = tpu.vector_load %arg10[%parallel_loop3A_565, %parallel_loop3A_566] {strides = array<i32>} : memref<48x400xf32, #tpu.memory_space<vmem>>, vector<16xf32>,
        tpu.vector_store %arg10[%parallel_loop3A_565, %parallel_loop3A_566], %parallel_loop3A_561 {strides = array<i32>} : memref<48x400xf32, #tpu.memory_space<vmem>>, vector<16xf32>,
        %parallel_loop3A_568 = arith.constant 33 : i32
        %parallel_loop3A_569 = vector.broadcast %parallel_loop3A_568 : i32 to vector<16xi32>
        %parallel_loop3A_570 = tpu.vector_load_idx %arg9[%parallel_loop3A_270, %parallel_loop3A_569] : memref<400x48xf32, #tpu.memory_space<vmem>>[vector<16xi32>, vector<16xi32>], vector<16xf32>,
        %parallel_loop3A_571 = arith.constant 16 : i32
        %parallel_loop3A_572 = arith.muli %parallel_loop3A_266, %parallel_loop3A_571 : i32
        %parallel_loop3A_573 = arith.constant 33 : i32
        %parallel_loop3A_574 = arith.index_cast %parallel_loop3A_573 : i32 to index
        %parallel_loop3A_575 = arith.index_cast %parallel_loop3A_572 : i32 to index
        %parallel_loop3A_576 = tpu.vector_load %arg10[%parallel_loop3A_574, %parallel_loop3A_575] {strides = array<i32>} : memref<48x400xf32, #tpu.memory_space<vmem>>, vector<16xf32>,
        tpu.vector_store %arg10[%parallel_loop3A_574, %parallel_loop3A_575], %parallel_loop3A_570 {strides = array<i32>} : memref<48x400xf32, #tpu.memory_space<vmem>>, vector<16xf32>,
        %parallel_loop3A_577 = arith.constant 34 : i32
        %parallel_loop3A_578 = vector.broadcast %parallel_loop3A_577 : i32 to vector<16xi32>
        %parallel_loop3A_579 = tpu.vector_load_idx %arg9[%parallel_loop3A_270, %parallel_loop3A_578] : memref<400x48xf32, #tpu.memory_space<vmem>>[vector<16xi32>, vector<16xi32>], vector<16xf32>,
        %parallel_loop3A_580 = arith.constant 16 : i32
        %parallel_loop3A_581 = arith.muli %parallel_loop3A_266, %parallel_loop3A_580 : i32
        %parallel_loop3A_582 = arith.constant 34 : i32
        %parallel_loop3A_583 = arith.index_cast %parallel_loop3A_582 : i32 to index
        %parallel_loop3A_584 = arith.index_cast %parallel_loop3A_581 : i32 to index
        %parallel_loop3A_585 = tpu.vector_load %arg10[%parallel_loop3A_583, %parallel_loop3A_584] {strides = array<i32>} : memref<48x400xf32, #tpu.memory_space<vmem>>, vector<16xf32>,
        tpu.vector_store %arg10[%parallel_loop3A_583, %parallel_loop3A_584], %parallel_loop3A_579 {strides = array<i32>} : memref<48x400xf32, #tpu.memory_space<vmem>>, vector<16xf32>,
        %parallel_loop3A_586 = arith.constant 35 : i32
        %parallel_loop3A_587 = vector.broadcast %parallel_loop3A_586 : i32 to vector<16xi32>
        %parallel_loop3A_588 = tpu.vector_load_idx %arg9[%parallel_loop3A_270, %parallel_loop3A_587] : memref<400x48xf32, #tpu.memory_space<vmem>>[vector<16xi32>, vector<16xi32>], vector<16xf32>,
        %parallel_loop3A_589 = arith.constant 16 : i32
        %parallel_loop3A_590 = arith.muli %parallel_loop3A_266, %parallel_loop3A_589 : i32
        %parallel_loop3A_591 = arith.constant 35 : i32
        %parallel_loop3A_592 = arith.index_cast %parallel_loop3A_591 : i32 to index
        %parallel_loop3A_593 = arith.index_cast %parallel_loop3A_590 : i32 to index
        %parallel_loop3A_594 = tpu.vector_load %arg10[%parallel_loop3A_592, %parallel_loop3A_593] {strides = array<i32>} : memref<48x400xf32, #tpu.memory_space<vmem>>, vector<16xf32>,
        tpu.vector_store %arg10[%parallel_loop3A_592, %parallel_loop3A_593], %parallel_loop3A_588 {strides = array<i32>} : memref<48x400xf32, #tpu.memory_space<vmem>>, vector<16xf32>,
        %parallel_loop3A_595 = arith.constant 36 : i32
        %parallel_loop3A_596 = vector.broadcast %parallel_loop3A_595 : i32 to vector<16xi32>
        %parallel_loop3A_597 = tpu.vector_load_idx %arg9[%parallel_loop3A_270, %parallel_loop3A_596] : memref<400x48xf32, #tpu.memory_space<vmem>>[vector<16xi32>, vector<16xi32>], vector<16xf32>,
        %parallel_loop3A_598 = arith.constant 16 : i32
        %parallel_loop3A_599 = arith.muli %parallel_loop3A_266, %parallel_loop3A_598 : i32
        %parallel_loop3A_600 = arith.constant 36 : i32
        %parallel_loop3A_601 = arith.index_cast %parallel_loop3A_600 : i32 to index
        %parallel_loop3A_602 = arith.index_cast %parallel_loop3A_599 : i32 to index
        %parallel_loop3A_603 = tpu.vector_load %arg10[%parallel_loop3A_601, %parallel_loop3A_602] {strides = array<i32>} : memref<48x400xf32, #tpu.memory_space<vmem>>, vector<16xf32>,
        tpu.vector_store %arg10[%parallel_loop3A_601, %parallel_loop3A_602], %parallel_loop3A_597 {strides = array<i32>} : memref<48x400xf32, #tpu.memory_space<vmem>>, vector<16xf32>,
        %parallel_loop3A_604 = arith.constant 37 : i32
        %parallel_loop3A_605 = vector.broadcast %parallel_loop3A_604 : i32 to vector<16xi32>
        %parallel_loop3A_606 = tpu.vector_load_idx %arg9[%parallel_loop3A_270, %parallel_loop3A_605] : memref<400x48xf32, #tpu.memory_space<vmem>>[vector<16xi32>, vector<16xi32>], vector<16xf32>,
        %parallel_loop3A_607 = arith.constant 16 : i32
        %parallel_loop3A_608 = arith.muli %parallel_loop3A_266, %parallel_loop3A_607 : i32
        %parallel_loop3A_609 = arith.constant 37 : i32
        %parallel_loop3A_610 = arith.index_cast %parallel_loop3A_609 : i32 to index
        %parallel_loop3A_611 = arith.index_cast %parallel_loop3A_608 : i32 to index
        %parallel_loop3A_612 = tpu.vector_load %arg10[%parallel_loop3A_610, %parallel_loop3A_611] {strides = array<i32>} : memref<48x400xf32, #tpu.memory_space<vmem>>, vector<16xf32>,
        tpu.vector_store %arg10[%parallel_loop3A_610, %parallel_loop3A_611], %parallel_loop3A_606 {strides = array<i32>} : memref<48x400xf32, #tpu.memory_space<vmem>>, vector<16xf32>,
        %parallel_loop3A_613 = arith.constant 38 : i32
        %parallel_loop3A_614 = vector.broadcast %parallel_loop3A_613 : i32 to vector<16xi32>
        %parallel_loop3A_615 = tpu.vector_load_idx %arg9[%parallel_loop3A_270, %parallel_loop3A_614] : memref<400x48xf32, #tpu.memory_space<vmem>>[vector<16xi32>, vector<16xi32>], vector<16xf32>,
        %parallel_loop3A_616 = arith.constant 16 : i32
        %parallel_loop3A_617 = arith.muli %parallel_loop3A_266, %parallel_loop3A_616 : i32
        %parallel_loop3A_618 = arith.constant 38 : i32
        %parallel_loop3A_619 = arith.index_cast %parallel_loop3A_618 : i32 to index
        %parallel_loop3A_620 = arith.index_cast %parallel_loop3A_617 : i32 to index
        %parallel_loop3A_621 = tpu.vector_load %arg10[%parallel_loop3A_619, %parallel_loop3A_620] {strides = array<i32>} : memref<48x400xf32, #tpu.memory_space<vmem>>, vector<16xf32>,
        tpu.vector_store %arg10[%parallel_loop3A_619, %parallel_loop3A_620], %parallel_loop3A_615 {strides = array<i32>} : memref<48x400xf32, #tpu.memory_space<vmem>>, vector<16xf32>,
        %parallel_loop3A_622 = arith.constant 39 : i32
        %parallel_loop3A_623 = vector.broadcast %parallel_loop3A_622 : i32 to vector<16xi32>
        %parallel_loop3A_624 = tpu.vector_load_idx %arg9[%parallel_loop3A_270, %parallel_loop3A_623] : memref<400x48xf32, #tpu.memory_space<vmem>>[vector<16xi32>, vector<16xi32>], vector<16xf32>,
        %parallel_loop3A_625 = arith.constant 16 : i32
        %parallel_loop3A_626 = arith.muli %parallel_loop3A_266, %parallel_loop3A_625 : i32
        %parallel_loop3A_627 = arith.constant 39 : i32
        %parallel_loop3A_628 = arith.index_cast %parallel_loop3A_627 : i32 to index
        %parallel_loop3A_629 = arith.index_cast %parallel_loop3A_626 : i32 to index
        %parallel_loop3A_630 = tpu.vector_load %arg10[%parallel_loop3A_628, %parallel_loop3A_629] {strides = array<i32>} : memref<48x400xf32, #tpu.memory_space<vmem>>, vector<16xf32>,
        tpu.vector_store %arg10[%parallel_loop3A_628, %parallel_loop3A_629], %parallel_loop3A_624 {strides = array<i32>} : memref<48x400xf32, #tpu.memory_space<vmem>>, vector<16xf32>,
        %parallel_loop3A_631 = arith.constant 40 : i32
        %parallel_loop3A_632 = vector.broadcast %parallel_loop3A_631 : i32 to vector<16xi32>
        %parallel_loop3A_633 = tpu.vector_load_idx %arg9[%parallel_loop3A_270, %parallel_loop3A_632] : memref<400x48xf32, #tpu.memory_space<vmem>>[vector<16xi32>, vector<16xi32>], vector<16xf32>,
        %parallel_loop3A_634 = arith.constant 16 : i32
        %parallel_loop3A_635 = arith.muli %parallel_loop3A_266, %parallel_loop3A_634 : i32
        %parallel_loop3A_636 = arith.constant 40 : i32
        %parallel_loop3A_637 = arith.index_cast %parallel_loop3A_636 : i32 to index
        %parallel_loop3A_638 = arith.index_cast %parallel_loop3A_635 : i32 to index
        %parallel_loop3A_639 = tpu.vector_load %arg10[%parallel_loop3A_637, %parallel_loop3A_638] {strides = array<i32>} : memref<48x400xf32, #tpu.memory_space<vmem>>, vector<16xf32>,
        tpu.vector_store %arg10[%parallel_loop3A_637, %parallel_loop3A_638], %parallel_loop3A_633 {strides = array<i32>} : memref<48x400xf32, #tpu.memory_space<vmem>>, vector<16xf32>,
        %parallel_loop3A_640 = arith.constant 41 : i32
        %parallel_loop3A_641 = vector.broadcast %parallel_loop3A_640 : i32 to vector<16xi32>
        %parallel_loop3A_642 = tpu.vector_load_idx %arg9[%parallel_loop3A_270, %parallel_loop3A_641] : memref<400x48xf32, #tpu.memory_space<vmem>>[vector<16xi32>, vector<16xi32>], vector<16xf32>,
        %parallel_loop3A_643 = arith.constant 16 : i32
        %parallel_loop3A_644 = arith.muli %parallel_loop3A_266, %parallel_loop3A_643 : i32
        %parallel_loop3A_645 = arith.constant 41 : i32
        %parallel_loop3A_646 = arith.index_cast %parallel_loop3A_645 : i32 to index
        %parallel_loop3A_647 = arith.index_cast %parallel_loop3A_644 : i32 to index
        %parallel_loop3A_648 = tpu.vector_load %arg10[%parallel_loop3A_646, %parallel_loop3A_647] {strides = array<i32>} : memref<48x400xf32, #tpu.memory_space<vmem>>, vector<16xf32>,
        tpu.vector_store %arg10[%parallel_loop3A_646, %parallel_loop3A_647], %parallel_loop3A_642 {strides = array<i32>} : memref<48x400xf32, #tpu.memory_space<vmem>>, vector<16xf32>,
        %parallel_loop3A_649 = arith.constant 42 : i32
        %parallel_loop3A_650 = vector.broadcast %parallel_loop3A_649 : i32 to vector<16xi32>
        %parallel_loop3A_651 = tpu.vector_load_idx %arg9[%parallel_loop3A_270, %parallel_loop3A_650] : memref<400x48xf32, #tpu.memory_space<vmem>>[vector<16xi32>, vector<16xi32>], vector<16xf32>,
        %parallel_loop3A_652 = arith.constant 16 : i32
        %parallel_loop3A_653 = arith.muli %parallel_loop3A_266, %parallel_loop3A_652 : i32
        %parallel_loop3A_654 = arith.constant 42 : i32
        %parallel_loop3A_655 = arith.index_cast %parallel_loop3A_654 : i32 to index
        %parallel_loop3A_656 = arith.index_cast %parallel_loop3A_653 : i32 to index
        %parallel_loop3A_657 = tpu.vector_load %arg10[%parallel_loop3A_655, %parallel_loop3A_656] {strides = array<i32>} : memref<48x400xf32, #tpu.memory_space<vmem>>, vector<16xf32>,
        tpu.vector_store %arg10[%parallel_loop3A_655, %parallel_loop3A_656], %parallel_loop3A_651 {strides = array<i32>} : memref<48x400xf32, #tpu.memory_space<vmem>>, vector<16xf32>,
        %parallel_loop3A_658 = arith.constant 43 : i32
        %parallel_loop3A_659 = vector.broadcast %parallel_loop3A_658 : i32 to vector<16xi32>
        %parallel_loop3A_660 = tpu.vector_load_idx %arg9[%parallel_loop3A_270, %parallel_loop3A_659] : memref<400x48xf32, #tpu.memory_space<vmem>>[vector<16xi32>, vector<16xi32>], vector<16xf32>,
        %parallel_loop3A_661 = arith.constant 16 : i32
        %parallel_loop3A_662 = arith.muli %parallel_loop3A_266, %parallel_loop3A_661 : i32
        %parallel_loop3A_663 = arith.constant 43 : i32
        %parallel_loop3A_664 = arith.index_cast %parallel_loop3A_663 : i32 to index
        %parallel_loop3A_665 = arith.index_cast %parallel_loop3A_662 : i32 to index
        %parallel_loop3A_666 = tpu.vector_load %arg10[%parallel_loop3A_664, %parallel_loop3A_665] {strides = array<i32>} : memref<48x400xf32, #tpu.memory_space<vmem>>, vector<16xf32>,
        tpu.vector_store %arg10[%parallel_loop3A_664, %parallel_loop3A_665], %parallel_loop3A_660 {strides = array<i32>} : memref<48x400xf32, #tpu.memory_space<vmem>>, vector<16xf32>,
        %parallel_loop3A_667 = arith.constant 44 : i32
        %parallel_loop3A_668 = vector.broadcast %parallel_loop3A_667 : i32 to vector<16xi32>
        %parallel_loop3A_669 = tpu.vector_load_idx %arg9[%parallel_loop3A_270, %parallel_loop3A_668] : memref<400x48xf32, #tpu.memory_space<vmem>>[vector<16xi32>, vector<16xi32>], vector<16xf32>,
        %parallel_loop3A_670 = arith.constant 16 : i32
        %parallel_loop3A_671 = arith.muli %parallel_loop3A_266, %parallel_loop3A_670 : i32
        %parallel_loop3A_672 = arith.constant 44 : i32
        %parallel_loop3A_673 = arith.index_cast %parallel_loop3A_672 : i32 to index
        %parallel_loop3A_674 = arith.index_cast %parallel_loop3A_671 : i32 to index
        %parallel_loop3A_675 = tpu.vector_load %arg10[%parallel_loop3A_673, %parallel_loop3A_674] {strides = array<i32>} : memref<48x400xf32, #tpu.memory_space<vmem>>, vector<16xf32>,
        tpu.vector_store %arg10[%parallel_loop3A_673, %parallel_loop3A_674], %parallel_loop3A_669 {strides = array<i32>} : memref<48x400xf32, #tpu.memory_space<vmem>>, vector<16xf32>,
        %parallel_loop3A_676 = arith.constant 45 : i32
        %parallel_loop3A_677 = vector.broadcast %parallel_loop3A_676 : i32 to vector<16xi32>
        %parallel_loop3A_678 = tpu.vector_load_idx %arg9[%parallel_loop3A_270, %parallel_loop3A_677] : memref<400x48xf32, #tpu.memory_space<vmem>>[vector<16xi32>, vector<16xi32>], vector<16xf32>,
        %parallel_loop3A_679 = arith.constant 16 : i32
        %parallel_loop3A_680 = arith.muli %parallel_loop3A_266, %parallel_loop3A_679 : i32
        %parallel_loop3A_681 = arith.constant 45 : i32
        %parallel_loop3A_682 = arith.index_cast %parallel_loop3A_681 : i32 to index
        %parallel_loop3A_683 = arith.index_cast %parallel_loop3A_680 : i32 to index
        %parallel_loop3A_684 = tpu.vector_load %arg10[%parallel_loop3A_682, %parallel_loop3A_683] {strides = array<i32>} : memref<48x400xf32, #tpu.memory_space<vmem>>, vector<16xf32>,
        tpu.vector_store %arg10[%parallel_loop3A_682, %parallel_loop3A_683], %parallel_loop3A_678 {strides = array<i32>} : memref<48x400xf32, #tpu.memory_space<vmem>>, vector<16xf32>,
        %parallel_loop3A_685 = arith.constant 46 : i32
        %parallel_loop3A_686 = vector.broadcast %parallel_loop3A_685 : i32 to vector<16xi32>
        %parallel_loop3A_687 = tpu.vector_load_idx %arg9[%parallel_loop3A_270, %parallel_loop3A_686] : memref<400x48xf32, #tpu.memory_space<vmem>>[vector<16xi32>, vector<16xi32>], vector<16xf32>,
        %parallel_loop3A_688 = arith.constant 16 : i32
        %parallel_loop3A_689 = arith.muli %parallel_loop3A_266, %parallel_loop3A_688 : i32
        %parallel_loop3A_690 = arith.constant 46 : i32
        %parallel_loop3A_691 = arith.index_cast %parallel_loop3A_690 : i32 to index
        %parallel_loop3A_692 = arith.index_cast %parallel_loop3A_689 : i32 to index
        %parallel_loop3A_693 = tpu.vector_load %arg10[%parallel_loop3A_691, %parallel_loop3A_692] {strides = array<i32>} : memref<48x400xf32, #tpu.memory_space<vmem>>, vector<16xf32>,
        tpu.vector_store %arg10[%parallel_loop3A_691, %parallel_loop3A_692], %parallel_loop3A_687 {strides = array<i32>} : memref<48x400xf32, #tpu.memory_space<vmem>>, vector<16xf32>,
        %parallel_loop3A_694 = arith.constant 47 : i32
        %parallel_loop3A_695 = vector.broadcast %parallel_loop3A_694 : i32 to vector<16xi32>
        %parallel_loop3A_696 = tpu.vector_load_idx %arg9[%parallel_loop3A_270, %parallel_loop3A_695] : memref<400x48xf32, #tpu.memory_space<vmem>>[vector<16xi32>, vector<16xi32>], vector<16xf32>,
        %parallel_loop3A_697 = arith.constant 16 : i32
        %parallel_loop3A_698 = arith.muli %parallel_loop3A_266, %parallel_loop3A_697 : i32
        %parallel_loop3A_699 = arith.constant 47 : i32
        %parallel_loop3A_700 = arith.index_cast %parallel_loop3A_699 : i32 to index
        %parallel_loop3A_701 = arith.index_cast %parallel_loop3A_698 : i32 to index
        %parallel_loop3A_702 = tpu.vector_load %arg10[%parallel_loop3A_700, %parallel_loop3A_701] {strides = array<i32>} : memref<48x400xf32, #tpu.memory_space<vmem>>, vector<16xf32>,
        tpu.vector_store %arg10[%parallel_loop3A_700, %parallel_loop3A_701], %parallel_loop3A_696 {strides = array<i32>} : memref<48x400xf32, #tpu.memory_space<vmem>>, vector<16xf32>,
      } {sc.loop_unroll_factor = 2 : i64, sc.parallel_access}
      %dma_start3A_258 = arith.constant 0 : i32
      %dma_start3A_259 = tpu.memref_slice %arg5[%dma_start3A_258, %mul3A_250] : memref<48x100000xf32, #tpu.memory_space<hbm>> -> memref<48x400xf32, #tpu.memory_space<hbm>>
      %dma_start3A_260 = arith.constant 0 : i32
      %dma_start3A_261 = tpu.memref_slice %arg5[%dma_start3A_260, %mul3A_250] : memref<48x100000xf32, #tpu.memory_space<hbm>> -> memref<48x400xf32, #tpu.memory_space<hbm>>
      tpu.enqueue_dma source(%arg10 : memref<48x400xf32, #tpu.memory_space<vmem>>) target(%dma_start3A_261 : memref<48x400xf32, #tpu.memory_space<hbm>>) target_semaphore(%arg16 : memref<!tpu.dma_semaphore, #tpu.memory_space<semaphore_mem>>)
      %lt3A_262 = arith.cmpi slt, %add3A_124, %add3A_7 : i32
      %convert_element_type3A_263 = arith.extui %lt3A_262 : i1 to i32
      %cond3A_264 = arith.constant 0 : i32
      %cond3A_265 = arith.cmpi ne, %convert_element_type3A_263, %cond3A_264 : i32
      scf.if %cond3A_265 {
        %add3A_266 = arith.constant 1 : i32
        %add3A_267 = arith.addi %add3A_124, %add3A_266 : i32
        %lt3A_268 = arith.cmpi slt, %add3A_267, %add3A_7 : i32
        %convert_element_type3A_269 = arith.extui %lt3A_268 : i1 to i32
        %cond3A_270 = arith.constant 0 : i32
        %cond3A_271 = arith.cmpi ne, %convert_element_type3A_269, %cond3A_270 : i32
        scf.if %cond3A_271 {
          %add3A_407 = arith.constant 1 : i32
          %add3A_408 = arith.addi %add3A_124, %add3A_407 : i32
          %sub3A_409 = arith.subi %add3A_408, %add3A_4 : i32
          %mul3A_410 = arith.constant 400 : i32
          %mul3A_411 = arith.muli %sub3A_409, %mul3A_410 : i32
          %add3A_412 = arith.constant 0 : i32
          %add3A_413 = arith.addi %mul3A_411, %add3A_412 : i32
          %dma_start3A_414 = arith.constant 0 : i32
          %dma_start3A_415 = arith.constant 0 : i32
          %dma_start3A_416 = tpu.memref_slice %arg8[%dma_start3A_414, %dma_start3A_415] : memref<400x48xf32, #tpu.memory_space<vmem>> -> memref<80x48xf32, #tpu.memory_space<vmem>>
          %dma_start3A_417 = tpu.memref_slice %arg6[%add3A_413] : memref<3200xi32, #tpu.memory_space<vmem>> -> memref<80xi32, #tpu.memory_space<vmem>>
          %dma_start3A_418 = arith.constant 0 : i32
          %dma_start3A_419 = arith.constant 0 : i32
          %dma_start3A_420 = tpu.memref_slice %arg4[%dma_start3A_418, %dma_start3A_419] : memref<100000x48xf32, #tpu.memory_space<hbm>> -> memref<100000x48xf32, #tpu.memory_space<hbm>>
          tpu.enqueue_indirect_dma source(%dma_start3A_420 : memref<100000x48xf32, #tpu.memory_space<hbm>>) target(%dma_start3A_416 : memref<80x48xf32, #tpu.memory_space<vmem>>) offsets(%dma_start3A_417 : memref<80xi32, #tpu.memory_space<vmem>>) semaphore(%arg14 : memref<!tpu.dma_semaphore, #tpu.memory_space<semaphore_mem>>)
          %add3A_421 = arith.constant 0 : i32
          %add3A_422 = arith.addi %mul3A_411, %add3A_421 : i32
          %dma_start3A_423 = arith.constant 0 : i32
          %dma_start3A_424 = arith.constant 0 : i32
          %dma_start3A_425 = tpu.memref_slice %arg9[%dma_start3A_423, %dma_start3A_424] : memref<400x48xf32, #tpu.memory_space<vmem>> -> memref<80x48xf32, #tpu.memory_space<vmem>>
          %dma_start3A_426 = tpu.memref_slice %arg7[%add3A_422] : memref<3200xi32, #tpu.memory_space<vmem>> -> memref<80xi32, #tpu.memory_space<vmem>>
          %dma_start3A_427 = arith.constant 0 : i32
          %dma_start3A_428 = arith.constant 0 : i32
          %dma_start3A_429 = tpu.memref_slice %arg4[%dma_start3A_427, %dma_start3A_428] : memref<100000x48xf32, #tpu.memory_space<hbm>> -> memref<100000x48xf32, #tpu.memory_space<hbm>>
          tpu.enqueue_indirect_dma source(%dma_start3A_429 : memref<100000x48xf32, #tpu.memory_space<hbm>>) target(%dma_start3A_425 : memref<80x48xf32, #tpu.memory_space<vmem>>) offsets(%dma_start3A_426 : memref<80xi32, #tpu.memory_space<vmem>>) semaphore(%arg14 : memref<!tpu.dma_semaphore, #tpu.memory_space<semaphore_mem>>)
          %add3A_430 = arith.constant 80 : i32
          %add3A_431 = arith.addi %mul3A_411, %add3A_430 : i32
          %dma_start3A_432 = arith.constant 80 : i32
          %dma_start3A_433 = arith.constant 0 : i32
          %dma_start3A_434 = tpu.memref_slice %arg8[%dma_start3A_432, %dma_start3A_433] : memref<400x48xf32, #tpu.memory_space<vmem>> -> memref<80x48xf32, #tpu.memory_space<vmem>>
          %dma_start3A_435 = tpu.memref_slice %arg6[%add3A_431] : memref<3200xi32, #tpu.memory_space<vmem>> -> memref<80xi32, #tpu.memory_space<vmem>>
          %dma_start3A_436 = arith.constant 0 : i32
          %dma_start3A_437 = arith.constant 0 : i32
          %dma_start3A_438 = tpu.memref_slice %arg4[%dma_start3A_436, %dma_start3A_437] : memref<100000x48xf32, #tpu.memory_space<hbm>> -> memref<100000x48xf32, #tpu.memory_space<hbm>>
          tpu.enqueue_indirect_dma source(%dma_start3A_438 : memref<100000x48xf32, #tpu.memory_space<hbm>>) target(%dma_start3A_434 : memref<80x48xf32, #tpu.memory_space<vmem>>) offsets(%dma_start3A_435 : memref<80xi32, #tpu.memory_space<vmem>>) semaphore(%arg14 : memref<!tpu.dma_semaphore, #tpu.memory_space<semaphore_mem>>)
          %add3A_439 = arith.constant 80 : i32
          %add3A_440 = arith.addi %mul3A_411, %add3A_439 : i32
          %dma_start3A_441 = arith.constant 80 : i32
          %dma_start3A_442 = arith.constant 0 : i32
          %dma_start3A_443 = tpu.memref_slice %arg9[%dma_start3A_441, %dma_start3A_442] : memref<400x48xf32, #tpu.memory_space<vmem>> -> memref<80x48xf32, #tpu.memory_space<vmem>>
          %dma_start3A_444 = tpu.memref_slice %arg7[%add3A_440] : memref<3200xi32, #tpu.memory_space<vmem>> -> memref<80xi32, #tpu.memory_space<vmem>>
          %dma_start3A_445 = arith.constant 0 : i32
          %dma_start3A_446 = arith.constant 0 : i32
          %dma_start3A_447 = tpu.memref_slice %arg4[%dma_start3A_445, %dma_start3A_446] : memref<100000x48xf32, #tpu.memory_space<hbm>> -> memref<100000x48xf32, #tpu.memory_space<hbm>>
          tpu.enqueue_indirect_dma source(%dma_start3A_447 : memref<100000x48xf32, #tpu.memory_space<hbm>>) target(%dma_start3A_443 : memref<80x48xf32, #tpu.memory_space<vmem>>) offsets(%dma_start3A_444 : memref<80xi32, #tpu.memory_space<vmem>>) semaphore(%arg14 : memref<!tpu.dma_semaphore, #tpu.memory_space<semaphore_mem>>)
          %add3A_448 = arith.constant 160 : i32
          %add3A_449 = arith.addi %mul3A_411, %add3A_448 : i32
          %dma_start3A_450 = arith.constant 160 : i32
          %dma_start3A_451 = arith.constant 0 : i32
          %dma_start3A_452 = tpu.memref_slice %arg8[%dma_start3A_450, %dma_start3A_451] : memref<400x48xf32, #tpu.memory_space<vmem>> -> memref<80x48xf32, #tpu.memory_space<vmem>>
          %dma_start3A_453 = tpu.memref_slice %arg6[%add3A_449] : memref<3200xi32, #tpu.memory_space<vmem>> -> memref<80xi32, #tpu.memory_space<vmem>>
          %dma_start3A_454 = arith.constant 0 : i32
          %dma_start3A_455 = arith.constant 0 : i32
          %dma_start3A_456 = tpu.memref_slice %arg4[%dma_start3A_454, %dma_start3A_455] : memref<100000x48xf32, #tpu.memory_space<hbm>> -> memref<100000x48xf32, #tpu.memory_space<hbm>>
          tpu.enqueue_indirect_dma source(%dma_start3A_456 : memref<100000x48xf32, #tpu.memory_space<hbm>>) target(%dma_start3A_452 : memref<80x48xf32, #tpu.memory_space<vmem>>) offsets(%dma_start3A_453 : memref<80xi32, #tpu.memory_space<vmem>>) semaphore(%arg14 : memref<!tpu.dma_semaphore, #tpu.memory_space<semaphore_mem>>)
          %add3A_457 = arith.constant 160 : i32
          %add3A_458 = arith.addi %mul3A_411, %add3A_457 : i32
          %dma_start3A_459 = arith.constant 160 : i32
          %dma_start3A_460 = arith.constant 0 : i32
          %dma_start3A_461 = tpu.memref_slice %arg9[%dma_start3A_459, %dma_start3A_460] : memref<400x48xf32, #tpu.memory_space<vmem>> -> memref<80x48xf32, #tpu.memory_space<vmem>>
          %dma_start3A_462 = tpu.memref_slice %arg7[%add3A_458] : memref<3200xi32, #tpu.memory_space<vmem>> -> memref<80xi32, #tpu.memory_space<vmem>>
          %dma_start3A_463 = arith.constant 0 : i32
          %dma_start3A_464 = arith.constant 0 : i32
          %dma_start3A_465 = tpu.memref_slice %arg4[%dma_start3A_463, %dma_start3A_464] : memref<100000x48xf32, #tpu.memory_space<hbm>> -> memref<100000x48xf32, #tpu.memory_space<hbm>>
          tpu.enqueue_indirect_dma source(%dma_start3A_465 : memref<100000x48xf32, #tpu.memory_space<hbm>>) target(%dma_start3A_461 : memref<80x48xf32, #tpu.memory_space<vmem>>) offsets(%dma_start3A_462 : memref<80xi32, #tpu.memory_space<vmem>>) semaphore(%arg14 : memref<!tpu.dma_semaphore, #tpu.memory_space<semaphore_mem>>)
          %add3A_466 = arith.constant 240 : i32
          %add3A_467 = arith.addi %mul3A_411, %add3A_466 : i32
          %dma_start3A_468 = arith.constant 240 : i32
          %dma_start3A_469 = arith.constant 0 : i32
          %dma_start3A_470 = tpu.memref_slice %arg8[%dma_start3A_468, %dma_start3A_469] : memref<400x48xf32, #tpu.memory_space<vmem>> -> memref<80x48xf32, #tpu.memory_space<vmem>>
          %dma_start3A_471 = tpu.memref_slice %arg6[%add3A_467] : memref<3200xi32, #tpu.memory_space<vmem>> -> memref<80xi32, #tpu.memory_space<vmem>>
          %dma_start3A_472 = arith.constant 0 : i32
          %dma_start3A_473 = arith.constant 0 : i32
          %dma_start3A_474 = tpu.memref_slice %arg4[%dma_start3A_472, %dma_start3A_473] : memref<100000x48xf32, #tpu.memory_space<hbm>> -> memref<100000x48xf32, #tpu.memory_space<hbm>>
          tpu.enqueue_indirect_dma source(%dma_start3A_474 : memref<100000x48xf32, #tpu.memory_space<hbm>>) target(%dma_start3A_470 : memref<80x48xf32, #tpu.memory_space<vmem>>) offsets(%dma_start3A_471 : memref<80xi32, #tpu.memory_space<vmem>>) semaphore(%arg14 : memref<!tpu.dma_semaphore, #tpu.memory_space<semaphore_mem>>)
          %add3A_475 = arith.constant 240 : i32
          %add3A_476 = arith.addi %mul3A_411, %add3A_475 : i32
          %dma_start3A_477 = arith.constant 240 : i32
          %dma_start3A_478 = arith.constant 0 : i32
          %dma_start3A_479 = tpu.memref_slice %arg9[%dma_start3A_477, %dma_start3A_478] : memref<400x48xf32, #tpu.memory_space<vmem>> -> memref<80x48xf32, #tpu.memory_space<vmem>>
          %dma_start3A_480 = tpu.memref_slice %arg7[%add3A_476] : memref<3200xi32, #tpu.memory_space<vmem>> -> memref<80xi32, #tpu.memory_space<vmem>>
          %dma_start3A_481 = arith.constant 0 : i32
          %dma_start3A_482 = arith.constant 0 : i32
          %dma_start3A_483 = tpu.memref_slice %arg4[%dma_start3A_481, %dma_start3A_482] : memref<100000x48xf32, #tpu.memory_space<hbm>> -> memref<100000x48xf32, #tpu.memory_space<hbm>>
          tpu.enqueue_indirect_dma source(%dma_start3A_483 : memref<100000x48xf32, #tpu.memory_space<hbm>>) target(%dma_start3A_479 : memref<80x48xf32, #tpu.memory_space<vmem>>) offsets(%dma_start3A_480 : memref<80xi32, #tpu.memory_space<vmem>>) semaphore(%arg14 : memref<!tpu.dma_semaphore, #tpu.memory_space<semaphore_mem>>)
          %add3A_484 = arith.constant 320 : i32
          %add3A_485 = arith.addi %mul3A_411, %add3A_484 : i32
          %dma_start3A_486 = arith.constant 320 : i32
          %dma_start3A_487 = arith.constant 0 : i32
          %dma_start3A_488 = tpu.memref_slice %arg8[%dma_start3A_486, %dma_start3A_487] : memref<400x48xf32, #tpu.memory_space<vmem>> -> memref<80x48xf32, #tpu.memory_space<vmem>>
          %dma_start3A_489 = tpu.memref_slice %arg6[%add3A_485] : memref<3200xi32, #tpu.memory_space<vmem>> -> memref<80xi32, #tpu.memory_space<vmem>>
          %dma_start3A_490 = arith.constant 0 : i32
          %dma_start3A_491 = arith.constant 0 : i32
          %dma_start3A_492 = tpu.memref_slice %arg4[%dma_start3A_490, %dma_start3A_491] : memref<100000x48xf32, #tpu.memory_space<hbm>> -> memref<100000x48xf32, #tpu.memory_space<hbm>>
          tpu.enqueue_indirect_dma source(%dma_start3A_492 : memref<100000x48xf32, #tpu.memory_space<hbm>>) target(%dma_start3A_488 : memref<80x48xf32, #tpu.memory_space<vmem>>) offsets(%dma_start3A_489 : memref<80xi32, #tpu.memory_space<vmem>>) semaphore(%arg14 : memref<!tpu.dma_semaphore, #tpu.memory_space<semaphore_mem>>)
          %add3A_493 = arith.constant 320 : i32
          %add3A_494 = arith.addi %mul3A_411, %add3A_493 : i32
          %dma_start3A_495 = arith.constant 320 : i32
          %dma_start3A_496 = arith.constant 0 : i32
          %dma_start3A_497 = tpu.memref_slice %arg9[%dma_start3A_495, %dma_start3A_496] : memref<400x48xf32, #tpu.memory_space<vmem>> -> memref<80x48xf32, #tpu.memory_space<vmem>>
          %dma_start3A_498 = tpu.memref_slice %arg7[%add3A_494] : memref<3200xi32, #tpu.memory_space<vmem>> -> memref<80xi32, #tpu.memory_space<vmem>>
          %dma_start3A_499 = arith.constant 0 : i32
          %dma_start3A_500 = arith.constant 0 : i32
          %dma_start3A_501 = tpu.memref_slice %arg4[%dma_start3A_499, %dma_start3A_500] : memref<100000x48xf32, #tpu.memory_space<hbm>> -> memref<100000x48xf32, #tpu.memory_space<hbm>>
          tpu.enqueue_indirect_dma source(%dma_start3A_501 : memref<100000x48xf32, #tpu.memory_space<hbm>>) target(%dma_start3A_497 : memref<80x48xf32, #tpu.memory_space<vmem>>) offsets(%dma_start3A_498 : memref<80xi32, #tpu.memory_space<vmem>>) semaphore(%arg14 : memref<!tpu.dma_semaphore, #tpu.memory_space<semaphore_mem>>)
        } else {
        }
        %dma_wait3A_272 = arith.constant 0 : i32
        %dma_wait3A_273 = arith.constant 0 : i32
        %dma_wait3A_274 = tpu.memref_slice %arg11[%dma_wait3A_272, %dma_wait3A_273] : memref<400x48xf32, #tpu.memory_space<vmem>> -> memref<80x48xf32, #tpu.memory_space<vmem>>
        %dma_wait3A_275 = arith.constant 0 : i32
        %dma_wait3A_276 = arith.constant 0 : i32
        %dma_wait3A_277 = tpu.memref_slice %arg4[%dma_wait3A_275, %dma_wait3A_276] : memref<100000x48xf32, #tpu.memory_space<hbm>> -> memref<80x48xf32, #tpu.memory_space<hbm>>
        %dma_wait3A_278 = arith.constant 0 : i32
        %dma_wait3A_279 = arith.constant 0 : i32
        %dma_wait3A_280 = tpu.memref_slice %arg11[%dma_wait3A_278, %dma_wait3A_279] : memref<400x48xf32, #tpu.memory_space<vmem>> -> memref<80x48xf32, #tpu.memory_space<vmem>>
        %dma_wait3A_281 = arith.constant 0 : i32
        %dma_wait3A_282 = arith.constant 0 : i32
        %dma_wait3A_283 = tpu.memref_slice %arg4[%dma_wait3A_281, %dma_wait3A_282] : memref<100000x48xf32, #tpu.memory_space<hbm>> -> memref<80x48xf32, #tpu.memory_space<hbm>>
        tpu.wait_dma2 semaphore(%arg15 : memref<!tpu.dma_semaphore, #tpu.memory_space<semaphore_mem>>) src(%dma_wait3A_283 : memref<80x48xf32, #tpu.memory_space<hbm>>) dst(%dma_wait3A_280 : memref<80x48xf32, #tpu.memory_space<vmem>>)
        %dma_wait3A_284 = arith.constant 0 : i32
        %dma_wait3A_285 = arith.constant 0 : i32
        %dma_wait3A_286 = tpu.memref_slice %arg12[%dma_wait3A_284, %dma_wait3A_285] : memref<400x48xf32, #tpu.memory_space<vmem>> -> memref<80x48xf32, #tpu.memory_space<vmem>>
        %dma_wait3A_287 = arith.constant 0 : i32
        %dma_wait3A_288 = arith.constant 0 : i32
        %dma_wait3A_289 = tpu.memref_slice %arg4[%dma_wait3A_287, %dma_wait3A_288] : memref<100000x48xf32, #tpu.memory_space<hbm>> -> memref<80x48xf32, #tpu.memory_space<hbm>>
        %dma_wait3A_290 = arith.constant 0 : i32
        %dma_wait3A_291 = arith.constant 0 : i32
        %dma_wait3A_292 = tpu.memref_slice %arg12[%dma_wait3A_290, %dma_wait3A_291] : memref<400x48xf32, #tpu.memory_space<vmem>> -> memref<80x48xf32, #tpu.memory_space<vmem>>
        %dma_wait3A_293 = arith.constant 0 : i32
        %dma_wait3A_294 = arith.constant 0 : i32
        %dma_wait3A_295 = tpu.memref_slice %arg4[%dma_wait3A_293, %dma_wait3A_294] : memref<100000x48xf32, #tpu.memory_space<hbm>> -> memref<80x48xf32, #tpu.memory_space<hbm>>
        tpu.wait_dma2 semaphore(%arg15 : memref<!tpu.dma_semaphore, #tpu.memory_space<semaphore_mem>>) src(%dma_wait3A_295 : memref<80x48xf32, #tpu.memory_space<hbm>>) dst(%dma_wait3A_292 : memref<80x48xf32, #tpu.memory_space<vmem>>)
        %dma_wait3A_296 = arith.constant 80 : i32
        %dma_wait3A_297 = arith.constant 0 : i32
        %dma_wait3A_298 = tpu.memref_slice %arg11[%dma_wait3A_296, %dma_wait3A_297] : memref<400x48xf32, #tpu.memory_space<vmem>> -> memref<80x48xf32, #tpu.memory_space<vmem>>
        %dma_wait3A_299 = arith.constant 0 : i32
        %dma_wait3A_300 = arith.constant 0 : i32
        %dma_wait3A_301 = tpu.memref_slice %arg4[%dma_wait3A_299, %dma_wait3A_300] : memref<100000x48xf32, #tpu.memory_space<hbm>> -> memref<80x48xf32, #tpu.memory_space<hbm>>
        %dma_wait3A_302 = arith.constant 80 : i32
        %dma_wait3A_303 = arith.constant 0 : i32
        %dma_wait3A_304 = tpu.memref_slice %arg11[%dma_wait3A_302, %dma_wait3A_303] : memref<400x48xf32, #tpu.memory_space<vmem>> -> memref<80x48xf32, #tpu.memory_space<vmem>>
        %dma_wait3A_305 = arith.constant 0 : i32
        %dma_wait3A_306 = arith.constant 0 : i32
        %dma_wait3A_307 = tpu.memref_slice %arg4[%dma_wait3A_305, %dma_wait3A_306] : memref<100000x48xf32, #tpu.memory_space<hbm>> -> memref<80x48xf32, #tpu.memory_space<hbm>>
        tpu.wait_dma2 semaphore(%arg15 : memref<!tpu.dma_semaphore, #tpu.memory_space<semaphore_mem>>) src(%dma_wait3A_307 : memref<80x48xf32, #tpu.memory_space<hbm>>) dst(%dma_wait3A_304 : memref<80x48xf32, #tpu.memory_space<vmem>>)
        %dma_wait3A_308 = arith.constant 80 : i32
        %dma_wait3A_309 = arith.constant 0 : i32
        %dma_wait3A_310 = tpu.memref_slice %arg12[%dma_wait3A_308, %dma_wait3A_309] : memref<400x48xf32, #tpu.memory_space<vmem>> -> memref<80x48xf32, #tpu.memory_space<vmem>>
        %dma_wait3A_311 = arith.constant 0 : i32
        %dma_wait3A_312 = arith.constant 0 : i32
        %dma_wait3A_313 = tpu.memref_slice %arg4[%dma_wait3A_311, %dma_wait3A_312] : memref<100000x48xf32, #tpu.memory_space<hbm>> -> memref<80x48xf32, #tpu.memory_space<hbm>>
        %dma_wait3A_314 = arith.constant 80 : i32
        %dma_wait3A_315 = arith.constant 0 : i32
        %dma_wait3A_316 = tpu.memref_slice %arg12[%dma_wait3A_314, %dma_wait3A_315] : memref<400x48xf32, #tpu.memory_space<vmem>> -> memref<80x48xf32, #tpu.memory_space<vmem>>
        %dma_wait3A_317 = arith.constant 0 : i32
        %dma_wait3A_318 = arith.constant 0 : i32
        %dma_wait3A_319 = tpu.memref_slice %arg4[%dma_wait3A_317, %dma_wait3A_318] : memref<100000x48xf32, #tpu.memory_space<hbm>> -> memref<80x48xf32, #tpu.memory_space<hbm>>
        tpu.wait_dma2 semaphore(%arg15 : memref<!tpu.dma_semaphore, #tpu.memory_space<semaphore_mem>>) src(%dma_wait3A_319 : memref<80x48xf32, #tpu.memory_space<hbm>>) dst(%dma_wait3A_316 : memref<80x48xf32, #tpu.memory_space<vmem>>)
        %dma_wait3A_320 = arith.constant 160 : i32
        %dma_wait3A_321 = arith.constant 0 : i32
        %dma_wait3A_322 = tpu.memref_slice %arg11[%dma_wait3A_320, %dma_wait3A_321] : memref<400x48xf32, #tpu.memory_space<vmem>> -> memref<80x48xf32, #tpu.memory_space<vmem>>
        %dma_wait3A_323 = arith.constant 0 : i32
        %dma_wait3A_324 = arith.constant 0 : i32
        %dma_wait3A_325 = tpu.memref_slice %arg4[%dma_wait3A_323, %dma_wait3A_324] : memref<100000x48xf32, #tpu.memory_space<hbm>> -> memref<80x48xf32, #tpu.memory_space<hbm>>
        %dma_wait3A_326 = arith.constant 160 : i32
        %dma_wait3A_327 = arith.constant 0 : i32
        %dma_wait3A_328 = tpu.memref_slice %arg11[%dma_wait3A_326, %dma_wait3A_327] : memref<400x48xf32, #tpu.memory_space<vmem>> -> memref<80x48xf32, #tpu.memory_space<vmem>>
        %dma_wait3A_329 = arith.constant 0 : i32
        %dma_wait3A_330 = arith.constant 0 : i32
        %dma_wait3A_331 = tpu.memref_slice %arg4[%dma_wait3A_329, %dma_wait3A_330] : memref<100000x48xf32, #tpu.memory_space<hbm>> -> memref<80x48xf32, #tpu.memory_space<hbm>>
        tpu.wait_dma2 semaphore(%arg15 : memref<!tpu.dma_semaphore, #tpu.memory_space<semaphore_mem>>) src(%dma_wait3A_331 : memref<80x48xf32, #tpu.memory_space<hbm>>) dst(%dma_wait3A_328 : memref<80x48xf32, #tpu.memory_space<vmem>>)
        %dma_wait3A_332 = arith.constant 160 : i32
        %dma_wait3A_333 = arith.constant 0 : i32
        %dma_wait3A_334 = tpu.memref_slice %arg12[%dma_wait3A_332, %dma_wait3A_333] : memref<400x48xf32, #tpu.memory_space<vmem>> -> memref<80x48xf32, #tpu.memory_space<vmem>>
        %dma_wait3A_335 = arith.constant 0 : i32
        %dma_wait3A_336 = arith.constant 0 : i32
        %dma_wait3A_337 = tpu.memref_slice %arg4[%dma_wait3A_335, %dma_wait3A_336] : memref<100000x48xf32, #tpu.memory_space<hbm>> -> memref<80x48xf32, #tpu.memory_space<hbm>>
        %dma_wait3A_338 = arith.constant 160 : i32
        %dma_wait3A_339 = arith.constant 0 : i32
        %dma_wait3A_340 = tpu.memref_slice %arg12[%dma_wait3A_338, %dma_wait3A_339] : memref<400x48xf32, #tpu.memory_space<vmem>> -> memref<80x48xf32, #tpu.memory_space<vmem>>
        %dma_wait3A_341 = arith.constant 0 : i32
        %dma_wait3A_342 = arith.constant 0 : i32
        %dma_wait3A_343 = tpu.memref_slice %arg4[%dma_wait3A_341, %dma_wait3A_342] : memref<100000x48xf32, #tpu.memory_space<hbm>> -> memref<80x48xf32, #tpu.memory_space<hbm>>
        tpu.wait_dma2 semaphore(%arg15 : memref<!tpu.dma_semaphore, #tpu.memory_space<semaphore_mem>>) src(%dma_wait3A_343 : memref<80x48xf32, #tpu.memory_space<hbm>>) dst(%dma_wait3A_340 : memref<80x48xf32, #tpu.memory_space<vmem>>)
        %dma_wait3A_344 = arith.constant 240 : i32
        %dma_wait3A_345 = arith.constant 0 : i32
        %dma_wait3A_346 = tpu.memref_slice %arg11[%dma_wait3A_344, %dma_wait3A_345] : memref<400x48xf32, #tpu.memory_space<vmem>> -> memref<80x48xf32, #tpu.memory_space<vmem>>
        %dma_wait3A_347 = arith.constant 0 : i32
        %dma_wait3A_348 = arith.constant 0 : i32
        %dma_wait3A_349 = tpu.memref_slice %arg4[%dma_wait3A_347, %dma_wait3A_348] : memref<100000x48xf32, #tpu.memory_space<hbm>> -> memref<80x48xf32, #tpu.memory_space<hbm>>
        %dma_wait3A_350 = arith.constant 240 : i32
        %dma_wait3A_351 = arith.constant 0 : i32
        %dma_wait3A_352 = tpu.memref_slice %arg11[%dma_wait3A_350, %dma_wait3A_351] : memref<400x48xf32, #tpu.memory_space<vmem>> -> memref<80x48xf32, #tpu.memory_space<vmem>>
        %dma_wait3A_353 = arith.constant 0 : i32
        %dma_wait3A_354 = arith.constant 0 : i32
        %dma_wait3A_355 = tpu.memref_slice %arg4[%dma_wait3A_353, %dma_wait3A_354] : memref<100000x48xf32, #tpu.memory_space<hbm>> -> memref<80x48xf32, #tpu.memory_space<hbm>>
        tpu.wait_dma2 semaphore(%arg15 : memref<!tpu.dma_semaphore, #tpu.memory_space<semaphore_mem>>) src(%dma_wait3A_355 : memref<80x48xf32, #tpu.memory_space<hbm>>) dst(%dma_wait3A_352 : memref<80x48xf32, #tpu.memory_space<vmem>>)
        %dma_wait3A_356 = arith.constant 240 : i32
        %dma_wait3A_357 = arith.constant 0 : i32
        %dma_wait3A_358 = tpu.memref_slice %arg12[%dma_wait3A_356, %dma_wait3A_357] : memref<400x48xf32, #tpu.memory_space<vmem>> -> memref<80x48xf32, #tpu.memory_space<vmem>>
        %dma_wait3A_359 = arith.constant 0 : i32
        %dma_wait3A_360 = arith.constant 0 : i32
        %dma_wait3A_361 = tpu.memref_slice %arg4[%dma_wait3A_359, %dma_wait3A_360] : memref<100000x48xf32, #tpu.memory_space<hbm>> -> memref<80x48xf32, #tpu.memory_space<hbm>>
        %dma_wait3A_362 = arith.constant 240 : i32
        %dma_wait3A_363 = arith.constant 0 : i32
        %dma_wait3A_364 = tpu.memref_slice %arg12[%dma_wait3A_362, %dma_wait3A_363] : memref<400x48xf32, #tpu.memory_space<vmem>> -> memref<80x48xf32, #tpu.memory_space<vmem>>
        %dma_wait3A_365 = arith.constant 0 : i32
        %dma_wait3A_366 = arith.constant 0 : i32
        %dma_wait3A_367 = tpu.memref_slice %arg4[%dma_wait3A_365, %dma_wait3A_366] : memref<100000x48xf32, #tpu.memory_space<hbm>> -> memref<80x48xf32, #tpu.memory_space<hbm>>
        tpu.wait_dma2 semaphore(%arg15 : memref<!tpu.dma_semaphore, #tpu.memory_space<semaphore_mem>>) src(%dma_wait3A_367 : memref<80x48xf32, #tpu.memory_space<hbm>>) dst(%dma_wait3A_364 : memref<80x48xf32, #tpu.memory_space<vmem>>)
        %dma_wait3A_368 = arith.constant 320 : i32
        %dma_wait3A_369 = arith.constant 0 : i32
        %dma_wait3A_370 = tpu.memref_slice %arg11[%dma_wait3A_368, %dma_wait3A_369] : memref<400x48xf32, #tpu.memory_space<vmem>> -> memref<80x48xf32, #tpu.memory_space<vmem>>
        %dma_wait3A_371 = arith.constant 0 : i32
        %dma_wait3A_372 = arith.constant 0 : i32
        %dma_wait3A_373 = tpu.memref_slice %arg4[%dma_wait3A_371, %dma_wait3A_372] : memref<100000x48xf32, #tpu.memory_space<hbm>> -> memref<80x48xf32, #tpu.memory_space<hbm>>
        %dma_wait3A_374 = arith.constant 320 : i32
        %dma_wait3A_375 = arith.constant 0 : i32
        %dma_wait3A_376 = tpu.memref_slice %arg11[%dma_wait3A_374, %dma_wait3A_375] : memref<400x48xf32, #tpu.memory_space<vmem>> -> memref<80x48xf32, #tpu.memory_space<vmem>>
        %dma_wait3A_377 = arith.constant 0 : i32
        %dma_wait3A_378 = arith.constant 0 : i32
        %dma_wait3A_379 = tpu.memref_slice %arg4[%dma_wait3A_377, %dma_wait3A_378] : memref<100000x48xf32, #tpu.memory_space<hbm>> -> memref<80x48xf32, #tpu.memory_space<hbm>>
        tpu.wait_dma2 semaphore(%arg15 : memref<!tpu.dma_semaphore, #tpu.memory_space<semaphore_mem>>) src(%dma_wait3A_379 : memref<80x48xf32, #tpu.memory_space<hbm>>) dst(%dma_wait3A_376 : memref<80x48xf32, #tpu.memory_space<vmem>>)
        %dma_wait3A_380 = arith.constant 320 : i32
        %dma_wait3A_381 = arith.constant 0 : i32
        %dma_wait3A_382 = tpu.memref_slice %arg12[%dma_wait3A_380, %dma_wait3A_381] : memref<400x48xf32, #tpu.memory_space<vmem>> -> memref<80x48xf32, #tpu.memory_space<vmem>>
        %dma_wait3A_383 = arith.constant 0 : i32
        %dma_wait3A_384 = arith.constant 0 : i32
        %dma_wait3A_385 = tpu.memref_slice %arg4[%dma_wait3A_383, %dma_wait3A_384] : memref<100000x48xf32, #tpu.memory_space<hbm>> -> memref<80x48xf32, #tpu.memory_space<hbm>>
        %dma_wait3A_386 = arith.constant 320 : i32
        %dma_wait3A_387 = arith.constant 0 : i32
        %dma_wait3A_388 = tpu.memref_slice %arg12[%dma_wait3A_386, %dma_wait3A_387] : memref<400x48xf32, #tpu.memory_space<vmem>> -> memref<80x48xf32, #tpu.memory_space<vmem>>
        %dma_wait3A_389 = arith.constant 0 : i32
        %dma_wait3A_390 = arith.constant 0 : i32
        %dma_wait3A_391 = tpu.memref_slice %arg4[%dma_wait3A_389, %dma_wait3A_390] : memref<100000x48xf32, #tpu.memory_space<hbm>> -> memref<80x48xf32, #tpu.memory_space<hbm>>
        tpu.wait_dma2 semaphore(%arg15 : memref<!tpu.dma_semaphore, #tpu.memory_space<semaphore_mem>>) src(%dma_wait3A_391 : memref<80x48xf32, #tpu.memory_space<hbm>>) dst(%dma_wait3A_388 : memref<80x48xf32, #tpu.memory_space<vmem>>)
        %mul3A_392 = arith.constant 400 : i32
        %mul3A_393 = arith.muli %add3A_124, %mul3A_392 : i32
        %add3A_394 = arith.constant 2 : i32
        %add3A_395 = arith.addi %add3A_4, %add3A_394 : i32
        %ge3A_396 = arith.cmpi sge, %add3A_124, %add3A_395 : i32
        %convert_element_type3A_397 = arith.extui %ge3A_396 : i1 to i32
        %cond3A_398 = arith.constant 0 : i32
        %cond3A_399 = arith.cmpi ne, %convert_element_type3A_397, %cond3A_398 : i32
        scf.if %cond3A_399 {
          %dma_wait3A_407 = arith.constant 0 : i32
          %dma_wait3A_408 = arith.constant 0 : i32
          %dma_wait3A_409 = tpu.memref_slice %arg5[%dma_wait3A_407, %dma_wait3A_408] : memref<48x100000xf32, #tpu.memory_space<hbm>> -> memref<48x400xf32, #tpu.memory_space<hbm>>
          %dma_wait3A_410 = arith.constant 0 : i32
          %dma_wait3A_411 = arith.constant 0 : i32
          %dma_wait3A_412 = tpu.memref_slice %arg5[%dma_wait3A_410, %dma_wait3A_411] : memref<48x100000xf32, #tpu.memory_space<hbm>> -> memref<48x400xf32, #tpu.memory_space<hbm>>
          tpu.wait_dma2 semaphore(%arg17 : memref<!tpu.dma_semaphore, #tpu.memory_space<semaphore_mem>>) src(%arg13 : memref<48x400xf32, #tpu.memory_space<vmem>>) dst(%dma_wait3A_412 : memref<48x400xf32, #tpu.memory_space<hbm>>)
        } else {
        }
        %parallel_loop3A_400 = arith.constant 0 : i32
        %parallel_loop3A_401 = arith.constant 25 : i32
        %parallel_loop3A_402 = arith.constant 1 : i32
        scf.for %parallel_loop3A_407 = %parallel_loop3A_400 to %parallel_loop3A_401 step %parallel_loop3A_402  : i32 {
          %parallel_loop3A_408 = arith.constant 16 : i32
          %parallel_loop3A_409 = arith.muli %parallel_loop3A_407, %parallel_loop3A_408 : i32
          %parallel_loop3A_410 = vector.broadcast %parallel_loop3A_409 : i32 to vector<16xi32>
          %parallel_loop3A_411 = arith.addi %parallel_loop3A_410, %iota3A : vector<16xi32>
          %parallel_loop3A_412 = arith.constant 0 : i32
          %parallel_loop3A_413 = vector.broadcast %parallel_loop3A_412 : i32 to vector<16xi32>
          %parallel_loop3A_414 = tpu.vector_load_idx %arg11[%parallel_loop3A_411, %parallel_loop3A_413] : memref<400x48xf32, #tpu.memory_space<vmem>>[vector<16xi32>, vector<16xi32>], vector<16xf32>,
          %parallel_loop3A_415 = arith.constant 16 : i32
          %parallel_loop3A_416 = arith.muli %parallel_loop3A_407, %parallel_loop3A_415 : i32
          %parallel_loop3A_417 = arith.constant 0 : i32
          %parallel_loop3A_418 = arith.index_cast %parallel_loop3A_417 : i32 to index
          %parallel_loop3A_419 = arith.index_cast %parallel_loop3A_416 : i32 to index
          %parallel_loop3A_420 = tpu.vector_load %arg13[%parallel_loop3A_418, %parallel_loop3A_419] {strides = array<i32>} : memref<48x400xf32, #tpu.memory_space<vmem>>, vector<16xf32>,
          tpu.vector_store %arg13[%parallel_loop3A_418, %parallel_loop3A_419], %parallel_loop3A_414 {strides = array<i32>} : memref<48x400xf32, #tpu.memory_space<vmem>>, vector<16xf32>,
          %parallel_loop3A_421 = arith.constant 1 : i32
          %parallel_loop3A_422 = vector.broadcast %parallel_loop3A_421 : i32 to vector<16xi32>
          %parallel_loop3A_423 = tpu.vector_load_idx %arg11[%parallel_loop3A_411, %parallel_loop3A_422] : memref<400x48xf32, #tpu.memory_space<vmem>>[vector<16xi32>, vector<16xi32>], vector<16xf32>,
          %parallel_loop3A_424 = arith.constant 16 : i32
          %parallel_loop3A_425 = arith.muli %parallel_loop3A_407, %parallel_loop3A_424 : i32
          %parallel_loop3A_426 = arith.constant 1 : i32
          %parallel_loop3A_427 = arith.index_cast %parallel_loop3A_426 : i32 to index
          %parallel_loop3A_428 = arith.index_cast %parallel_loop3A_425 : i32 to index
          %parallel_loop3A_429 = tpu.vector_load %arg13[%parallel_loop3A_427, %parallel_loop3A_428] {strides = array<i32>} : memref<48x400xf32, #tpu.memory_space<vmem>>, vector<16xf32>,
          tpu.vector_store %arg13[%parallel_loop3A_427, %parallel_loop3A_428], %parallel_loop3A_423 {strides = array<i32>} : memref<48x400xf32, #tpu.memory_space<vmem>>, vector<16xf32>,
          %parallel_loop3A_430 = arith.constant 2 : i32
          %parallel_loop3A_431 = vector.broadcast %parallel_loop3A_430 : i32 to vector<16xi32>
          %parallel_loop3A_432 = tpu.vector_load_idx %arg11[%parallel_loop3A_411, %parallel_loop3A_431] : memref<400x48xf32, #tpu.memory_space<vmem>>[vector<16xi32>, vector<16xi32>], vector<16xf32>,
          %parallel_loop3A_433 = arith.constant 16 : i32
          %parallel_loop3A_434 = arith.muli %parallel_loop3A_407, %parallel_loop3A_433 : i32
          %parallel_loop3A_435 = arith.constant 2 : i32
          %parallel_loop3A_436 = arith.index_cast %parallel_loop3A_435 : i32 to index
          %parallel_loop3A_437 = arith.index_cast %parallel_loop3A_434 : i32 to index
          %parallel_loop3A_438 = tpu.vector_load %arg13[%parallel_loop3A_436, %parallel_loop3A_437] {strides = array<i32>} : memref<48x400xf32, #tpu.memory_space<vmem>>, vector<16xf32>,
          tpu.vector_store %arg13[%parallel_loop3A_436, %parallel_loop3A_437], %parallel_loop3A_432 {strides = array<i32>} : memref<48x400xf32, #tpu.memory_space<vmem>>, vector<16xf32>,
          %parallel_loop3A_439 = arith.constant 3 : i32
          %parallel_loop3A_440 = vector.broadcast %parallel_loop3A_439 : i32 to vector<16xi32>
          %parallel_loop3A_441 = tpu.vector_load_idx %arg11[%parallel_loop3A_411, %parallel_loop3A_440] : memref<400x48xf32, #tpu.memory_space<vmem>>[vector<16xi32>, vector<16xi32>], vector<16xf32>,
          %parallel_loop3A_442 = arith.constant 16 : i32
          %parallel_loop3A_443 = arith.muli %parallel_loop3A_407, %parallel_loop3A_442 : i32
          %parallel_loop3A_444 = arith.constant 3 : i32
          %parallel_loop3A_445 = arith.index_cast %parallel_loop3A_444 : i32 to index
          %parallel_loop3A_446 = arith.index_cast %parallel_loop3A_443 : i32 to index
          %parallel_loop3A_447 = tpu.vector_load %arg13[%parallel_loop3A_445, %parallel_loop3A_446] {strides = array<i32>} : memref<48x400xf32, #tpu.memory_space<vmem>>, vector<16xf32>,
          tpu.vector_store %arg13[%parallel_loop3A_445, %parallel_loop3A_446], %parallel_loop3A_441 {strides = array<i32>} : memref<48x400xf32, #tpu.memory_space<vmem>>, vector<16xf32>,
          %parallel_loop3A_448 = arith.constant 4 : i32
          %parallel_loop3A_449 = vector.broadcast %parallel_loop3A_448 : i32 to vector<16xi32>
          %parallel_loop3A_450 = tpu.vector_load_idx %arg11[%parallel_loop3A_411, %parallel_loop3A_449] : memref<400x48xf32, #tpu.memory_space<vmem>>[vector<16xi32>, vector<16xi32>], vector<16xf32>,
          %parallel_loop3A_451 = arith.constant 16 : i32
          %parallel_loop3A_452 = arith.muli %parallel_loop3A_407, %parallel_loop3A_451 : i32
          %parallel_loop3A_453 = arith.constant 4 : i32
          %parallel_loop3A_454 = arith.index_cast %parallel_loop3A_453 : i32 to index
          %parallel_loop3A_455 = arith.index_cast %parallel_loop3A_452 : i32 to index
          %parallel_loop3A_456 = tpu.vector_load %arg13[%parallel_loop3A_454, %parallel_loop3A_455] {strides = array<i32>} : memref<48x400xf32, #tpu.memory_space<vmem>>, vector<16xf32>,
          tpu.vector_store %arg13[%parallel_loop3A_454, %parallel_loop3A_455], %parallel_loop3A_450 {strides = array<i32>} : memref<48x400xf32, #tpu.memory_space<vmem>>, vector<16xf32>,
          %parallel_loop3A_457 = arith.constant 5 : i32
          %parallel_loop3A_458 = vector.broadcast %parallel_loop3A_457 : i32 to vector<16xi32>
          %parallel_loop3A_459 = tpu.vector_load_idx %arg11[%parallel_loop3A_411, %parallel_loop3A_458] : memref<400x48xf32, #tpu.memory_space<vmem>>[vector<16xi32>, vector<16xi32>], vector<16xf32>,
          %parallel_loop3A_460 = arith.constant 16 : i32
          %parallel_loop3A_461 = arith.muli %parallel_loop3A_407, %parallel_loop3A_460 : i32
          %parallel_loop3A_462 = arith.constant 5 : i32
          %parallel_loop3A_463 = arith.index_cast %parallel_loop3A_462 : i32 to index
          %parallel_loop3A_464 = arith.index_cast %parallel_loop3A_461 : i32 to index
          %parallel_loop3A_465 = tpu.vector_load %arg13[%parallel_loop3A_463, %parallel_loop3A_464] {strides = array<i32>} : memref<48x400xf32, #tpu.memory_space<vmem>>, vector<16xf32>,
          tpu.vector_store %arg13[%parallel_loop3A_463, %parallel_loop3A_464], %parallel_loop3A_459 {strides = array<i32>} : memref<48x400xf32, #tpu.memory_space<vmem>>, vector<16xf32>,
          %parallel_loop3A_466 = arith.constant 6 : i32
          %parallel_loop3A_467 = vector.broadcast %parallel_loop3A_466 : i32 to vector<16xi32>
          %parallel_loop3A_468 = tpu.vector_load_idx %arg11[%parallel_loop3A_411, %parallel_loop3A_467] : memref<400x48xf32, #tpu.memory_space<vmem>>[vector<16xi32>, vector<16xi32>], vector<16xf32>,
          %parallel_loop3A_469 = arith.constant 16 : i32
          %parallel_loop3A_470 = arith.muli %parallel_loop3A_407, %parallel_loop3A_469 : i32
          %parallel_loop3A_471 = arith.constant 6 : i32
          %parallel_loop3A_472 = arith.index_cast %parallel_loop3A_471 : i32 to index
          %parallel_loop3A_473 = arith.index_cast %parallel_loop3A_470 : i32 to index
          %parallel_loop3A_474 = tpu.vector_load %arg13[%parallel_loop3A_472, %parallel_loop3A_473] {strides = array<i32>} : memref<48x400xf32, #tpu.memory_space<vmem>>, vector<16xf32>,
          tpu.vector_store %arg13[%parallel_loop3A_472, %parallel_loop3A_473], %parallel_loop3A_468 {strides = array<i32>} : memref<48x400xf32, #tpu.memory_space<vmem>>, vector<16xf32>,
          %parallel_loop3A_475 = arith.constant 7 : i32
          %parallel_loop3A_476 = vector.broadcast %parallel_loop3A_475 : i32 to vector<16xi32>
          %parallel_loop3A_477 = tpu.vector_load_idx %arg11[%parallel_loop3A_411, %parallel_loop3A_476] : memref<400x48xf32, #tpu.memory_space<vmem>>[vector<16xi32>, vector<16xi32>], vector<16xf32>,
          %parallel_loop3A_478 = arith.constant 16 : i32
          %parallel_loop3A_479 = arith.muli %parallel_loop3A_407, %parallel_loop3A_478 : i32
          %parallel_loop3A_480 = arith.constant 7 : i32
          %parallel_loop3A_481 = arith.index_cast %parallel_loop3A_480 : i32 to index
          %parallel_loop3A_482 = arith.index_cast %parallel_loop3A_479 : i32 to index
          %parallel_loop3A_483 = tpu.vector_load %arg13[%parallel_loop3A_481, %parallel_loop3A_482] {strides = array<i32>} : memref<48x400xf32, #tpu.memory_space<vmem>>, vector<16xf32>,
          tpu.vector_store %arg13[%parallel_loop3A_481, %parallel_loop3A_482], %parallel_loop3A_477 {strides = array<i32>} : memref<48x400xf32, #tpu.memory_space<vmem>>, vector<16xf32>,
          %parallel_loop3A_484 = arith.constant 8 : i32
          %parallel_loop3A_485 = vector.broadcast %parallel_loop3A_484 : i32 to vector<16xi32>
          %parallel_loop3A_486 = tpu.vector_load_idx %arg11[%parallel_loop3A_411, %parallel_loop3A_485] : memref<400x48xf32, #tpu.memory_space<vmem>>[vector<16xi32>, vector<16xi32>], vector<16xf32>,
          %parallel_loop3A_487 = arith.constant 16 : i32
          %parallel_loop3A_488 = arith.muli %parallel_loop3A_407, %parallel_loop3A_487 : i32
          %parallel_loop3A_489 = arith.constant 8 : i32
          %parallel_loop3A_490 = arith.index_cast %parallel_loop3A_489 : i32 to index
          %parallel_loop3A_491 = arith.index_cast %parallel_loop3A_488 : i32 to index
          %parallel_loop3A_492 = tpu.vector_load %arg13[%parallel_loop3A_490, %parallel_loop3A_491] {strides = array<i32>} : memref<48x400xf32, #tpu.memory_space<vmem>>, vector<16xf32>,
          tpu.vector_store %arg13[%parallel_loop3A_490, %parallel_loop3A_491], %parallel_loop3A_486 {strides = array<i32>} : memref<48x400xf32, #tpu.memory_space<vmem>>, vector<16xf32>,
          %parallel_loop3A_493 = arith.constant 9 : i32
          %parallel_loop3A_494 = vector.broadcast %parallel_loop3A_493 : i32 to vector<16xi32>
          %parallel_loop3A_495 = tpu.vector_load_idx %arg11[%parallel_loop3A_411, %parallel_loop3A_494] : memref<400x48xf32, #tpu.memory_space<vmem>>[vector<16xi32>, vector<16xi32>], vector<16xf32>,
          %parallel_loop3A_496 = arith.constant 16 : i32
          %parallel_loop3A_497 = arith.muli %parallel_loop3A_407, %parallel_loop3A_496 : i32
          %parallel_loop3A_498 = arith.constant 9 : i32
          %parallel_loop3A_499 = arith.index_cast %parallel_loop3A_498 : i32 to index
          %parallel_loop3A_500 = arith.index_cast %parallel_loop3A_497 : i32 to index
          %parallel_loop3A_501 = tpu.vector_load %arg13[%parallel_loop3A_499, %parallel_loop3A_500] {strides = array<i32>} : memref<48x400xf32, #tpu.memory_space<vmem>>, vector<16xf32>,
          tpu.vector_store %arg13[%parallel_loop3A_499, %parallel_loop3A_500], %parallel_loop3A_495 {strides = array<i32>} : memref<48x400xf32, #tpu.memory_space<vmem>>, vector<16xf32>,
          %parallel_loop3A_502 = arith.constant 10 : i32
          %parallel_loop3A_503 = vector.broadcast %parallel_loop3A_502 : i32 to vector<16xi32>
          %parallel_loop3A_504 = tpu.vector_load_idx %arg11[%parallel_loop3A_411, %parallel_loop3A_503] : memref<400x48xf32, #tpu.memory_space<vmem>>[vector<16xi32>, vector<16xi32>], vector<16xf32>,
          %parallel_loop3A_505 = arith.constant 16 : i32
          %parallel_loop3A_506 = arith.muli %parallel_loop3A_407, %parallel_loop3A_505 : i32
          %parallel_loop3A_507 = arith.constant 10 : i32
          %parallel_loop3A_508 = arith.index_cast %parallel_loop3A_507 : i32 to index
          %parallel_loop3A_509 = arith.index_cast %parallel_loop3A_506 : i32 to index
          %parallel_loop3A_510 = tpu.vector_load %arg13[%parallel_loop3A_508, %parallel_loop3A_509] {strides = array<i32>} : memref<48x400xf32, #tpu.memory_space<vmem>>, vector<16xf32>,
          tpu.vector_store %arg13[%parallel_loop3A_508, %parallel_loop3A_509], %parallel_loop3A_504 {strides = array<i32>} : memref<48x400xf32, #tpu.memory_space<vmem>>, vector<16xf32>,
          %parallel_loop3A_511 = arith.constant 11 : i32
          %parallel_loop3A_512 = vector.broadcast %parallel_loop3A_511 : i32 to vector<16xi32>
          %parallel_loop3A_513 = tpu.vector_load_idx %arg11[%parallel_loop3A_411, %parallel_loop3A_512] : memref<400x48xf32, #tpu.memory_space<vmem>>[vector<16xi32>, vector<16xi32>], vector<16xf32>,
          %parallel_loop3A_514 = arith.constant 16 : i32
          %parallel_loop3A_515 = arith.muli %parallel_loop3A_407, %parallel_loop3A_514 : i32
          %parallel_loop3A_516 = arith.constant 11 : i32
          %parallel_loop3A_517 = arith.index_cast %parallel_loop3A_516 : i32 to index
          %parallel_loop3A_518 = arith.index_cast %parallel_loop3A_515 : i32 to index
          %parallel_loop3A_519 = tpu.vector_load %arg13[%parallel_loop3A_517, %parallel_loop3A_518] {strides = array<i32>} : memref<48x400xf32, #tpu.memory_space<vmem>>, vector<16xf32>,
          tpu.vector_store %arg13[%parallel_loop3A_517, %parallel_loop3A_518], %parallel_loop3A_513 {strides = array<i32>} : memref<48x400xf32, #tpu.memory_space<vmem>>, vector<16xf32>,
          %parallel_loop3A_520 = arith.constant 12 : i32
          %parallel_loop3A_521 = vector.broadcast %parallel_loop3A_520 : i32 to vector<16xi32>
          %parallel_loop3A_522 = tpu.vector_load_idx %arg11[%parallel_loop3A_411, %parallel_loop3A_521] : memref<400x48xf32, #tpu.memory_space<vmem>>[vector<16xi32>, vector<16xi32>], vector<16xf32>,
          %parallel_loop3A_523 = arith.constant 16 : i32
          %parallel_loop3A_524 = arith.muli %parallel_loop3A_407, %parallel_loop3A_523 : i32
          %parallel_loop3A_525 = arith.constant 12 : i32
          %parallel_loop3A_526 = arith.index_cast %parallel_loop3A_525 : i32 to index
          %parallel_loop3A_527 = arith.index_cast %parallel_loop3A_524 : i32 to index
          %parallel_loop3A_528 = tpu.vector_load %arg13[%parallel_loop3A_526, %parallel_loop3A_527] {strides = array<i32>} : memref<48x400xf32, #tpu.memory_space<vmem>>, vector<16xf32>,
          tpu.vector_store %arg13[%parallel_loop3A_526, %parallel_loop3A_527], %parallel_loop3A_522 {strides = array<i32>} : memref<48x400xf32, #tpu.memory_space<vmem>>, vector<16xf32>,
          %parallel_loop3A_529 = arith.constant 13 : i32
          %parallel_loop3A_530 = vector.broadcast %parallel_loop3A_529 : i32 to vector<16xi32>
          %parallel_loop3A_531 = tpu.vector_load_idx %arg11[%parallel_loop3A_411, %parallel_loop3A_530] : memref<400x48xf32, #tpu.memory_space<vmem>>[vector<16xi32>, vector<16xi32>], vector<16xf32>,
          %parallel_loop3A_532 = arith.constant 16 : i32
          %parallel_loop3A_533 = arith.muli %parallel_loop3A_407, %parallel_loop3A_532 : i32
          %parallel_loop3A_534 = arith.constant 13 : i32
          %parallel_loop3A_535 = arith.index_cast %parallel_loop3A_534 : i32 to index
          %parallel_loop3A_536 = arith.index_cast %parallel_loop3A_533 : i32 to index
          %parallel_loop3A_537 = tpu.vector_load %arg13[%parallel_loop3A_535, %parallel_loop3A_536] {strides = array<i32>} : memref<48x400xf32, #tpu.memory_space<vmem>>, vector<16xf32>,
          tpu.vector_store %arg13[%parallel_loop3A_535, %parallel_loop3A_536], %parallel_loop3A_531 {strides = array<i32>} : memref<48x400xf32, #tpu.memory_space<vmem>>, vector<16xf32>,
          %parallel_loop3A_538 = arith.constant 14 : i32
          %parallel_loop3A_539 = vector.broadcast %parallel_loop3A_538 : i32 to vector<16xi32>
          %parallel_loop3A_540 = tpu.vector_load_idx %arg11[%parallel_loop3A_411, %parallel_loop3A_539] : memref<400x48xf32, #tpu.memory_space<vmem>>[vector<16xi32>, vector<16xi32>], vector<16xf32>,
          %parallel_loop3A_541 = arith.constant 16 : i32
          %parallel_loop3A_542 = arith.muli %parallel_loop3A_407, %parallel_loop3A_541 : i32
          %parallel_loop3A_543 = arith.constant 14 : i32
          %parallel_loop3A_544 = arith.index_cast %parallel_loop3A_543 : i32 to index
          %parallel_loop3A_545 = arith.index_cast %parallel_loop3A_542 : i32 to index
          %parallel_loop3A_546 = tpu.vector_load %arg13[%parallel_loop3A_544, %parallel_loop3A_545] {strides = array<i32>} : memref<48x400xf32, #tpu.memory_space<vmem>>, vector<16xf32>,
          tpu.vector_store %arg13[%parallel_loop3A_544, %parallel_loop3A_545], %parallel_loop3A_540 {strides = array<i32>} : memref<48x400xf32, #tpu.memory_space<vmem>>, vector<16xf32>,
          %parallel_loop3A_547 = arith.constant 15 : i32
          %parallel_loop3A_548 = vector.broadcast %parallel_loop3A_547 : i32 to vector<16xi32>
          %parallel_loop3A_549 = tpu.vector_load_idx %arg11[%parallel_loop3A_411, %parallel_loop3A_548] : memref<400x48xf32, #tpu.memory_space<vmem>>[vector<16xi32>, vector<16xi32>], vector<16xf32>,
          %parallel_loop3A_550 = arith.constant 16 : i32
          %parallel_loop3A_551 = arith.muli %parallel_loop3A_407, %parallel_loop3A_550 : i32
          %parallel_loop3A_552 = arith.constant 15 : i32
          %parallel_loop3A_553 = arith.index_cast %parallel_loop3A_552 : i32 to index
          %parallel_loop3A_554 = arith.index_cast %parallel_loop3A_551 : i32 to index
          %parallel_loop3A_555 = tpu.vector_load %arg13[%parallel_loop3A_553, %parallel_loop3A_554] {strides = array<i32>} : memref<48x400xf32, #tpu.memory_space<vmem>>, vector<16xf32>,
          tpu.vector_store %arg13[%parallel_loop3A_553, %parallel_loop3A_554], %parallel_loop3A_549 {strides = array<i32>} : memref<48x400xf32, #tpu.memory_space<vmem>>, vector<16xf32>,
          %parallel_loop3A_556 = arith.constant 16 : i32
          %parallel_loop3A_557 = vector.broadcast %parallel_loop3A_556 : i32 to vector<16xi32>
          %parallel_loop3A_558 = tpu.vector_load_idx %arg11[%parallel_loop3A_411, %parallel_loop3A_557] : memref<400x48xf32, #tpu.memory_space<vmem>>[vector<16xi32>, vector<16xi32>], vector<16xf32>,
          %parallel_loop3A_559 = arith.constant 16 : i32
          %parallel_loop3A_560 = arith.muli %parallel_loop3A_407, %parallel_loop3A_559 : i32
          %parallel_loop3A_561 = arith.constant 16 : i32
          %parallel_loop3A_562 = arith.index_cast %parallel_loop3A_561 : i32 to index
          %parallel_loop3A_563 = arith.index_cast %parallel_loop3A_560 : i32 to index
          %parallel_loop3A_564 = tpu.vector_load %arg13[%parallel_loop3A_562, %parallel_loop3A_563] {strides = array<i32>} : memref<48x400xf32, #tpu.memory_space<vmem>>, vector<16xf32>,
          tpu.vector_store %arg13[%parallel_loop3A_562, %parallel_loop3A_563], %parallel_loop3A_558 {strides = array<i32>} : memref<48x400xf32, #tpu.memory_space<vmem>>, vector<16xf32>,
          %parallel_loop3A_565 = arith.constant 17 : i32
          %parallel_loop3A_566 = vector.broadcast %parallel_loop3A_565 : i32 to vector<16xi32>
          %parallel_loop3A_567 = tpu.vector_load_idx %arg11[%parallel_loop3A_411, %parallel_loop3A_566] : memref<400x48xf32, #tpu.memory_space<vmem>>[vector<16xi32>, vector<16xi32>], vector<16xf32>,
          %parallel_loop3A_568 = arith.constant 16 : i32
          %parallel_loop3A_569 = arith.muli %parallel_loop3A_407, %parallel_loop3A_568 : i32
          %parallel_loop3A_570 = arith.constant 17 : i32
          %parallel_loop3A_571 = arith.index_cast %parallel_loop3A_570 : i32 to index
          %parallel_loop3A_572 = arith.index_cast %parallel_loop3A_569 : i32 to index
          %parallel_loop3A_573 = tpu.vector_load %arg13[%parallel_loop3A_571, %parallel_loop3A_572] {strides = array<i32>} : memref<48x400xf32, #tpu.memory_space<vmem>>, vector<16xf32>,
          tpu.vector_store %arg13[%parallel_loop3A_571, %parallel_loop3A_572], %parallel_loop3A_567 {strides = array<i32>} : memref<48x400xf32, #tpu.memory_space<vmem>>, vector<16xf32>,
          %parallel_loop3A_574 = arith.constant 18 : i32
          %parallel_loop3A_575 = vector.broadcast %parallel_loop3A_574 : i32 to vector<16xi32>
          %parallel_loop3A_576 = tpu.vector_load_idx %arg11[%parallel_loop3A_411, %parallel_loop3A_575] : memref<400x48xf32, #tpu.memory_space<vmem>>[vector<16xi32>, vector<16xi32>], vector<16xf32>,
          %parallel_loop3A_577 = arith.constant 16 : i32
          %parallel_loop3A_578 = arith.muli %parallel_loop3A_407, %parallel_loop3A_577 : i32
          %parallel_loop3A_579 = arith.constant 18 : i32
          %parallel_loop3A_580 = arith.index_cast %parallel_loop3A_579 : i32 to index
          %parallel_loop3A_581 = arith.index_cast %parallel_loop3A_578 : i32 to index
          %parallel_loop3A_582 = tpu.vector_load %arg13[%parallel_loop3A_580, %parallel_loop3A_581] {strides = array<i32>} : memref<48x400xf32, #tpu.memory_space<vmem>>, vector<16xf32>,
          tpu.vector_store %arg13[%parallel_loop3A_580, %parallel_loop3A_581], %parallel_loop3A_576 {strides = array<i32>} : memref<48x400xf32, #tpu.memory_space<vmem>>, vector<16xf32>,
          %parallel_loop3A_583 = arith.constant 19 : i32
          %parallel_loop3A_584 = vector.broadcast %parallel_loop3A_583 : i32 to vector<16xi32>
          %parallel_loop3A_585 = tpu.vector_load_idx %arg11[%parallel_loop3A_411, %parallel_loop3A_584] : memref<400x48xf32, #tpu.memory_space<vmem>>[vector<16xi32>, vector<16xi32>], vector<16xf32>,
          %parallel_loop3A_586 = arith.constant 16 : i32
          %parallel_loop3A_587 = arith.muli %parallel_loop3A_407, %parallel_loop3A_586 : i32
          %parallel_loop3A_588 = arith.constant 19 : i32
          %parallel_loop3A_589 = arith.index_cast %parallel_loop3A_588 : i32 to index
          %parallel_loop3A_590 = arith.index_cast %parallel_loop3A_587 : i32 to index
          %parallel_loop3A_591 = tpu.vector_load %arg13[%parallel_loop3A_589, %parallel_loop3A_590] {strides = array<i32>} : memref<48x400xf32, #tpu.memory_space<vmem>>, vector<16xf32>,
          tpu.vector_store %arg13[%parallel_loop3A_589, %parallel_loop3A_590], %parallel_loop3A_585 {strides = array<i32>} : memref<48x400xf32, #tpu.memory_space<vmem>>, vector<16xf32>,
          %parallel_loop3A_592 = arith.constant 20 : i32
          %parallel_loop3A_593 = vector.broadcast %parallel_loop3A_592 : i32 to vector<16xi32>
          %parallel_loop3A_594 = tpu.vector_load_idx %arg11[%parallel_loop3A_411, %parallel_loop3A_593] : memref<400x48xf32, #tpu.memory_space<vmem>>[vector<16xi32>, vector<16xi32>], vector<16xf32>,
          %parallel_loop3A_595 = arith.constant 16 : i32
          %parallel_loop3A_596 = arith.muli %parallel_loop3A_407, %parallel_loop3A_595 : i32
          %parallel_loop3A_597 = arith.constant 20 : i32
          %parallel_loop3A_598 = arith.index_cast %parallel_loop3A_597 : i32 to index
          %parallel_loop3A_599 = arith.index_cast %parallel_loop3A_596 : i32 to index
          %parallel_loop3A_600 = tpu.vector_load %arg13[%parallel_loop3A_598, %parallel_loop3A_599] {strides = array<i32>} : memref<48x400xf32, #tpu.memory_space<vmem>>, vector<16xf32>,
          tpu.vector_store %arg13[%parallel_loop3A_598, %parallel_loop3A_599], %parallel_loop3A_594 {strides = array<i32>} : memref<48x400xf32, #tpu.memory_space<vmem>>, vector<16xf32>,
          %parallel_loop3A_601 = arith.constant 21 : i32
          %parallel_loop3A_602 = vector.broadcast %parallel_loop3A_601 : i32 to vector<16xi32>
          %parallel_loop3A_603 = tpu.vector_load_idx %arg11[%parallel_loop3A_411, %parallel_loop3A_602] : memref<400x48xf32, #tpu.memory_space<vmem>>[vector<16xi32>, vector<16xi32>], vector<16xf32>,
          %parallel_loop3A_604 = arith.constant 16 : i32
          %parallel_loop3A_605 = arith.muli %parallel_loop3A_407, %parallel_loop3A_604 : i32
          %parallel_loop3A_606 = arith.constant 21 : i32
          %parallel_loop3A_607 = arith.index_cast %parallel_loop3A_606 : i32 to index
          %parallel_loop3A_608 = arith.index_cast %parallel_loop3A_605 : i32 to index
          %parallel_loop3A_609 = tpu.vector_load %arg13[%parallel_loop3A_607, %parallel_loop3A_608] {strides = array<i32>} : memref<48x400xf32, #tpu.memory_space<vmem>>, vector<16xf32>,
          tpu.vector_store %arg13[%parallel_loop3A_607, %parallel_loop3A_608], %parallel_loop3A_603 {strides = array<i32>} : memref<48x400xf32, #tpu.memory_space<vmem>>, vector<16xf32>,
          %parallel_loop3A_610 = arith.constant 22 : i32
          %parallel_loop3A_611 = vector.broadcast %parallel_loop3A_610 : i32 to vector<16xi32>
          %parallel_loop3A_612 = tpu.vector_load_idx %arg11[%parallel_loop3A_411, %parallel_loop3A_611] : memref<400x48xf32, #tpu.memory_space<vmem>>[vector<16xi32>, vector<16xi32>], vector<16xf32>,
          %parallel_loop3A_613 = arith.constant 16 : i32
          %parallel_loop3A_614 = arith.muli %parallel_loop3A_407, %parallel_loop3A_613 : i32
          %parallel_loop3A_615 = arith.constant 22 : i32
          %parallel_loop3A_616 = arith.index_cast %parallel_loop3A_615 : i32 to index
          %parallel_loop3A_617 = arith.index_cast %parallel_loop3A_614 : i32 to index
          %parallel_loop3A_618 = tpu.vector_load %arg13[%parallel_loop3A_616, %parallel_loop3A_617] {strides = array<i32>} : memref<48x400xf32, #tpu.memory_space<vmem>>, vector<16xf32>,
          tpu.vector_store %arg13[%parallel_loop3A_616, %parallel_loop3A_617], %parallel_loop3A_612 {strides = array<i32>} : memref<48x400xf32, #tpu.memory_space<vmem>>, vector<16xf32>,
          %parallel_loop3A_619 = arith.constant 23 : i32
          %parallel_loop3A_620 = vector.broadcast %parallel_loop3A_619 : i32 to vector<16xi32>
          %parallel_loop3A_621 = tpu.vector_load_idx %arg11[%parallel_loop3A_411, %parallel_loop3A_620] : memref<400x48xf32, #tpu.memory_space<vmem>>[vector<16xi32>, vector<16xi32>], vector<16xf32>,
          %parallel_loop3A_622 = arith.constant 16 : i32
          %parallel_loop3A_623 = arith.muli %parallel_loop3A_407, %parallel_loop3A_622 : i32
          %parallel_loop3A_624 = arith.constant 23 : i32
          %parallel_loop3A_625 = arith.index_cast %parallel_loop3A_624 : i32 to index
          %parallel_loop3A_626 = arith.index_cast %parallel_loop3A_623 : i32 to index
          %parallel_loop3A_627 = tpu.vector_load %arg13[%parallel_loop3A_625, %parallel_loop3A_626] {strides = array<i32>} : memref<48x400xf32, #tpu.memory_space<vmem>>, vector<16xf32>,
          tpu.vector_store %arg13[%parallel_loop3A_625, %parallel_loop3A_626], %parallel_loop3A_621 {strides = array<i32>} : memref<48x400xf32, #tpu.memory_space<vmem>>, vector<16xf32>,
          %parallel_loop3A_628 = arith.constant 24 : i32
          %parallel_loop3A_629 = vector.broadcast %parallel_loop3A_628 : i32 to vector<16xi32>
          %parallel_loop3A_630 = tpu.vector_load_idx %arg11[%parallel_loop3A_411, %parallel_loop3A_629] : memref<400x48xf32, #tpu.memory_space<vmem>>[vector<16xi32>, vector<16xi32>], vector<16xf32>,
          %parallel_loop3A_631 = arith.constant 16 : i32
          %parallel_loop3A_632 = arith.muli %parallel_loop3A_407, %parallel_loop3A_631 : i32
          %parallel_loop3A_633 = arith.constant 24 : i32
          %parallel_loop3A_634 = arith.index_cast %parallel_loop3A_633 : i32 to index
          %parallel_loop3A_635 = arith.index_cast %parallel_loop3A_632 : i32 to index
          %parallel_loop3A_636 = tpu.vector_load %arg13[%parallel_loop3A_634, %parallel_loop3A_635] {strides = array<i32>} : memref<48x400xf32, #tpu.memory_space<vmem>>, vector<16xf32>,
          tpu.vector_store %arg13[%parallel_loop3A_634, %parallel_loop3A_635], %parallel_loop3A_630 {strides = array<i32>} : memref<48x400xf32, #tpu.memory_space<vmem>>, vector<16xf32>,
          %parallel_loop3A_637 = arith.constant 25 : i32
          %parallel_loop3A_638 = vector.broadcast %parallel_loop3A_637 : i32 to vector<16xi32>
          %parallel_loop3A_639 = tpu.vector_load_idx %arg11[%parallel_loop3A_411, %parallel_loop3A_638] : memref<400x48xf32, #tpu.memory_space<vmem>>[vector<16xi32>, vector<16xi32>], vector<16xf32>,
          %parallel_loop3A_640 = arith.constant 16 : i32
          %parallel_loop3A_641 = arith.muli %parallel_loop3A_407, %parallel_loop3A_640 : i32
          %parallel_loop3A_642 = arith.constant 25 : i32
          %parallel_loop3A_643 = arith.index_cast %parallel_loop3A_642 : i32 to index
          %parallel_loop3A_644 = arith.index_cast %parallel_loop3A_641 : i32 to index
          %parallel_loop3A_645 = tpu.vector_load %arg13[%parallel_loop3A_643, %parallel_loop3A_644] {strides = array<i32>} : memref<48x400xf32, #tpu.memory_space<vmem>>, vector<16xf32>,
          tpu.vector_store %arg13[%parallel_loop3A_643, %parallel_loop3A_644], %parallel_loop3A_639 {strides = array<i32>} : memref<48x400xf32, #tpu.memory_space<vmem>>, vector<16xf32>,
          %parallel_loop3A_646 = arith.constant 26 : i32
          %parallel_loop3A_647 = vector.broadcast %parallel_loop3A_646 : i32 to vector<16xi32>
          %parallel_loop3A_648 = tpu.vector_load_idx %arg11[%parallel_loop3A_411, %parallel_loop3A_647] : memref<400x48xf32, #tpu.memory_space<vmem>>[vector<16xi32>, vector<16xi32>], vector<16xf32>,
          %parallel_loop3A_649 = arith.constant 16 : i32
          %parallel_loop3A_650 = arith.muli %parallel_loop3A_407, %parallel_loop3A_649 : i32
          %parallel_loop3A_651 = arith.constant 26 : i32
          %parallel_loop3A_652 = arith.index_cast %parallel_loop3A_651 : i32 to index
          %parallel_loop3A_653 = arith.index_cast %parallel_loop3A_650 : i32 to index
          %parallel_loop3A_654 = tpu.vector_load %arg13[%parallel_loop3A_652, %parallel_loop3A_653] {strides = array<i32>} : memref<48x400xf32, #tpu.memory_space<vmem>>, vector<16xf32>,
          tpu.vector_store %arg13[%parallel_loop3A_652, %parallel_loop3A_653], %parallel_loop3A_648 {strides = array<i32>} : memref<48x400xf32, #tpu.memory_space<vmem>>, vector<16xf32>,
          %parallel_loop3A_655 = arith.constant 27 : i32
          %parallel_loop3A_656 = vector.broadcast %parallel_loop3A_655 : i32 to vector<16xi32>
          %parallel_loop3A_657 = tpu.vector_load_idx %arg11[%parallel_loop3A_411, %parallel_loop3A_656] : memref<400x48xf32, #tpu.memory_space<vmem>>[vector<16xi32>, vector<16xi32>], vector<16xf32>,
          %parallel_loop3A_658 = arith.constant 16 : i32
          %parallel_loop3A_659 = arith.muli %parallel_loop3A_407, %parallel_loop3A_658 : i32
          %parallel_loop3A_660 = arith.constant 27 : i32
          %parallel_loop3A_661 = arith.index_cast %parallel_loop3A_660 : i32 to index
          %parallel_loop3A_662 = arith.index_cast %parallel_loop3A_659 : i32 to index
          %parallel_loop3A_663 = tpu.vector_load %arg13[%parallel_loop3A_661, %parallel_loop3A_662] {strides = array<i32>} : memref<48x400xf32, #tpu.memory_space<vmem>>, vector<16xf32>,
          tpu.vector_store %arg13[%parallel_loop3A_661, %parallel_loop3A_662], %parallel_loop3A_657 {strides = array<i32>} : memref<48x400xf32, #tpu.memory_space<vmem>>, vector<16xf32>,
          %parallel_loop3A_664 = arith.constant 28 : i32
          %parallel_loop3A_665 = vector.broadcast %parallel_loop3A_664 : i32 to vector<16xi32>
          %parallel_loop3A_666 = tpu.vector_load_idx %arg11[%parallel_loop3A_411, %parallel_loop3A_665] : memref<400x48xf32, #tpu.memory_space<vmem>>[vector<16xi32>, vector<16xi32>], vector<16xf32>,
          %parallel_loop3A_667 = arith.constant 16 : i32
          %parallel_loop3A_668 = arith.muli %parallel_loop3A_407, %parallel_loop3A_667 : i32
          %parallel_loop3A_669 = arith.constant 28 : i32
          %parallel_loop3A_670 = arith.index_cast %parallel_loop3A_669 : i32 to index
          %parallel_loop3A_671 = arith.index_cast %parallel_loop3A_668 : i32 to index
          %parallel_loop3A_672 = tpu.vector_load %arg13[%parallel_loop3A_670, %parallel_loop3A_671] {strides = array<i32>} : memref<48x400xf32, #tpu.memory_space<vmem>>, vector<16xf32>,
          tpu.vector_store %arg13[%parallel_loop3A_670, %parallel_loop3A_671], %parallel_loop3A_666 {strides = array<i32>} : memref<48x400xf32, #tpu.memory_space<vmem>>, vector<16xf32>,
          %parallel_loop3A_673 = arith.constant 29 : i32
          %parallel_loop3A_674 = vector.broadcast %parallel_loop3A_673 : i32 to vector<16xi32>
          %parallel_loop3A_675 = tpu.vector_load_idx %arg11[%parallel_loop3A_411, %parallel_loop3A_674] : memref<400x48xf32, #tpu.memory_space<vmem>>[vector<16xi32>, vector<16xi32>], vector<16xf32>,
          %parallel_loop3A_676 = arith.constant 16 : i32
          %parallel_loop3A_677 = arith.muli %parallel_loop3A_407, %parallel_loop3A_676 : i32
          %parallel_loop3A_678 = arith.constant 29 : i32
          %parallel_loop3A_679 = arith.index_cast %parallel_loop3A_678 : i32 to index
          %parallel_loop3A_680 = arith.index_cast %parallel_loop3A_677 : i32 to index
          %parallel_loop3A_681 = tpu.vector_load %arg13[%parallel_loop3A_679, %parallel_loop3A_680] {strides = array<i32>} : memref<48x400xf32, #tpu.memory_space<vmem>>, vector<16xf32>,
          tpu.vector_store %arg13[%parallel_loop3A_679, %parallel_loop3A_680], %parallel_loop3A_675 {strides = array<i32>} : memref<48x400xf32, #tpu.memory_space<vmem>>, vector<16xf32>,
          %parallel_loop3A_682 = arith.constant 30 : i32
          %parallel_loop3A_683 = vector.broadcast %parallel_loop3A_682 : i32 to vector<16xi32>
          %parallel_loop3A_684 = tpu.vector_load_idx %arg11[%parallel_loop3A_411, %parallel_loop3A_683] : memref<400x48xf32, #tpu.memory_space<vmem>>[vector<16xi32>, vector<16xi32>], vector<16xf32>,
          %parallel_loop3A_685 = arith.constant 16 : i32
          %parallel_loop3A_686 = arith.muli %parallel_loop3A_407, %parallel_loop3A_685 : i32
          %parallel_loop3A_687 = arith.constant 30 : i32
          %parallel_loop3A_688 = arith.index_cast %parallel_loop3A_687 : i32 to index
          %parallel_loop3A_689 = arith.index_cast %parallel_loop3A_686 : i32 to index
          %parallel_loop3A_690 = tpu.vector_load %arg13[%parallel_loop3A_688, %parallel_loop3A_689] {strides = array<i32>} : memref<48x400xf32, #tpu.memory_space<vmem>>, vector<16xf32>,
          tpu.vector_store %arg13[%parallel_loop3A_688, %parallel_loop3A_689], %parallel_loop3A_684 {strides = array<i32>} : memref<48x400xf32, #tpu.memory_space<vmem>>, vector<16xf32>,
          %parallel_loop3A_691 = arith.constant 31 : i32
          %parallel_loop3A_692 = vector.broadcast %parallel_loop3A_691 : i32 to vector<16xi32>
          %parallel_loop3A_693 = tpu.vector_load_idx %arg11[%parallel_loop3A_411, %parallel_loop3A_692] : memref<400x48xf32, #tpu.memory_space<vmem>>[vector<16xi32>, vector<16xi32>], vector<16xf32>,
          %parallel_loop3A_694 = arith.constant 16 : i32
          %parallel_loop3A_695 = arith.muli %parallel_loop3A_407, %parallel_loop3A_694 : i32
          %parallel_loop3A_696 = arith.constant 31 : i32
          %parallel_loop3A_697 = arith.index_cast %parallel_loop3A_696 : i32 to index
          %parallel_loop3A_698 = arith.index_cast %parallel_loop3A_695 : i32 to index
          %parallel_loop3A_699 = tpu.vector_load %arg13[%parallel_loop3A_697, %parallel_loop3A_698] {strides = array<i32>} : memref<48x400xf32, #tpu.memory_space<vmem>>, vector<16xf32>,
          tpu.vector_store %arg13[%parallel_loop3A_697, %parallel_loop3A_698], %parallel_loop3A_693 {strides = array<i32>} : memref<48x400xf32, #tpu.memory_space<vmem>>, vector<16xf32>,
          %parallel_loop3A_700 = arith.constant 32 : i32
          %parallel_loop3A_701 = vector.broadcast %parallel_loop3A_700 : i32 to vector<16xi32>
          %parallel_loop3A_702 = tpu.vector_load_idx %arg12[%parallel_loop3A_411, %parallel_loop3A_701] : memref<400x48xf32, #tpu.memory_space<vmem>>[vector<16xi32>, vector<16xi32>], vector<16xf32>,
          %parallel_loop3A_703 = arith.constant 16 : i32
          %parallel_loop3A_704 = arith.muli %parallel_loop3A_407, %parallel_loop3A_703 : i32
          %parallel_loop3A_705 = arith.constant 32 : i32
          %parallel_loop3A_706 = arith.index_cast %parallel_loop3A_705 : i32 to index
          %parallel_loop3A_707 = arith.index_cast %parallel_loop3A_704 : i32 to index
          %parallel_loop3A_708 = tpu.vector_load %arg13[%parallel_loop3A_706, %parallel_loop3A_707] {strides = array<i32>} : memref<48x400xf32, #tpu.memory_space<vmem>>, vector<16xf32>,
          tpu.vector_store %arg13[%parallel_loop3A_706, %parallel_loop3A_707], %parallel_loop3A_702 {strides = array<i32>} : memref<48x400xf32, #tpu.memory_space<vmem>>, vector<16xf32>,
          %parallel_loop3A_709 = arith.constant 33 : i32
          %parallel_loop3A_710 = vector.broadcast %parallel_loop3A_709 : i32 to vector<16xi32>
          %parallel_loop3A_711 = tpu.vector_load_idx %arg12[%parallel_loop3A_411, %parallel_loop3A_710] : memref<400x48xf32, #tpu.memory_space<vmem>>[vector<16xi32>, vector<16xi32>], vector<16xf32>,
          %parallel_loop3A_712 = arith.constant 16 : i32
          %parallel_loop3A_713 = arith.muli %parallel_loop3A_407, %parallel_loop3A_712 : i32
          %parallel_loop3A_714 = arith.constant 33 : i32
          %parallel_loop3A_715 = arith.index_cast %parallel_loop3A_714 : i32 to index
          %parallel_loop3A_716 = arith.index_cast %parallel_loop3A_713 : i32 to index
          %parallel_loop3A_717 = tpu.vector_load %arg13[%parallel_loop3A_715, %parallel_loop3A_716] {strides = array<i32>} : memref<48x400xf32, #tpu.memory_space<vmem>>, vector<16xf32>,
          tpu.vector_store %arg13[%parallel_loop3A_715, %parallel_loop3A_716], %parallel_loop3A_711 {strides = array<i32>} : memref<48x400xf32, #tpu.memory_space<vmem>>, vector<16xf32>,
          %parallel_loop3A_718 = arith.constant 34 : i32
          %parallel_loop3A_719 = vector.broadcast %parallel_loop3A_718 : i32 to vector<16xi32>
          %parallel_loop3A_720 = tpu.vector_load_idx %arg12[%parallel_loop3A_411, %parallel_loop3A_719] : memref<400x48xf32, #tpu.memory_space<vmem>>[vector<16xi32>, vector<16xi32>], vector<16xf32>,
          %parallel_loop3A_721 = arith.constant 16 : i32
          %parallel_loop3A_722 = arith.muli %parallel_loop3A_407, %parallel_loop3A_721 : i32
          %parallel_loop3A_723 = arith.constant 34 : i32
          %parallel_loop3A_724 = arith.index_cast %parallel_loop3A_723 : i32 to index
          %parallel_loop3A_725 = arith.index_cast %parallel_loop3A_722 : i32 to index
          %parallel_loop3A_726 = tpu.vector_load %arg13[%parallel_loop3A_724, %parallel_loop3A_725] {strides = array<i32>} : memref<48x400xf32, #tpu.memory_space<vmem>>, vector<16xf32>,
          tpu.vector_store %arg13[%parallel_loop3A_724, %parallel_loop3A_725], %parallel_loop3A_720 {strides = array<i32>} : memref<48x400xf32, #tpu.memory_space<vmem>>, vector<16xf32>,
          %parallel_loop3A_727 = arith.constant 35 : i32
          %parallel_loop3A_728 = vector.broadcast %parallel_loop3A_727 : i32 to vector<16xi32>
          %parallel_loop3A_729 = tpu.vector_load_idx %arg12[%parallel_loop3A_411, %parallel_loop3A_728] : memref<400x48xf32, #tpu.memory_space<vmem>>[vector<16xi32>, vector<16xi32>], vector<16xf32>,
          %parallel_loop3A_730 = arith.constant 16 : i32
          %parallel_loop3A_731 = arith.muli %parallel_loop3A_407, %parallel_loop3A_730 : i32
          %parallel_loop3A_732 = arith.constant 35 : i32
          %parallel_loop3A_733 = arith.index_cast %parallel_loop3A_732 : i32 to index
          %parallel_loop3A_734 = arith.index_cast %parallel_loop3A_731 : i32 to index
          %parallel_loop3A_735 = tpu.vector_load %arg13[%parallel_loop3A_733, %parallel_loop3A_734] {strides = array<i32>} : memref<48x400xf32, #tpu.memory_space<vmem>>, vector<16xf32>,
          tpu.vector_store %arg13[%parallel_loop3A_733, %parallel_loop3A_734], %parallel_loop3A_729 {strides = array<i32>} : memref<48x400xf32, #tpu.memory_space<vmem>>, vector<16xf32>,
          %parallel_loop3A_736 = arith.constant 36 : i32
          %parallel_loop3A_737 = vector.broadcast %parallel_loop3A_736 : i32 to vector<16xi32>
          %parallel_loop3A_738 = tpu.vector_load_idx %arg12[%parallel_loop3A_411, %parallel_loop3A_737] : memref<400x48xf32, #tpu.memory_space<vmem>>[vector<16xi32>, vector<16xi32>], vector<16xf32>,
          %parallel_loop3A_739 = arith.constant 16 : i32
          %parallel_loop3A_740 = arith.muli %parallel_loop3A_407, %parallel_loop3A_739 : i32
          %parallel_loop3A_741 = arith.constant 36 : i32
          %parallel_loop3A_742 = arith.index_cast %parallel_loop3A_741 : i32 to index
          %parallel_loop3A_743 = arith.index_cast %parallel_loop3A_740 : i32 to index
          %parallel_loop3A_744 = tpu.vector_load %arg13[%parallel_loop3A_742, %parallel_loop3A_743] {strides = array<i32>} : memref<48x400xf32, #tpu.memory_space<vmem>>, vector<16xf32>,
          tpu.vector_store %arg13[%parallel_loop3A_742, %parallel_loop3A_743], %parallel_loop3A_738 {strides = array<i32>} : memref<48x400xf32, #tpu.memory_space<vmem>>, vector<16xf32>,
          %parallel_loop3A_745 = arith.constant 37 : i32
          %parallel_loop3A_746 = vector.broadcast %parallel_loop3A_745 : i32 to vector<16xi32>
          %parallel_loop3A_747 = tpu.vector_load_idx %arg12[%parallel_loop3A_411, %parallel_loop3A_746] : memref<400x48xf32, #tpu.memory_space<vmem>>[vector<16xi32>, vector<16xi32>], vector<16xf32>,
          %parallel_loop3A_748 = arith.constant 16 : i32
          %parallel_loop3A_749 = arith.muli %parallel_loop3A_407, %parallel_loop3A_748 : i32
          %parallel_loop3A_750 = arith.constant 37 : i32
          %parallel_loop3A_751 = arith.index_cast %parallel_loop3A_750 : i32 to index
          %parallel_loop3A_752 = arith.index_cast %parallel_loop3A_749 : i32 to index
          %parallel_loop3A_753 = tpu.vector_load %arg13[%parallel_loop3A_751, %parallel_loop3A_752] {strides = array<i32>} : memref<48x400xf32, #tpu.memory_space<vmem>>, vector<16xf32>,
          tpu.vector_store %arg13[%parallel_loop3A_751, %parallel_loop3A_752], %parallel_loop3A_747 {strides = array<i32>} : memref<48x400xf32, #tpu.memory_space<vmem>>, vector<16xf32>,
          %parallel_loop3A_754 = arith.constant 38 : i32
          %parallel_loop3A_755 = vector.broadcast %parallel_loop3A_754 : i32 to vector<16xi32>
          %parallel_loop3A_756 = tpu.vector_load_idx %arg12[%parallel_loop3A_411, %parallel_loop3A_755] : memref<400x48xf32, #tpu.memory_space<vmem>>[vector<16xi32>, vector<16xi32>], vector<16xf32>,
          %parallel_loop3A_757 = arith.constant 16 : i32
          %parallel_loop3A_758 = arith.muli %parallel_loop3A_407, %parallel_loop3A_757 : i32
          %parallel_loop3A_759 = arith.constant 38 : i32
          %parallel_loop3A_760 = arith.index_cast %parallel_loop3A_759 : i32 to index
          %parallel_loop3A_761 = arith.index_cast %parallel_loop3A_758 : i32 to index
          %parallel_loop3A_762 = tpu.vector_load %arg13[%parallel_loop3A_760, %parallel_loop3A_761] {strides = array<i32>} : memref<48x400xf32, #tpu.memory_space<vmem>>, vector<16xf32>,
          tpu.vector_store %arg13[%parallel_loop3A_760, %parallel_loop3A_761], %parallel_loop3A_756 {strides = array<i32>} : memref<48x400xf32, #tpu.memory_space<vmem>>, vector<16xf32>,
          %parallel_loop3A_763 = arith.constant 39 : i32
          %parallel_loop3A_764 = vector.broadcast %parallel_loop3A_763 : i32 to vector<16xi32>
          %parallel_loop3A_765 = tpu.vector_load_idx %arg12[%parallel_loop3A_411, %parallel_loop3A_764] : memref<400x48xf32, #tpu.memory_space<vmem>>[vector<16xi32>, vector<16xi32>], vector<16xf32>,
          %parallel_loop3A_766 = arith.constant 16 : i32
          %parallel_loop3A_767 = arith.muli %parallel_loop3A_407, %parallel_loop3A_766 : i32
          %parallel_loop3A_768 = arith.constant 39 : i32
          %parallel_loop3A_769 = arith.index_cast %parallel_loop3A_768 : i32 to index
          %parallel_loop3A_770 = arith.index_cast %parallel_loop3A_767 : i32 to index
          %parallel_loop3A_771 = tpu.vector_load %arg13[%parallel_loop3A_769, %parallel_loop3A_770] {strides = array<i32>} : memref<48x400xf32, #tpu.memory_space<vmem>>, vector<16xf32>,
          tpu.vector_store %arg13[%parallel_loop3A_769, %parallel_loop3A_770], %parallel_loop3A_765 {strides = array<i32>} : memref<48x400xf32, #tpu.memory_space<vmem>>, vector<16xf32>,
          %parallel_loop3A_772 = arith.constant 40 : i32
          %parallel_loop3A_773 = vector.broadcast %parallel_loop3A_772 : i32 to vector<16xi32>
          %parallel_loop3A_774 = tpu.vector_load_idx %arg12[%parallel_loop3A_411, %parallel_loop3A_773] : memref<400x48xf32, #tpu.memory_space<vmem>>[vector<16xi32>, vector<16xi32>], vector<16xf32>,
          %parallel_loop3A_775 = arith.constant 16 : i32
          %parallel_loop3A_776 = arith.muli %parallel_loop3A_407, %parallel_loop3A_775 : i32
          %parallel_loop3A_777 = arith.constant 40 : i32
          %parallel_loop3A_778 = arith.index_cast %parallel_loop3A_777 : i32 to index
          %parallel_loop3A_779 = arith.index_cast %parallel_loop3A_776 : i32 to index
          %parallel_loop3A_780 = tpu.vector_load %arg13[%parallel_loop3A_778, %parallel_loop3A_779] {strides = array<i32>} : memref<48x400xf32, #tpu.memory_space<vmem>>, vector<16xf32>,
          tpu.vector_store %arg13[%parallel_loop3A_778, %parallel_loop3A_779], %parallel_loop3A_774 {strides = array<i32>} : memref<48x400xf32, #tpu.memory_space<vmem>>, vector<16xf32>,
          %parallel_loop3A_781 = arith.constant 41 : i32
          %parallel_loop3A_782 = vector.broadcast %parallel_loop3A_781 : i32 to vector<16xi32>
          %parallel_loop3A_783 = tpu.vector_load_idx %arg12[%parallel_loop3A_411, %parallel_loop3A_782] : memref<400x48xf32, #tpu.memory_space<vmem>>[vector<16xi32>, vector<16xi32>], vector<16xf32>,
          %parallel_loop3A_784 = arith.constant 16 : i32
          %parallel_loop3A_785 = arith.muli %parallel_loop3A_407, %parallel_loop3A_784 : i32
          %parallel_loop3A_786 = arith.constant 41 : i32
          %parallel_loop3A_787 = arith.index_cast %parallel_loop3A_786 : i32 to index
          %parallel_loop3A_788 = arith.index_cast %parallel_loop3A_785 : i32 to index
          %parallel_loop3A_789 = tpu.vector_load %arg13[%parallel_loop3A_787, %parallel_loop3A_788] {strides = array<i32>} : memref<48x400xf32, #tpu.memory_space<vmem>>, vector<16xf32>,
          tpu.vector_store %arg13[%parallel_loop3A_787, %parallel_loop3A_788], %parallel_loop3A_783 {strides = array<i32>} : memref<48x400xf32, #tpu.memory_space<vmem>>, vector<16xf32>,
          %parallel_loop3A_790 = arith.constant 42 : i32
          %parallel_loop3A_791 = vector.broadcast %parallel_loop3A_790 : i32 to vector<16xi32>
          %parallel_loop3A_792 = tpu.vector_load_idx %arg12[%parallel_loop3A_411, %parallel_loop3A_791] : memref<400x48xf32, #tpu.memory_space<vmem>>[vector<16xi32>, vector<16xi32>], vector<16xf32>,
          %parallel_loop3A_793 = arith.constant 16 : i32
          %parallel_loop3A_794 = arith.muli %parallel_loop3A_407, %parallel_loop3A_793 : i32
          %parallel_loop3A_795 = arith.constant 42 : i32
          %parallel_loop3A_796 = arith.index_cast %parallel_loop3A_795 : i32 to index
          %parallel_loop3A_797 = arith.index_cast %parallel_loop3A_794 : i32 to index
          %parallel_loop3A_798 = tpu.vector_load %arg13[%parallel_loop3A_796, %parallel_loop3A_797] {strides = array<i32>} : memref<48x400xf32, #tpu.memory_space<vmem>>, vector<16xf32>,
          tpu.vector_store %arg13[%parallel_loop3A_796, %parallel_loop3A_797], %parallel_loop3A_792 {strides = array<i32>} : memref<48x400xf32, #tpu.memory_space<vmem>>, vector<16xf32>,
          %parallel_loop3A_799 = arith.constant 43 : i32
          %parallel_loop3A_800 = vector.broadcast %parallel_loop3A_799 : i32 to vector<16xi32>
          %parallel_loop3A_801 = tpu.vector_load_idx %arg12[%parallel_loop3A_411, %parallel_loop3A_800] : memref<400x48xf32, #tpu.memory_space<vmem>>[vector<16xi32>, vector<16xi32>], vector<16xf32>,
          %parallel_loop3A_802 = arith.constant 16 : i32
          %parallel_loop3A_803 = arith.muli %parallel_loop3A_407, %parallel_loop3A_802 : i32
          %parallel_loop3A_804 = arith.constant 43 : i32
          %parallel_loop3A_805 = arith.index_cast %parallel_loop3A_804 : i32 to index
          %parallel_loop3A_806 = arith.index_cast %parallel_loop3A_803 : i32 to index
          %parallel_loop3A_807 = tpu.vector_load %arg13[%parallel_loop3A_805, %parallel_loop3A_806] {strides = array<i32>} : memref<48x400xf32, #tpu.memory_space<vmem>>, vector<16xf32>,
          tpu.vector_store %arg13[%parallel_loop3A_805, %parallel_loop3A_806], %parallel_loop3A_801 {strides = array<i32>} : memref<48x400xf32, #tpu.memory_space<vmem>>, vector<16xf32>,
          %parallel_loop3A_808 = arith.constant 44 : i32
          %parallel_loop3A_809 = vector.broadcast %parallel_loop3A_808 : i32 to vector<16xi32>
          %parallel_loop3A_810 = tpu.vector_load_idx %arg12[%parallel_loop3A_411, %parallel_loop3A_809] : memref<400x48xf32, #tpu.memory_space<vmem>>[vector<16xi32>, vector<16xi32>], vector<16xf32>,
          %parallel_loop3A_811 = arith.constant 16 : i32
          %parallel_loop3A_812 = arith.muli %parallel_loop3A_407, %parallel_loop3A_811 : i32
          %parallel_loop3A_813 = arith.constant 44 : i32
          %parallel_loop3A_814 = arith.index_cast %parallel_loop3A_813 : i32 to index
          %parallel_loop3A_815 = arith.index_cast %parallel_loop3A_812 : i32 to index
          %parallel_loop3A_816 = tpu.vector_load %arg13[%parallel_loop3A_814, %parallel_loop3A_815] {strides = array<i32>} : memref<48x400xf32, #tpu.memory_space<vmem>>, vector<16xf32>,
          tpu.vector_store %arg13[%parallel_loop3A_814, %parallel_loop3A_815], %parallel_loop3A_810 {strides = array<i32>} : memref<48x400xf32, #tpu.memory_space<vmem>>, vector<16xf32>,
          %parallel_loop3A_817 = arith.constant 45 : i32
          %parallel_loop3A_818 = vector.broadcast %parallel_loop3A_817 : i32 to vector<16xi32>
          %parallel_loop3A_819 = tpu.vector_load_idx %arg12[%parallel_loop3A_411, %parallel_loop3A_818] : memref<400x48xf32, #tpu.memory_space<vmem>>[vector<16xi32>, vector<16xi32>], vector<16xf32>,
          %parallel_loop3A_820 = arith.constant 16 : i32
          %parallel_loop3A_821 = arith.muli %parallel_loop3A_407, %parallel_loop3A_820 : i32
          %parallel_loop3A_822 = arith.constant 45 : i32
          %parallel_loop3A_823 = arith.index_cast %parallel_loop3A_822 : i32 to index
          %parallel_loop3A_824 = arith.index_cast %parallel_loop3A_821 : i32 to index
          %parallel_loop3A_825 = tpu.vector_load %arg13[%parallel_loop3A_823, %parallel_loop3A_824] {strides = array<i32>} : memref<48x400xf32, #tpu.memory_space<vmem>>, vector<16xf32>,
          tpu.vector_store %arg13[%parallel_loop3A_823, %parallel_loop3A_824], %parallel_loop3A_819 {strides = array<i32>} : memref<48x400xf32, #tpu.memory_space<vmem>>, vector<16xf32>,
          %parallel_loop3A_826 = arith.constant 46 : i32
          %parallel_loop3A_827 = vector.broadcast %parallel_loop3A_826 : i32 to vector<16xi32>
          %parallel_loop3A_828 = tpu.vector_load_idx %arg12[%parallel_loop3A_411, %parallel_loop3A_827] : memref<400x48xf32, #tpu.memory_space<vmem>>[vector<16xi32>, vector<16xi32>], vector<16xf32>,
          %parallel_loop3A_829 = arith.constant 16 : i32
          %parallel_loop3A_830 = arith.muli %parallel_loop3A_407, %parallel_loop3A_829 : i32
          %parallel_loop3A_831 = arith.constant 46 : i32
          %parallel_loop3A_832 = arith.index_cast %parallel_loop3A_831 : i32 to index
          %parallel_loop3A_833 = arith.index_cast %parallel_loop3A_830 : i32 to index
          %parallel_loop3A_834 = tpu.vector_load %arg13[%parallel_loop3A_832, %parallel_loop3A_833] {strides = array<i32>} : memref<48x400xf32, #tpu.memory_space<vmem>>, vector<16xf32>,
          tpu.vector_store %arg13[%parallel_loop3A_832, %parallel_loop3A_833], %parallel_loop3A_828 {strides = array<i32>} : memref<48x400xf32, #tpu.memory_space<vmem>>, vector<16xf32>,
          %parallel_loop3A_835 = arith.constant 47 : i32
          %parallel_loop3A_836 = vector.broadcast %parallel_loop3A_835 : i32 to vector<16xi32>
          %parallel_loop3A_837 = tpu.vector_load_idx %arg12[%parallel_loop3A_411, %parallel_loop3A_836] : memref<400x48xf32, #tpu.memory_space<vmem>>[vector<16xi32>, vector<16xi32>], vector<16xf32>,
          %parallel_loop3A_838 = arith.constant 16 : i32
          %parallel_loop3A_839 = arith.muli %parallel_loop3A_407, %parallel_loop3A_838 : i32
          %parallel_loop3A_840 = arith.constant 47 : i32
          %parallel_loop3A_841 = arith.index_cast %parallel_loop3A_840 : i32 to index
          %parallel_loop3A_842 = arith.index_cast %parallel_loop3A_839 : i32 to index
          %parallel_loop3A_843 = tpu.vector_load %arg13[%parallel_loop3A_841, %parallel_loop3A_842] {strides = array<i32>} : memref<48x400xf32, #tpu.memory_space<vmem>>, vector<16xf32>,
          tpu.vector_store %arg13[%parallel_loop3A_841, %parallel_loop3A_842], %parallel_loop3A_837 {strides = array<i32>} : memref<48x400xf32, #tpu.memory_space<vmem>>, vector<16xf32>,
        } {sc.loop_unroll_factor = 2 : i64, sc.parallel_access}
        %dma_start3A_403 = arith.constant 0 : i32
        %dma_start3A_404 = tpu.memref_slice %arg5[%dma_start3A_403, %mul3A_393] : memref<48x100000xf32, #tpu.memory_space<hbm>> -> memref<48x400xf32, #tpu.memory_space<hbm>>
        %dma_start3A_405 = arith.constant 0 : i32
        %dma_start3A_406 = tpu.memref_slice %arg5[%dma_start3A_405, %mul3A_393] : memref<48x100000xf32, #tpu.memory_space<hbm>> -> memref<48x400xf32, #tpu.memory_space<hbm>>
        tpu.enqueue_dma source(%arg13 : memref<48x400xf32, #tpu.memory_space<vmem>>) target(%dma_start3A_406 : memref<48x400xf32, #tpu.memory_space<hbm>>) target_semaphore(%arg17 : memref<!tpu.dma_semaphore, #tpu.memory_space<semaphore_mem>>)
      } else {
      }
    }
    %scan3A_107 = arith.constant 4 : i32
    %dma_wait3A = arith.constant 0 : i32
    %dma_wait3A_108 = arith.constant 0 : i32
    %dma_wait3A_109 = tpu.memref_slice %arg5[%dma_wait3A, %dma_wait3A_108] : memref<48x100000xf32, #tpu.memory_space<hbm>> -> memref<48x400xf32, #tpu.memory_space<hbm>>
    %dma_wait3A_110 = arith.constant 0 : i32
    %dma_wait3A_111 = arith.constant 0 : i32
    %dma_wait3A_112 = tpu.memref_slice %arg5[%dma_wait3A_110, %dma_wait3A_111] : memref<48x100000xf32, #tpu.memory_space<hbm>> -> memref<48x400xf32, #tpu.memory_space<hbm>>
    tpu.wait_dma2 semaphore(%arg16 : memref<!tpu.dma_semaphore, #tpu.memory_space<semaphore_mem>>) src(%arg10 : memref<48x400xf32, #tpu.memory_space<vmem>>) dst(%dma_wait3A_112 : memref<48x400xf32, #tpu.memory_space<hbm>>)
    %dma_wait3A_113 = arith.constant 0 : i32
    %dma_wait3A_114 = arith.constant 0 : i32
    %dma_wait3A_115 = tpu.memref_slice %arg5[%dma_wait3A_113, %dma_wait3A_114] : memref<48x100000xf32, #tpu.memory_space<hbm>> -> memref<48x400xf32, #tpu.memory_space<hbm>>
    %dma_wait3A_116 = arith.constant 0 : i32
    %dma_wait3A_117 = arith.constant 0 : i32
    %dma_wait3A_118 = tpu.memref_slice %arg5[%dma_wait3A_116, %dma_wait3A_117] : memref<48x100000xf32, #tpu.memory_space<hbm>> -> memref<48x400xf32, #tpu.memory_space<hbm>>
    tpu.wait_dma2 semaphore(%arg17 : memref<!tpu.dma_semaphore, #tpu.memory_space<semaphore_mem>>) src(%arg13 : memref<48x400xf32, #tpu.memory_space<vmem>>) dst(%dma_wait3A_118 : memref<48x400xf32, #tpu.memory_space<hbm>>)
    return
  }
}

</mosaic_0001>

<sc_bundles>
// kernel: _sc_embed.3.cloned.1.call-start
scs
__scs_entry_jumppad:
0x0: {  	(pc) =	sbr.rel $0x88, $3  }
0x1: {  	(tag) =	ssettag $0x0;
	lr =	simm.s32 $0x1  }
0x2: {  	[smem:$0x3F9E] =	sst lr;
	_ =	strace $0xD0000000  }
0x3: {  	_ = 	snop  }
0x4: {  	_ = 	snop  }
0x5: {  	_ = 	snop  }
0x6: {  	_ = 	snop  }
0x7: {  	_ = 	snop  }
__scs_overlays_trampoline_lowered:
0x8: {  	[smem:$0x3FAD] =	sst s0  }
0x9: {  	[smem:$0x3FAE] =	sst s1  }
0xa: {  	[smem:$0x3FAF] =	sst s2  }
0xb: {  	[smem:$0x3FB0] =	sst s3  }
0xc: {  	[smem:$0x3FB1] =	sst s4  }
0xd: {  	[smem:$0x3FB2] =	sst s5  }
0xe: {  	[smem:$0x3FB3] =	sst s6  }
0xf: {  	[smem:$0x3FB4] =	sst s7  }
0x10: {  	[smem:$0x3FB5] =	sst s8  }
0x11: {  	[smem:$0x3FB6] =	sst s9;
	s0 =	simm.s32 @!p0 $0x0  }
0x12: {  	s1 =	sld [smem:$0x3F9C];
	s0 =	simm.s32 @p0 $0x1  }
0x13: {  	[smem:$0x3FB7] =	sst s0;
	s0 =	simm.s32 @!p1 $0x0  }
0x14: {  	s2 =	sld [smem:$0x3F9B];
	s0 =	simm.s32 @p1 $0x1  }
0x15: {  	[smem:$0x3FB8] =	sst s0;
	s0 =	simm.s32 @!p2 $0x0  }
0x16: {  	s3 =	sld [smem:$0x3FDB];
	s0 =	simm.s32 @p2 $0x1  }
0x17: {  	s4 =	simm.s32 $0x1BF5;
	[smem:$0x3FBA] =	sst s0  }
0x18: {  	s0 =	sld [smem:$0x3F9D];
	_ =	swait.ge [sflag:s4], $0x0  }
0x19: {  	s7 =	sld [smem:$0x3F9E]  }
0x1a: {  	s8 =	sadd.s32 $0xFFFFE003, lr  }
0x1b: {  	s9 =	sadd.s32 $0xFFFFFEF7, lr;
	s5 =	simm.s32 $0xFFFFFFFF;
	p2 =	slt.u32 s8, $0xFFFFF086  }
0x1c: {  	p1 =	slt.u32 s9, $0xF7A;
	s5 =	simm.s32 @!p2 $0x0  }
0x1d: {  	s5 =	simm.s32 @p1 $0x1;
	p0 =	seq.s32 s7, s2  }
0x1e: {  	s7 =	smul.u32 @!p0 $0xF7A, s2;
	p2 =	seq.s32 @!p0 s5, $0x0  }
0x1f: {  	s9 =	smul.u32 $0xF7A, s1;
	s8 =	simm.s32 @!p0 $0x1BF5;
	p2 =	por !p2, p0  }
0x20: {  	[sflag:s8] =	ssyncset.s32 @!p0 $0xFFFFF086;
	s6 =	sadd.s32 @!p0 s3, s7;
	s7 =	simm.s32 @!p0 $0x108  }
0x21: {  	s3 =	sadd.s32 s3, s9;
	s6 =	sadd.s32 @!p0 $0x88, s6;
	s7 =	simm.s32 @p2 $0x1082  }
0x22: {  	[simem:s7], [sflag:s8] =	dma.local @!p0 [hbm:s6], $0xF7A  }
0x23: {  	s9 =	sor.u32 $0xD0000000, s2;
	s6 =	simm.s32 $0x108;
	_ =	swait.ge @!p0 [sflag:s8], $0x0  }
0x24: {  	s3 =	sadd.s32 $0x88, s3;
	s6 =	simm.s32 @!p1 $0x1082;
	[sflag:s4] =	ssyncset.s32 $0xFFFFF086  }
0x25: {  	[simem:s6], [sflag:s4] =	dma.local [hbm:s3], $0xF7A  }
0x26: {  	[smem:$0x3F9E] =	sst s1;
	(tag) =	ssettag s2;
	_ =	strace s9  }
0x27: {  	s1 =	sld [smem:$0x3FAE]  }
0x28: {  	s2 =	sld [smem:$0x3FAF]  }
0x29: {  	s4 =	sld [smem:$0x3FB1]  }
0x2a: {  	p0 =	seq.s32 s5, $0x0;
	s5 =	sld [smem:$0x3FB2]  }
0x2b: {  	s6 =	sld [smem:$0x3FB3]  }
0x2c: {  	s7 =	sld [smem:$0x3FB4]  }
0x2d: {  	s3 =	simm.s32 $0x108;
	s8 =	sld [smem:$0x3FB5]  }
0x2e: {  	s3 =	simm.s32 @!p0 $0x1082;
	s9 =	sld [smem:$0x3FB6]  }
0x2f: {  	lr =	sadd.s32 s0, s3;
	s0 =	sld [smem:$0x3FAD]  }
0x30: {  	s3 =	sld [smem:$0x3FB0]  }
0x31: {  	[smem:$0x3FB9] =	sst s10  }
0x32: {  	s10 =	sld [smem:$0x3FB7];
	_ =	sdelay $0x3  }
0x33: {  	p0 =	seq.s32 s10, $0x1;
	s10 =	sld [smem:$0x3FB9];
	_ =	sdelay $0x3  }
0x34: {  	[smem:$0x3FB9] =	sst s10  }
0x35: {  	s10 =	sld [smem:$0x3FB8];
	_ =	sdelay $0x3  }
0x36: {  	p1 =	seq.s32 s10, $0x1;
	s10 =	sld [smem:$0x3FB9];
	_ =	sdelay $0x3  }
0x37: {  	[smem:$0x3FB9] =	sst s10  }
0x38: {  	s10 =	sld [smem:$0x3FBA]  }
0x39: {  	_ = 	snop;
	(pc) =	sbr.ind lr, $3  }
0x3a: {  	_ = 	snop  }
0x3b: {  	_ = 	snop  }
0x3c: {  	p2 =	seq.s32 s10, $0x1;
	s10 =	sld [smem:$0x3FB9]  }
0x3d: {  	_ =	shalt  }
0x3e: {  	_ =	shalt  }
0x3f: {  	_ =	shalt  }
0x40: {  	_ =	shalt  }
0x41: {  	_ =	shalt  }
0x42: {  	_ =	shalt  }
0x43: {  	_ =	shalt  }
0x44: {  	_ =	shalt  }
0x45: {  	_ =	shalt  }
0x46: {  	_ =	shalt  }
0x47: {  	_ =	shalt  }
0x48: {  	_ =	shalt  }
0x49: {  	_ =	shalt  }
0x4a: {  	_ =	shalt  }
0x4b: {  	_ =	shalt  }
0x4c: {  	_ =	shalt  }
0x4d: {  	_ =	shalt  }
0x4e: {  	_ =	shalt  }
0x4f: {  	_ =	shalt  }
0x50: {  	_ =	shalt  }
0x51: {  	_ =	shalt  }
0x52: {  	_ =	shalt  }
0x53: {  	_ =	shalt  }
0x54: {  	_ =	shalt  }
0x55: {  	_ =	shalt  }
0x56: {  	_ =	shalt  }
0x57: {  	_ =	shalt  }
0x58: {  	_ =	shalt  }
0x59: {  	_ =	shalt  }
0x5a: {  	_ =	shalt  }
0x5b: {  	_ =	shalt  }
0x5c: {  	_ =	shalt  }
0x5d: {  	_ =	shalt  }
0x5e: {  	_ =	shalt  }
0x5f: {  	_ =	shalt  }
0x60: {  	_ =	shalt  }
0x61: {  	_ =	shalt  }
0x62: {  	_ =	shalt  }
0x63: {  	_ =	shalt  }
0x64: {  	_ =	shalt  }
0x65: {  	_ =	shalt  }
0x66: {  	_ =	shalt  }
0x67: {  	_ =	shalt  }
0x68: {  	_ =	shalt  }
0x69: {  	_ =	shalt  }
0x6a: {  	_ =	shalt  }
0x6b: {  	_ =	shalt  }
0x6c: {  	_ =	shalt  }
0x6d: {  	_ =	shalt  }
0x6e: {  	_ =	shalt  }
0x6f: {  	_ =	shalt  }
0x70: {  	_ =	shalt  }
0x71: {  	_ =	shalt  }
0x72: {  	_ =	shalt  }
0x73: {  	_ =	shalt  }
0x74: {  	_ =	shalt  }
0x75: {  	_ =	shalt  }
0x76: {  	_ =	shalt  }
0x77: {  	_ =	shalt  }
0x78: {  	_ =	shalt  }
0x79: {  	_ =	shalt  }
0x7a: {  	_ =	shalt  }
0x7b: {  	_ =	shalt  }
0x7c: {  	_ =	shalt  }
0x7d: {  	_ =	shalt  }
0x7e: {  	_ =	shalt  }
0x7f: {  	_ =	shalt  }
0x80: {  	_ =	shalt  }
0x81: {  	_ =	shalt  }
0x82: {  	_ =	shalt  }
0x83: {  	_ =	shalt  }
0x84: {  	_ =	shalt  }
0x85: {  	_ =	shalt  }
0x86: {  	_ =	shalt  }
0x87: {  	_ =	shalt  }
.Lfunc_end0:
.L_simem_size_0:
called_computation_lowered:
.L_overlay_start_0:
0x88: {  	s2 =	sld [smem:$0x3FD9]  }
0x89: {  	s3 =	sld [smem:$0x3FFE];
	_ =	sdelay $0x1  }
0x8a: {  	s1 =	srdreg.scid  }
0x8b: {  	s0 =	sand.u32 $0x1, s1  }
0x8c: {  	s17 =	sshll.u32 s0, $0xA;
	s2 =	sadd.s32 s3, s2  }
0x8d: {  	s2 =	sadd.s32 s2, s17  }
0x8e: {  	[smem:$0x3FC5] =	sst s2  }
0x8f: {  	_ = 	snop  }
0x90: {  	s2 =	sld [smem:$0x3FC9]  }
0x91: {  	s18 =	sld [smem:$0x3FC8]  }
0x92: {  	s4 =	sld [smem:$0x3FD0];
	(tm) =	ssettm $0x1  }
0x93: {  	s5 =	sld [smem:$0x3FFB];
	_ =	sdelay $0x3  }
0x94: {  	_ =	strace s5  }
0x95: {  	s5 =	sld [smem:$0x3FFC];
	_ =	sdelay $0x3  }
0x96: {  	_ =	strace s5  }
0x97: {  	s5 =	sld [smem:$0x3FFD];
	_ =	sdelay $0x3  }
0x98: {  	_ =	strace s5  }
0x99: {  	_ =	strace $0x8FFFFFFF  }
0x9a: {  	s19 =	sld [smem:$0x3FDB];
	_ =	sdelay $0x1  }
0x9b: {  	s6 =	simm.s32 $_scs_section_size  }
0x9c: {  	s7 =	simm.s32 $_size__tile_overlayer_lowered;
	s8 =	simm.s32 $_tile_overlayer_lowered  }
0x9d: {  	s22 =	simm.s32 $0x1BFF;
	s21 =	sshll.u32 s8, $0x1;
	s5 =	sadd.s32 s6, s19  }
0x9e: {  	s9 =	simm.s32 $0x0;
	s20 =	sshll.u32 s7, $0x1;
	s7 =	sadd.s32 s21, s5  }
0x9f: {  	[timem:s9], [sflag:s22] =	dma.local [hbm:s7], s20  }
0xa0: {  	_ =	swait.ge [sflag:s22], s20  }
0xa1: {  	s6 =	ssub.s32 $0x0, s20;
	[sflag:s22] =	ssyncset.done $0x0  }
0xa2: {  	[sflag:s22] =	ssyncadd.s32 s6;
	_ =	sdelay $0x1  }
0xa3: {  	s23 =	simm.s32 $0x1B8B  }
0xa4: {  	_ =	swait.ge [sflag:s23], $0x1  }
0xa5: {  	[sflag:s23] =	ssyncset.done $0x0  }
0xa6: {  	s25 =	simm.s32 $0x1B8E;
	s24 =	sld [smem:$0x3FFE];
	[sflag:s23] =	ssyncadd.s32 $0xFFFFFFFF  }
0xa7: {  	s26 =	simm.s32 $execute0_lowered;
	[smem:$0x3FD2] =	sst s25  }
0xa8: {  	s7 =	sshll.u32 s26, $0x1;
	_ =	strace $0x80000046;
	[dreg:$0x1] =	wrdreg $0xFFFFFFFF  }
0xa9: {  	s28 =	simm.s32 $_size_execute0_lowered;
	s5 =	sadd.s32 s5, s7;
	[dreg:$0x0] =	wrdreg $0x0  }
0xaa: {  	s7 =	sshll.u32 s28, $0x1;
	[dreg:$0x2] =	wrdreg s5  }
0xab: {  	[dreg:$0x3] =	wrdreg s7  }
0xac: {  	[dreg:$0x4] =	wrdreg $0xC0  }
0xad: {  	_ =	task [dreg:s9], $0x5FFFF  }
0xae: {  	[dreg:$0x1] =	wrdreg $0xFFFFFFFF  }
0xaf: {  	[dreg:$0x0] =	wrdreg $0x60  }
0xb0: {  	[dreg:$0x2] =	wrdreg s2  }
0xb1: {  	[dreg:$0x3] =	wrdreg s18  }
0xb2: {  	[dreg:$0x4] =	wrdreg s4  }
0xb3: {  	[dreg:$0x5] =	wrdreg s24  }
0xb4: {  	[dreg:$0x6] =	wrdreg $0x9  }
0xb5: {  	_ =	task.clear_ibuf [dreg:s9], $0x7FFFF;
	_ =	strace $0x90000046  }
0xb6: {  	s29 =	simm.s32 $0x9;
	_ =	strace $0x80000048  }
0xb7: {  	_ =	swait.ge [sflag:s29], $0x1  }
0xb8: {  	[sflag:s29] =	ssyncadd.s32 $0xFFFFFFFF  }
0xb9: {  	_ =	strace $0x90000048  }
0xba: {  	_ =	sfence  }
0xbb: {  	s30 =	sld [smem:$0x0];
	_ =	sdelay $0x2  }
0xbc: {  	s31 =	sshll.u32 s1, $0xD;
	s1 =	sshrl.u32 s1, $0x2  }
0xbd: {  	s3 =	sand.u32 $0x4000, s31;
	s1 =	sadd.s32 s1, s30  }
0xbe: {  	s0 =	sor.u32 s3, s0;
	s1 =	sshll.u32 s1, $0x11  }
0xbf: {  	s0 =	sor.u32 s1, s0  }
0xc0: {  	s0 =	sadd.s32 $0x8F2B, s0  }
0xc1: {  	[sflag:s0] =	ssyncadd.remote.s32 $0x1  }
0xc2: {  	_ =	sfence.sel $0xFFFF  }
0xc3: {  	[dreg:$0x0] =	wrdreg $0xFFFFFFFF;
	(pc) =	sbr.abs _section_cstart, $3  }
0xc4: {  	[dreg:$0x1] =	wrdreg $0xFFFFFFFF  }
0xc5: {  	_ =	task.clear_ibuf [dreg:s9], $0x2FFFF;
	_ =	strace $0x9FFFFFFF  }
0xc6: {  	(tm) =	ssettm $0x7FFFFFFF  }
0xc7: {  	_ =	shalt  }
tec
execute0_lowered:
.L_overlay_start_1:
0x0: {  	(tag) =	ssettag $0x1  }
0x1: {  	v0 =	vlaneseq.u32  }
0x2: {  	v0 =	vmul.u32 $0x30, v0;
	_ =	sdelay $0x1  }
0x3: {  	v1 =	vor.u32 $0x1, v0  }
0x4: {  	[tilespmem:$0x1FD50] =	vst v1;
	v1 =	vor.u32 $0x2, v0  }
0x5: {  	[tilespmem:$0x1FD60] =	vst v1;
	v1 =	vor.u32 $0x3, v0  }
0x6: {  	[tilespmem:$0x1FD70] =	vst v1;
	v1 =	vor.u32 $0x4, v0  }
0x7: {  	[tilespmem:$0x1FD80] =	vst v1;
	v1 =	vor.u32 $0x5, v0  }
0x8: {  	[tilespmem:$0x1FD90] =	vst v1;
	v1 =	vor.u32 $0x6, v0  }
0x9: {  	[tilespmem:$0x1FDA0] =	vst v1;
	v1 =	vor.u32 $0x7, v0  }
0xa: {  	s0 =	rddreg [dreg:$0x0];
	[tilespmem:$0x1FDB0] =	vst v1;
	v1 =	vor.u32 $0x8, v0  }
0xb: {  	s2 =	rddreg [dreg:$0x1];
	s3 =	srdreg.scid;
	[tilespmem:$0x1FDC0] =	vst v1;
	v1 =	vor.u32 $0x9, v0  }
0xc: {  	s1 =	rddreg [dreg:$0x2];
	s4 =	sand.u32 $0x1, s3;
	s3 =	simm.s32 $0x0;
	[tilespmem:$0x1FDD0] =	vst v1;
	v1 =	vor.u32 $0xA, v0  }
0xd: {  	[smem:$0x7FF] =	sst s3;
	[tilespmem:$0x1FDE0] =	vst v1;
	v1 =	vadd.s32 $0x1E, v0  }
0xe: {  	s5 =	rddreg [dreg:$0x3];
	v61 =	vadd.s32 $0x1D, v0;
	_ =	strace $0x80000047;
	[tilespmem:$0x1FDF0] =	vst v1  }
0xf: {  	v62 =	vadd.s32 $0x1F, v0;
	[tilespmem:$0x1FF20] =	vst v61  }
0x10: {  	v12 =	vadd.s32 $0x20, v0;
	[tilespmem:$0x1FF30] =	vst v62  }
0x11: {  	v17 =	vadd.s32 $0x21, v0;
	[tilespmem:$0x1FF40] =	vst v12  }
0x12: {  	v18 =	vadd.s32 $0x25, v0;
	[tilespmem:$0x1FF50] =	vst v17  }
0x13: {  	v19 =	vadd.s32 $0x23, v0;
	[tilespmem:$0x1FF60] =	vst v18  }
0x14: {  	v6 =	vor.u32 $0xC, v0;
	[tilespmem:$0x1FF70] =	vst v19  }
0x15: {  	v20 =	vadd.s32 $0x2C, v0;
	[tilespmem:$0x1FF80] =	vst v6  }
0x16: {  	v44 =	vadd.s32 $0x2D, v0;
	[tilespmem:$0x1FF90] =	vst v20  }
0x17: {  	v40 =	vadd.s32 $0x2A, v0;
	[tilespmem:$0x1FFA0] =	vst v44  }
0x18: {  	v41 =	vadd.s32 $0x2F, v0;
	[tilespmem:$0x1FFB0] =	vst v40  }
0x19: {  	v45 =	vadd.s32 $0x1A, v0;
	[tilespmem:$0x1FFC0] =	vst v41  }
0x1a: {  	v11 =	vadd.s32 $0x1B, v0;
	[tilespmem:$0x1FFD0] =	vst v45  }
0x1b: {  	v63 =	vadd.s32 $0x24, v0;
	[tilespmem:$0x1FFE0] =	vst v11  }
0x1c: {  	v1 =	vadd.s32 $0x22, v0;
	[tilespmem:$0x1FFF0] =	vst v63  }
0x1d: {  	[tilespmem:$0x1FE00] =	vst v1;
	v1 =	vadd.s32 $0x28, v0  }
0x1e: {  	[tilespmem:$0x1FE10] =	vst v1;
	v1 =	vadd.s32 $0x29, v0  }
0x1f: {  	[tilespmem:$0x1FE20] =	vst v1;
	v1 =	vadd.s32 $0x2E, v0  }
0x20: {  	s10 =	stileid.u32;
	s13 =	simm.s32 $0x5;
	s15 =	simm.s32 $0x50;
	[tilespmem:$0x1FE30] =	vst v1;
	v1 =	vor.u32 $0x4800, v0  }
0x21: {  	s16 =	simm.s32 $0x1900;
	s17 =	simm.s32 $0x6400;
	s24 =	sshll.u32 s10, $0x1;
	[tilespmem:$0x1FE40] =	vst v1;
	v1 =	vor.u32 $0x4801, v0  }
0x22: {  	s18 =	simm.s32 $0x1;
	s19 =	simm.s32 $0x190;
	s6 =	sor.u32 s4, s24;
	[tilespmem:$0x1FE50] =	vst v1;
	v1 =	vor.u32 $0x4802, v0  }
0x23: {  	s20 =	simm.s32 $0x186A0;
	s21 =	simm.s32 $0xAF00;
	s7 =	smul.u32 $0x7, s6;
	[tilespmem:$0x1FE60] =	vst v1;
	v1 =	vor.u32 $0x4803, v0  }
0x24: {  	s22 =	simm.s32 $0x2;
	s23 =	simm.s32 $0xFA00;
	s6 =	smin.u32 s6, $0x1A;
	[tilespmem:$0x1FE70] =	vst v1;
	v1 =	vor.u32 $0x4804, v0  }
0x25: {  	s28 =	simm.s32 $0x4;
	s8 =	ssub.s32 $0x2, s4;
	s4 =	sadd.s32 s6, s7;
	[tilespmem:$0x1FE80] =	vst v1;
	v1 =	vor.u32 $0x4805, v0  }
0x26: {  	s29 =	simm.s32 $0x0;
	p0 =	slt.u32 s10, $0xD;
	v21 =	vor.u32 $0xB, v0;
	s7 =	smul.u32 $0x190, s4;
	[tilespmem:$0x1FE90] =	vst v1;
	v1 =	vor.u32 $0x4806, v0  }
0x27: {  	s5 =	sadd.s32 $0x400, s5;
	s24 =	simm.s32 $0x14500;
	v23 =	vor.u32 $0xD, v0;
	v25 =	vor.u32 $0xE, v0;
	s9 =	sshrl.u32 s8, $0x1;
	[tilespmem:$0x1FEA0] =	vst v1;
	v1 =	vor.u32 $0x4807, v0  }
0x28: {  	v26 =	vor.u32 $0xF, v0;
	v27 =	vadd.s32 $0x10, v0;
	s8 =	ssub.s32 s8, s9;
	s6 =	simm.s32 $0x8;
	s7 =	sshrl.u32 s7, $0x3;
	[tilespmem:$0x1FEB0] =	vst v1;
	v1 =	vor.u32 $0x4808, v0  }
0x29: {  	v28 =	vadd.s32 $0x11, v0;
	v29 =	vadd.s32 $0x12, v0;
	s31 =	smax.u32 s8, $0x1;
	s25 =	sadd.s32 s0, s7;
	s26 =	sadd.s32 s2, s7;
	[tilespmem:$0x1FEC0] =	vst v1;
	v1 =	vor.u32 $0x4809, v0  }
.Ltmp0:
0x2a: {  	v30 =	vadd.s32 $0x13, v0;
	v31 =	vadd.s32 $0x14, v0;
	s7 =	sadd.s32 $0x15E, s7;
	[dreg:$0x5] =	wrdreg s25;
	[tilespmem:$0x1FED0] =	vst v1;
	v1 =	vor.u32 $0x480A, v0;
	(pc) =	sbr.rel .LBB2_1-.Ltmp0, $4  }
0x2b: {  	v32 =	vadd.s32 $0x15, v0;
	v33 =	vadd.s32 $0x16, v0;
	s6 =	simm.s32 @!p0 $0x7;
	s0 =	sadd.s32 s0, s7;
	[dreg:$0x6] =	wrdreg s26;
	[tilespmem:$0x1FEE0] =	vst v1;
	v1 =	vor.u32 $0x480B, v0  }
0x2c: {  	v34 =	vadd.s32 $0x17, v0;
	v35 =	vadd.s32 $0x18, v0;
	s11 =	sadd.s32 $0x2, s4;
	s30 =	sadd.s32 s2, s7;
	[dreg:$0x7] =	wrdreg s0;
	[tilespmem:$0x1FEF0] =	vst v1;
	v1 =	vor.u32 $0x480C, v0  }
0x2d: {  	v36 =	vadd.s32 $0x19, v0;
	v10 =	vadd.s32 $0x1C, v0;
	p0 =	sgt.u32 s10, $0xC;
	s6 =	sadd.s32 s6, s4;
	[dreg:$0x8] =	wrdreg s30;
	[tilespmem:$0x1FF00] =	vst v1;
	v1 =	vor.u32 $0x480D, v0  }
0x2e: {  	v58 =	vadd.s32 $0x26, v0;
	v37 =	vadd.s32 $0x27, v0;
	v42 =	vadd.s32 $0x2B, v0;
	[dreg:$0x9] =	wrdreg s31;
	s25 =	simm.s32 $0x19000;
	s26 =	simm.s32 $0x3;
	[tilespmem:$0x1FF10] =	vst v1  }
.LBB2_9:
0x2f: {  	_ =	swait.ge [sflag:s26], $0x4B00  }
0x30: {  	[sflag:s26] =	ssyncset.done $0x0  }
0x31: {  	[sflag:s26] =	ssyncadd.s32 $0xFFFFB500  }
0x32: {  	_ =	swait.ge [sflag:s28], $0x4B00  }
0x33: {  	s29 =	sadd.s32 $0x1, s29;
	s0 =	rddreg [dreg:$0x9]  }
0x34: {  	p1 =	sne.s32 s29, s0  }
.Ltmp1:
0x35: {  	_ = 	snop;
	(pc) =	sbr.rel @!p1 .LBB2_10-.Ltmp1, $3  }
0x36: {  	_ =	sdelay $0x1  }
0x37: {  	[sflag:s28] =	ssyncset.done $0x0  }
0x38: {  	[sflag:s28] =	ssyncadd.s32 $0xFFFFB500  }
.LBB2_1:
0x39: {  	s0 =	rddreg [dreg:$0x5]  }
0x3a: {  	[tilespmem:s3], [sflag:$0x5] =	stream.linear.gather [hbm4b:s0+s3], $0xAF0, $0x38;
	[tilespmem:$0x1DB00] =	vst v63  }
0x3b: {  	_ =	swait.ge [sflag:s13], $0xAF0  }
0x3c: {  	[sflag:s13] =	ssyncset.done $0x0  }
0x3d: {  	s9 =	simm.s32 $0xC80;
	s2 =	rddreg [dreg:$0x6];
	[sflag:s13] =	ssyncadd.s32 $0xFFFFF510  }
0x3e: {  	[tilespmem:s9], [sflag:$0x5] =	stream.linear.gather [hbm4b:s2+s3], $0xAF0, $0x38;
	[tilespmem:$0x1DB00] =	vst v63  }
0x3f: {  	_ =	swait.ge [sflag:s13], $0xAF0  }
0x40: {  	s0 =	simm.s32 @!p0 $0x0;
	[sflag:s13] =	ssyncset.done $0x0  }
0x41: {  	s2 =	simm.s32 @!p0 $0xAF0;
	s7 =	rddreg [dreg:$0x7];
	[sflag:s13] =	ssyncadd.s32 $0xFFFFF510  }
0x42: {  	[tilespmem:s2], [sflag:$0x5] =	stream.linear.gather @!p0 [hbm4b:s7+s0], $0x190, $0x38;
	[tilespmem:$0x1DB00] =	vst v63  }
0x43: {  	s2 =	simm.s32 @!p0 $0x5  }
0x44: {  	_ =	swait.ge @!p0 [sflag:s2], $0x190  }
0x45: {  	[sflag:s2] =	ssyncset.done @!p0 $0x0  }
0x46: {  	s7 =	simm.s32 @!p0 $0x1770;
	s8 =	rddreg [dreg:$0x8];
	[sflag:s2] =	ssyncadd.s32 @!p0 $0xFFFFFE70  }
0x47: {  	[tilespmem:s7], [sflag:$0x5] =	stream.linear.gather @!p0 [hbm4b:s8+s0], $0x190, $0x38;
	[tilespmem:$0x1DB00] =	vst v63  }
0x48: {  	_ =	swait.ge @!p0 [sflag:s2], $0x190  }
0x49: {  	[sflag:s2] =	ssyncset.done @!p0 $0x0  }
0x4a: {  	[sflag:s2] =	ssyncadd.s32 @!p0 $0xFFFFFE70  }
0x4b: {  	[tilespmem:s16], [sflag:$0x1] =	stream.indirect.gather [hbm4b:s1+s15], $0x30, s3, s15, $0xb8;
	[tilespmem:$0x1DB00] =	vst v63  }
0x4c: {  	_ = 	snop  }
0x4d: {  	[tilespmem:s17], [sflag:$0x1] =	stream.indirect.gather [hbm4b:s1+s15], $0x30, s9, s15, $0xb8;
	[tilespmem:$0x1DB00] =	vst v63  }
0x4e: {  	s7 =	simm.s32 $0x2800  }
0x4f: {  	[tilespmem:s7], [sflag:$0x1] =	stream.indirect.gather [hbm4b:s1+s15], $0x30, s15, s15, $0xb8;
	[tilespmem:$0x1DB00] =	vst v63  }
0x50: {  	s8 =	simm.s32 $0xCD0;
	s9 =	simm.s32 $0x7300  }
0x51: {  	[tilespmem:s9], [sflag:$0x1] =	stream.indirect.gather [hbm4b:s1+s15], $0x30, s8, s15, $0xb8;
	[tilespmem:$0x1DB00] =	vst v63  }
0x52: {  	s10 =	simm.s32 $0xA0;
	s12 =	simm.s32 $0x3700  }
0x53: {  	[tilespmem:s12], [sflag:$0x1] =	stream.indirect.gather [hbm4b:s1+s15], $0x30, s10, s15, $0xb8;
	[tilespmem:$0x1DB00] =	vst v63  }
0x54: {  	s14 =	simm.s32 $0xD20;
	s31 =	simm.s32 $0x8200  }
0x55: {  	[tilespmem:s31], [sflag:$0x1] =	stream.indirect.gather [hbm4b:s1+s15], $0x30, s14, s15, $0xb8;
	[tilespmem:$0x1DB00] =	vst v63  }
0x56: {  	s2 =	simm.s32 $0xF0;
	s7 =	simm.s32 $0x4600  }
0x57: {  	[tilespmem:s7], [sflag:$0x1] =	stream.indirect.gather [hbm4b:s1+s15], $0x30, s2, s15, $0xb8;
	[tilespmem:$0x1DB00] =	vst v63  }
0x58: {  	s8 =	simm.s32 $0xD70;
	s9 =	simm.s32 $0x9100  }
0x59: {  	[tilespmem:s9], [sflag:$0x1] =	stream.indirect.gather [hbm4b:s1+s15], $0x30, s8, s15, $0xb8;
	[tilespmem:$0x1DB00] =	vst v63  }
.Ltmp2:
0x5a: {  	_ = 	snop;
	(pc) =	sbr.rel .LBB2_2-.Ltmp2, $4  }
0x5b: {  	s10 =	simm.s32 $0x140;
	s12 =	simm.s32 $0x5500  }
0x5c: {  	[tilespmem:s12], [sflag:$0x1] =	stream.indirect.gather [hbm4b:s1+s15], $0x30, s10, s15, $0xb8;
	[tilespmem:$0x1DB00] =	vst v63  }
0x5d: {  	s30 =	simm.s32 $0x0;
	s14 =	simm.s32 $0xDC0;
	s31 =	simm.s32 $0xA000  }
0x5e: {  	[tilespmem:s31], [sflag:$0x1] =	stream.indirect.gather [hbm4b:s1+s15], $0x30, s14, s15, $0xb8;
	[tilespmem:$0x1DB00] =	vst v63  }
.LBB2_8:
0x5f: {  	s30 =	sadd.s32 $0x1, s30  }
0x60: {  	v61 =	vld [tilespmem:$0x1FF20];
	p1 =	sne.s32 s30, $0x4  }
.Ltmp3:
0x61: {  	v62 =	vld [tilespmem:$0x1FF30];
	(pc) =	sbr.rel @!p1 .LBB2_9-.Ltmp3, $4  }
0x62: {  	v12 =	vld [tilespmem:$0x1FF40]  }
0x63: {  	v17 =	vld [tilespmem:$0x1FF50]  }
0x64: {  	v18 =	vld [tilespmem:$0x1FF60]  }
0x65: {  	v19 =	vld [tilespmem:$0x1FF70]  }
.LBB2_2:
0x66: {  	s0 =	sshll.u32 s30, $0x1  }
0x67: {  	s2 =	sadd.s32 s4, s0  }
0x68: {  	s31 =	sadd.s32 $0x1, s2  }
0x69: {  	p1 =	sge.u32 s31, s6  }
0x6a: {  	s0 =	ssub.s32 @!p1 s31, s4  }
0x6b: {  	s0 =	smul.u32 @!p1 $0x190, s0  }
0x6c: {  	s7 =	simm.s32 @!p1 $0x50;
	s8 =	simm.s32 @!p1 $0xFA00  }
0x6d: {  	[tilespmem:s8], [sflag:$0x2] =	stream.indirect.gather @!p1 [hbm4b:s1+s7], $0x30, s0, s7, $0xb8;
	[tilespmem:$0x1DB00] =	vst v63  }
0x6e: {  	s9 =	simm.s32 @!p1 $0x14500;
	s8 =	sadd.s32 @!p1 $0xC80, s0  }
0x6f: {  	[tilespmem:s9], [sflag:$0x2] =	stream.indirect.gather @!p1 [hbm4b:s1+s7], $0x30, s8, s7, $0xb8;
	[tilespmem:$0x1DB00] =	vst v63  }
0x70: {  	s8 =	sadd.s32 @!p1 $0x50, s0;
	s9 =	simm.s32 @!p1 $0x10900  }
0x71: {  	[tilespmem:s9], [sflag:$0x2] =	stream.indirect.gather @!p1 [hbm4b:s1+s7], $0x30, s8, s7, $0xb8;
	[tilespmem:$0x1DB00] =	vst v63  }
0x72: {  	s8 =	sadd.s32 @!p1 $0xCD0, s0;
	s9 =	simm.s32 @!p1 $0x15400  }
0x73: {  	[tilespmem:s9], [sflag:$0x2] =	stream.indirect.gather @!p1 [hbm4b:s1+s7], $0x30, s8, s7, $0xb8;
	[tilespmem:$0x1DB00] =	vst v63  }
0x74: {  	s8 =	sadd.s32 @!p1 $0xA0, s0;
	s9 =	simm.s32 @!p1 $0x11800  }
0x75: {  	[tilespmem:s9], [sflag:$0x2] =	stream.indirect.gather @!p1 [hbm4b:s1+s7], $0x30, s8, s7, $0xb8;
	[tilespmem:$0x1DB00] =	vst v63  }
0x76: {  	s8 =	sadd.s32 @!p1 $0xD20, s0;
	s9 =	simm.s32 @!p1 $0x16300  }
0x77: {  	[tilespmem:s9], [sflag:$0x2] =	stream.indirect.gather @!p1 [hbm4b:s1+s7], $0x30, s8, s7, $0xb8;
	[tilespmem:$0x1DB00] =	vst v63  }
0x78: {  	s8 =	sadd.s32 @!p1 $0xF0, s0;
	s9 =	simm.s32 @!p1 $0x12700  }
0x79: {  	[tilespmem:s9], [sflag:$0x2] =	stream.indirect.gather @!p1 [hbm4b:s1+s7], $0x30, s8, s7, $0xb8;
	[tilespmem:$0x1DB00] =	vst v63  }
0x7a: {  	s8 =	sadd.s32 @!p1 $0xD70, s0;
	s9 =	simm.s32 @!p1 $0x17200  }
0x7b: {  	[tilespmem:s9], [sflag:$0x2] =	stream.indirect.gather @!p1 [hbm4b:s1+s7], $0x30, s8, s7, $0xb8;
	[tilespmem:$0x1DB00] =	vst v63  }
0x7c: {  	s8 =	sadd.s32 @!p1 $0x140, s0;
	s9 =	simm.s32 @!p1 $0x13600  }
0x7d: {  	[tilespmem:s9], [sflag:$0x2] =	stream.indirect.gather @!p1 [hbm4b:s1+s7], $0x30, s8, s7, $0xb8;
	[tilespmem:$0x1DB00] =	vst v63  }
0x7e: {  	s0 =	sadd.s32 @!p1 $0xDC0, s0;
	s8 =	simm.s32 @!p1 $0x18100  }
0x7f: {  	[tilespmem:s8], [sflag:$0x2] =	stream.indirect.gather @!p1 [hbm4b:s1+s7], $0x30, s0, s7, $0xb8;
	[tilespmem:$0x1DB00] =	vst v63  }
0x80: {  	_ =	swait.ge [sflag:s18], $0xF00  }
0x81: {  	[sflag:s18] =	ssyncset.done $0x0  }
0x82: {  	[sflag:s18] =	ssyncadd.s32 $0xFFFFF100  }
0x83: {  	_ =	swait.ge [sflag:s18], $0xF00  }
0x84: {  	[sflag:s18] =	ssyncset.done $0x0  }
0x85: {  	[sflag:s18] =	ssyncadd.s32 $0xFFFFF100  }
0x86: {  	_ =	swait.ge [sflag:s18], $0xF00  }
0x87: {  	[sflag:s18] =	ssyncset.done $0x0  }
0x88: {  	[sflag:s18] =	ssyncadd.s32 $0xFFFFF100  }
0x89: {  	_ =	swait.ge [sflag:s18], $0xF00  }
0x8a: {  	[sflag:s18] =	ssyncset.done $0x0  }
0x8b: {  	[sflag:s18] =	ssyncadd.s32 $0xFFFFF100  }
0x8c: {  	_ =	swait.ge [sflag:s18], $0xF00  }
0x8d: {  	[sflag:s18] =	ssyncset.done $0x0  }
0x8e: {  	[sflag:s18] =	ssyncadd.s32 $0xFFFFF100  }
0x8f: {  	_ =	swait.ge [sflag:s18], $0xF00  }
0x90: {  	[sflag:s18] =	ssyncset.done $0x0  }
0x91: {  	[sflag:s18] =	ssyncadd.s32 $0xFFFFF100  }
0x92: {  	_ =	swait.ge [sflag:s18], $0xF00  }
0x93: {  	[sflag:s18] =	ssyncset.done $0x0  }
0x94: {  	[sflag:s18] =	ssyncadd.s32 $0xFFFFF100  }
0x95: {  	_ =	swait.ge [sflag:s18], $0xF00  }
0x96: {  	[sflag:s18] =	ssyncset.done $0x0  }
0x97: {  	s8 =	simm.s32 $0x10;
	[sflag:s18] =	ssyncadd.s32 $0xFFFFF100  }
0x98: {  	v1 =	vmov s8;
	_ =	swait.ge [sflag:s18], $0xF00  }
0x99: {  	v1 =	vmul.u32 $0x30, v1;
	[sflag:s18] =	ssyncset.done $0x0  }
0x9a: {  	[sflag:s18] =	ssyncadd.s32 $0xFFFFF100  }
0x9b: {  	v55 =	vbroadcast v1, $0x0;
	_ =	swait.ge [sflag:s18], $0xF00  }
0x9c: {  	p2 =	seq.s32 s30, $0x0;
	s9 =	simm.s32 $0x0;
	[sflag:s18] =	ssyncset.done $0x0  }
0x9d: {  	s0 =	simm.s32 @!p2 $0x3;
	v1 =	vmov s9;
	v2 =	vadd.s32 v0, v55;
	[sflag:s18] =	ssyncadd.s32 $0xFFFFF100  }
0x9e: {  	v1 =	vmul.u32 $0x30, v1;
	_ =	swait.ge @!p2 [sflag:s0], $0x4B00  }
0x9f: {  	v7 =	vld [tilespmem:$0x1FD50]  }
0xa0: {  	v50 =	vbroadcast v1, $0x0;
	[sflag:s0] =	ssyncset.done @!p2 $0x0  }
0xa1: {  	[sflag:s0] =	ssyncadd.s32 @!p2 $0xFFFFB500  }
0xa2: {  	v1 =	vadd.s32 v0, v50;
	v2 =	vld.idx.msk [tilespmem:v2+s16+$0x0], $0xffff;
	_ =	sdelay $0x1  }
0xa3: {  	v3 =	vadd.s32 v7, v55;
	_ =	sdelay $0x1  }
0xa4: {  	s14 =	simm.s32 $0xAF00  }
0xa5: {  	v1 =	vld.idx.msk [tilespmem:v1+s16+$0x0], $0xffff;
	[tilespmem:s14+$0x10] =	vst v2  }
0xa6: {  	v8 =	vld [tilespmem:$0x1FD60]  }
0xa7: {  	v3 =	vld.idx.msk [tilespmem:v3+s16+$0x0], $0xffff;
	_ =	sdelay $0x3  }
0xa8: {  	v2 =	vadd.s32 v7, v50;
	[tilespmem:s14+$0x0] =	vst v1  }
0xa9: {  	v4 =	vadd.s32 v8, v55;
	[tilespmem:s14+$0x1A0] =	vst v3  }
0xaa: {  	v13 =	vld [tilespmem:$0x1FD70];
	_ =	sdelay $0x2  }
0xab: {  	v1 =	vld.idx.msk [tilespmem:v2+s16+$0x0], $0xffff  }
0xac: {  	v2 =	vadd.s32 v8, v50;
	v3 =	vld.idx.msk [tilespmem:v4+s16+$0x0], $0xffff  }
0xad: {  	v4 =	vadd.s32 v13, v55;
	_ =	sdelay $0x2  }
0xae: {  	[tilespmem:s14+$0x190] =	vst v1  }
0xaf: {  	v1 =	vld.idx.msk [tilespmem:v2+s16+$0x0], $0xffff;
	[tilespmem:s14+$0x330] =	vst v3  }
0xb0: {  	v3 =	vld.idx.msk [tilespmem:v4+s16+$0x0], $0xffff  }
0xb1: {  	v14 =	vld [tilespmem:$0x1FD80];
	_ =	sdelay $0x2  }
0xb2: {  	v2 =	vadd.s32 v13, v50;
	_ =	sdelay $0x1  }
0xb3: {  	v4 =	vadd.s32 v14, v55;
	_ =	sdelay $0x1  }
0xb4: {  	[tilespmem:s14+$0x320] =	vst v1  }
0xb5: {  	v1 =	vld.idx.msk [tilespmem:v2+s16+$0x0], $0xffff;
	[tilespmem:s14+$0x4C0] =	vst v3  }
0xb6: {  	v15 =	vld [tilespmem:$0x1FD90]  }
0xb7: {  	v3 =	vld.idx.msk [tilespmem:v4+s16+$0x0], $0xffff;
	_ =	sdelay $0x2  }
0xb8: {  	v2 =	vadd.s32 v14, v50  }
0xb9: {  	[tilespmem:s14+$0x4B0] =	vst v1;
	v4 =	vadd.s32 v15, v55  }
0xba: {  	[tilespmem:s14+$0x650] =	vst v3  }
0xbb: {  	v22 =	vld [tilespmem:$0x1FDA0];
	_ =	sdelay $0x1  }
0xbc: {  	v1 =	vld.idx.msk [tilespmem:v2+s16+$0x0], $0xffff  }
0xbd: {  	v2 =	vadd.s32 v15, v50;
	v3 =	vld.idx.msk [tilespmem:v4+s16+$0x0], $0xffff;
	_ =	sdelay $0x1  }
0xbe: {  	v4 =	vadd.s32 v22, v55;
	_ =	sdelay $0x1  }
0xbf: {  	[tilespmem:s14+$0x640] =	vst v1  }
0xc0: {  	v1 =	vld.idx.msk [tilespmem:v2+s16+$0x0], $0xffff;
	[tilespmem:s14+$0x7E0] =	vst v3  }
0xc1: {  	v43 =	vmov v63;
	v63 =	vld [tilespmem:$0x1FDB0]  }
0xc2: {  	v3 =	vld.idx.msk [tilespmem:v4+s16+$0x0], $0xffff;
	_ =	sdelay $0x2  }
0xc3: {  	v2 =	vadd.s32 v22, v50  }
0xc4: {  	[tilespmem:s14+$0x7D0] =	vst v1;
	v4 =	vadd.s32 v63, v55  }
0xc5: {  	[tilespmem:s14+$0x970] =	vst v3  }
0xc6: {  	v9 =	vld [tilespmem:$0x1FDC0];
	_ =	sdelay $0x1  }
0xc7: {  	v1 =	vld.idx.msk [tilespmem:v2+s16+$0x0], $0xffff  }
0xc8: {  	v2 =	vadd.s32 v63, v50;
	v3 =	vld.idx.msk [tilespmem:v4+s16+$0x0], $0xffff;
	_ =	sdelay $0x1  }
0xc9: {  	v4 =	vadd.s32 v9, v55;
	_ =	sdelay $0x1  }
0xca: {  	[tilespmem:s14+$0x960] =	vst v1  }
0xcb: {  	v1 =	vld.idx.msk [tilespmem:v2+s16+$0x0], $0xffff;
	[tilespmem:s14+$0xB00] =	vst v3  }
0xcc: {  	v24 =	vld [tilespmem:$0x1FDD0]  }
0xcd: {  	v3 =	vld.idx.msk [tilespmem:v4+s16+$0x0], $0xffff;
	_ =	sdelay $0x2  }
0xce: {  	v2 =	vadd.s32 v9, v50  }
0xcf: {  	[tilespmem:s14+$0xAF0] =	vst v1  }
0xd0: {  	v4 =	vadd.s32 v24, v55;
	[tilespmem:s14+$0xC90] =	vst v3  }
0xd1: {  	v39 =	vld [tilespmem:$0x1FDE0];
	_ =	sdelay $0x1  }
0xd2: {  	v1 =	vld.idx.msk [tilespmem:v2+s16+$0x0], $0xffff  }
0xd3: {  	v2 =	vadd.s32 v24, v50  }
0xd4: {  	v3 =	vld.idx.msk [tilespmem:v4+s16+$0x0], $0xffff  }
0xd5: {  	v4 =	vadd.s32 v39, v55;
	_ =	sdelay $0x1  }
0xd6: {  	[tilespmem:s14+$0xC80] =	vst v1  }
0xd7: {  	v1 =	vld.idx.msk [tilespmem:v2+s16+$0x0], $0xffff  }
0xd8: {  	[tilespmem:s14+$0xE20] =	vst v3;
	v2 =	vadd.s32 v39, v50  }
0xd9: {  	v3 =	vld.idx.msk [tilespmem:v4+s16+$0x0], $0xffff  }
0xda: {  	v4 =	vadd.s32 v21, v55;
	_ =	sdelay $0x1  }
0xdb: {  	[tilespmem:s14+$0xE10] =	vst v1  }
0xdc: {  	v1 =	vld.idx.msk [tilespmem:v2+s16+$0x0], $0xffff  }
0xdd: {  	v2 =	vadd.s32 v21, v50;
	[tilespmem:s14+$0xFB0] =	vst v3  }
0xde: {  	v3 =	vld.idx.msk [tilespmem:v4+s16+$0x0], $0xffff  }
0xdf: {  	v4 =	vadd.s32 v6, v55;
	_ =	sdelay $0x1  }
0xe0: {  	s10 =	simm.s32 $0x30;
	[tilespmem:s14+$0xFA0] =	vst v1  }
0xe1: {  	s12 =	simm.s32 $0x20;
	v1 =	vld.idx.msk [tilespmem:v2+s16+$0x0], $0xffff;
	v2 =	vmov s10  }
0xe2: {  	v5 =	vmov s12;
	v2 =	vmul.u32 $0x30, v2;
	[tilespmem:s14+$0x1140] =	vst v3;
	v3 =	vadd.s32 v6, v50  }
0xe3: {  	v5 =	vmul.u32 $0x30, v5;
	v4 =	vld.idx.msk [tilespmem:v4+s16+$0x0], $0xffff  }
0xe4: {  	v51 =	vadd.s32 v23, v55;
	v49 =	vbroadcast v2, $0x0  }
0xe5: {  	v48 =	vbroadcast v5, $0x0  }
0xe6: {  	[tilespmem:s14+$0x1130] =	vst v1;
	v1 =	vadd.s32 v0, v49  }
0xe7: {  	v2 =	vld.idx.msk [tilespmem:v3+s16+$0x0], $0xffff;
	v3 =	vadd.s32 v0, v48  }
0xe8: {  	[tilespmem:s14+$0x12D0] =	vst v4;
	v4 =	vadd.s32 v23, v50  }
0xe9: {  	v5 =	vld.idx.msk [tilespmem:v51+s16+$0x0], $0xffff  }
0xea: {  	v56 =	vadd.s32 v25, v55  }
0xeb: {  	v1 =	vld.idx.msk [tilespmem:v1+s16+$0x0], $0xffff  }
0xec: {  	[tilespmem:s14+$0x12C0] =	vst v2;
	v2 =	vld.idx.msk [tilespmem:v3+s16+$0x0], $0xffff;
	v3 =	vadd.s32 v7, v49  }
0xed: {  	v52 =	vadd.s32 v7, v48;
	v4 =	vld.idx.msk [tilespmem:v4+s16+$0x0], $0xffff  }
0xee: {  	[tilespmem:s14+$0x1460] =	vst v5;
	v5 =	vadd.s32 v25, v50  }
0xef: {  	s0 =	simm.s32 $0xAF20;
	v51 =	vld.idx.msk [tilespmem:v56+s16+$0x0], $0xffff  }
0xf0: {  	v53 =	vadd.s32 v26, v55;
	[tilespmem:s0+$0x10] =	vst v1  }
0xf1: {  	[tilespmem:s0+$0x0] =	vst v2;
	v1 =	vld.idx.msk [tilespmem:v3+s16+$0x0], $0xffff  }
0xf2: {  	v3 =	vadd.s32 v8, v49;
	[tilespmem:s14+$0x1450] =	vst v4;
	v2 =	vld.idx.msk [tilespmem:v52+s16+$0x0], $0xffff  }
0xf3: {  	v4 =	vld.idx.msk [tilespmem:v5+s16+$0x0], $0xffff;
	v5 =	vadd.s32 v8, v48  }
0xf4: {  	v57 =	vadd.s32 v26, v50;
	[tilespmem:s14+$0x15F0] =	vst v51  }
0xf5: {  	v59 =	vld.idx.msk [tilespmem:v53+s16+$0x0], $0xffff  }
0xf6: {  	v60 =	vadd.s32 v27, v55;
	[tilespmem:s0+$0x1A0] =	vst v1  }
0xf7: {  	[tilespmem:s0+$0x190] =	vst v2;
	v1 =	vld.idx.msk [tilespmem:v3+s16+$0x0], $0xffff  }
0xf8: {  	v3 =	vadd.s32 v13, v49;
	[tilespmem:s14+$0x15E0] =	vst v4;
	v2 =	vld.idx.msk [tilespmem:v5+s16+$0x0], $0xffff  }
0xf9: {  	v5 =	vadd.s32 v13, v48;
	v4 =	vld.idx.msk [tilespmem:v57+s16+$0x0], $0xffff  }
0xfa: {  	v38 =	vadd.s32 v27, v50;
	[tilespmem:s14+$0x1780] =	vst v59  }
0xfb: {  	v52 =	vld.idx.msk [tilespmem:v60+s16+$0x0], $0xffff  }
0xfc: {  	v46 =	vadd.s32 v28, v55;
	[tilespmem:s0+$0x330] =	vst v1  }
0xfd: {  	[tilespmem:s0+$0x320] =	vst v2;
	v1 =	vld.idx.msk [tilespmem:v3+s16+$0x0], $0xffff  }
0xfe: {  	v3 =	vadd.s32 v14, v49;
	[tilespmem:s14+$0x1770] =	vst v4;
	v2 =	vld.idx.msk [tilespmem:v5+s16+$0x0], $0xffff  }
0xff: {  	v5 =	vadd.s32 v14, v48;
	v4 =	vld.idx.msk [tilespmem:v38+s16+$0x0], $0xffff  }
0x100: {  	v56 =	vadd.s32 v28, v50;
	[tilespmem:s14+$0x1910] =	vst v52  }
0x101: {  	v52 =	vld.idx.msk [tilespmem:v46+s16+$0x0], $0xffff  }
0x102: {  	v57 =	vadd.s32 v29, v55;
	[tilespmem:s0+$0x4C0] =	vst v1  }
0x103: {  	[tilespmem:s0+$0x4B0] =	vst v2;
	v1 =	vld.idx.msk [tilespmem:v3+s16+$0x0], $0xffff  }
0x104: {  	v3 =	vadd.s32 v15, v49;
	[tilespmem:s14+$0x1900] =	vst v4;
	v2 =	vld.idx.msk [tilespmem:v5+s16+$0x0], $0xffff  }
0x105: {  	v5 =	vadd.s32 v15, v48;
	v4 =	vld.idx.msk [tilespmem:v56+s16+$0x0], $0xffff  }
0x106: {  	v59 =	vadd.s32 v29, v50;
	[tilespmem:s14+$0x1AA0] =	vst v52  }
0x107: {  	v52 =	vld.idx.msk [tilespmem:v57+s16+$0x0], $0xffff  }
0x108: {  	v60 =	vadd.s32 v30, v55;
	[tilespmem:s0+$0x650] =	vst v1  }
0x109: {  	[tilespmem:s0+$0x640] =	vst v2;
	v1 =	vld.idx.msk [tilespmem:v3+s16+$0x0], $0xffff  }
0x10a: {  	v3 =	vadd.s32 v22, v49;
	[tilespmem:s14+$0x1A90] =	vst v4;
	v2 =	vld.idx.msk [tilespmem:v5+s16+$0x0], $0xffff  }
0x10b: {  	v5 =	vadd.s32 v22, v48;
	v4 =	vld.idx.msk [tilespmem:v59+s16+$0x0], $0xffff  }
0x10c: {  	v38 =	vadd.s32 v30, v50;
	[tilespmem:s14+$0x1C30] =	vst v52  }
0x10d: {  	v52 =	vld.idx.msk [tilespmem:v60+s16+$0x0], $0xffff  }
0x10e: {  	v46 =	vadd.s32 v31, v55;
	[tilespmem:s0+$0x7E0] =	vst v1  }
0x10f: {  	[tilespmem:s0+$0x7D0] =	vst v2;
	v1 =	vld.idx.msk [tilespmem:v3+s16+$0x0], $0xffff  }
0x110: {  	v3 =	vadd.s32 v63, v49;
	[tilespmem:s14+$0x1C20] =	vst v4;
	v2 =	vld.idx.msk [tilespmem:v5+s16+$0x0], $0xffff  }
0x111: {  	v5 =	vadd.s32 v63, v48;
	v4 =	vld.idx.msk [tilespmem:v38+s16+$0x0], $0xffff  }
0x112: {  	v56 =	vadd.s32 v31, v50;
	[tilespmem:s14+$0x1DC0] =	vst v52  }
0x113: {  	v52 =	vld.idx.msk [tilespmem:v46+s16+$0x0], $0xffff  }
0x114: {  	v57 =	vadd.s32 v32, v55;
	[tilespmem:s0+$0x970] =	vst v1  }
0x115: {  	[tilespmem:s0+$0x960] =	vst v2;
	v1 =	vld.idx.msk [tilespmem:v3+s16+$0x0], $0xffff  }
0x116: {  	v3 =	vadd.s32 v9, v49;
	[tilespmem:s14+$0x1DB0] =	vst v4;
	v2 =	vld.idx.msk [tilespmem:v5+s16+$0x0], $0xffff  }
0x117: {  	v5 =	vadd.s32 v9, v48;
	v4 =	vld.idx.msk [tilespmem:v56+s16+$0x0], $0xffff  }
0x118: {  	v59 =	vadd.s32 v32, v50;
	[tilespmem:s14+$0x1F50] =	vst v52  }
0x119: {  	v52 =	vld.idx.msk [tilespmem:v57+s16+$0x0], $0xffff  }
0x11a: {  	v60 =	vadd.s32 v33, v55;
	[tilespmem:s0+$0xB00] =	vst v1  }
0x11b: {  	[tilespmem:s0+$0xAF0] =	vst v2;
	v1 =	vld.idx.msk [tilespmem:v3+s16+$0x0], $0xffff  }
0x11c: {  	v3 =	vadd.s32 v24, v49;
	[tilespmem:s14+$0x1F40] =	vst v4;
	v2 =	vld.idx.msk [tilespmem:v5+s16+$0x0], $0xffff  }
0x11d: {  	v5 =	vadd.s32 v24, v48;
	v4 =	vld.idx.msk [tilespmem:v59+s16+$0x0], $0xffff  }
0x11e: {  	v38 =	vadd.s32 v33, v50;
	[tilespmem:s14+$0x20E0] =	vst v52  }
0x11f: {  	v52 =	vld.idx.msk [tilespmem:v60+s16+$0x0], $0xffff  }
0x120: {  	v46 =	vadd.s32 v34, v55;
	[tilespmem:s0+$0xC90] =	vst v1  }
0x121: {  	[tilespmem:s0+$0xC80] =	vst v2;
	v1 =	vld.idx.msk [tilespmem:v3+s16+$0x0], $0xffff  }
0x122: {  	v3 =	vadd.s32 v39, v49;
	[tilespmem:s14+$0x20D0] =	vst v4;
	v2 =	vld.idx.msk [tilespmem:v5+s16+$0x0], $0xffff  }
0x123: {  	v5 =	vadd.s32 v39, v48;
	v4 =	vld.idx.msk [tilespmem:v38+s16+$0x0], $0xffff  }
0x124: {  	v56 =	vadd.s32 v34, v50;
	[tilespmem:s14+$0x2270] =	vst v52  }
0x125: {  	v52 =	vld.idx.msk [tilespmem:v46+s16+$0x0], $0xffff  }
0x126: {  	v57 =	vadd.s32 v35, v55;
	[tilespmem:s0+$0xE20] =	vst v1  }
0x127: {  	[tilespmem:s0+$0xE10] =	vst v2;
	v1 =	vld.idx.msk [tilespmem:v3+s16+$0x0], $0xffff  }
0x128: {  	v3 =	vadd.s32 v21, v49;
	[tilespmem:s14+$0x2260] =	vst v4;
	v2 =	vld.idx.msk [tilespmem:v5+s16+$0x0], $0xffff  }
0x129: {  	v5 =	vadd.s32 v21, v48;
	v4 =	vld.idx.msk [tilespmem:v56+s16+$0x0], $0xffff  }
0x12a: {  	v59 =	vadd.s32 v35, v50;
	[tilespmem:s14+$0x2400] =	vst v52  }
0x12b: {  	v52 =	vld.idx.msk [tilespmem:v57+s16+$0x0], $0xffff  }
0x12c: {  	v60 =	vadd.s32 v36, v55;
	[tilespmem:s0+$0xFB0] =	vst v1  }
0x12d: {  	[tilespmem:s0+$0xFA0] =	vst v2;
	v1 =	vld.idx.msk [tilespmem:v3+s16+$0x0], $0xffff  }
0x12e: {  	v3 =	vadd.s32 v6, v49;
	[tilespmem:s14+$0x23F0] =	vst v4;
	v2 =	vld.idx.msk [tilespmem:v5+s16+$0x0], $0xffff  }
0x12f: {  	v5 =	vadd.s32 v6, v48;
	v4 =	vld.idx.msk [tilespmem:v59+s16+$0x0], $0xffff  }
0x130: {  	v38 =	vadd.s32 v36, v50;
	[tilespmem:s14+$0x2590] =	vst v52  }
0x131: {  	s8 =	simm.s32 $0x40;
	v52 =	vld.idx.msk [tilespmem:v60+s16+$0x0], $0xffff  }
0x132: {  	v46 =	vadd.s32 v45, v55;
	[tilespmem:s0+$0x1140] =	vst v1;
	v1 =	vmov s8  }
0x133: {  	s9 =	simm.s32 $0x50;
	[tilespmem:s0+$0x1130] =	vst v2;
	v2 =	vld.idx.msk [tilespmem:v3+s16+$0x0], $0xffff;
	v1 =	vmul.u32 $0x30, v1  }
0x134: {  	[tilespmem:s14+$0x2580] =	vst v4;
	v3 =	vld.idx.msk [tilespmem:v5+s16+$0x0], $0xffff;
	v4 =	vmov s9;
	v5 =	vadd.s32 v23, v49  }
0x135: {  	v56 =	vadd.s32 v23, v48;
	v54 =	vld.idx.msk [tilespmem:v38+s16+$0x0], $0xffff;
	v4 =	vmul.u32 $0x30, v4;
	v51 =	vbroadcast v1, $0x0  }
0x136: {  	v57 =	vadd.s32 v45, v50;
	[tilespmem:s14+$0x2720] =	vst v52  }
0x137: {  	v53 =	vld.idx.msk [tilespmem:v46+s16+$0x0], $0xffff;
	v52 =	vbroadcast v4, $0x0;
	v4 =	vadd.s32 v0, v51  }
0x138: {  	v1 =	vadd.s32 v11, v55;
	[tilespmem:s0+$0x12D0] =	vst v2  }
0x139: {  	[tilespmem:s0+$0x12C0] =	vst v3;
	v3 =	vld.idx.msk [tilespmem:v5+s16+$0x0], $0xffff  }
0x13a: {  	[tilespmem:s14+$0x2710] =	vst v54;
	v5 =	vld.idx.msk [tilespmem:v56+s16+$0x0], $0xffff  }
0x13b: {  	v2 =	vadd.s32 v0, v52;
	v56 =	vld.idx.msk [tilespmem:v57+s16+$0x0], $0xffff  }
0x13c: {  	v54 =	vadd.s32 v25, v49;
	[tilespmem:s14+$0x28B0] =	vst v53;
	v4 =	vld.idx.msk [tilespmem:v4+s16+$0x0], $0xffff  }
0x13d: {  	v60 =	vadd.s32 v25, v48;
	v1 =	vld.idx.msk [tilespmem:v1+s16+$0x0], $0xffff  }
0x13e: {  	v47 =	vmov v6;
	v57 =	vadd.s32 v11, v50;
	v6 =	vld [tilespmem:$0x1FDF0]  }
0x13f: {  	v46 =	vmov v58;
	v58 =	vadd.s32 v10, v55;
	v11 =	vld [tilespmem:$0x1FE30]  }
0x140: {  	v59 =	vadd.s32 v7, v51;
	v2 =	vld.idx.msk [tilespmem:v2+s16+$0x0], $0xffff;
	[tilespmem:s0+$0x1460] =	vst v3  }
0x141: {  	v3 =	vadd.s32 v7, v52;
	[tilespmem:s0+$0x1450] =	vst v5;
	v5 =	vld.idx.msk [tilespmem:v54+s16+$0x0], $0xffff  }
0x142: {  	[tilespmem:s14+$0x28A0] =	vst v56;
	v53 =	vld.idx.msk [tilespmem:v60+s16+$0x0], $0xffff;
	v60 =	vadd.s32 v26, v49  }
0x143: {  	s7 =	simm.s32 $0xAF40;
	v56 =	vld.idx.msk [tilespmem:v57+s16+$0x0], $0xffff;
	[tilespmem:s14+$0x2A40] =	vst v1;
	v1 =	vadd.s32 v26, v48  }
0x144: {  	[tilespmem:s7+$0x0] =	vst v4;
	v57 =	vadd.s32 v10, v50;
	v4 =	vld.idx.msk [tilespmem:v58+s16+$0x0], $0xffff  }
0x145: {  	v58 =	vld.idx.msk [tilespmem:v59+s16+$0x0], $0xffff;
	[tilespmem:s7+$0x10] =	vst v2;
	v2 =	vadd.s32 v61, v55  }
0x146: {  	v59 =	vadd.s32 v8, v51;
	v3 =	vld.idx.msk [tilespmem:v3+s16+$0x0], $0xffff;
	[tilespmem:s0+$0x15F0] =	vst v5  }
0x147: {  	v5 =	vadd.s32 v8, v52;
	[tilespmem:s0+$0x15E0] =	vst v53;
	v60 =	vld.idx.msk [tilespmem:v60+s16+$0x0], $0xffff  }
0x148: {  	v54 =	vadd.s32 v27, v49;
	[tilespmem:s14+$0x2A30] =	vst v56;
	v1 =	vld.idx.msk [tilespmem:v1+s16+$0x0], $0xffff  }
0x149: {  	v56 =	vld.idx.msk [tilespmem:v57+s16+$0x0], $0xffff;
	[tilespmem:s14+$0x2BD0] =	vst v4;
	v4 =	vadd.s32 v27, v48  }
0x14a: {  	v57 =	vadd.s32 v61, v50;
	[tilespmem:s7+$0x190] =	vst v58;
	v2 =	vld.idx.msk [tilespmem:v2+s16+$0x0], $0xffff  }
0x14b: {  	v58 =	vld.idx.msk [tilespmem:v59+s16+$0x0], $0xffff;
	[tilespmem:s7+$0x1A0] =	vst v3;
	v3 =	vadd.s32 v6, v55  }
0x14c: {  	v59 =	vadd.s32 v13, v51;
	v5 =	vld.idx.msk [tilespmem:v5+s16+$0x0], $0xffff;
	[tilespmem:s0+$0x1780] =	vst v60  }
0x14d: {  	v60 =	vadd.s32 v13, v52;
	[tilespmem:s0+$0x1770] =	vst v1;
	v1 =	vld.idx.msk [tilespmem:v54+s16+$0x0], $0xffff  }
0x14e: {  	[tilespmem:s14+$0x2BC0] =	vst v56;
	v54 =	vadd.s32 v28, v49;
	v4 =	vld.idx.msk [tilespmem:v4+s16+$0x0], $0xffff  }
0x14f: {  	v56 =	vld.idx.msk [tilespmem:v57+s16+$0x0], $0xffff;
	[tilespmem:s14+$0x2D60] =	vst v2;
	v2 =	vadd.s32 v28, v48  }
0x150: {  	v57 =	vadd.s32 v6, v50;
	[tilespmem:s7+$0x320] =	vst v58;
	v3 =	vld.idx.msk [tilespmem:v3+s16+$0x0], $0xffff  }
0x151: {  	v58 =	vld.idx.msk [tilespmem:v59+s16+$0x0], $0xffff;
	[tilespmem:s7+$0x330] =	vst v5;
	v5 =	vadd.s32 v62, v55  }
0x152: {  	v53 =	vld.idx.msk [tilespmem:v60+s16+$0x0], $0xffff;
	v60 =	vadd.s32 v14, v51;
	[tilespmem:s0+$0x1910] =	vst v1  }
0x153: {  	v1 =	vadd.s32 v14, v52;
	[tilespmem:s0+$0x1900] =	vst v4;
	v4 =	vld.idx.msk [tilespmem:v54+s16+$0x0], $0xffff  }
0x154: {  	[tilespmem:s14+$0x2D50] =	vst v56;
	v54 =	vadd.s32 v29, v49;
	v2 =	vld.idx.msk [tilespmem:v2+s16+$0x0], $0xffff  }
0x155: {  	v56 =	vld.idx.msk [tilespmem:v57+s16+$0x0], $0xffff;
	[tilespmem:s14+$0x2EF0] =	vst v3;
	v3 =	vadd.s32 v29, v48  }
0x156: {  	v57 =	vadd.s32 v62, v50;
	[tilespmem:s7+$0x4B0] =	vst v58;
	v5 =	vld.idx.msk [tilespmem:v5+s16+$0x0], $0xffff  }
0x157: {  	v58 =	vld.idx.msk [tilespmem:v60+s16+$0x0], $0xffff;
	[tilespmem:s7+$0x4C0] =	vst v53;
	v60 =	vadd.s32 v12, v55  }
0x158: {  	v59 =	vadd.s32 v15, v51;
	v1 =	vld.idx.msk [tilespmem:v1+s16+$0x0], $0xffff;
	[tilespmem:s0+$0x1AA0] =	vst v4  }
0x159: {  	v4 =	vadd.s32 v15, v52;
	[tilespmem:s0+$0x1A90] =	vst v2;
	v2 =	vld.idx.msk [tilespmem:v54+s16+$0x0], $0xffff  }
0x15a: {  	[tilespmem:s14+$0x2EE0] =	vst v56;
	v3 =	vld.idx.msk [tilespmem:v3+s16+$0x0], $0xffff  }
0x15b: {  	v56 =	vld.idx.msk [tilespmem:v57+s16+$0x0], $0xffff;
	[tilespmem:s14+$0x3080] =	vst v5  }
0x15c: {  	[tilespmem:s7+$0x640] =	vst v58;
	v53 =	vld.idx.msk [tilespmem:v60+s17+$0x0], $0xffff  }
0x15d: {  	v58 =	vld.idx.msk [tilespmem:v59+s16+$0x0], $0xffff;
	[tilespmem:s7+$0x650] =	vst v1  }
0x15e: {  	v4 =	vld.idx.msk [tilespmem:v4+s16+$0x0], $0xffff;
	[tilespmem:s0+$0x1C30] =	vst v2  }
0x15f: {  	[tilespmem:s0+$0x1C20] =	vst v3  }
0x160: {  	v54 =	vadd.s32 v30, v49;
	[tilespmem:s14+$0x3070] =	vst v56  }
0x161: {  	v5 =	vadd.s32 v30, v48;
	[tilespmem:s14+$0x3210] =	vst v53  }
0x162: {  	v60 =	vadd.s32 v12, v50;
	[tilespmem:s7+$0x7D0] =	vst v58  }
0x163: {  	v1 =	vadd.s32 v17, v55;
	[tilespmem:s7+$0x7E0] =	vst v4  }
0x164: {  	v59 =	vadd.s32 v22, v51;
	v16 =	vld [tilespmem:$0x1FE00]  }
0x165: {  	v2 =	vadd.s32 v22, v52;
	v3 =	vld.idx.msk [tilespmem:v54+s16+$0x0], $0xffff  }
0x166: {  	v54 =	vadd.s32 v31, v49;
	v5 =	vld.idx.msk [tilespmem:v5+s16+$0x0], $0xffff  }
0x167: {  	v56 =	vld.idx.msk [tilespmem:v60+s17+$0x0], $0xffff;
	v60 =	vadd.s32 v31, v48  }
0x168: {  	v57 =	vadd.s32 v17, v50;
	v1 =	vld.idx.msk [tilespmem:v1+s17+$0x0], $0xffff  }
0x169: {  	v58 =	vld.idx.msk [tilespmem:v59+s16+$0x0], $0xffff;
	v4 =	vadd.s32 v16, v55  }
0x16a: {  	v59 =	vadd.s32 v63, v51;
	v2 =	vld.idx.msk [tilespmem:v2+s16+$0x0], $0xffff;
	[tilespmem:s0+$0x1DC0] =	vst v3  }
0x16b: {  	v3 =	vadd.s32 v63, v52;
	[tilespmem:s0+$0x1DB0] =	vst v5;
	v5 =	vld.idx.msk [tilespmem:v54+s16+$0x0], $0xffff  }
0x16c: {  	v53 =	vld.idx.msk [tilespmem:v60+s16+$0x0], $0xffff;
	[tilespmem:s14+$0x3200] =	vst v56;
	v60 =	vadd.s32 v32, v49  }
0x16d: {  	v56 =	vld.idx.msk [tilespmem:v57+s17+$0x0], $0xffff;
	[tilespmem:s14+$0x33A0] =	vst v1;
	v1 =	vadd.s32 v32, v48  }
0x16e: {  	[tilespmem:s7+$0x960] =	vst v58;
	v57 =	vadd.s32 v16, v50;
	v4 =	vld.idx.msk [tilespmem:v4+s17+$0x0], $0xffff  }
0x16f: {  	v58 =	vld.idx.msk [tilespmem:v59+s16+$0x0], $0xffff;
	[tilespmem:s7+$0x970] =	vst v2;
	v2 =	vadd.s32 v19, v55  }
0x170: {  	v59 =	vadd.s32 v9, v51;
	v3 =	vld.idx.msk [tilespmem:v3+s16+$0x0], $0xffff;
	[tilespmem:s0+$0x1F50] =	vst v5  }
0x171: {  	v5 =	vadd.s32 v9, v52;
	[tilespmem:s0+$0x1F40] =	vst v53;
	v60 =	vld.idx.msk [tilespmem:v60+s16+$0x0], $0xffff  }
0x172: {  	v54 =	vadd.s32 v33, v49;
	v1 =	vld.idx.msk [tilespmem:v1+s16+$0x0], $0xffff;
	[tilespmem:s14+$0x3390] =	vst v56  }
0x173: {  	v56 =	vld.idx.msk [tilespmem:v57+s17+$0x0], $0xffff;
	[tilespmem:s14+$0x3530] =	vst v4;
	v4 =	vadd.s32 v33, v48  }
0x174: {  	[tilespmem:s7+$0xAF0] =	vst v58;
	v57 =	vadd.s32 v19, v50;
	v2 =	vld.idx.msk [tilespmem:v2+s17+$0x0], $0xffff  }
0x175: {  	v58 =	vld.idx.msk [tilespmem:v59+s16+$0x0], $0xffff;
	[tilespmem:s7+$0xB00] =	vst v3;
	v3 =	vadd.s32 v43, v55  }
0x176: {  	v59 =	vadd.s32 v24, v51;
	v5 =	vld.idx.msk [tilespmem:v5+s16+$0x0], $0xffff;
	[tilespmem:s0+$0x20E0] =	vst v60  }
0x177: {  	v60 =	vadd.s32 v24, v52;
	[tilespmem:s0+$0x20D0] =	vst v1;
	v1 =	vld.idx.msk [tilespmem:v54+s16+$0x0], $0xffff  }
0x178: {  	v54 =	vadd.s32 v34, v49;
	[tilespmem:s14+$0x3520] =	vst v56;
	v4 =	vld.idx.msk [tilespmem:v4+s16+$0x0], $0xffff  }
0x179: {  	v56 =	vld.idx.msk [tilespmem:v57+s17+$0x0], $0xffff;
	[tilespmem:s14+$0x36C0] =	vst v2;
	v2 =	vadd.s32 v34, v48  }
0x17a: {  	[tilespmem:s7+$0xC80] =	vst v58;
	v57 =	vadd.s32 v43, v50;
	v3 =	vld.idx.msk [tilespmem:v3+s17+$0x0], $0xffff  }
0x17b: {  	v58 =	vld.idx.msk [tilespmem:v59+s16+$0x0], $0xffff;
	[tilespmem:s7+$0xC90] =	vst v5;
	v5 =	vadd.s32 v18, v55  }
0x17c: {  	v53 =	vld.idx.msk [tilespmem:v60+s16+$0x0], $0xffff;
	v60 =	vadd.s32 v39, v51;
	[tilespmem:s0+$0x2270] =	vst v1  }
0x17d: {  	v1 =	vadd.s32 v39, v52;
	[tilespmem:s0+$0x2260] =	vst v4;
	v4 =	vld.idx.msk [tilespmem:v54+s16+$0x0], $0xffff  }
0x17e: {  	v43 =	vadd.s32 v35, v49;
	[tilespmem:s14+$0x36B0] =	vst v56;
	v2 =	vld.idx.msk [tilespmem:v2+s16+$0x0], $0xffff  }
0x17f: {  	v56 =	vld.idx.msk [tilespmem:v57+s17+$0x0], $0xffff;
	[tilespmem:s14+$0x3850] =	vst v3;
	v3 =	vadd.s32 v35, v48  }
0x180: {  	[tilespmem:s7+$0xE10] =	vst v58;
	v57 =	vadd.s32 v18, v50;
	v5 =	vld.idx.msk [tilespmem:v5+s17+$0x0], $0xffff  }
0x181: {  	v58 =	vld.idx.msk [tilespmem:v60+s16+$0x0], $0xffff;
	[tilespmem:s7+$0xE20] =	vst v53;
	v60 =	vadd.s32 v46, v55  }
0x182: {  	v59 =	vadd.s32 v21, v51;
	v1 =	vld.idx.msk [tilespmem:v1+s16+$0x0], $0xffff;
	[tilespmem:s0+$0x2400] =	vst v4  }
0x183: {  	v4 =	vadd.s32 v21, v52;
	[tilespmem:s0+$0x23F0] =	vst v2;
	v2 =	vld.idx.msk [tilespmem:v43+s16+$0x0], $0xffff  }
0x184: {  	[tilespmem:s14+$0x3840] =	vst v56;
	v43 =	vadd.s32 v36, v49;
	v3 =	vld.idx.msk [tilespmem:v3+s16+$0x0], $0xffff  }
0x185: {  	v56 =	vld.idx.msk [tilespmem:v57+s17+$0x0], $0xffff;
	[tilespmem:s14+$0x39E0] =	vst v5;
	v5 =	vadd.s32 v36, v48  }
0x186: {  	[tilespmem:s7+$0xFA0] =	vst v58;
	v53 =	vld.idx.msk [tilespmem:v60+s17+$0x0], $0xffff;
	v60 =	vadd.s32 v46, v50  }
0x187: {  	v58 =	vld.idx.msk [tilespmem:v59+s16+$0x0], $0xffff;
	[tilespmem:s7+$0xFB0] =	vst v1;
	v1 =	vadd.s32 v37, v55  }
0x188: {  	v4 =	vld.idx.msk [tilespmem:v4+s16+$0x0], $0xffff;
	[tilespmem:s0+$0x2590] =	vst v2  }
0x189: {  	v2 =	vadd.s32 v47, v52;
	[tilespmem:s0+$0x2580] =	vst v3;
	v3 =	vld.idx.msk [tilespmem:v43+s16+$0x0], $0xffff  }
0x18a: {  	v38 =	vmov v45;
	v59 =	vadd.s32 v47, v51;
	[tilespmem:s14+$0x39D0] =	vst v56;
	v5 =	vld.idx.msk [tilespmem:v5+s16+$0x0], $0xffff  }
0x18b: {  	v54 =	vadd.s32 v38, v49;
	v56 =	vld.idx.msk [tilespmem:v60+s17+$0x0], $0xffff;
	[tilespmem:s14+$0x3B70] =	vst v53  }
0x18c: {  	[tilespmem:s7+$0x1130] =	vst v58;
	v1 =	vld.idx.msk [tilespmem:v1+s17+$0x0], $0xffff  }
0x18d: {  	s10 =	simm.s32 $0x60;
	v43 =	vld [tilespmem:$0x1FE10];
	[tilespmem:s7+$0x1140] =	vst v4  }
0x18e: {  	v53 =	vadd.s32 v38, v48;
	v38 =	vmov s10;
	v2 =	vld.idx.msk [tilespmem:v2+s16+$0x0], $0xffff;
	[tilespmem:s0+$0x2720] =	vst v3  }
0x18f: {  	v58 =	vadd.s32 v23, v52;
	v59 =	vld.idx.msk [tilespmem:v59+s16+$0x0], $0xffff;
	v4 =	vmul.u32 $0x30, v38;
	[tilespmem:s0+$0x2710] =	vst v5  }
0x190: {  	v57 =	vadd.s32 v37, v50;
	v5 =	vld.idx.msk [tilespmem:v54+s16+$0x0], $0xffff;
	[tilespmem:s14+$0x3B60] =	vst v56  }
0x191: {  	s12 =	simm.s32 $0x70;
	v6 =	vmov v62;
	v54 =	vbroadcast v4, $0x0;
	v62 =	vld [tilespmem:$0x1FFE0]  }
0x192: {  	v45 =	vmovc v20;
	v20 =	vmov v61;
	v61 =	vadd.s32 v23, v51;
	v38 =	vmov s12;
	[tilespmem:s14+$0x3D00] =	vst v1  }
0x193: {  	v3 =	vmul.u32 $0x30, v38;
	v4 =	vld.idx.msk [tilespmem:v53+s16+$0x0], $0xffff;
	v1 =	vadd.s32 v0, v54;
	[tilespmem:s7+$0x12D0] =	vst v2  }
0x194: {  	v60 =	vadd.s32 v43, v55;
	[tilespmem:s7+$0x12C0] =	vst v59;
	v2 =	vld.idx.msk [tilespmem:v58+s16+$0x0], $0xffff  }
0x195: {  	v53 =	vbroadcast v3, $0x0;
	v3 =	vld.idx.msk [tilespmem:v57+s17+$0x0], $0xffff;
	v58 =	vadd.s32 v25, v52;
	[tilespmem:s0+$0x28B0] =	vst v5  }
0x196: {  	v38 =	vld [tilespmem:$0x1FE20];
	v56 =	vadd.s32 v62, v49  }
0x197: {  	v61 =	vld.idx.msk [tilespmem:v61+s16+$0x0], $0xffff;
	v59 =	vadd.s32 v62, v48  }
0x198: {  	v1 =	vld.idx.msk [tilespmem:v1+s16+$0x0], $0xffff  }
0x199: {  	v57 =	vld.idx.msk [tilespmem:v60+s17+$0x0], $0xffff;
	v60 =	vadd.s32 v0, v53;
	[tilespmem:s7+$0x1460] =	vst v2  }
0x19a: {  	[tilespmem:s0+$0x28A0] =	vst v4;
	v4 =	vadd.s32 v25, v51;
	v58 =	vld.idx.msk [tilespmem:v58+s16+$0x0], $0xffff  }
0x19b: {  	[tilespmem:s14+$0x3CF0] =	vst v3;
	v5 =	vadd.s32 v38, v55;
	v56 =	vld.idx.msk [tilespmem:v56+s16+$0x0], $0xffff  }
0x19c: {  	s8 =	simm.s32 $0xAF60;
	[tilespmem:s7+$0x1450] =	vst v61;
	v3 =	vld.idx.msk [tilespmem:v59+s16+$0x0], $0xffff;
	v59 =	vadd.s32 v43, v50  }
0x19d: {  	[tilespmem:s8+$0x0] =	vst v1;
	v1 =	vadd.s32 v26, v52  }
0x19e: {  	[tilespmem:s14+$0x3E90] =	vst v57;
	v57 =	vld.idx.msk [tilespmem:v60+s16+$0x0], $0xffff;
	v60 =	vadd.s32 v10, v49  }
0x19f: {  	v62 =	vadd.s32 v7, v54;
	v4 =	vld.idx.msk [tilespmem:v4+s16+$0x0], $0xffff  }
0x1a0: {  	[tilespmem:s7+$0x15F0] =	vst v58;
	v2 =	vld.idx.msk [tilespmem:v5+s17+$0x0], $0xffff;
	v5 =	vadd.s32 v7, v53  }
0x1a1: {  	[tilespmem:s0+$0x2A40] =	vst v56;
	v56 =	vadd.s32 v40, v55;
	v59 =	vld.idx.msk [tilespmem:v59+s17+$0x0], $0xffff  }
0x1a2: {  	v61 =	vadd.s32 v26, v51;
	[tilespmem:s0+$0x2A30] =	vst v3;
	v1 =	vld.idx.msk [tilespmem:v1+s16+$0x0], $0xffff  }
0x1a3: {  	[tilespmem:s8+$0x10] =	vst v57;
	v57 =	vadd.s32 v10, v48;
	v3 =	vld.idx.msk [tilespmem:v60+s16+$0x0], $0xffff  }
0x1a4: {  	v60 =	vld.idx.msk [tilespmem:v62+s16+$0x0], $0xffff;
	v62 =	vadd.s32 v20, v49  }
0x1a5: {  	v5 =	vld.idx.msk [tilespmem:v5+s16+$0x0], $0xffff;
	[tilespmem:s14+$0x4020] =	vst v2;
	v2 =	vadd.s32 v8, v54  }
0x1a6: {  	[tilespmem:s7+$0x15E0] =	vst v4;
	v56 =	vld.idx.msk [tilespmem:v56+s17+$0x0], $0xffff  }
0x1a7: {  	v58 =	vadd.s32 v8, v53;
	v4 =	vld.idx.msk [tilespmem:v61+s16+$0x0], $0xffff;
	[tilespmem:s14+$0x3E80] =	vst v59  }
0x1a8: {  	v59 =	vadd.s32 v42, v55;
	v57 =	vld.idx.msk [tilespmem:v57+s16+$0x0], $0xffff;
	[tilespmem:s0+$0x2BD0] =	vst v3  }
0x1a9: {  	v61 =	vadd.s32 v27, v52;
	[tilespmem:s8+$0x190] =	vst v60;
	v60 =	vld.idx.msk [tilespmem:v62+s16+$0x0], $0xffff  }
0x1aa: {  	v3 =	vadd.s32 v27, v51;
	v2 =	vld.idx.msk [tilespmem:v2+s16+$0x0], $0xffff;
	[tilespmem:s8+$0x1A0] =	vst v5  }
0x1ab: {  	v5 =	vadd.s32 v20, v48;
	v20 =	vld [tilespmem:$0x1FDF0];
	[tilespmem:s14+$0x41B0] =	vst v56  }
0x1ac: {  	v58 =	vld.idx.msk [tilespmem:v58+s16+$0x0], $0xffff;
	v56 =	vadd.s32 v13, v54;
	[tilespmem:s7+$0x1780] =	vst v1  }
0x1ad: {  	[tilespmem:s7+$0x1770] =	vst v4;
	v1 =	vld.idx.msk [tilespmem:v59+s17+$0x0], $0xffff;
	v59 =	vadd.s32 v13, v53  }
0x1ae: {  	[tilespmem:s0+$0x2BC0] =	vst v57;
	v57 =	vadd.s32 v45, v55;
	v4 =	vld.idx.msk [tilespmem:v61+s16+$0x0], $0xffff  }
0x1af: {  	v3 =	vld.idx.msk [tilespmem:v3+s16+$0x0], $0xffff;
	v61 =	vadd.s32 v28, v52;
	[tilespmem:s0+$0x2D60] =	vst v60  }
0x1b0: {  	v5 =	vld.idx.msk [tilespmem:v5+s16+$0x0], $0xffff;
	[tilespmem:s8+$0x320] =	vst v2;
	v2 =	vadd.s32 v28, v51  }
0x1b1: {  	v62 =	vadd.s32 v20, v49;
	v56 =	vld.idx.msk [tilespmem:v56+s16+$0x0], $0xffff;
	[tilespmem:s8+$0x330] =	vst v58  }
0x1b2: {  	v58 =	vadd.s32 v20, v48;
	v59 =	vld.idx.msk [tilespmem:v59+s16+$0x0], $0xffff;
	[tilespmem:s14+$0x4340] =	vst v1  }
0x1b3: {  	v1 =	vadd.s32 v14, v54;
	[tilespmem:s7+$0x1910] =	vst v4;
	v4 =	vld.idx.msk [tilespmem:v57+s17+$0x0], $0xffff  }
0x1b4: {  	[tilespmem:s7+$0x1900] =	vst v3;
	v57 =	vadd.s32 v14, v53;
	v3 =	vld.idx.msk [tilespmem:v61+s16+$0x0], $0xffff  }
0x1b5: {  	v2 =	vld.idx.msk [tilespmem:v2+s16+$0x0], $0xffff;
	[tilespmem:s0+$0x2D50] =	vst v5;
	v5 =	vadd.s32 v44, v55  }
0x1b6: {  	v61 =	vadd.s32 v29, v52;
	v60 =	vld.idx.msk [tilespmem:v62+s16+$0x0], $0xffff;
	[tilespmem:s8+$0x4B0] =	vst v56  }
0x1b7: {  	v58 =	vld.idx.msk [tilespmem:v58+s16+$0x0], $0xffff;
	v56 =	vadd.s32 v29, v51;
	[tilespmem:s8+$0x4C0] =	vst v59  }
0x1b8: {  	v62 =	vadd.s32 v6, v49;
	v1 =	vld.idx.msk [tilespmem:v1+s16+$0x0], $0xffff;
	[tilespmem:s14+$0x44D0] =	vst v4  }
0x1b9: {  	v59 =	vadd.s32 v6, v48;
	v57 =	vld.idx.msk [tilespmem:v57+s16+$0x0], $0xffff;
	[tilespmem:s7+$0x1AA0] =	vst v3  }
0x1ba: {  	v4 =	vadd.s32 v15, v54;
	v3 =	vld.idx.msk [tilespmem:v5+s17+$0x0], $0xffff;
	[tilespmem:s7+$0x1A90] =	vst v2  }
0x1bb: {  	v5 =	vadd.s32 v15, v53;
	v2 =	vld.idx.msk [tilespmem:v61+s16+$0x0], $0xffff;
	[tilespmem:s0+$0x2EF0] =	vst v60  }
0x1bc: {  	v56 =	vld.idx.msk [tilespmem:v56+s16+$0x0], $0xffff;
	[tilespmem:s0+$0x2EE0] =	vst v58;
	v58 =	vadd.s32 v11, v55  }
0x1bd: {  	v61 =	vadd.s32 v30, v52;
	v60 =	vld.idx.msk [tilespmem:v62+s16+$0x0], $0xffff;
	[tilespmem:s8+$0x640] =	vst v1  }
0x1be: {  	v62 =	vadd.s32 v12, v49;
	v59 =	vld.idx.msk [tilespmem:v59+s16+$0x0], $0xffff;
	[tilespmem:s8+$0x650] =	vst v57  }
0x1bf: {  	v1 =	vadd.s32 v30, v51;
	v4 =	vld.idx.msk [tilespmem:v4+s16+$0x0], $0xffff;
	[tilespmem:s14+$0x4660] =	vst v3  }
0x1c0: {  	v57 =	vadd.s32 v12, v48;
	v5 =	vld.idx.msk [tilespmem:v5+s16+$0x0], $0xffff;
	[tilespmem:s7+$0x1C30] =	vst v2  }
0x1c1: {  	v3 =	vadd.s32 v22, v54;
	v2 =	vld.idx.msk [tilespmem:v58+s17+$0x0], $0xffff;
	[tilespmem:s7+$0x1C20] =	vst v56  }
0x1c2: {  	v58 =	vadd.s32 v22, v53;
	v56 =	vld.idx.msk [tilespmem:v61+s16+$0x0], $0xffff;
	[tilespmem:s0+$0x3080] =	vst v60  }
0x1c3: {  	v55 =	vadd.s32 v41, v55;
	[tilespmem:s0+$0x3070] =	vst v59;
	v60 =	vld.idx.msk [tilespmem:v62+s17+$0x0], $0xffff  }
0x1c4: {  	v1 =	vld.idx.msk [tilespmem:v1+s16+$0x0], $0xffff;
	v62 =	vadd.s32 v17, v49;
	[tilespmem:s8+$0x7D0] =	vst v4  }
0x1c5: {  	v59 =	vadd.s32 v31, v52;
	v57 =	vld.idx.msk [tilespmem:v57+s17+$0x0], $0xffff;
	[tilespmem:s8+$0x7E0] =	vst v5  }
0x1c6: {  	v4 =	vadd.s32 v31, v51;
	v3 =	vld.idx.msk [tilespmem:v3+s16+$0x0], $0xffff;
	[tilespmem:s14+$0x47F0] =	vst v2  }
0x1c7: {  	v5 =	vadd.s32 v17, v48;
	v58 =	vld.idx.msk [tilespmem:v58+s16+$0x0], $0xffff;
	[tilespmem:s7+$0x1DC0] =	vst v56  }
0x1c8: {  	v2 =	vadd.s32 v63, v54;
	v55 =	vld.idx.msk [tilespmem:v55+s17+$0x0], $0xffff;
	[tilespmem:s0+$0x3210] =	vst v60  }
0x1c9: {  	v56 =	vadd.s32 v63, v53;
	[tilespmem:s7+$0x1DB0] =	vst v1;
	v60 =	vld.idx.msk [tilespmem:v62+s17+$0x0], $0xffff  }
0x1ca: {  	v61 =	vadd.s32 v16, v49;
	v1 =	vld.idx.msk [tilespmem:v59+s16+$0x0], $0xffff;
	[tilespmem:s0+$0x3200] =	vst v57  }
0x1cb: {  	v4 =	vld.idx.msk [tilespmem:v4+s16+$0x0], $0xffff;
	[tilespmem:s8+$0x960] =	vst v3  }
0x1cc: {  	v59 =	vadd.s32 v38, v50;
	v5 =	vld.idx.msk [tilespmem:v5+s17+$0x0], $0xffff;
	[tilespmem:s8+$0x970] =	vst v58  }
0x1cd: {  	v57 =	vadd.s32 v32, v52;
	v2 =	vld.idx.msk [tilespmem:v2+s16+$0x0], $0xffff;
	[tilespmem:s14+$0x4980] =	vst v55  }
0x1ce: {  	v3 =	vadd.s32 v32, v51;
	v56 =	vld.idx.msk [tilespmem:v56+s16+$0x0], $0xffff;
	[tilespmem:s0+$0x33A0] =	vst v60  }
0x1cf: {  	v58 =	vadd.s32 v16, v48;
	[tilespmem:s7+$0x1F50] =	vst v1;
	v60 =	vld.idx.msk [tilespmem:v61+s17+$0x0], $0xffff  }
0x1d0: {  	[tilespmem:s7+$0x1F40] =	vst v4  }
0x1d1: {  	v55 =	vadd.s32 v9, v54;
	v1 =	vld.idx.msk [tilespmem:v59+s17+$0x0], $0xffff;
	[tilespmem:s0+$0x3390] =	vst v5  }
0x1d2: {  	v59 =	vadd.s32 v9, v53;
	v4 =	vld.idx.msk [tilespmem:v57+s16+$0x0], $0xffff;
	[tilespmem:s8+$0xAF0] =	vst v2  }
0x1d3: {  	v61 =	vadd.s32 v19, v49;
	v3 =	vld.idx.msk [tilespmem:v3+s16+$0x0], $0xffff;
	[tilespmem:s8+$0xB00] =	vst v56  }
0x1d4: {  	v57 =	vadd.s32 v40, v50;
	v58 =	vld.idx.msk [tilespmem:v58+s17+$0x0], $0xffff;
	[tilespmem:s0+$0x3530] =	vst v60  }
0x1d5: {  	v5 =	vadd.s32 v33, v52;
	v7 =	vld [tilespmem:$0x1FFF0]  }
0x1d6: {  	v2 =	vadd.s32 v33, v51;
	v55 =	vld.idx.msk [tilespmem:v55+s16+$0x0], $0xffff  }
0x1d7: {  	v56 =	vadd.s32 v19, v48;
	v59 =	vld.idx.msk [tilespmem:v59+s16+$0x0], $0xffff;
	[tilespmem:s14+$0x4010] =	vst v1  }
0x1d8: {  	v60 =	vld.idx.msk [tilespmem:v61+s17+$0x0], $0xffff;
	v1 =	vadd.s32 v24, v54;
	[tilespmem:s7+$0x20E0] =	vst v4  }
0x1d9: {  	[tilespmem:s7+$0x20D0] =	vst v3;
	v4 =	vld.idx.msk [tilespmem:v57+s17+$0x0], $0xffff;
	v57 =	vadd.s32 v24, v53  }
0x1da: {  	[tilespmem:s0+$0x3520] =	vst v58;
	v3 =	vld.idx.msk [tilespmem:v5+s16+$0x0], $0xffff;
	v61 =	vadd.s32 v7, v49  }
0x1db: {  	v5 =	vadd.s32 v42, v50;
	v2 =	vld.idx.msk [tilespmem:v2+s16+$0x0], $0xffff;
	[tilespmem:s8+$0xC80] =	vst v55  }
0x1dc: {  	v58 =	vadd.s32 v34, v52;
	v56 =	vld.idx.msk [tilespmem:v56+s17+$0x0], $0xffff;
	[tilespmem:s8+$0xC90] =	vst v59  }
0x1dd: {  	v55 =	vadd.s32 v34, v51;
	[tilespmem:s0+$0x36C0] =	vst v60;
	v1 =	vld.idx.msk [tilespmem:v1+s16+$0x0], $0xffff  }
0x1de: {  	v59 =	vadd.s32 v7, v48;
	v57 =	vld.idx.msk [tilespmem:v57+s16+$0x0], $0xffff;
	[tilespmem:s14+$0x41A0] =	vst v4  }
0x1df: {  	v4 =	vadd.s32 v39, v54;
	[tilespmem:s7+$0x2270] =	vst v3;
	v60 =	vld.idx.msk [tilespmem:v61+s17+$0x0], $0xffff  }
0x1e0: {  	[tilespmem:s7+$0x2260] =	vst v2;
	v3 =	vld.idx.msk [tilespmem:v5+s17+$0x0], $0xffff;
	v61 =	vadd.s32 v18, v49  }
0x1e1: {  	[tilespmem:s0+$0x36B0] =	vst v56;
	v5 =	vadd.s32 v39, v53;
	v2 =	vld.idx.msk [tilespmem:v58+s16+$0x0], $0xffff  }
0x1e2: {  	v39 =	vadd.s32 v45, v50;
	v55 =	vld.idx.msk [tilespmem:v55+s16+$0x0], $0xffff;
	[tilespmem:s8+$0xE10] =	vst v1  }
0x1e3: {  	v56 =	vadd.s32 v35, v52;
	v59 =	vld.idx.msk [tilespmem:v59+s17+$0x0], $0xffff;
	[tilespmem:s8+$0xE20] =	vst v57  }
0x1e4: {  	v1 =	vadd.s32 v35, v51;
	v4 =	vld.idx.msk [tilespmem:v4+s16+$0x0], $0xffff;
	[tilespmem:s0+$0x3850] =	vst v60  }
0x1e5: {  	v57 =	vadd.s32 v18, v48;
	[tilespmem:s14+$0x4330] =	vst v3;
	v60 =	vld.idx.msk [tilespmem:v61+s17+$0x0], $0xffff  }
0x1e6: {  	v5 =	vld.idx.msk [tilespmem:v5+s16+$0x0], $0xffff;
	[tilespmem:s7+$0x2400] =	vst v2;
	v61 =	vadd.s32 v46, v49  }
0x1e7: {  	v3 =	vadd.s32 v21, v54;
	[tilespmem:s7+$0x23F0] =	vst v55;
	v2 =	vld.idx.msk [tilespmem:v39+s17+$0x0], $0xffff  }
0x1e8: {  	v39 =	vadd.s32 v21, v53;
	v55 =	vld.idx.msk [tilespmem:v56+s16+$0x0], $0xffff;
	[tilespmem:s0+$0x3840] =	vst v59  }
0x1e9: {  	v56 =	vadd.s32 v44, v50;
	v1 =	vld.idx.msk [tilespmem:v1+s16+$0x0], $0xffff;
	[tilespmem:s8+$0xFA0] =	vst v4  }
0x1ea: {  	v13 =	vmov v20;
	v20 =	vmov v7;
	v59 =	vadd.s32 v36, v52;
	v7 =	vld.idx.msk [tilespmem:v57+s17+$0x0], $0xffff;
	[tilespmem:s0+$0x39E0] =	vst v60  }
0x1eb: {  	v4 =	vadd.s32 v36, v51;
	[tilespmem:s8+$0xFB0] =	vst v5;
	v61 =	vld.idx.msk [tilespmem:v61+s17+$0x0], $0xffff  }
0x1ec: {  	v3 =	vld.idx.msk [tilespmem:v3+s16+$0x0], $0xffff;
	[tilespmem:s14+$0x44C0] =	vst v2  }
0x1ed: {  	v8 =	vmov v6;
	v5 =	vadd.s32 v46, v48;
	v6 =	vld.idx.msk [tilespmem:v39+s16+$0x0], $0xffff;
	[tilespmem:s7+$0x2590] =	vst v55  }
0x1ee: {  	v39 =	vadd.s32 v37, v49;
	v62 =	vld.idx.msk [tilespmem:v56+s17+$0x0], $0xffff;
	[tilespmem:s7+$0x2580] =	vst v1  }
0x1ef: {  	v9 =	vadd.s32 v47, v54;
	v1 =	vld.idx.msk [tilespmem:v59+s16+$0x0], $0xffff;
	[tilespmem:s0+$0x39D0] =	vst v7  }
0x1f0: {  	v63 =	vld.idx.msk [tilespmem:v4+s16+$0x0], $0xffff;
	[tilespmem:s0+$0x3B70] =	vst v61  }
0x1f1: {  	v14 =	vld [tilespmem:$0x1FFD0]  }
0x1f2: {  	v60 =	vld.idx.msk [tilespmem:v5+s17+$0x0], $0xffff  }
0x1f3: {  	v15 =	vmov v12;
	v22 =	vmov v46;
	[tilespmem:s8+$0x1130] =	vst v3;
	v58 =	vld.idx.msk [tilespmem:v39+s17+$0x0], $0xffff  }
0x1f4: {  	v24 =	vmov v8;
	v57 =	vadd.s32 v43, v49;
	v5 =	vadd.s32 v47, v53;
	[tilespmem:s8+$0x1140] =	vst v6;
	v4 =	vld.idx.msk [tilespmem:v9+s16+$0x0], $0xffff  }
0x1f5: {  	v46 =	vmovc v13;
	v55 =	vadd.s32 v43, v52;
	v56 =	vadd.s32 v43, v53;
	v59 =	vadd.s32 v11, v50;
	v39 =	vld [tilespmem:$0x1FFE0]  }
0x1f6: {  	s9 =	simm.s32 $0x6;
	s10 =	simm.s32 $0x80;
	v13 =	vmovc v47;
	v61 =	vadd.s32 v37, v48;
	v12 =	vld [tilespmem:$0x1FF20];
	v2 =	vadd.s32 v14, v52;
	v3 =	vadd.s32 v14, v51  }
.LBB2_3:
0x1f7: {  	_ =	sdelay $0x1  }
0x1f8: {  	v5 =	vld.idx.msk [tilespmem:v5+s16+$0x0], $0xffff;
	[tilespmem:s14+$0x4650] =	vst v62  }
0x1f9: {  	v6 =	vmov s10;
	v8 =	vadd.s32 v23, v53;
	v9 =	vld [tilespmem:$0x1FD50];
	v62 =	vadd.s32 v41, v50;
	[tilespmem:s7+$0x2720] =	vst v1  }
0x1fa: {  	s12 =	sadd.s32 $0x10, s10;
	v50 =	vmovc v48;
	v48 =	vmov v51;
	v51 =	vmov v54;
	v6 =	vmul.u32 $0x30, v6;
	v1 =	vld.idx.msk [tilespmem:v59+s17+$0x0], $0xffff;
	[tilespmem:s7+$0x2710] =	vst v63  }
0x1fb: {  	v47 =	vmov s12;
	v7 =	vadd.s32 v23, v51;
	v3 =	vld.idx.msk [tilespmem:v3+s16+$0x0], $0xffff;
	[tilespmem:s0+$0x3B60] =	vst v60  }
0x1fc: {  	v47 =	vmul.u32 $0x30, v47;
	v54 =	vbroadcast v6, $0x0;
	v2 =	vld.idx.msk [tilespmem:v2+s16+$0x0], $0xffff;
	[tilespmem:s0+$0x3D00] =	vst v58  }
0x1fd: {  	v6 =	vadd.s32 v39, v52;
	v60 =	vld.idx.msk [tilespmem:v61+s17+$0x0], $0xffff;
	[tilespmem:s8+$0x12C0] =	vst v4  }
0x1fe: {  	v59 =	vbroadcast v47, $0x0;
	v47 =	vadd.s32 v0, v54;
	v4 =	vld.idx.msk [tilespmem:v57+s17+$0x0], $0xffff;
	[tilespmem:s8+$0x12D0] =	vst v5  }
0x1ff: {  	v5 =	vadd.s32 v39, v48;
	v8 =	vld.idx.msk [tilespmem:v8+s16+$0x0], $0xffff  }
0x200: {  	v61 =	vadd.s32 v0, v59;
	v7 =	vld.idx.msk [tilespmem:v7+s16+$0x0], $0xffff;
	[tilespmem:s14+$0x47E0] =	vst v1  }
0x201: {  	[tilespmem:s7+$0x28B0] =	vst v2;
	v2 =	vld.idx.msk [tilespmem:v62+s17+$0x0], $0xffff  }
0x202: {  	v1 =	vadd.s32 v38, v49;
	[tilespmem:s7+$0x28A0] =	vst v3;
	v3 =	vld.idx.msk [tilespmem:v6+s16+$0x0], $0xffff  }
0x203: {  	v62 =	vadd.s32 v25, v53;
	v6 =	vld.idx.msk [tilespmem:v47+s16+$0x0], $0xffff;
	[tilespmem:s0+$0x3CF0] =	vst v60  }
0x204: {  	v58 =	vadd.s32 v25, v51;
	[tilespmem:s0+$0x3E90] =	vst v4;
	v5 =	vld.idx.msk [tilespmem:v5+s16+$0x0], $0xffff  }
0x205: {  	v47 =	vadd.s32 v43, v50;
	v61 =	vld.idx.msk [tilespmem:v61+s16+$0x0], $0xffff;
	[tilespmem:s8+$0x1460] =	vst v8  }
0x206: {  	v4 =	vadd.s32 v9, v54;
	v8 =	vadd.s32 v9, v59;
	v9 =	vld [tilespmem:$0x1FD60];
	[tilespmem:s8+$0x1450] =	vst v7;
	v7 =	vadd.s32 v10, v52  }
0x207: {  	v1 =	vld.idx.msk [tilespmem:v1+s17+$0x0], $0xffff;
	[tilespmem:s14+$0x4970] =	vst v2;
	s14 =	smov.u32 s0;
	s0 =	smov.u32 s7  }
0x208: {  	v62 =	vld.idx.msk [tilespmem:v62+s16+$0x0], $0xffff;
	s7 =	smov.u32 s8;
	s8 =	sadd.s32 $0x20, s8;
	[tilespmem:s0+$0x2A40] =	vst v3  }
0x209: {  	v2 =	vld.idx.msk [tilespmem:v58+s16+$0x0], $0xffff;
	v3 =	vadd.s32 v40, v49;
	[tilespmem:s8+$0x0] =	vst v6  }
0x20a: {  	v6 =	vadd.s32 v26, v53;
	v58 =	vld.idx.msk [tilespmem:v47+s17+$0x0], $0xffff;
	[tilespmem:s0+$0x2A30] =	vst v5  }
0x20b: {  	v60 =	vadd.s32 v26, v51;
	v5 =	vld.idx.msk [tilespmem:v7+s16+$0x0], $0xffff;
	[tilespmem:s8+$0x10] =	vst v61  }
0x20c: {  	v8 =	vld.idx.msk [tilespmem:v8+s16+$0x0], $0xffff;
	[tilespmem:s14+$0x4020] =	vst v1  }
0x20d: {  	v4 =	vld.idx.msk [tilespmem:v4+s16+$0x0], $0xffff;
	v7 =	vadd.s32 v10, v48;
	[tilespmem:s7+$0x15F0] =	vst v62  }
0x20e: {  	v47 =	vadd.s32 v12, v52;
	v3 =	vld.idx.msk [tilespmem:v3+s17+$0x0], $0xffff  }
0x20f: {  	v1 =	vadd.s32 v9, v59;
	[tilespmem:s7+$0x15E0] =	vst v2;
	v2 =	vld.idx.msk [tilespmem:v6+s16+$0x0], $0xffff  }
0x210: {  	v61 =	vadd.s32 v9, v54;
	v6 =	vld.idx.msk [tilespmem:v60+s16+$0x0], $0xffff;
	[tilespmem:s14+$0x3E80] =	vst v58  }
0x211: {  	v9 =	vld [tilespmem:$0x1FD70];
	v58 =	vadd.s32 v42, v49;
	[tilespmem:s0+$0x2BD0] =	vst v5  }
0x212: {  	v60 =	vadd.s32 v27, v53;
	v7 =	vld.idx.msk [tilespmem:v7+s16+$0x0], $0xffff;
	[tilespmem:s8+$0x190] =	vst v4  }
0x213: {  	v4 =	vadd.s32 v27, v51;
	v5 =	vld.idx.msk [tilespmem:v47+s16+$0x0], $0xffff;
	[tilespmem:s8+$0x1A0] =	vst v8  }
0x214: {  	v1 =	vld.idx.msk [tilespmem:v1+s16+$0x0], $0xffff;
	[tilespmem:s14+$0x41B0] =	vst v3  }
0x215: {  	v61 =	vld.idx.msk [tilespmem:v61+s16+$0x0], $0xffff;
	v8 =	vadd.s32 v12, v48;
	[tilespmem:s7+$0x1780] =	vst v2  }
0x216: {  	v47 =	vadd.s32 v46, v52;
	v2 =	vld.idx.msk [tilespmem:v58+s17+$0x0], $0xffff  }
0x217: {  	v3 =	vadd.s32 v9, v59;
	[tilespmem:s7+$0x1770] =	vst v6;
	v6 =	vld.idx.msk [tilespmem:v60+s16+$0x0], $0xffff  }
0x218: {  	v62 =	vadd.s32 v9, v54;
	v4 =	vld.idx.msk [tilespmem:v4+s16+$0x0], $0xffff;
	[tilespmem:s0+$0x2BC0] =	vst v7  }
0x219: {  	v9 =	vld [tilespmem:$0x1FD80];
	v7 =	vadd.s32 v45, v49;
	[tilespmem:s0+$0x2D60] =	vst v5  }
0x21a: {  	v58 =	vadd.s32 v28, v53;
	v8 =	vld.idx.msk [tilespmem:v8+s16+$0x0], $0xffff;
	[tilespmem:s8+$0x320] =	vst v61  }
0x21b: {  	v5 =	vadd.s32 v28, v51;
	v47 =	vld.idx.msk [tilespmem:v47+s16+$0x0], $0xffff;
	[tilespmem:s8+$0x330] =	vst v1  }
0x21c: {  	v3 =	vld.idx.msk [tilespmem:v3+s16+$0x0], $0xffff;
	[tilespmem:s14+$0x4340] =	vst v2  }
0x21d: {  	v61 =	vld.idx.msk [tilespmem:v62+s16+$0x0], $0xffff;
	v1 =	vadd.s32 v46, v48;
	[tilespmem:s7+$0x1910] =	vst v6  }
0x21e: {  	v62 =	vadd.s32 v24, v52;
	v6 =	vld.idx.msk [tilespmem:v7+s17+$0x0], $0xffff  }
0x21f: {  	v7 =	vadd.s32 v9, v59;
	[tilespmem:s7+$0x1900] =	vst v4;
	v4 =	vld.idx.msk [tilespmem:v58+s16+$0x0], $0xffff  }
0x220: {  	v2 =	vadd.s32 v9, v54;
	v5 =	vld.idx.msk [tilespmem:v5+s16+$0x0], $0xffff;
	[tilespmem:s0+$0x2D50] =	vst v8  }
0x221: {  	v9 =	vld [tilespmem:$0x1FD90];
	v8 =	vadd.s32 v44, v49;
	[tilespmem:s0+$0x2EF0] =	vst v47  }
0x222: {  	v58 =	vadd.s32 v29, v53;
	v1 =	vld.idx.msk [tilespmem:v1+s16+$0x0], $0xffff;
	[tilespmem:s8+$0x4B0] =	vst v61  }
0x223: {  	v61 =	vld.idx.msk [tilespmem:v62+s16+$0x0], $0xffff;
	[tilespmem:s8+$0x4C0] =	vst v3  }
0x224: {  	v47 =	vadd.s32 v29, v51;
	v7 =	vld.idx.msk [tilespmem:v7+s16+$0x0], $0xffff;
	[tilespmem:s14+$0x44D0] =	vst v6  }
0x225: {  	v3 =	vadd.s32 v24, v48;
	v2 =	vld.idx.msk [tilespmem:v2+s16+$0x0], $0xffff;
	[tilespmem:s7+$0x1AA0] =	vst v4  }
0x226: {  	v62 =	vadd.s32 v15, v52;
	v4 =	vld.idx.msk [tilespmem:v8+s17+$0x0], $0xffff  }
0x227: {  	v6 =	vadd.s32 v9, v54;
	[tilespmem:s7+$0x1A90] =	vst v5;
	v5 =	vld.idx.msk [tilespmem:v58+s16+$0x0], $0xffff  }
0x228: {  	v8 =	vadd.s32 v9, v59;
	v9 =	vld [tilespmem:$0x1FDA0]  }
0x229: {  	v58 =	vld.idx.msk [tilespmem:v47+s16+$0x0], $0xffff;
	[tilespmem:s0+$0x2EE0] =	vst v1  }
0x22a: {  	v1 =	vadd.s32 v11, v49;
	v3 =	vld.idx.msk [tilespmem:v3+s16+$0x0], $0xffff;
	[tilespmem:s0+$0x3080] =	vst v61  }
0x22b: {  	v47 =	vadd.s32 v30, v53;
	[tilespmem:s8+$0x640] =	vst v2;
	v61 =	vld.idx.msk [tilespmem:v62+s17+$0x0], $0xffff  }
0x22c: {  	v2 =	vadd.s32 v30, v51;
	v6 =	vld.idx.msk [tilespmem:v6+s16+$0x0], $0xffff;
	[tilespmem:s8+$0x650] =	vst v7  }
0x22d: {  	v7 =	vadd.s32 v15, v48;
	v8 =	vld.idx.msk [tilespmem:v8+s16+$0x0], $0xffff;
	[tilespmem:s14+$0x4660] =	vst v4  }
0x22e: {  	v62 =	vadd.s32 v17, v52;
	v4 =	vadd.s32 v9, v54;
	[tilespmem:s7+$0x1C30] =	vst v5;
	v5 =	vadd.s32 v9, v59;
	v9 =	vld [tilespmem:$0x1FDB0]  }
0x22f: {  	v1 =	vld.idx.msk [tilespmem:v1+s17+$0x0], $0xffff  }
0x230: {  	[tilespmem:s7+$0x1C20] =	vst v58;
	v58 =	vld.idx.msk [tilespmem:v47+s16+$0x0], $0xffff  }
0x231: {  	v2 =	vld.idx.msk [tilespmem:v2+s16+$0x0], $0xffff;
	[tilespmem:s0+$0x3070] =	vst v3  }
0x232: {  	v3 =	vadd.s32 v41, v49;
	v49 =	vmov v52;
	v52 =	vmov v53;
	[tilespmem:s0+$0x3210] =	vst v61;
	v7 =	vld.idx.msk [tilespmem:v7+s17+$0x0], $0xffff  }
0x233: {  	v47 =	vadd.s32 v31, v52;
	[tilespmem:s8+$0x7D0] =	vst v6;
	v60 =	vld.idx.msk [tilespmem:v62+s17+$0x0], $0xffff  }
0x234: {  	v6 =	vadd.s32 v31, v51;
	v4 =	vld.idx.msk [tilespmem:v4+s16+$0x0], $0xffff;
	[tilespmem:s8+$0x7E0] =	vst v8  }
0x235: {  	v53 =	vmov v59;
	v8 =	vadd.s32 v17, v48;
	v5 =	vld.idx.msk [tilespmem:v5+s16+$0x0], $0xffff;
	[tilespmem:s14+$0x47F0] =	vst v1  }
0x236: {  	v61 =	vadd.s32 v16, v49;
	v1 =	vadd.s32 v9, v54;
	[tilespmem:s7+$0x1DC0] =	vst v58;
	v58 =	vadd.s32 v9, v53;
	v9 =	vld [tilespmem:$0x1FDC0]  }
0x237: {  	v3 =	vld.idx.msk [tilespmem:v3+s17+$0x0], $0xffff  }
0x238: {  	[tilespmem:s7+$0x1DB0] =	vst v2;
	v2 =	vld.idx.msk [tilespmem:v47+s16+$0x0], $0xffff  }
0x239: {  	v47 =	vadd.s32 v38, v50;
	v6 =	vld.idx.msk [tilespmem:v6+s16+$0x0], $0xffff;
	[tilespmem:s0+$0x3200] =	vst v7  }
0x23a: {  	[tilespmem:s0+$0x33A0] =	vst v60;
	v8 =	vld.idx.msk [tilespmem:v8+s17+$0x0], $0xffff  }
0x23b: {  	v7 =	vadd.s32 v32, v52;
	[tilespmem:s8+$0x960] =	vst v4;
	v60 =	vld.idx.msk [tilespmem:v61+s17+$0x0], $0xffff  }
0x23c: {  	v4 =	vadd.s32 v32, v51;
	v1 =	vld.idx.msk [tilespmem:v1+s16+$0x0], $0xffff;
	[tilespmem:s8+$0x970] =	vst v5  }
0x23d: {  	v5 =	vadd.s32 v16, v48;
	v58 =	vld.idx.msk [tilespmem:v58+s16+$0x0], $0xffff  }
0x23e: {  	v61 =	vadd.s32 v19, v49;
	[tilespmem:s7+$0x1F50] =	vst v2;
	v2 =	vld.idx.msk [tilespmem:v47+s17+$0x0], $0xffff  }
0x23f: {  	[tilespmem:s14+$0x4980] =	vst v3;
	v3 =	vadd.s32 v9, v54;
	v47 =	vadd.s32 v9, v53;
	v9 =	vld [tilespmem:$0x1FDD0]  }
0x240: {  	[tilespmem:s7+$0x1F40] =	vst v6;
	v6 =	vld.idx.msk [tilespmem:v7+s16+$0x0], $0xffff  }
0x241: {  	v57 =	vmov v55;
	v4 =	vld.idx.msk [tilespmem:v4+s16+$0x0], $0xffff;
	[tilespmem:s0+$0x3390] =	vst v8  }
0x242: {  	v55 =	vmov v56;
	v56 =	vadd.s32 v43, v59;
	v59 =	vadd.s32 v40, v50;
	[tilespmem:s0+$0x3530] =	vst v60;
	v5 =	vld.idx.msk [tilespmem:v5+s17+$0x0], $0xffff  }
0x243: {  	v7 =	vadd.s32 v33, v52;
	[tilespmem:s8+$0xAF0] =	vst v1;
	v8 =	vld.idx.msk [tilespmem:v61+s17+$0x0], $0xffff  }
0x244: {  	v1 =	vadd.s32 v33, v51;
	[tilespmem:s8+$0xB00] =	vst v58;
	v3 =	vld.idx.msk [tilespmem:v3+s16+$0x0], $0xffff  }
0x245: {  	v58 =	vadd.s32 v19, v48;
	v60 =	vld.idx.msk [tilespmem:v47+s16+$0x0], $0xffff  }
0x246: {  	v61 =	vadd.s32 v20, v49;
	[tilespmem:s14+$0x4010] =	vst v2;
	v2 =	vadd.s32 v9, v54;
	v47 =	vadd.s32 v9, v53;
	v9 =	vld [tilespmem:$0x1FDE0]  }
0x247: {  	[tilespmem:s7+$0x20E0] =	vst v6;
	v6 =	vld.idx.msk [tilespmem:v59+s17+$0x0], $0xffff  }
0x248: {  	[tilespmem:s7+$0x20D0] =	vst v4;
	v4 =	vld.idx.msk [tilespmem:v7+s16+$0x0], $0xffff  }
0x249: {  	v59 =	vadd.s32 v42, v50;
	v1 =	vld.idx.msk [tilespmem:v1+s16+$0x0], $0xffff;
	[tilespmem:s0+$0x3520] =	vst v5  }
0x24a: {  	v5 =	vadd.s32 v34, v52;
	[tilespmem:s0+$0x36C0] =	vst v8;
	v7 =	vld.idx.msk [tilespmem:v58+s17+$0x0], $0xffff  }
0x24b: {  	v8 =	vld.idx.msk [tilespmem:v61+s17+$0x0], $0xffff;
	[tilespmem:s8+$0xC80] =	vst v3;
	v3 =	vadd.s32 v34, v51  }
0x24c: {  	v61 =	vadd.s32 v18, v49;
	v2 =	vld.idx.msk [tilespmem:v2+s16+$0x0], $0xffff;
	[tilespmem:s8+$0xC90] =	vst v60  }
0x24d: {  	v58 =	vadd.s32 v20, v48;
	v60 =	vld.idx.msk [tilespmem:v47+s16+$0x0], $0xffff;
	[tilespmem:s14+$0x41A0] =	vst v6  }
0x24e: {  	v6 =	vadd.s32 v9, v54;
	[tilespmem:s7+$0x2270] =	vst v4;
	v4 =	vld.idx.msk [tilespmem:v59+s17+$0x0], $0xffff  }
0x24f: {  	v47 =	vadd.s32 v9, v53;
	[tilespmem:s7+$0x2260] =	vst v1;
	v1 =	vld.idx.msk [tilespmem:v5+s16+$0x0], $0xffff  }
0x250: {  	v59 =	vadd.s32 v45, v50;
	[tilespmem:s0+$0x3850] =	vst v8;
	v3 =	vld.idx.msk [tilespmem:v3+s16+$0x0], $0xffff  }
0x251: {  	v5 =	vadd.s32 v35, v52;
	[tilespmem:s0+$0x36B0] =	vst v7;
	v8 =	vld.idx.msk [tilespmem:v61+s17+$0x0], $0xffff  }
0x252: {  	v7 =	vld.idx.msk [tilespmem:v58+s17+$0x0], $0xffff;
	[tilespmem:s8+$0xE10] =	vst v2;
	v2 =	vadd.s32 v35, v51  }
0x253: {  	v61 =	vadd.s32 v22, v49;
	v6 =	vld.idx.msk [tilespmem:v6+s16+$0x0], $0xffff;
	[tilespmem:s8+$0xE20] =	vst v60  }
0x254: {  	v58 =	vadd.s32 v18, v48;
	v60 =	vld.idx.msk [tilespmem:v47+s16+$0x0], $0xffff;
	[tilespmem:s14+$0x4330] =	vst v4  }
0x255: {  	v4 =	vadd.s32 v21, v54;
	[tilespmem:s7+$0x2400] =	vst v1;
	v1 =	vld.idx.msk [tilespmem:v59+s17+$0x0], $0xffff  }
0x256: {  	v47 =	vadd.s32 v21, v53;
	[tilespmem:s7+$0x23F0] =	vst v3;
	v3 =	vld.idx.msk [tilespmem:v5+s16+$0x0], $0xffff  }
0x257: {  	v59 =	vadd.s32 v44, v50;
	[tilespmem:s0+$0x39E0] =	vst v8;
	v2 =	vld.idx.msk [tilespmem:v2+s16+$0x0], $0xffff  }
0x258: {  	[tilespmem:s0+$0x3840] =	vst v7;
	v7 =	vadd.s32 v36, v52;
	v8 =	vld.idx.msk [tilespmem:v61+s17+$0x0], $0xffff  }
0x259: {  	v58 =	vld.idx.msk [tilespmem:v58+s17+$0x0], $0xffff;
	[tilespmem:s8+$0xFA0] =	vst v6;
	v6 =	vadd.s32 v36, v51  }
0x25a: {  	v9 =	vadd.s32 v37, v49;
	v4 =	vld.idx.msk [tilespmem:v4+s16+$0x0], $0xffff;
	[tilespmem:s8+$0xFB0] =	vst v60  }
0x25b: {  	s9 =	sadd.s32 $0x2, s9;
	v60 =	vadd.s32 v22, v48;
	v61 =	vld.idx.msk [tilespmem:v47+s16+$0x0], $0xffff;
	[tilespmem:s14+$0x44C0] =	vst v1  }
0x25c: {  	p2 =	slt.u32 s9, $0x16;
	v47 =	vmov v10;
	v10 =	vadd.s32 v13, v54;
	[tilespmem:s7+$0x2590] =	vst v3;
	v62 =	vld.idx.msk [tilespmem:v59+s17+$0x0], $0xffff  }
.Ltmp4:
0x25d: {  	[tilespmem:s7+$0x2580] =	vst v2;
	v1 =	vld.idx.msk [tilespmem:v7+s16+$0x0], $0xffff;
	(pc) =	sbr.rel @p2 .LBB2_3-.Ltmp4, $4  }
0x25e: {  	[tilespmem:s0+$0x3B70] =	vst v8;
	v63 =	vld.idx.msk [tilespmem:v6+s16+$0x0], $0xffff  }
0x25f: {  	v5 =	vadd.s32 v13, v53;
	[tilespmem:s0+$0x39D0] =	vst v58;
	v58 =	vld.idx.msk [tilespmem:v9+s17+$0x0], $0xffff  }
0x260: {  	v59 =	vadd.s32 v11, v50;
	v3 =	vadd.s32 v14, v51;
	v60 =	vld.idx.msk [tilespmem:v60+s17+$0x0], $0xffff;
	[tilespmem:s8+$0x1130] =	vst v4  }
0x261: {  	s10 =	sadd.s32 $0x20, s10;
	v2 =	vadd.s32 v14, v52;
	v4 =	vld.idx.msk [tilespmem:v10+s16+$0x0], $0xffff;
	v10 =	vmov v47;
	[tilespmem:s8+$0x1140] =	vst v61;
	v61 =	vadd.s32 v37, v48  }
0x262: {  	_ =	sdelay $0x3  }
0x263: {  	v5 =	vld.idx.msk [tilespmem:v5+s16+$0x0], $0xffff  }
0x264: {  	v6 =	vadd.s32 v23, v53  }
0x265: {  	v7 =	vadd.s32 v23, v54;
	_ =	sdelay $0x2  }
0x266: {  	[tilespmem:s8+$0x12D0] =	vst v5  }
0x267: {  	[tilespmem:s8+$0x12C0] =	vst v4;
	v4 =	vld.idx.msk [tilespmem:v6+s16+$0x0], $0xffff  }
0x268: {  	v5 =	vld.idx.msk [tilespmem:v7+s16+$0x0], $0xffff;
	v6 =	vadd.s32 v25, v53  }
0x269: {  	v7 =	vadd.s32 v25, v54;
	_ =	sdelay $0x2  }
0x26a: {  	[tilespmem:s8+$0x1460] =	vst v4  }
0x26b: {  	[tilespmem:s8+$0x1450] =	vst v5;
	v4 =	vld.idx.msk [tilespmem:v6+s16+$0x0], $0xffff  }
0x26c: {  	v5 =	vld.idx.msk [tilespmem:v7+s16+$0x0], $0xffff;
	v6 =	vadd.s32 v26, v53  }
0x26d: {  	v7 =	vadd.s32 v26, v54;
	_ =	sdelay $0x2  }
0x26e: {  	[tilespmem:s8+$0x15F0] =	vst v4  }
0x26f: {  	[tilespmem:s8+$0x15E0] =	vst v5;
	v4 =	vld.idx.msk [tilespmem:v6+s16+$0x0], $0xffff  }
0x270: {  	v5 =	vld.idx.msk [tilespmem:v7+s16+$0x0], $0xffff;
	v6 =	vadd.s32 v27, v53  }
0x271: {  	v7 =	vadd.s32 v27, v54;
	_ =	sdelay $0x2  }
0x272: {  	[tilespmem:s8+$0x1780] =	vst v4  }
0x273: {  	[tilespmem:s8+$0x1770] =	vst v5;
	v4 =	vld.idx.msk [tilespmem:v6+s16+$0x0], $0xffff  }
0x274: {  	v5 =	vld.idx.msk [tilespmem:v7+s16+$0x0], $0xffff;
	v6 =	vadd.s32 v28, v53  }
0x275: {  	v7 =	vadd.s32 v28, v54;
	_ =	sdelay $0x2  }
0x276: {  	[tilespmem:s8+$0x1910] =	vst v4  }
0x277: {  	[tilespmem:s8+$0x1900] =	vst v5;
	v4 =	vld.idx.msk [tilespmem:v6+s16+$0x0], $0xffff  }
0x278: {  	v5 =	vld.idx.msk [tilespmem:v7+s16+$0x0], $0xffff;
	v6 =	vadd.s32 v29, v53  }
0x279: {  	v7 =	vadd.s32 v29, v54;
	_ =	sdelay $0x2  }
0x27a: {  	[tilespmem:s8+$0x1AA0] =	vst v4  }
0x27b: {  	[tilespmem:s8+$0x1A90] =	vst v5;
	v4 =	vld.idx.msk [tilespmem:v6+s16+$0x0], $0xffff  }
0x27c: {  	v5 =	vld.idx.msk [tilespmem:v7+s16+$0x0], $0xffff;
	v6 =	vadd.s32 v30, v53  }
0x27d: {  	v7 =	vadd.s32 v30, v54;
	_ =	sdelay $0x2  }
0x27e: {  	[tilespmem:s8+$0x1C30] =	vst v4  }
0x27f: {  	[tilespmem:s8+$0x1C20] =	vst v5;
	v4 =	vld.idx.msk [tilespmem:v6+s16+$0x0], $0xffff  }
0x280: {  	v5 =	vld.idx.msk [tilespmem:v7+s16+$0x0], $0xffff;
	v6 =	vadd.s32 v31, v53  }
0x281: {  	v7 =	vadd.s32 v31, v54;
	_ =	sdelay $0x2  }
0x282: {  	[tilespmem:s8+$0x1DC0] =	vst v4  }
0x283: {  	[tilespmem:s8+$0x1DB0] =	vst v5;
	v4 =	vld.idx.msk [tilespmem:v6+s16+$0x0], $0xffff  }
0x284: {  	v5 =	vld.idx.msk [tilespmem:v7+s16+$0x0], $0xffff;
	v6 =	vadd.s32 v32, v53  }
0x285: {  	v7 =	vadd.s32 v32, v54;
	_ =	sdelay $0x2  }
0x286: {  	[tilespmem:s8+$0x1F50] =	vst v4  }
0x287: {  	[tilespmem:s8+$0x1F40] =	vst v5;
	v4 =	vld.idx.msk [tilespmem:v6+s16+$0x0], $0xffff  }
0x288: {  	v5 =	vld.idx.msk [tilespmem:v7+s16+$0x0], $0xffff;
	v6 =	vadd.s32 v33, v53  }
0x289: {  	v7 =	vadd.s32 v33, v54;
	_ =	sdelay $0x2  }
0x28a: {  	[tilespmem:s8+$0x20E0] =	vst v4  }
0x28b: {  	[tilespmem:s8+$0x20D0] =	vst v5;
	v4 =	vld.idx.msk [tilespmem:v6+s16+$0x0], $0xffff  }
0x28c: {  	v5 =	vld.idx.msk [tilespmem:v7+s16+$0x0], $0xffff;
	v6 =	vadd.s32 v34, v53  }
0x28d: {  	v7 =	vadd.s32 v34, v54;
	_ =	sdelay $0x2  }
0x28e: {  	[tilespmem:s8+$0x2270] =	vst v4  }
0x28f: {  	[tilespmem:s8+$0x2260] =	vst v5;
	v4 =	vld.idx.msk [tilespmem:v6+s16+$0x0], $0xffff  }
0x290: {  	v5 =	vld.idx.msk [tilespmem:v7+s16+$0x0], $0xffff;
	v6 =	vadd.s32 v35, v53  }
0x291: {  	v7 =	vadd.s32 v35, v54;
	_ =	sdelay $0x2  }
0x292: {  	[tilespmem:s8+$0x2400] =	vst v4  }
0x293: {  	[tilespmem:s8+$0x23F0] =	vst v5;
	v4 =	vld.idx.msk [tilespmem:v6+s16+$0x0], $0xffff  }
0x294: {  	v5 =	vld.idx.msk [tilespmem:v7+s16+$0x0], $0xffff;
	v6 =	vadd.s32 v36, v53  }
0x295: {  	v7 =	vadd.s32 v36, v54;
	_ =	sdelay $0x2  }
0x296: {  	[tilespmem:s8+$0x2590] =	vst v4  }
0x297: {  	[tilespmem:s8+$0x2580] =	vst v5;
	v4 =	vld.idx.msk [tilespmem:v6+s16+$0x0], $0xffff  }
0x298: {  	v5 =	vld.idx.msk [tilespmem:v7+s16+$0x0], $0xffff;
	v6 =	vadd.s32 v14, v53  }
0x299: {  	v7 =	vadd.s32 v14, v54  }
0x29a: {  	[tilespmem:s7+$0x2720] =	vst v1  }
0x29b: {  	[tilespmem:s7+$0x2710] =	vst v63;
	v1 =	vld.idx.msk [tilespmem:v2+s16+$0x0], $0xffff  }
0x29c: {  	v2 =	vld.idx.msk [tilespmem:v3+s16+$0x0], $0xffff;
	v3 =	vadd.s32 v39, v52;
	[tilespmem:s8+$0x2720] =	vst v4  }
0x29d: {  	[tilespmem:s8+$0x2710] =	vst v5;
	v4 =	vadd.s32 v39, v51;
	v5 =	vld.idx.msk [tilespmem:v6+s16+$0x0], $0xffff  }
0x29e: {  	v6 =	vld.idx.msk [tilespmem:v7+s16+$0x0], $0xffff;
	v7 =	vadd.s32 v39, v53  }
0x29f: {  	v8 =	vadd.s32 v39, v54  }
0x2a0: {  	[tilespmem:s7+$0x28B0] =	vst v1  }
0x2a1: {  	[tilespmem:s7+$0x28A0] =	vst v2;
	v1 =	vld.idx.msk [tilespmem:v3+s16+$0x0], $0xffff  }
0x2a2: {  	v3 =	vadd.s32 v10, v52;
	v2 =	vld.idx.msk [tilespmem:v4+s16+$0x0], $0xffff;
	[tilespmem:s8+$0x28B0] =	vst v5  }
0x2a3: {  	v4 =	vadd.s32 v10, v51;
	[tilespmem:s8+$0x28A0] =	vst v6;
	v5 =	vld.idx.msk [tilespmem:v7+s16+$0x0], $0xffff  }
0x2a4: {  	v6 =	vld.idx.msk [tilespmem:v8+s16+$0x0], $0xffff;
	v7 =	vadd.s32 v10, v53  }
0x2a5: {  	v8 =	vadd.s32 v10, v54  }
0x2a6: {  	[tilespmem:s7+$0x2A40] =	vst v1  }
0x2a7: {  	v1 =	vld.idx.msk [tilespmem:v3+s16+$0x0], $0xffff;
	[tilespmem:s7+$0x2A30] =	vst v2  }
0x2a8: {  	v2 =	vadd.s32 v12, v52;
	v3 =	vld.idx.msk [tilespmem:v4+s16+$0x0], $0xffff;
	[tilespmem:s8+$0x2A40] =	vst v5  }
0x2a9: {  	v4 =	vadd.s32 v12, v51;
	[tilespmem:s8+$0x2A30] =	vst v6;
	v5 =	vld.idx.msk [tilespmem:v7+s16+$0x0], $0xffff  }
0x2aa: {  	v6 =	vadd.s32 v12, v53;
	v7 =	vld.idx.msk [tilespmem:v8+s16+$0x0], $0xffff  }
0x2ab: {  	v8 =	vadd.s32 v12, v54  }
0x2ac: {  	[tilespmem:s7+$0x2BD0] =	vst v1  }
0x2ad: {  	v1 =	vld.idx.msk [tilespmem:v2+s16+$0x0], $0xffff;
	[tilespmem:s7+$0x2BC0] =	vst v3  }
0x2ae: {  	v2 =	vadd.s32 v46, v52;
	v3 =	vld.idx.msk [tilespmem:v4+s16+$0x0], $0xffff;
	[tilespmem:s8+$0x2BD0] =	vst v5  }
0x2af: {  	v4 =	vadd.s32 v46, v51;
	[tilespmem:s8+$0x2BC0] =	vst v7;
	v5 =	vld.idx.msk [tilespmem:v6+s16+$0x0], $0xffff  }
0x2b0: {  	v6 =	vadd.s32 v46, v53;
	v7 =	vld.idx.msk [tilespmem:v8+s16+$0x0], $0xffff  }
0x2b1: {  	v8 =	vadd.s32 v46, v54  }
0x2b2: {  	[tilespmem:s7+$0x2D60] =	vst v1  }
0x2b3: {  	v1 =	vld.idx.msk [tilespmem:v2+s16+$0x0], $0xffff;
	[tilespmem:s7+$0x2D50] =	vst v3  }
0x2b4: {  	v2 =	vadd.s32 v24, v52;
	v3 =	vld.idx.msk [tilespmem:v4+s16+$0x0], $0xffff;
	[tilespmem:s8+$0x2D60] =	vst v5  }
0x2b5: {  	v4 =	vadd.s32 v24, v51;
	[tilespmem:s8+$0x2D50] =	vst v7;
	v5 =	vld.idx.msk [tilespmem:v6+s16+$0x0], $0xffff  }
0x2b6: {  	v6 =	vadd.s32 v24, v53;
	v7 =	vld.idx.msk [tilespmem:v8+s16+$0x0], $0xffff  }
0x2b7: {  	v8 =	vadd.s32 v24, v54  }
0x2b8: {  	[tilespmem:s7+$0x2EF0] =	vst v1  }
0x2b9: {  	v1 =	vld.idx.msk [tilespmem:v2+s16+$0x0], $0xffff;
	[tilespmem:s7+$0x2EE0] =	vst v3  }
0x2ba: {  	v2 =	vadd.s32 v15, v52;
	v3 =	vld.idx.msk [tilespmem:v4+s16+$0x0], $0xffff;
	[tilespmem:s8+$0x2EF0] =	vst v5  }
0x2bb: {  	v4 =	vadd.s32 v15, v51;
	[tilespmem:s8+$0x2EE0] =	vst v7;
	v5 =	vld.idx.msk [tilespmem:v6+s16+$0x0], $0xffff  }
0x2bc: {  	v6 =	vadd.s32 v15, v53;
	v7 =	vld.idx.msk [tilespmem:v8+s16+$0x0], $0xffff  }
0x2bd: {  	v8 =	vadd.s32 v15, v54  }
0x2be: {  	[tilespmem:s7+$0x3080] =	vst v1  }
0x2bf: {  	v1 =	vld.idx.msk [tilespmem:v2+s17+$0x0], $0xffff;
	[tilespmem:s7+$0x3070] =	vst v3  }
0x2c0: {  	v2 =	vadd.s32 v17, v52;
	v3 =	vld.idx.msk [tilespmem:v4+s17+$0x0], $0xffff;
	[tilespmem:s8+$0x3080] =	vst v5  }
0x2c1: {  	v4 =	vadd.s32 v17, v51;
	[tilespmem:s8+$0x3070] =	vst v7;
	v5 =	vld.idx.msk [tilespmem:v6+s17+$0x0], $0xffff  }
0x2c2: {  	v6 =	vadd.s32 v17, v53;
	v7 =	vld.idx.msk [tilespmem:v8+s17+$0x0], $0xffff  }
0x2c3: {  	v8 =	vadd.s32 v17, v54  }
0x2c4: {  	[tilespmem:s7+$0x3210] =	vst v1  }
0x2c5: {  	v1 =	vld.idx.msk [tilespmem:v2+s17+$0x0], $0xffff;
	[tilespmem:s7+$0x3200] =	vst v3  }
0x2c6: {  	v2 =	vadd.s32 v16, v52;
	v3 =	vld.idx.msk [tilespmem:v4+s17+$0x0], $0xffff;
	[tilespmem:s8+$0x3210] =	vst v5  }
0x2c7: {  	v4 =	vadd.s32 v16, v51;
	[tilespmem:s8+$0x3200] =	vst v7;
	v5 =	vld.idx.msk [tilespmem:v6+s17+$0x0], $0xffff  }
0x2c8: {  	v6 =	vadd.s32 v16, v53;
	v7 =	vld.idx.msk [tilespmem:v8+s17+$0x0], $0xffff  }
0x2c9: {  	v8 =	vadd.s32 v16, v54  }
0x2ca: {  	[tilespmem:s7+$0x33A0] =	vst v1  }
0x2cb: {  	v1 =	vld.idx.msk [tilespmem:v2+s17+$0x0], $0xffff;
	[tilespmem:s7+$0x3390] =	vst v3  }
0x2cc: {  	v2 =	vadd.s32 v19, v52;
	v3 =	vld.idx.msk [tilespmem:v4+s17+$0x0], $0xffff;
	[tilespmem:s8+$0x33A0] =	vst v5  }
0x2cd: {  	v4 =	vadd.s32 v19, v51;
	[tilespmem:s8+$0x3390] =	vst v7;
	v5 =	vld.idx.msk [tilespmem:v6+s17+$0x0], $0xffff  }
0x2ce: {  	v6 =	vadd.s32 v19, v53;
	v7 =	vld.idx.msk [tilespmem:v8+s17+$0x0], $0xffff  }
0x2cf: {  	v8 =	vadd.s32 v19, v54  }
0x2d0: {  	[tilespmem:s7+$0x3530] =	vst v1  }
0x2d1: {  	v1 =	vld.idx.msk [tilespmem:v2+s17+$0x0], $0xffff;
	[tilespmem:s7+$0x3520] =	vst v3  }
0x2d2: {  	v2 =	vadd.s32 v20, v52;
	v3 =	vld.idx.msk [tilespmem:v4+s17+$0x0], $0xffff;
	[tilespmem:s8+$0x3530] =	vst v5  }
0x2d3: {  	v4 =	vadd.s32 v20, v51;
	[tilespmem:s8+$0x3520] =	vst v7;
	v5 =	vld.idx.msk [tilespmem:v6+s17+$0x0], $0xffff  }
0x2d4: {  	v6 =	vadd.s32 v20, v53;
	v7 =	vld.idx.msk [tilespmem:v8+s17+$0x0], $0xffff  }
0x2d5: {  	v8 =	vadd.s32 v20, v54  }
0x2d6: {  	[tilespmem:s7+$0x36C0] =	vst v1  }
0x2d7: {  	v1 =	vld.idx.msk [tilespmem:v2+s17+$0x0], $0xffff;
	[tilespmem:s7+$0x36B0] =	vst v3  }
0x2d8: {  	v2 =	vadd.s32 v18, v52;
	v3 =	vld.idx.msk [tilespmem:v4+s17+$0x0], $0xffff;
	[tilespmem:s8+$0x36C0] =	vst v5  }
0x2d9: {  	v4 =	vadd.s32 v18, v51;
	[tilespmem:s8+$0x36B0] =	vst v7;
	v5 =	vld.idx.msk [tilespmem:v6+s17+$0x0], $0xffff  }
0x2da: {  	v6 =	vadd.s32 v18, v53;
	v7 =	vld.idx.msk [tilespmem:v8+s17+$0x0], $0xffff  }
0x2db: {  	v8 =	vadd.s32 v18, v54  }
0x2dc: {  	[tilespmem:s7+$0x3850] =	vst v1  }
0x2dd: {  	v1 =	vld.idx.msk [tilespmem:v2+s17+$0x0], $0xffff;
	[tilespmem:s7+$0x3840] =	vst v3  }
0x2de: {  	v2 =	vadd.s32 v22, v52;
	v3 =	vld.idx.msk [tilespmem:v4+s17+$0x0], $0xffff;
	[tilespmem:s8+$0x3850] =	vst v5  }
0x2df: {  	v4 =	vadd.s32 v22, v51;
	[tilespmem:s8+$0x3840] =	vst v7;
	v5 =	vld.idx.msk [tilespmem:v6+s17+$0x0], $0xffff  }
0x2e0: {  	[tilespmem:s14+$0x4650] =	vst v62;
	v6 =	vadd.s32 v22, v53;
	v7 =	vld.idx.msk [tilespmem:v8+s17+$0x0], $0xffff  }
0x2e1: {  	[tilespmem:s0+$0x3D00] =	vst v58;
	v8 =	vadd.s32 v22, v54  }
0x2e2: {  	v9 =	vld.idx.msk [tilespmem:v59+s17+$0x0], $0xffff;
	[tilespmem:s7+$0x39E0] =	vst v1  }
0x2e3: {  	v1 =	vld.idx.msk [tilespmem:v2+s17+$0x0], $0xffff;
	[tilespmem:s7+$0x39D0] =	vst v3  }
0x2e4: {  	v2 =	vadd.s32 v37, v52;
	v3 =	vld.idx.msk [tilespmem:v4+s17+$0x0], $0xffff;
	[tilespmem:s8+$0x39E0] =	vst v5  }
0x2e5: {  	v4 =	vadd.s32 v37, v51;
	[tilespmem:s8+$0x39D0] =	vst v7;
	v5 =	vld.idx.msk [tilespmem:v6+s17+$0x0], $0xffff  }
0x2e6: {  	[tilespmem:s0+$0x3B60] =	vst v60;
	v6 =	vadd.s32 v37, v53;
	v7 =	vld.idx.msk [tilespmem:v8+s17+$0x0], $0xffff  }
0x2e7: {  	v57 =	vld.idx.msk [tilespmem:v57+s17+$0x0], $0xffff;
	[tilespmem:s14+$0x47E0] =	vst v9;
	v9 =	vadd.s32 v37, v54  }
0x2e8: {  	v10 =	vadd.s32 v41, v50;
	v8 =	vld.idx.msk [tilespmem:v61+s17+$0x0], $0xffff;
	[tilespmem:s7+$0x3B70] =	vst v1  }
0x2e9: {  	v1 =	vadd.s32 v43, v48;
	v2 =	vld.idx.msk [tilespmem:v2+s17+$0x0], $0xffff;
	[tilespmem:s7+$0x3B60] =	vst v3  }
0x2ea: {  	v3 =	vld.idx.msk [tilespmem:v4+s17+$0x0], $0xffff;
	[tilespmem:s8+$0x3B70] =	vst v5  }
0x2eb: {  	v4 =	vadd.s32 v43, v51;
	[tilespmem:s8+$0x3B60] =	vst v7;
	v5 =	vld.idx.msk [tilespmem:v6+s17+$0x0], $0xffff  }
0x2ec: {  	[tilespmem:s0+$0x3E90] =	vst v57;
	v6 =	vld.idx.msk [tilespmem:v9+s17+$0x0], $0xffff  }
0x2ed: {  	[tilespmem:s0+$0x3CF0] =	vst v8;
	v7 =	vld.idx.msk [tilespmem:v10+s17+$0x0], $0xffff;
	v8 =	vadd.s32 v43, v54  }
0x2ee: {  	v9 =	vadd.s32 v38, v49;
	v1 =	vld.idx.msk [tilespmem:v1+s17+$0x0], $0xffff;
	[tilespmem:s7+$0x3D00] =	vst v2  }
0x2ef: {  	v2 =	vadd.s32 v38, v48;
	v10 =	vld.idx.msk [tilespmem:v55+s17+$0x0], $0xffff;
	[tilespmem:s7+$0x3CF0] =	vst v3  }
0x2f0: {  	v3 =	vadd.s32 v38, v52;
	v4 =	vld.idx.msk [tilespmem:v4+s17+$0x0], $0xffff;
	[tilespmem:s8+$0x3D00] =	vst v5  }
0x2f1: {  	v5 =	vadd.s32 v38, v51;
	[tilespmem:s8+$0x3CF0] =	vst v6;
	v58 =	vld.idx.msk [tilespmem:v56+s17+$0x0], $0xffff  }
0x2f2: {  	[tilespmem:s14+$0x4970] =	vst v7;
	v6 =	vadd.s32 v38, v53;
	v7 =	vld.idx.msk [tilespmem:v8+s17+$0x0], $0xffff  }
0x2f3: {  	[tilespmem:s0+$0x3E80] =	vst v1;
	v1 =	vadd.s32 v38, v54;
	v8 =	vld.idx.msk [tilespmem:v9+s17+$0x0], $0xffff  }
0x2f4: {  	v9 =	vadd.s32 v40, v49;
	v2 =	vld.idx.msk [tilespmem:v2+s17+$0x0], $0xffff;
	[tilespmem:s7+$0x3E90] =	vst v10  }
0x2f5: {  	v10 =	vadd.s32 v40, v48;
	v3 =	vld.idx.msk [tilespmem:v3+s17+$0x0], $0xffff;
	[tilespmem:s7+$0x3E80] =	vst v4  }
0x2f6: {  	v4 =	vadd.s32 v40, v52;
	v5 =	vld.idx.msk [tilespmem:v5+s17+$0x0], $0xffff;
	[tilespmem:s8+$0x3E90] =	vst v58  }
0x2f7: {  	v59 =	vadd.s32 v40, v51;
	[tilespmem:s8+$0x3E80] =	vst v7;
	v6 =	vld.idx.msk [tilespmem:v6+s17+$0x0], $0xffff  }
0x2f8: {  	[tilespmem:s0+$0x4020] =	vst v8;
	v7 =	vadd.s32 v40, v53;
	v1 =	vld.idx.msk [tilespmem:v1+s17+$0x0], $0xffff  }
0x2f9: {  	[tilespmem:s0+$0x4010] =	vst v2;
	v2 =	vadd.s32 v40, v54;
	v8 =	vld.idx.msk [tilespmem:v9+s17+$0x0], $0xffff  }
0x2fa: {  	v9 =	vadd.s32 v42, v49;
	v10 =	vld.idx.msk [tilespmem:v10+s17+$0x0], $0xffff;
	[tilespmem:s7+$0x4020] =	vst v3  }
0x2fb: {  	v3 =	vadd.s32 v42, v48;
	v4 =	vld.idx.msk [tilespmem:v4+s17+$0x0], $0xffff;
	[tilespmem:s7+$0x4010] =	vst v5  }
0x2fc: {  	v5 =	vadd.s32 v42, v52;
	v50 =	vld.idx.msk [tilespmem:v59+s17+$0x0], $0xffff;
	[tilespmem:s8+$0x4020] =	vst v6  }
0x2fd: {  	v6 =	vadd.s32 v42, v51;
	[tilespmem:s8+$0x4010] =	vst v1;
	v7 =	vld.idx.msk [tilespmem:v7+s17+$0x0], $0xffff  }
0x2fe: {  	[tilespmem:s0+$0x41B0] =	vst v8;
	v1 =	vadd.s32 v42, v53;
	v2 =	vld.idx.msk [tilespmem:v2+s17+$0x0], $0xffff  }
0x2ff: {  	[tilespmem:s0+$0x41A0] =	vst v10;
	v8 =	vld.idx.msk [tilespmem:v9+s17+$0x0], $0xffff;
	v9 =	vadd.s32 v42, v54  }
0x300: {  	v10 =	vadd.s32 v45, v49;
	v3 =	vld.idx.msk [tilespmem:v3+s17+$0x0], $0xffff;
	[tilespmem:s7+$0x41B0] =	vst v4  }
0x301: {  	v4 =	vadd.s32 v45, v48;
	v5 =	vld.idx.msk [tilespmem:v5+s17+$0x0], $0xffff;
	[tilespmem:s7+$0x41A0] =	vst v50  }
0x302: {  	v60 =	vadd.s32 v45, v52;
	v6 =	vld.idx.msk [tilespmem:v6+s17+$0x0], $0xffff;
	[tilespmem:s8+$0x41B0] =	vst v7  }
0x303: {  	v7 =	vadd.s32 v45, v51;
	[tilespmem:s8+$0x41A0] =	vst v2;
	v1 =	vld.idx.msk [tilespmem:v1+s17+$0x0], $0xffff  }
0x304: {  	[tilespmem:s0+$0x4340] =	vst v8;
	v2 =	vadd.s32 v45, v53;
	v8 =	vld.idx.msk [tilespmem:v9+s17+$0x0], $0xffff  }
0x305: {  	[tilespmem:s0+$0x4330] =	vst v3;
	v3 =	vadd.s32 v45, v54;
	v9 =	vld.idx.msk [tilespmem:v10+s17+$0x0], $0xffff  }
0x306: {  	v10 =	vadd.s32 v44, v49;
	v4 =	vld.idx.msk [tilespmem:v4+s17+$0x0], $0xffff;
	[tilespmem:s7+$0x4340] =	vst v5  }
0x307: {  	v5 =	vadd.s32 v44, v48;
	v50 =	vld.idx.msk [tilespmem:v60+s17+$0x0], $0xffff;
	[tilespmem:s7+$0x4330] =	vst v6  }
0x308: {  	v6 =	vadd.s32 v44, v52;
	v7 =	vld.idx.msk [tilespmem:v7+s17+$0x0], $0xffff;
	[tilespmem:s8+$0x4340] =	vst v1  }
0x309: {  	v1 =	vadd.s32 v44, v51;
	[tilespmem:s8+$0x4330] =	vst v8;
	v2 =	vld.idx.msk [tilespmem:v2+s17+$0x0], $0xffff  }
0x30a: {  	[tilespmem:s0+$0x44D0] =	vst v9;
	v8 =	vadd.s32 v44, v53;
	v3 =	vld.idx.msk [tilespmem:v3+s17+$0x0], $0xffff  }
0x30b: {  	[tilespmem:s0+$0x44C0] =	vst v4;
	v4 =	vadd.s32 v44, v54;
	v9 =	vld.idx.msk [tilespmem:v10+s17+$0x0], $0xffff  }
0x30c: {  	v10 =	vadd.s32 v11, v49;
	v5 =	vld.idx.msk [tilespmem:v5+s17+$0x0], $0xffff;
	[tilespmem:s7+$0x44D0] =	vst v50  }
0x30d: {  	v61 =	vadd.s32 v11, v48;
	v6 =	vld.idx.msk [tilespmem:v6+s17+$0x0], $0xffff;
	[tilespmem:s7+$0x44C0] =	vst v7  }
0x30e: {  	v7 =	vadd.s32 v11, v52;
	v1 =	vld.idx.msk [tilespmem:v1+s17+$0x0], $0xffff;
	[tilespmem:s8+$0x44D0] =	vst v2  }
0x30f: {  	v2 =	vadd.s32 v11, v51;
	[tilespmem:s8+$0x44C0] =	vst v3;
	v8 =	vld.idx.msk [tilespmem:v8+s17+$0x0], $0xffff  }
0x310: {  	[tilespmem:s0+$0x4660] =	vst v9;
	v3 =	vadd.s32 v11, v53;
	v4 =	vld.idx.msk [tilespmem:v4+s17+$0x0], $0xffff  }
0x311: {  	[tilespmem:s0+$0x4650] =	vst v5;
	v5 =	vadd.s32 v11, v54;
	v9 =	vld.idx.msk [tilespmem:v10+s17+$0x0], $0xffff  }
0x312: {  	v10 =	vadd.s32 v41, v49;
	v62 =	vld.idx.msk [tilespmem:v61+s17+$0x0], $0xffff;
	[tilespmem:s7+$0x4660] =	vst v6  }
0x313: {  	v6 =	vadd.s32 v41, v48;
	v7 =	vld.idx.msk [tilespmem:v7+s17+$0x0], $0xffff;
	[tilespmem:s7+$0x4650] =	vst v1  }
0x314: {  	v1 =	vadd.s32 v41, v52;
	v2 =	vld.idx.msk [tilespmem:v2+s17+$0x0], $0xffff;
	[tilespmem:s8+$0x4660] =	vst v8  }
0x315: {  	v8 =	vadd.s32 v41, v51;
	[tilespmem:s8+$0x4650] =	vst v4;
	v3 =	vld.idx.msk [tilespmem:v3+s17+$0x0], $0xffff  }
0x316: {  	[tilespmem:s0+$0x47F0] =	vst v9;
	v4 =	vadd.s32 v41, v53;
	v5 =	vld.idx.msk [tilespmem:v5+s17+$0x0], $0xffff  }
0x317: {  	[tilespmem:s0+$0x47E0] =	vst v62;
	v9 =	vld.idx.msk [tilespmem:v10+s17+$0x0], $0xffff;
	v10 =	vadd.s32 v41, v54  }
0x318: {  	v6 =	vld.idx.msk [tilespmem:v6+s17+$0x0], $0xffff;
	[tilespmem:s7+$0x47F0] =	vst v7  }
0x319: {  	v1 =	vld.idx.msk [tilespmem:v1+s17+$0x0], $0xffff;
	[tilespmem:s7+$0x47E0] =	vst v2  }
0x31a: {  	v2 =	vld.idx.msk [tilespmem:v8+s17+$0x0], $0xffff;
	[tilespmem:s8+$0x47F0] =	vst v3  }
0x31b: {  	[tilespmem:s8+$0x47E0] =	vst v5;
	v3 =	vld.idx.msk [tilespmem:v4+s17+$0x0], $0xffff  }
0x31c: {  	[tilespmem:s0+$0x4980] =	vst v9;
	v4 =	vld.idx.msk [tilespmem:v10+s17+$0x0], $0xffff  }
0x31d: {  	[tilespmem:s0+$0x4970] =	vst v6  }
0x31e: {  	[tilespmem:s7+$0x4980] =	vst v1  }
0x31f: {  	[tilespmem:s7+$0x4970] =	vst v2  }
0x320: {  	[tilespmem:s8+$0x4980] =	vst v3  }
0x321: {  	[tilespmem:s8+$0x4970] =	vst v4  }
0x322: {  	v1 =	vld [tilespmem:$0x1FE40];
	_ =	sdelay $0x7  }
0x323: {  	v1 =	vld.idx.msk [tilespmem:v1+s16+$0x0], $0xffff;
	_ =	sdelay $0x4  }
0x324: {  	[tilespmem:$0xB080] =	vst v1;
	v1 =	vld [tilespmem:$0x1FE50];
	_ =	sdelay $0x7  }
0x325: {  	v1 =	vld.idx.msk [tilespmem:v1+s16+$0x0], $0xffff;
	_ =	sdelay $0x4  }
0x326: {  	[tilespmem:$0xB210] =	vst v1;
	v1 =	vld [tilespmem:$0x1FE60];
	_ =	sdelay $0x7  }
0x327: {  	v1 =	vld.idx.msk [tilespmem:v1+s16+$0x0], $0xffff;
	_ =	sdelay $0x4  }
0x328: {  	[tilespmem:$0xB3A0] =	vst v1;
	v1 =	vld [tilespmem:$0x1FE70];
	_ =	sdelay $0x7  }
0x329: {  	v1 =	vld.idx.msk [tilespmem:v1+s16+$0x0], $0xffff;
	_ =	sdelay $0x4  }
0x32a: {  	[tilespmem:$0xB530] =	vst v1;
	v1 =	vld [tilespmem:$0x1FE80];
	_ =	sdelay $0x7  }
0x32b: {  	v1 =	vld.idx.msk [tilespmem:v1+s16+$0x0], $0xffff;
	_ =	sdelay $0x4  }
0x32c: {  	[tilespmem:$0xB6C0] =	vst v1;
	v1 =	vld [tilespmem:$0x1FE90];
	_ =	sdelay $0x7  }
0x32d: {  	v1 =	vld.idx.msk [tilespmem:v1+s16+$0x0], $0xffff;
	_ =	sdelay $0x4  }
0x32e: {  	[tilespmem:$0xB850] =	vst v1;
	v1 =	vld [tilespmem:$0x1FEA0];
	_ =	sdelay $0x7  }
0x32f: {  	v1 =	vld.idx.msk [tilespmem:v1+s16+$0x0], $0xffff;
	_ =	sdelay $0x4  }
0x330: {  	[tilespmem:$0xB9E0] =	vst v1;
	v1 =	vld [tilespmem:$0x1FEB0];
	_ =	sdelay $0x7  }
0x331: {  	v1 =	vld.idx.msk [tilespmem:v1+s16+$0x0], $0xffff;
	_ =	sdelay $0x4  }
0x332: {  	[tilespmem:$0xBB70] =	vst v1;
	v1 =	vld [tilespmem:$0x1FEC0];
	_ =	sdelay $0x7  }
0x333: {  	v1 =	vld.idx.msk [tilespmem:v1+s16+$0x0], $0xffff;
	_ =	sdelay $0x4  }
0x334: {  	[tilespmem:$0xBD00] =	vst v1;
	v1 =	vld [tilespmem:$0x1FED0];
	_ =	sdelay $0x7  }
0x335: {  	v1 =	vld.idx.msk [tilespmem:v1+s16+$0x0], $0xffff;
	_ =	sdelay $0x4  }
0x336: {  	[tilespmem:$0xBE90] =	vst v1;
	v1 =	vld [tilespmem:$0x1FEE0];
	_ =	sdelay $0x7  }
0x337: {  	v1 =	vld.idx.msk [tilespmem:v1+s16+$0x0], $0xffff;
	_ =	sdelay $0x4  }
0x338: {  	[tilespmem:$0xC020] =	vst v1;
	v1 =	vld [tilespmem:$0x1FEF0];
	_ =	sdelay $0x7  }
0x339: {  	v1 =	vld.idx.msk [tilespmem:v1+s16+$0x0], $0xffff;
	_ =	sdelay $0x4  }
0x33a: {  	[tilespmem:$0xC1B0] =	vst v1;
	v1 =	vld [tilespmem:$0x1FF00];
	_ =	sdelay $0x7  }
0x33b: {  	v1 =	vld.idx.msk [tilespmem:v1+s16+$0x0], $0xffff;
	_ =	sdelay $0x4  }
0x33c: {  	[tilespmem:$0xC340] =	vst v1;
	v1 =	vld [tilespmem:$0x1FF10];
	_ =	sdelay $0x7  }
0x33d: {  	v1 =	vld.idx.msk [tilespmem:v1+s16+$0x0], $0xffff  }
0x33e: {  	v2 =	vor.u32 $0x480E, v0;
	_ =	sdelay $0x3  }
0x33f: {  	[tilespmem:$0xC4D0] =	vst v1  }
0x340: {  	v1 =	vld.idx.msk [tilespmem:v2+s16+$0x0], $0xffff  }
0x341: {  	v3 =	vor.u32 $0x480F, v0;
	_ =	sdelay $0x3  }
0x342: {  	[tilespmem:$0xC660] =	vst v1  }
0x343: {  	v1 =	vld.idx.msk [tilespmem:v3+s16+$0x0], $0xffff  }
0x344: {  	v4 =	vadd.s32 $0x4810, v0;
	_ =	sdelay $0x3  }
0x345: {  	[tilespmem:$0xC7F0] =	vst v1  }
0x346: {  	v1 =	vld.idx.msk [tilespmem:v4+s16+$0x0], $0xffff  }
0x347: {  	v5 =	vadd.s32 $0x4811, v0;
	_ =	sdelay $0x3  }
0x348: {  	[tilespmem:$0xC980] =	vst v1  }
0x349: {  	v1 =	vld.idx.msk [tilespmem:v5+s16+$0x0], $0xffff  }
0x34a: {  	v7 =	vadd.s32 $0x4812, v0;
	_ =	sdelay $0x3  }
0x34b: {  	[tilespmem:$0xCB10] =	vst v1  }
0x34c: {  	v1 =	vld.idx.msk [tilespmem:v7+s16+$0x0], $0xffff  }
0x34d: {  	v8 =	vadd.s32 $0x4813, v0;
	_ =	sdelay $0x3  }
0x34e: {  	[tilespmem:$0xCCA0] =	vst v1  }
0x34f: {  	v1 =	vld.idx.msk [tilespmem:v8+s16+$0x0], $0xffff  }
0x350: {  	v9 =	vadd.s32 $0x4814, v0;
	_ =	sdelay $0x3  }
0x351: {  	[tilespmem:$0xCE30] =	vst v1  }
0x352: {  	v1 =	vld.idx.msk [tilespmem:v9+s16+$0x0], $0xffff  }
0x353: {  	v12 =	vadd.s32 $0x4815, v0;
	_ =	sdelay $0x3  }
0x354: {  	[tilespmem:$0xCFC0] =	vst v1  }
0x355: {  	v1 =	vld.idx.msk [tilespmem:v12+s16+$0x0], $0xffff  }
0x356: {  	v15 =	vadd.s32 $0x4816, v0;
	_ =	sdelay $0x3  }
0x357: {  	[tilespmem:$0xD150] =	vst v1  }
0x358: {  	v1 =	vld.idx.msk [tilespmem:v15+s16+$0x0], $0xffff  }
0x359: {  	v17 =	vadd.s32 $0x4817, v0;
	_ =	sdelay $0x3  }
0x35a: {  	[tilespmem:$0xD2E0] =	vst v1  }
0x35b: {  	v1 =	vld.idx.msk [tilespmem:v17+s16+$0x0], $0xffff  }
0x35c: {  	v18 =	vadd.s32 $0x4818, v0;
	_ =	sdelay $0x3  }
0x35d: {  	[tilespmem:$0xD470] =	vst v1  }
0x35e: {  	v1 =	vld.idx.msk [tilespmem:v18+s16+$0x0], $0xffff  }
0x35f: {  	v19 =	vadd.s32 $0x4819, v0;
	_ =	sdelay $0x3  }
0x360: {  	[tilespmem:$0xD600] =	vst v1  }
0x361: {  	v1 =	vld.idx.msk [tilespmem:v19+s16+$0x0], $0xffff  }
0x362: {  	v24 =	vadd.s32 $0x481A, v0;
	_ =	sdelay $0x3  }
0x363: {  	[tilespmem:$0xD790] =	vst v1  }
0x364: {  	v1 =	vld.idx.msk [tilespmem:v24+s16+$0x0], $0xffff  }
0x365: {  	v10 =	vmov v47;
	v47 =	vadd.s32 $0x481B, v0;
	_ =	sdelay $0x3  }
0x366: {  	[tilespmem:$0xD920] =	vst v1  }
0x367: {  	v1 =	vld.idx.msk [tilespmem:v47+s16+$0x0], $0xffff  }
0x368: {  	v48 =	vadd.s32 $0x481C, v0;
	_ =	sdelay $0x3  }
0x369: {  	[tilespmem:$0xDAB0] =	vst v1  }
0x36a: {  	v1 =	vld.idx.msk [tilespmem:v48+s16+$0x0], $0xffff  }
0x36b: {  	v49 =	vadd.s32 $0x481D, v0;
	_ =	sdelay $0x3  }
0x36c: {  	[tilespmem:$0xDC40] =	vst v1  }
0x36d: {  	v1 =	vld.idx.msk [tilespmem:v49+s16+$0x0], $0xffff  }
0x36e: {  	v50 =	vadd.s32 $0x481E, v0;
	_ =	sdelay $0x3  }
0x36f: {  	[tilespmem:$0xDDD0] =	vst v1  }
0x370: {  	v1 =	vld.idx.msk [tilespmem:v50+s16+$0x0], $0xffff  }
0x371: {  	v51 =	vadd.s32 $0x481F, v0;
	_ =	sdelay $0x3  }
0x372: {  	[tilespmem:$0xDF60] =	vst v1  }
0x373: {  	v1 =	vld.idx.msk [tilespmem:v51+s16+$0x0], $0xffff  }
0x374: {  	v52 =	vadd.s32 $0x4820, v0;
	_ =	sdelay $0x3  }
0x375: {  	[tilespmem:$0xE0F0] =	vst v1  }
0x376: {  	v1 =	vld.idx.msk [tilespmem:v52+s17+$0x0], $0xffff  }
0x377: {  	v53 =	vadd.s32 $0x4821, v0;
	_ =	sdelay $0x3  }
0x378: {  	[tilespmem:$0xE280] =	vst v1  }
0x379: {  	v1 =	vld.idx.msk [tilespmem:v53+s17+$0x0], $0xffff  }
0x37a: {  	v54 =	vadd.s32 $0x4822, v0;
	_ =	sdelay $0x3  }
0x37b: {  	[tilespmem:$0xE410] =	vst v1  }
0x37c: {  	v1 =	vld.idx.msk [tilespmem:v54+s17+$0x0], $0xffff  }
0x37d: {  	v55 =	vadd.s32 $0x4823, v0;
	_ =	sdelay $0x3  }
0x37e: {  	[tilespmem:$0xE5A0] =	vst v1  }
0x37f: {  	v1 =	vld.idx.msk [tilespmem:v55+s17+$0x0], $0xffff  }
0x380: {  	v56 =	vadd.s32 $0x4824, v0;
	_ =	sdelay $0x3  }
0x381: {  	[tilespmem:$0xE730] =	vst v1  }
0x382: {  	v1 =	vld.idx.msk [tilespmem:v56+s17+$0x0], $0xffff  }
0x383: {  	v57 =	vadd.s32 $0x4825, v0;
	_ =	sdelay $0x3  }
0x384: {  	[tilespmem:$0xE8C0] =	vst v1  }
0x385: {  	v1 =	vld.idx.msk [tilespmem:v57+s17+$0x0], $0xffff  }
0x386: {  	v59 =	vadd.s32 $0x4826, v0;
	_ =	sdelay $0x3  }
0x387: {  	[tilespmem:$0xEA50] =	vst v1  }
0x388: {  	v1 =	vld.idx.msk [tilespmem:v59+s17+$0x0], $0xffff  }
0x389: {  	v6 =	vadd.s32 $0x4827, v0;
	_ =	sdelay $0x3  }
0x38a: {  	[tilespmem:$0xEBE0] =	vst v1  }
0x38b: {  	v1 =	vld.idx.msk [tilespmem:v6+s17+$0x0], $0xffff  }
0x38c: {  	[tilespmem:$0x1FCC0] =	vst v6;
	v6 =	vadd.s32 $0x4828, v0;
	_ =	sdelay $0x3  }
0x38d: {  	[tilespmem:$0xED70] =	vst v1  }
0x38e: {  	v1 =	vld.idx.msk [tilespmem:v6+s17+$0x0], $0xffff  }
0x38f: {  	[tilespmem:$0x1FCD0] =	vst v6;
	v6 =	vadd.s32 $0x4829, v0;
	_ =	sdelay $0x3  }
0x390: {  	[tilespmem:$0xEF00] =	vst v1  }
0x391: {  	v1 =	vld.idx.msk [tilespmem:v6+s17+$0x0], $0xffff  }
0x392: {  	[tilespmem:$0x1FCE0] =	vst v6;
	v6 =	vadd.s32 $0x482A, v0;
	_ =	sdelay $0x3  }
0x393: {  	[tilespmem:$0xF090] =	vst v1  }
0x394: {  	v1 =	vld.idx.msk [tilespmem:v6+s17+$0x0], $0xffff  }
0x395: {  	[tilespmem:$0x1FCF0] =	vst v6;
	v6 =	vadd.s32 $0x482B, v0;
	_ =	sdelay $0x3  }
0x396: {  	[tilespmem:$0xF220] =	vst v1  }
0x397: {  	v1 =	vld.idx.msk [tilespmem:v6+s17+$0x0], $0xffff  }
0x398: {  	[tilespmem:$0x1FD00] =	vst v6;
	v6 =	vadd.s32 $0x482C, v0;
	_ =	sdelay $0x3  }
0x399: {  	[tilespmem:$0xF3B0] =	vst v1  }
0x39a: {  	v1 =	vld.idx.msk [tilespmem:v6+s17+$0x0], $0xffff  }
0x39b: {  	[tilespmem:$0x1FD10] =	vst v6;
	v6 =	vadd.s32 $0x482D, v0;
	_ =	sdelay $0x3  }
0x39c: {  	[tilespmem:$0xF540] =	vst v1  }
0x39d: {  	v1 =	vld.idx.msk [tilespmem:v6+s17+$0x0], $0xffff  }
0x39e: {  	[tilespmem:$0x1FD20] =	vst v6;
	v6 =	vadd.s32 $0x482E, v0;
	_ =	sdelay $0x3  }
0x39f: {  	[tilespmem:$0xF6D0] =	vst v1  }
0x3a0: {  	v1 =	vld.idx.msk [tilespmem:v6+s17+$0x0], $0xffff  }
0x3a1: {  	[tilespmem:$0x1FD30] =	vst v6;
	v6 =	vadd.s32 $0x482F, v0;
	_ =	sdelay $0x3  }
0x3a2: {  	[tilespmem:$0xF860] =	vst v1  }
0x3a3: {  	v1 =	vld.idx.msk [tilespmem:v6+s17+$0x0], $0xffff;
	_ =	sdelay $0x1  }
.Ltmp5:
0x3a4: {  	_ = 	snop;
	(pc) =	sbr.rel @p1 .LBB2_8-.Ltmp5, $4  }
0x3a5: {  	s14 =	smul.u32 $0x32, s2  }
0x3a6: {  	[tilespmem:$0x1FD40] =	vst v6  }
0x3a7: {  	v63 =	vmov v20;
	s0 =	sadd.s32 s5, s14;
	[tilespmem:$0xF9F0] =	vst v1  }
0x3a8: {  	v20 =	vmovc v45;
	v58 =	vmovc v22;
	v45 =	vmov v14;
	v11 =	vmov v39;
	v6 =	vmov v13;
	[hbm4b:s0+s19] =	stream.strided.scatter [tilespmem:s21], [sflag:$0x3], $0x4B00, s20, s19, $0x38;
	[tilespmem:$0x1DB00] =	vst v63  }
0x3a9: {  	[tilespmem:$0x1FB30] =	vst v59  }
0x3aa: {  	[tilespmem:$0x1FB40] =	vst v57  }
0x3ab: {  	[tilespmem:$0x1FB50] =	vst v56  }
0x3ac: {  	[tilespmem:$0x1FB60] =	vst v55  }
0x3ad: {  	[tilespmem:$0x1FB70] =	vst v54  }
0x3ae: {  	[tilespmem:$0x1FB80] =	vst v53  }
0x3af: {  	[tilespmem:$0x1FB90] =	vst v52  }
0x3b0: {  	[tilespmem:$0x1FBA0] =	vst v51  }
0x3b1: {  	[tilespmem:$0x1FBB0] =	vst v50  }
0x3b2: {  	[tilespmem:$0x1FBC0] =	vst v49  }
0x3b3: {  	[tilespmem:$0x1FBD0] =	vst v48  }
0x3b4: {  	[tilespmem:$0x1FBE0] =	vst v47;
	s0 =	sadd.s32 $0x2, s2  }
0x3b5: {  	[tilespmem:$0x1FBF0] =	vst v24;
	p1 =	sge.u32 s0, s6  }
0x3b6: {  	[tilespmem:$0x1FC00] =	vst v19;
	s0 =	ssub.s32 @!p1 s0, s4  }
0x3b7: {  	[tilespmem:$0x1FC10] =	vst v18;
	s0 =	smul.u32 @!p1 $0x190, s0  }
0x3b8: {  	[tilespmem:$0x1FC20] =	vst v17;
	s2 =	simm.s32 @!p1 $0x50;
	s7 =	simm.s32 @!p1 $0x1900  }
0x3b9: {  	[tilespmem:s7], [sflag:$0x1] =	stream.indirect.gather @!p1 [hbm4b:s1+s2], $0x30, s0, s2, $0xb8;
	[tilespmem:$0x1DB00] =	vst v63  }
0x3ba: {  	[tilespmem:$0x1FC30] =	vst v15;
	s8 =	simm.s32 @!p1 $0x6400;
	s7 =	sadd.s32 @!p1 $0xC80, s0  }
0x3bb: {  	[tilespmem:s8], [sflag:$0x1] =	stream.indirect.gather @!p1 [hbm4b:s1+s2], $0x30, s7, s2, $0xb8;
	[tilespmem:$0x1DB00] =	vst v63  }
0x3bc: {  	[tilespmem:$0x1FC40] =	vst v12;
	s7 =	sadd.s32 @!p1 $0x50, s0;
	s8 =	simm.s32 @!p1 $0x2800  }
0x3bd: {  	[tilespmem:s8], [sflag:$0x1] =	stream.indirect.gather @!p1 [hbm4b:s1+s2], $0x30, s7, s2, $0xb8;
	[tilespmem:$0x1DB00] =	vst v63  }
0x3be: {  	[tilespmem:$0x1FC50] =	vst v9;
	s7 =	sadd.s32 @!p1 $0xCD0, s0;
	s8 =	simm.s32 @!p1 $0x7300  }
0x3bf: {  	[tilespmem:s8], [sflag:$0x1] =	stream.indirect.gather @!p1 [hbm4b:s1+s2], $0x30, s7, s2, $0xb8;
	[tilespmem:$0x1DB00] =	vst v63  }
0x3c0: {  	[tilespmem:$0x1FC60] =	vst v8;
	s7 =	sadd.s32 @!p1 $0xA0, s0;
	s8 =	simm.s32 @!p1 $0x3700  }
0x3c1: {  	[tilespmem:s8], [sflag:$0x1] =	stream.indirect.gather @!p1 [hbm4b:s1+s2], $0x30, s7, s2, $0xb8;
	[tilespmem:$0x1DB00] =	vst v63  }
0x3c2: {  	[tilespmem:$0x1FC70] =	vst v7;
	s7 =	sadd.s32 @!p1 $0xD20, s0;
	s8 =	simm.s32 @!p1 $0x8200  }
0x3c3: {  	[tilespmem:s8], [sflag:$0x1] =	stream.indirect.gather @!p1 [hbm4b:s1+s2], $0x30, s7, s2, $0xb8;
	[tilespmem:$0x1DB00] =	vst v63  }
0x3c4: {  	[tilespmem:$0x1FC80] =	vst v5;
	s7 =	sadd.s32 @!p1 $0xF0, s0;
	s8 =	simm.s32 @!p1 $0x4600  }
0x3c5: {  	[tilespmem:s8], [sflag:$0x1] =	stream.indirect.gather @!p1 [hbm4b:s1+s2], $0x30, s7, s2, $0xb8;
	[tilespmem:$0x1DB00] =	vst v63  }
0x3c6: {  	[tilespmem:$0x1FC90] =	vst v4;
	s7 =	sadd.s32 @!p1 $0xD70, s0;
	s8 =	simm.s32 @!p1 $0x9100  }
0x3c7: {  	[tilespmem:s8], [sflag:$0x1] =	stream.indirect.gather @!p1 [hbm4b:s1+s2], $0x30, s7, s2, $0xb8;
	[tilespmem:$0x1DB00] =	vst v63  }
0x3c8: {  	[tilespmem:$0x1FCA0] =	vst v3;
	s7 =	sadd.s32 @!p1 $0x140, s0;
	s8 =	simm.s32 @!p1 $0x5500  }
0x3c9: {  	[tilespmem:s8], [sflag:$0x1] =	stream.indirect.gather @!p1 [hbm4b:s1+s2], $0x30, s7, s2, $0xb8;
	[tilespmem:$0x1DB00] =	vst v63  }
0x3ca: {  	[tilespmem:$0x1FCB0] =	vst v2;
	s0 =	sadd.s32 @!p1 $0xDC0, s0;
	s7 =	simm.s32 @!p1 $0xA000  }
0x3cb: {  	[tilespmem:s7], [sflag:$0x1] =	stream.indirect.gather @!p1 [hbm4b:s1+s2], $0x30, s0, s2, $0xb8;
	[tilespmem:$0x1DB00] =	vst v63  }
0x3cc: {  	_ =	swait.ge [sflag:s22], $0xF00  }
0x3cd: {  	[sflag:s22] =	ssyncset.done $0x0  }
0x3ce: {  	[sflag:s22] =	ssyncadd.s32 $0xFFFFF100  }
0x3cf: {  	_ =	swait.ge [sflag:s22], $0xF00  }
0x3d0: {  	[sflag:s22] =	ssyncset.done $0x0  }
0x3d1: {  	[sflag:s22] =	ssyncadd.s32 $0xFFFFF100  }
0x3d2: {  	_ =	swait.ge [sflag:s22], $0xF00  }
0x3d3: {  	[sflag:s22] =	ssyncset.done $0x0  }
0x3d4: {  	[sflag:s22] =	ssyncadd.s32 $0xFFFFF100  }
0x3d5: {  	_ =	swait.ge [sflag:s22], $0xF00  }
0x3d6: {  	[sflag:s22] =	ssyncset.done $0x0  }
0x3d7: {  	[sflag:s22] =	ssyncadd.s32 $0xFFFFF100  }
0x3d8: {  	_ =	swait.ge [sflag:s22], $0xF00  }
0x3d9: {  	[sflag:s22] =	ssyncset.done $0x0  }
0x3da: {  	[sflag:s22] =	ssyncadd.s32 $0xFFFFF100  }
0x3db: {  	_ =	swait.ge [sflag:s22], $0xF00  }
0x3dc: {  	[sflag:s22] =	ssyncset.done $0x0  }
0x3dd: {  	[sflag:s22] =	ssyncadd.s32 $0xFFFFF100  }
0x3de: {  	_ =	swait.ge [sflag:s22], $0xF00  }
0x3df: {  	[sflag:s22] =	ssyncset.done $0x0  }
0x3e0: {  	[sflag:s22] =	ssyncadd.s32 $0xFFFFF100  }
0x3e1: {  	_ =	swait.ge [sflag:s22], $0xF00  }
0x3e2: {  	s14 =	simm.s32 $0x10;
	[sflag:s22] =	ssyncset.done $0x0  }
0x3e3: {  	v1 =	vmov s14;
	[sflag:s22] =	ssyncadd.s32 $0xFFFFF100  }
0x3e4: {  	v1 =	vmul.u32 $0x30, v1;
	_ =	swait.ge [sflag:s22], $0xF00  }
0x3e5: {  	[sflag:s22] =	ssyncset.done $0x0  }
0x3e6: {  	v55 =	vbroadcast v1, $0x0;
	[sflag:s22] =	ssyncadd.s32 $0xFFFFF100  }
0x3e7: {  	_ =	swait.ge [sflag:s22], $0xF00  }
0x3e8: {  	v2 =	vadd.s32 v0, v55;
	p1 =	slt.u32 s31, s11;
	[sflag:s22] =	ssyncset.done $0x0  }
0x3e9: {  	s0 =	simm.s32 @!p1 $0x4;
	[sflag:s22] =	ssyncadd.s32 $0xFFFFF100  }
0x3ea: {  	s2 =	simm.s32 $0x0;
	_ =	swait.ge @!p1 [sflag:s0], $0x4B00  }
0x3eb: {  	v1 =	vmov s2;
	[sflag:s0] =	ssyncset.done @!p1 $0x0  }
0x3ec: {  	v1 =	vmul.u32 $0x30, v1;
	v43 =	vld [tilespmem:$0x1FD50];
	[sflag:s0] =	ssyncadd.s32 @!p1 $0xFFFFB500  }
0x3ed: {  	v2 =	vld.idx.msk [tilespmem:v2+s23+$0x0], $0xffff  }
0x3ee: {  	v50 =	vbroadcast v1, $0x0;
	_ =	sdelay $0x1  }
0x3ef: {  	v1 =	vadd.s32 v0, v50  }
0x3f0: {  	s2 =	simm.s32 $0x19000;
	v3 =	vadd.s32 v43, v55  }
0x3f1: {  	v56 =	vld [tilespmem:$0x1FE10];
	[tilespmem:s2+$0x10] =	vst v2  }
0x3f2: {  	v12 =	vld [tilespmem:$0x1FD60];
	_ =	sdelay $0x1  }
0x3f3: {  	v1 =	vld.idx.msk [tilespmem:v1+s23+$0x0], $0xffff  }
0x3f4: {  	v2 =	vadd.s32 v43, v50;
	v3 =	vld.idx.msk [tilespmem:v3+s23+$0x0], $0xffff;
	_ =	sdelay $0x1  }
0x3f5: {  	v4 =	vadd.s32 v12, v55;
	_ =	sdelay $0x1  }
0x3f6: {  	[tilespmem:s2+$0x0] =	vst v1  }
0x3f7: {  	v1 =	vld.idx.msk [tilespmem:v2+s23+$0x0], $0xffff;
	[tilespmem:s2+$0x1A0] =	vst v3  }
0x3f8: {  	v13 =	vld [tilespmem:$0x1FD70]  }
0x3f9: {  	v3 =	vld.idx.msk [tilespmem:v4+s23+$0x0], $0xffff;
	_ =	sdelay $0x3  }
0x3fa: {  	v2 =	vadd.s32 v12, v50;
	[tilespmem:s2+$0x190] =	vst v1  }
0x3fb: {  	v4 =	vadd.s32 v13, v55;
	[tilespmem:s2+$0x330] =	vst v3  }
0x3fc: {  	v14 =	vld [tilespmem:$0x1FD80];
	_ =	sdelay $0x2  }
0x3fd: {  	v1 =	vld.idx.msk [tilespmem:v2+s23+$0x0], $0xffff  }
0x3fe: {  	v2 =	vadd.s32 v13, v50;
	v3 =	vld.idx.msk [tilespmem:v4+s23+$0x0], $0xffff  }
0x3ff: {  	v4 =	vadd.s32 v14, v55;
	_ =	sdelay $0x2  }
0x400: {  	[tilespmem:s2+$0x320] =	vst v1  }
0x401: {  	v1 =	vld.idx.msk [tilespmem:v2+s23+$0x0], $0xffff;
	[tilespmem:s2+$0x4C0] =	vst v3  }
0x402: {  	v3 =	vld.idx.msk [tilespmem:v4+s23+$0x0], $0xffff  }
0x403: {  	v15 =	vld [tilespmem:$0x1FD90];
	_ =	sdelay $0x3  }
0x404: {  	v2 =	vadd.s32 v14, v50;
	[tilespmem:s2+$0x4B0] =	vst v1  }
0x405: {  	v4 =	vadd.s32 v15, v55;
	[tilespmem:s2+$0x650] =	vst v3  }
0x406: {  	v16 =	vld [tilespmem:$0x1FDA0];
	_ =	sdelay $0x2  }
0x407: {  	v1 =	vld.idx.msk [tilespmem:v2+s23+$0x0], $0xffff  }
0x408: {  	v2 =	vadd.s32 v15, v50;
	v3 =	vld.idx.msk [tilespmem:v4+s23+$0x0], $0xffff  }
0x409: {  	v4 =	vadd.s32 v16, v55;
	_ =	sdelay $0x2  }
0x40a: {  	[tilespmem:s2+$0x640] =	vst v1  }
0x40b: {  	v1 =	vld.idx.msk [tilespmem:v2+s23+$0x0], $0xffff;
	[tilespmem:s2+$0x7E0] =	vst v3  }
0x40c: {  	v3 =	vld.idx.msk [tilespmem:v4+s23+$0x0], $0xffff  }
0x40d: {  	v61 =	vld [tilespmem:$0x1FDB0];
	_ =	sdelay $0x3  }
0x40e: {  	v2 =	vadd.s32 v16, v50;
	[tilespmem:s2+$0x7D0] =	vst v1  }
0x40f: {  	v4 =	vadd.s32 v61, v55;
	[tilespmem:s2+$0x970] =	vst v3  }
0x410: {  	v18 =	vld [tilespmem:$0x1FDC0];
	_ =	sdelay $0x2  }
0x411: {  	v1 =	vld.idx.msk [tilespmem:v2+s23+$0x0], $0xffff  }
0x412: {  	v2 =	vadd.s32 v61, v50;
	v3 =	vld.idx.msk [tilespmem:v4+s23+$0x0], $0xffff  }
0x413: {  	v4 =	vadd.s32 v18, v55;
	_ =	sdelay $0x2  }
0x414: {  	[tilespmem:s2+$0x960] =	vst v1  }
0x415: {  	v1 =	vld.idx.msk [tilespmem:v2+s23+$0x0], $0xffff;
	[tilespmem:s2+$0xB00] =	vst v3  }
0x416: {  	v3 =	vld.idx.msk [tilespmem:v4+s23+$0x0], $0xffff  }
0x417: {  	v19 =	vld [tilespmem:$0x1FDD0];
	_ =	sdelay $0x2  }
0x418: {  	v2 =	vadd.s32 v18, v50  }
0x419: {  	[tilespmem:s2+$0xAF0] =	vst v1  }
0x41a: {  	v4 =	vadd.s32 v19, v55;
	[tilespmem:s2+$0xC90] =	vst v3  }
0x41b: {  	v20 =	vld [tilespmem:$0x1FDE0];
	_ =	sdelay $0x1  }
0x41c: {  	v1 =	vld.idx.msk [tilespmem:v2+s23+$0x0], $0xffff  }
0x41d: {  	v2 =	vadd.s32 v19, v50  }
0x41e: {  	v3 =	vld.idx.msk [tilespmem:v4+s23+$0x0], $0xffff  }
0x41f: {  	v4 =	vadd.s32 v20, v55;
	_ =	sdelay $0x1  }
0x420: {  	[tilespmem:s2+$0xC80] =	vst v1  }
0x421: {  	v1 =	vld.idx.msk [tilespmem:v2+s23+$0x0], $0xffff  }
0x422: {  	v2 =	vadd.s32 v20, v50;
	[tilespmem:s2+$0xE20] =	vst v3  }
0x423: {  	v3 =	vld.idx.msk [tilespmem:v4+s23+$0x0], $0xffff  }
0x424: {  	v4 =	vadd.s32 v21, v55;
	_ =	sdelay $0x1  }
0x425: {  	[tilespmem:s2+$0xE10] =	vst v1  }
0x426: {  	v1 =	vld.idx.msk [tilespmem:v2+s23+$0x0], $0xffff  }
0x427: {  	v2 =	vadd.s32 v21, v50;
	[tilespmem:s2+$0xFB0] =	vst v3  }
0x428: {  	v3 =	vld.idx.msk [tilespmem:v4+s23+$0x0], $0xffff  }
0x429: {  	v4 =	vadd.s32 v6, v55;
	_ =	sdelay $0x1  }
0x42a: {  	s7 =	simm.s32 $0x30;
	[tilespmem:s2+$0xFA0] =	vst v1  }
0x42b: {  	s8 =	simm.s32 $0x20;
	v1 =	vld.idx.msk [tilespmem:v2+s23+$0x0], $0xffff;
	v2 =	vmov s7  }
0x42c: {  	v5 =	vmov s8;
	v2 =	vmul.u32 $0x30, v2;
	[tilespmem:s2+$0x1140] =	vst v3;
	v3 =	vadd.s32 v6, v50  }
0x42d: {  	v5 =	vmul.u32 $0x30, v5;
	v4 =	vld.idx.msk [tilespmem:v4+s23+$0x0], $0xffff  }
0x42e: {  	v39 =	vmov v6;
	v49 =	vbroadcast v2, $0x0;
	v6 =	vadd.s32 v23, v55  }
0x42f: {  	v48 =	vbroadcast v5, $0x0  }
0x430: {  	[tilespmem:s2+$0x1130] =	vst v1;
	v1 =	vadd.s32 v0, v49  }
0x431: {  	v2 =	vld.idx.msk [tilespmem:v3+s23+$0x0], $0xffff;
	v3 =	vadd.s32 v0, v48  }
0x432: {  	[tilespmem:s2+$0x12D0] =	vst v4;
	v4 =	vadd.s32 v23, v50  }
0x433: {  	v5 =	vld.idx.msk [tilespmem:v6+s23+$0x0], $0xffff  }
0x434: {  	v6 =	vadd.s32 v25, v55  }
0x435: {  	v1 =	vld.idx.msk [tilespmem:v1+s23+$0x0], $0xffff  }
0x436: {  	[tilespmem:s2+$0x12C0] =	vst v2;
	v2 =	vld.idx.msk [tilespmem:v3+s23+$0x0], $0xffff;
	v3 =	vadd.s32 v43, v49  }
0x437: {  	v7 =	vadd.s32 v43, v48;
	v4 =	vld.idx.msk [tilespmem:v4+s23+$0x0], $0xffff  }
0x438: {  	[tilespmem:s2+$0x1460] =	vst v5;
	v5 =	vadd.s32 v25, v50  }
0x439: {  	s0 =	simm.s32 $0x19020;
	v6 =	vld.idx.msk [tilespmem:v6+s23+$0x0], $0xffff  }
0x43a: {  	v47 =	vadd.s32 v26, v55;
	[tilespmem:s0+$0x10] =	vst v1  }
0x43b: {  	[tilespmem:s0+$0x0] =	vst v2;
	v1 =	vld.idx.msk [tilespmem:v3+s23+$0x0], $0xffff  }
0x43c: {  	v3 =	vadd.s32 v12, v49;
	[tilespmem:s2+$0x1450] =	vst v4;
	v2 =	vld.idx.msk [tilespmem:v7+s23+$0x0], $0xffff  }
0x43d: {  	v4 =	vld.idx.msk [tilespmem:v5+s23+$0x0], $0xffff;
	v5 =	vadd.s32 v12, v48  }
0x43e: {  	[tilespmem:s2+$0x15F0] =	vst v6;
	v6 =	vadd.s32 v26, v50  }
0x43f: {  	v7 =	vld.idx.msk [tilespmem:v47+s23+$0x0], $0xffff  }
0x440: {  	v51 =	vadd.s32 v27, v55;
	[tilespmem:s0+$0x1A0] =	vst v1  }
0x441: {  	[tilespmem:s0+$0x190] =	vst v2;
	v1 =	vld.idx.msk [tilespmem:v3+s23+$0x0], $0xffff  }
0x442: {  	v3 =	vadd.s32 v13, v49;
	[tilespmem:s2+$0x15E0] =	vst v4;
	v2 =	vld.idx.msk [tilespmem:v5+s23+$0x0], $0xffff  }
0x443: {  	v5 =	vadd.s32 v13, v48;
	v4 =	vld.idx.msk [tilespmem:v6+s23+$0x0], $0xffff  }
0x444: {  	v6 =	vadd.s32 v27, v50;
	[tilespmem:s2+$0x1780] =	vst v7  }
0x445: {  	v7 =	vld.idx.msk [tilespmem:v51+s23+$0x0], $0xffff  }
0x446: {  	v52 =	vadd.s32 v28, v55;
	[tilespmem:s0+$0x330] =	vst v1  }
0x447: {  	[tilespmem:s0+$0x320] =	vst v2;
	v1 =	vld.idx.msk [tilespmem:v3+s23+$0x0], $0xffff  }
0x448: {  	v3 =	vadd.s32 v14, v49;
	[tilespmem:s2+$0x1770] =	vst v4;
	v2 =	vld.idx.msk [tilespmem:v5+s23+$0x0], $0xffff  }
0x449: {  	v5 =	vadd.s32 v14, v48;
	v4 =	vld.idx.msk [tilespmem:v6+s23+$0x0], $0xffff  }
0x44a: {  	v6 =	vadd.s32 v28, v50;
	[tilespmem:s2+$0x1910] =	vst v7  }
0x44b: {  	v7 =	vld.idx.msk [tilespmem:v52+s23+$0x0], $0xffff  }
0x44c: {  	v53 =	vadd.s32 v29, v55;
	[tilespmem:s0+$0x4C0] =	vst v1  }
0x44d: {  	[tilespmem:s0+$0x4B0] =	vst v2;
	v1 =	vld.idx.msk [tilespmem:v3+s23+$0x0], $0xffff  }
0x44e: {  	v3 =	vadd.s32 v15, v49;
	[tilespmem:s2+$0x1900] =	vst v4;
	v2 =	vld.idx.msk [tilespmem:v5+s23+$0x0], $0xffff  }
0x44f: {  	v5 =	vadd.s32 v15, v48;
	v4 =	vld.idx.msk [tilespmem:v6+s23+$0x0], $0xffff  }
0x450: {  	v6 =	vadd.s32 v29, v50;
	[tilespmem:s2+$0x1AA0] =	vst v7  }
0x451: {  	v7 =	vld.idx.msk [tilespmem:v53+s23+$0x0], $0xffff  }
0x452: {  	v54 =	vadd.s32 v30, v55;
	[tilespmem:s0+$0x650] =	vst v1  }
0x453: {  	[tilespmem:s0+$0x640] =	vst v2;
	v1 =	vld.idx.msk [tilespmem:v3+s23+$0x0], $0xffff  }
0x454: {  	v3 =	vadd.s32 v16, v49;
	[tilespmem:s2+$0x1A90] =	vst v4;
	v2 =	vld.idx.msk [tilespmem:v5+s23+$0x0], $0xffff  }
0x455: {  	v5 =	vadd.s32 v16, v48;
	v4 =	vld.idx.msk [tilespmem:v6+s23+$0x0], $0xffff  }
0x456: {  	v6 =	vadd.s32 v30, v50;
	[tilespmem:s2+$0x1C30] =	vst v7  }
0x457: {  	v7 =	vld.idx.msk [tilespmem:v54+s23+$0x0], $0xffff  }
0x458: {  	v57 =	vadd.s32 v31, v55;
	[tilespmem:s0+$0x7E0] =	vst v1  }
0x459: {  	[tilespmem:s0+$0x7D0] =	vst v2;
	v1 =	vld.idx.msk [tilespmem:v3+s23+$0x0], $0xffff  }
0x45a: {  	v3 =	vadd.s32 v61, v49;
	[tilespmem:s2+$0x1C20] =	vst v4;
	v2 =	vld.idx.msk [tilespmem:v5+s23+$0x0], $0xffff  }
0x45b: {  	v5 =	vadd.s32 v61, v48;
	v4 =	vld.idx.msk [tilespmem:v6+s23+$0x0], $0xffff  }
0x45c: {  	v6 =	vadd.s32 v31, v50;
	[tilespmem:s2+$0x1DC0] =	vst v7  }
0x45d: {  	v7 =	vld.idx.msk [tilespmem:v57+s23+$0x0], $0xffff  }
0x45e: {  	v59 =	vadd.s32 v32, v55;
	[tilespmem:s0+$0x970] =	vst v1  }
0x45f: {  	[tilespmem:s0+$0x960] =	vst v2;
	v1 =	vld.idx.msk [tilespmem:v3+s23+$0x0], $0xffff  }
0x460: {  	v3 =	vadd.s32 v18, v49;
	[tilespmem:s2+$0x1DB0] =	vst v4;
	v2 =	vld.idx.msk [tilespmem:v5+s23+$0x0], $0xffff  }
0x461: {  	v5 =	vadd.s32 v18, v48;
	v4 =	vld.idx.msk [tilespmem:v6+s23+$0x0], $0xffff  }
0x462: {  	v6 =	vadd.s32 v32, v50;
	[tilespmem:s2+$0x1F50] =	vst v7  }
0x463: {  	v7 =	vld.idx.msk [tilespmem:v59+s23+$0x0], $0xffff  }
0x464: {  	v60 =	vadd.s32 v33, v55;
	[tilespmem:s0+$0xB00] =	vst v1  }
0x465: {  	[tilespmem:s0+$0xAF0] =	vst v2;
	v1 =	vld.idx.msk [tilespmem:v3+s23+$0x0], $0xffff  }
0x466: {  	v3 =	vadd.s32 v19, v49;
	[tilespmem:s2+$0x1F40] =	vst v4;
	v2 =	vld.idx.msk [tilespmem:v5+s23+$0x0], $0xffff  }
0x467: {  	v5 =	vadd.s32 v19, v48;
	v4 =	vld.idx.msk [tilespmem:v6+s23+$0x0], $0xffff  }
0x468: {  	v6 =	vadd.s32 v33, v50;
	[tilespmem:s2+$0x20E0] =	vst v7  }
0x469: {  	v7 =	vld.idx.msk [tilespmem:v60+s23+$0x0], $0xffff  }
0x46a: {  	v62 =	vadd.s32 v34, v55;
	[tilespmem:s0+$0xC90] =	vst v1  }
0x46b: {  	[tilespmem:s0+$0xC80] =	vst v2;
	v1 =	vld.idx.msk [tilespmem:v3+s23+$0x0], $0xffff  }
0x46c: {  	v3 =	vadd.s32 v20, v49;
	[tilespmem:s2+$0x20D0] =	vst v4;
	v2 =	vld.idx.msk [tilespmem:v5+s23+$0x0], $0xffff  }
0x46d: {  	v5 =	vadd.s32 v20, v48;
	v4 =	vld.idx.msk [tilespmem:v6+s23+$0x0], $0xffff  }
0x46e: {  	v6 =	vadd.s32 v34, v50;
	[tilespmem:s2+$0x2270] =	vst v7  }
0x46f: {  	v7 =	vld.idx.msk [tilespmem:v62+s23+$0x0], $0xffff  }
0x470: {  	v24 =	vmov v63;
	v63 =	vadd.s32 v35, v55;
	[tilespmem:s0+$0xE20] =	vst v1  }
0x471: {  	[tilespmem:s0+$0xE10] =	vst v2;
	v1 =	vld.idx.msk [tilespmem:v3+s23+$0x0], $0xffff  }
0x472: {  	v3 =	vadd.s32 v21, v49;
	[tilespmem:s2+$0x2260] =	vst v4;
	v2 =	vld.idx.msk [tilespmem:v5+s23+$0x0], $0xffff  }
0x473: {  	v5 =	vadd.s32 v21, v48;
	v4 =	vld.idx.msk [tilespmem:v6+s23+$0x0], $0xffff  }
0x474: {  	v6 =	vadd.s32 v35, v50;
	[tilespmem:s2+$0x2400] =	vst v7  }
0x475: {  	v7 =	vld.idx.msk [tilespmem:v63+s23+$0x0], $0xffff  }
0x476: {  	v44 =	vmov v37;
	v37 =	vadd.s32 v36, v55;
	[tilespmem:s0+$0xFB0] =	vst v1  }
0x477: {  	[tilespmem:s0+$0xFA0] =	vst v2;
	v1 =	vld.idx.msk [tilespmem:v3+s23+$0x0], $0xffff  }
0x478: {  	v3 =	vadd.s32 v39, v49;
	[tilespmem:s2+$0x23F0] =	vst v4;
	v2 =	vld.idx.msk [tilespmem:v5+s23+$0x0], $0xffff  }
0x479: {  	v5 =	vadd.s32 v39, v48;
	v4 =	vld.idx.msk [tilespmem:v6+s23+$0x0], $0xffff  }
0x47a: {  	v6 =	vadd.s32 v36, v50;
	[tilespmem:s2+$0x2590] =	vst v7  }
0x47b: {  	s9 =	simm.s32 $0x40;
	v7 =	vld.idx.msk [tilespmem:v37+s23+$0x0], $0xffff  }
0x47c: {  	v38 =	vadd.s32 v45, v55;
	[tilespmem:s0+$0x1140] =	vst v1;
	v1 =	vmov s9  }
0x47d: {  	s10 =	simm.s32 $0x50;
	[tilespmem:s0+$0x1130] =	vst v2;
	v2 =	vld.idx.msk [tilespmem:v3+s23+$0x0], $0xffff;
	v1 =	vmul.u32 $0x30, v1  }
0x47e: {  	[tilespmem:s2+$0x2580] =	vst v4;
	v3 =	vld.idx.msk [tilespmem:v5+s23+$0x0], $0xffff;
	v4 =	vmov s10;
	v5 =	vadd.s32 v23, v49  }
0x47f: {  	v40 =	vadd.s32 v23, v48;
	v6 =	vld.idx.msk [tilespmem:v6+s23+$0x0], $0xffff;
	v4 =	vmul.u32 $0x30, v4;
	v51 =	vbroadcast v1, $0x0  }
0x480: {  	[tilespmem:s2+$0x2720] =	vst v7;
	v7 =	vadd.s32 v45, v50  }
0x481: {  	v8 =	vld.idx.msk [tilespmem:v38+s23+$0x0], $0xffff;
	v52 =	vbroadcast v4, $0x0;
	v4 =	vadd.s32 v0, v51  }
0x482: {  	v1 =	vadd.s32 v11, v55;
	[tilespmem:s0+$0x12D0] =	vst v2  }
0x483: {  	[tilespmem:s0+$0x12C0] =	vst v3;
	v2 =	vadd.s32 v0, v52;
	v3 =	vld.idx.msk [tilespmem:v5+s23+$0x0], $0xffff  }
0x484: {  	[tilespmem:s2+$0x2710] =	vst v6;
	v5 =	vld.idx.msk [tilespmem:v40+s23+$0x0], $0xffff;
	v6 =	vadd.s32 v25, v49  }
0x485: {  	v41 =	vadd.s32 v25, v48;
	v7 =	vld.idx.msk [tilespmem:v7+s23+$0x0], $0xffff  }
0x486: {  	v46 =	vadd.s32 v11, v50;
	[tilespmem:s2+$0x28B0] =	vst v8;
	v4 =	vld.idx.msk [tilespmem:v4+s23+$0x0], $0xffff  }
0x487: {  	v57 =	vadd.s32 v43, v51;
	v1 =	vld.idx.msk [tilespmem:v1+s23+$0x0], $0xffff  }
0x488: {  	v47 =	vadd.s32 v10, v55;
	v2 =	vld.idx.msk [tilespmem:v2+s23+$0x0], $0xffff;
	[tilespmem:s0+$0x1460] =	vst v3  }
0x489: {  	[tilespmem:s0+$0x1450] =	vst v5;
	v5 =	vld.idx.msk [tilespmem:v6+s23+$0x0], $0xffff  }
0x48a: {  	s7 =	simm.s32 $0x19040;
	[tilespmem:s2+$0x28A0] =	vst v7;
	v6 =	vld.idx.msk [tilespmem:v41+s23+$0x0], $0xffff  }
0x48b: {  	v3 =	vadd.s32 v43, v52;
	v59 =	vld.idx.msk [tilespmem:v46+s23+$0x0], $0xffff;
	[tilespmem:s7+$0x0] =	vst v4  }
0x48c: {  	[tilespmem:s2+$0x2A40] =	vst v1;
	v62 =	vld.idx.msk [tilespmem:v57+s23+$0x0], $0xffff  }
0x48d: {  	v7 =	vadd.s32 v26, v49;
	v4 =	vld.idx.msk [tilespmem:v47+s23+$0x0], $0xffff;
	[tilespmem:s7+$0x10] =	vst v2  }
0x48e: {  	v38 =	vmov v10;
	v1 =	vadd.s32 v26, v48;
	v47 =	vld [tilespmem:$0x1FF20]  }
0x48f: {  	v60 =	vadd.s32 v38, v50  }
0x490: {  	v63 =	vadd.s32 v12, v51;
	v3 =	vld.idx.msk [tilespmem:v3+s23+$0x0], $0xffff;
	[tilespmem:s0+$0x15F0] =	vst v5  }
0x491: {  	[tilespmem:s0+$0x15E0] =	vst v6  }
0x492: {  	v5 =	vadd.s32 v12, v52;
	v6 =	vld.idx.msk [tilespmem:v7+s23+$0x0], $0xffff;
	[tilespmem:s2+$0x2A30] =	vst v59  }
0x493: {  	v1 =	vld.idx.msk [tilespmem:v1+s23+$0x0], $0xffff;
	[tilespmem:s7+$0x190] =	vst v62;
	v2 =	vadd.s32 v47, v55  }
0x494: {  	v8 =	vld.idx.msk [tilespmem:v60+s23+$0x0], $0xffff;
	[tilespmem:s2+$0x2BD0] =	vst v4  }
0x495: {  	v7 =	vadd.s32 v27, v49;
	v10 =	vld.idx.msk [tilespmem:v63+s23+$0x0], $0xffff;
	[tilespmem:s7+$0x1A0] =	vst v3  }
0x496: {  	v4 =	vadd.s32 v27, v48;
	v40 =	vld [tilespmem:$0x1FDF0]  }
0x497: {  	v37 =	vadd.s32 v47, v50;
	v5 =	vld.idx.msk [tilespmem:v5+s23+$0x0], $0xffff  }
0x498: {  	v41 =	vadd.s32 v13, v51;
	[tilespmem:s0+$0x1780] =	vst v6;
	v2 =	vld.idx.msk [tilespmem:v2+s23+$0x0], $0xffff  }
0x499: {  	[tilespmem:s0+$0x1770] =	vst v1  }
0x49a: {  	v1 =	vld.idx.msk [tilespmem:v7+s23+$0x0], $0xffff;
	[tilespmem:s2+$0x2BC0] =	vst v8  }
0x49b: {  	v6 =	vadd.s32 v13, v52;
	v4 =	vld.idx.msk [tilespmem:v4+s23+$0x0], $0xffff;
	[tilespmem:s7+$0x320] =	vst v10  }
0x49c: {  	v8 =	vld.idx.msk [tilespmem:v37+s23+$0x0], $0xffff;
	v3 =	vadd.s32 v40, v55;
	[tilespmem:s7+$0x330] =	vst v5  }
0x49d: {  	v7 =	vadd.s32 v28, v49;
	v10 =	vld.idx.msk [tilespmem:v41+s23+$0x0], $0xffff;
	[tilespmem:s2+$0x2D60] =	vst v2  }
0x49e: {  	v46 =	vadd.s32 v40, v50;
	v41 =	vld [tilespmem:$0x1FF30]  }
0x49f: {  	v57 =	vadd.s32 v14, v51  }
0x4a0: {  	v6 =	vld.idx.msk [tilespmem:v6+s23+$0x0], $0xffff;
	v2 =	vadd.s32 v28, v48;
	[tilespmem:s0+$0x1910] =	vst v1  }
0x4a1: {  	v3 =	vld.idx.msk [tilespmem:v3+s23+$0x0], $0xffff;
	v1 =	vadd.s32 v14, v52;
	[tilespmem:s0+$0x1900] =	vst v4  }
0x4a2: {  	[tilespmem:s2+$0x2D50] =	vst v8;
	v4 =	vld.idx.msk [tilespmem:v7+s23+$0x0], $0xffff  }
0x4a3: {  	[tilespmem:s7+$0x4B0] =	vst v10;
	v8 =	vld.idx.msk [tilespmem:v46+s23+$0x0], $0xffff;
	v5 =	vadd.s32 v41, v55  }
0x4a4: {  	v10 =	vld.idx.msk [tilespmem:v57+s23+$0x0], $0xffff  }
0x4a5: {  	v63 =	vadd.s32 v15, v51;
	[tilespmem:s7+$0x4C0] =	vst v6;
	v2 =	vld.idx.msk [tilespmem:v2+s23+$0x0], $0xffff  }
0x4a6: {  	v7 =	vadd.s32 v29, v49;
	[tilespmem:s2+$0x2EF0] =	vst v3;
	v1 =	vld.idx.msk [tilespmem:v1+s23+$0x0], $0xffff  }
0x4a7: {  	v60 =	vmov v42;
	v3 =	vadd.s32 v29, v48;
	v42 =	vld [tilespmem:$0x1FF40]  }
0x4a8: {  	v59 =	vadd.s32 v41, v50;
	[tilespmem:s0+$0x1AA0] =	vst v4;
	v5 =	vld.idx.msk [tilespmem:v5+s23+$0x0], $0xffff  }
0x4a9: {  	[tilespmem:s7+$0x640] =	vst v10  }
0x4aa: {  	[tilespmem:s2+$0x2EE0] =	vst v8;
	v10 =	vld.idx.msk [tilespmem:v63+s23+$0x0], $0xffff  }
0x4ab: {  	v4 =	vadd.s32 v15, v52;
	[tilespmem:s0+$0x1A90] =	vst v2;
	v2 =	vld.idx.msk [tilespmem:v7+s23+$0x0], $0xffff  }
0x4ac: {  	v3 =	vld.idx.msk [tilespmem:v3+s23+$0x0], $0xffff;
	[tilespmem:s7+$0x650] =	vst v1;
	v6 =	vadd.s32 v42, v55  }
0x4ad: {  	v7 =	vadd.s32 v30, v49;
	v8 =	vld.idx.msk [tilespmem:v59+s23+$0x0], $0xffff;
	[tilespmem:s2+$0x3080] =	vst v5  }
0x4ae: {  	v37 =	vadd.s32 v42, v50;
	v22 =	vld [tilespmem:$0x1FF50]  }
0x4af: {  	v46 =	vadd.s32 v16, v51  }
0x4b0: {  	v4 =	vld.idx.msk [tilespmem:v4+s23+$0x0], $0xffff;
	v5 =	vadd.s32 v30, v48;
	[tilespmem:s0+$0x1C30] =	vst v2  }
0x4b1: {  	v6 =	vld.idx.msk [tilespmem:v6+s24+$0x0], $0xffff;
	v2 =	vadd.s32 v16, v52;
	[tilespmem:s0+$0x1C20] =	vst v3  }
0x4b2: {  	[tilespmem:s2+$0x3070] =	vst v8;
	v3 =	vld.idx.msk [tilespmem:v7+s23+$0x0], $0xffff  }
0x4b3: {  	[tilespmem:s7+$0x7D0] =	vst v10;
	v8 =	vld.idx.msk [tilespmem:v37+s24+$0x0], $0xffff;
	v1 =	vadd.s32 v22, v55  }
0x4b4: {  	v10 =	vld.idx.msk [tilespmem:v46+s23+$0x0], $0xffff  }
0x4b5: {  	[tilespmem:s7+$0x7E0] =	vst v4;
	v5 =	vld.idx.msk [tilespmem:v5+s23+$0x0], $0xffff  }
0x4b6: {  	v7 =	vadd.s32 v31, v49;
	[tilespmem:s2+$0x3210] =	vst v6;
	v2 =	vld.idx.msk [tilespmem:v2+s23+$0x0], $0xffff  }
0x4b7: {  	v6 =	vadd.s32 v31, v48;
	v63 =	vld [tilespmem:$0x1FE00]  }
0x4b8: {  	v57 =	vadd.s32 v22, v50;
	[tilespmem:s0+$0x1DC0] =	vst v3;
	v1 =	vld.idx.msk [tilespmem:v1+s24+$0x0], $0xffff  }
0x4b9: {  	[tilespmem:s2+$0x3200] =	vst v8  }
0x4ba: {  	v59 =	vadd.s32 v61, v51;
	[tilespmem:s7+$0x960] =	vst v10  }
0x4bb: {  	[tilespmem:s0+$0x1DB0] =	vst v5;
	v5 =	vld.idx.msk [tilespmem:v7+s23+$0x0], $0xffff  }
0x4bc: {  	v3 =	vadd.s32 v61, v52;
	v6 =	vld.idx.msk [tilespmem:v6+s23+$0x0], $0xffff;
	[tilespmem:s7+$0x970] =	vst v2  }
0x4bd: {  	v8 =	vld.idx.msk [tilespmem:v57+s24+$0x0], $0xffff;
	v4 =	vadd.s32 v63, v55;
	[tilespmem:s2+$0x33A0] =	vst v1  }
0x4be: {  	v17 =	vmov v11;
	v7 =	vadd.s32 v32, v49;
	v11 =	vld [tilespmem:$0x1FF70]  }
0x4bf: {  	v10 =	vld.idx.msk [tilespmem:v59+s23+$0x0], $0xffff;
	v62 =	vadd.s32 v63, v50  }
0x4c0: {  	v37 =	vadd.s32 v18, v51  }
0x4c1: {  	v3 =	vld.idx.msk [tilespmem:v3+s23+$0x0], $0xffff;
	v1 =	vadd.s32 v32, v48;
	[tilespmem:s0+$0x1F50] =	vst v5  }
0x4c2: {  	v4 =	vld.idx.msk [tilespmem:v4+s24+$0x0], $0xffff;
	v5 =	vadd.s32 v18, v52;
	[tilespmem:s0+$0x1F40] =	vst v6  }
0x4c3: {  	[tilespmem:s2+$0x3390] =	vst v8;
	v6 =	vld.idx.msk [tilespmem:v7+s23+$0x0], $0xffff;
	v2 =	vadd.s32 v11, v55  }
0x4c4: {  	[tilespmem:s7+$0xAF0] =	vst v10;
	v8 =	vld.idx.msk [tilespmem:v62+s24+$0x0], $0xffff  }
0x4c5: {  	v10 =	vld.idx.msk [tilespmem:v37+s23+$0x0], $0xffff  }
0x4c6: {  	[tilespmem:s7+$0xB00] =	vst v3;
	v1 =	vld.idx.msk [tilespmem:v1+s23+$0x0], $0xffff  }
0x4c7: {  	v7 =	vadd.s32 v33, v49;
	[tilespmem:s2+$0x3530] =	vst v4;
	v5 =	vld.idx.msk [tilespmem:v5+s23+$0x0], $0xffff  }
0x4c8: {  	v4 =	vadd.s32 v33, v48;
	[tilespmem:s0+$0x20E0] =	vst v6;
	v2 =	vld.idx.msk [tilespmem:v2+s24+$0x0], $0xffff  }
0x4c9: {  	[tilespmem:s2+$0x3520] =	vst v8  }
0x4ca: {  	v46 =	vadd.s32 v11, v50;
	[tilespmem:s7+$0xC80] =	vst v10  }
0x4cb: {  	[tilespmem:s0+$0x20D0] =	vst v1  }
0x4cc: {  	v57 =	vadd.s32 v19, v51;
	v1 =	vld.idx.msk [tilespmem:v7+s23+$0x0], $0xffff;
	[tilespmem:s7+$0xC90] =	vst v5  }
0x4cd: {  	v3 =	vadd.s32 v24, v55;
	v4 =	vld.idx.msk [tilespmem:v4+s23+$0x0], $0xffff;
	[tilespmem:s2+$0x36C0] =	vst v2  }
0x4ce: {  	v59 =	vadd.s32 v24, v50;
	v37 =	vmov v24;
	v6 =	vadd.s32 v19, v52;
	v24 =	vld [tilespmem:$0x1FF60]  }
0x4cf: {  	v7 =	vadd.s32 v34, v49;
	v8 =	vld.idx.msk [tilespmem:v46+s24+$0x0], $0xffff;
	_ =	sdelay $0x1  }
0x4d0: {  	v10 =	vld.idx.msk [tilespmem:v57+s23+$0x0], $0xffff;
	v2 =	vadd.s32 v34, v48  }
0x4d1: {  	v62 =	vadd.s32 v20, v51;
	v3 =	vld.idx.msk [tilespmem:v3+s24+$0x0], $0xffff;
	[tilespmem:s0+$0x2270] =	vst v1  }
0x4d2: {  	v6 =	vld.idx.msk [tilespmem:v6+s23+$0x0], $0xffff;
	[tilespmem:s0+$0x2260] =	vst v4;
	v5 =	vadd.s32 v24, v55  }
0x4d3: {  	v1 =	vadd.s32 v20, v52;
	[tilespmem:s2+$0x36B0] =	vst v8;
	v4 =	vld.idx.msk [tilespmem:v7+s23+$0x0], $0xffff  }
0x4d4: {  	v8 =	vld.idx.msk [tilespmem:v59+s24+$0x0], $0xffff  }
0x4d5: {  	[tilespmem:s7+$0xE10] =	vst v10;
	v7 =	vadd.s32 v35, v49;
	v2 =	vld.idx.msk [tilespmem:v2+s23+$0x0], $0xffff  }
0x4d6: {  	v10 =	vld.idx.msk [tilespmem:v62+s23+$0x0], $0xffff;
	[tilespmem:s2+$0x3850] =	vst v3;
	v3 =	vadd.s32 v35, v48  }
0x4d7: {  	v57 =	vadd.s32 v21, v51;
	[tilespmem:s7+$0xE20] =	vst v6;
	v5 =	vld.idx.msk [tilespmem:v5+s24+$0x0], $0xffff  }
0x4d8: {  	v46 =	vadd.s32 v24, v50;
	v1 =	vld.idx.msk [tilespmem:v1+s23+$0x0], $0xffff;
	[tilespmem:s0+$0x2400] =	vst v4  }
0x4d9: {  	v4 =	vadd.s32 v21, v52;
	[tilespmem:s2+$0x3840] =	vst v8  }
0x4da: {  	v6 =	vadd.s32 v58, v55;
	[tilespmem:s0+$0x23F0] =	vst v2;
	v2 =	vld.idx.msk [tilespmem:v7+s23+$0x0], $0xffff  }
0x4db: {  	[tilespmem:s7+$0xFA0] =	vst v10;
	v7 =	vadd.s32 v36, v49;
	v3 =	vld.idx.msk [tilespmem:v3+s23+$0x0], $0xffff  }
0x4dc: {  	v10 =	vld.idx.msk [tilespmem:v57+s23+$0x0], $0xffff;
	[tilespmem:s2+$0x39E0] =	vst v5;
	v5 =	vadd.s32 v36, v48  }
0x4dd: {  	v53 =	vadd.s32 v39, v51;
	v8 =	vld.idx.msk [tilespmem:v46+s24+$0x0], $0xffff;
	[tilespmem:s7+$0xFB0] =	vst v1  }
0x4de: {  	v59 =	vadd.s32 v58, v50;
	v4 =	vld.idx.msk [tilespmem:v4+s23+$0x0], $0xffff  }
0x4df: {  	[tilespmem:s0+$0x2590] =	vst v2;
	v2 =	vadd.s32 v39, v52;
	v6 =	vld.idx.msk [tilespmem:v6+s24+$0x0], $0xffff  }
0x4e0: {  	v1 =	vadd.s32 v44, v55;
	[tilespmem:s0+$0x2580] =	vst v3;
	v3 =	vld.idx.msk [tilespmem:v7+s23+$0x0], $0xffff  }
0x4e1: {  	[tilespmem:s7+$0x1130] =	vst v10;
	v7 =	vadd.s32 v45, v49;
	v5 =	vld.idx.msk [tilespmem:v5+s23+$0x0], $0xffff  }
0x4e2: {  	v57 =	vld.idx.msk [tilespmem:v53+s23+$0x0], $0xffff;
	[tilespmem:s2+$0x39D0] =	vst v8  }
0x4e3: {  	s12 =	simm.s32 $0x60;
	v8 =	vld.idx.msk [tilespmem:v59+s24+$0x0], $0xffff;
	[tilespmem:s7+$0x1140] =	vst v4  }
0x4e4: {  	v9 =	vadd.s32 v44, v50;
	v62 =	vmov s12;
	v2 =	vld.idx.msk [tilespmem:v2+s23+$0x0], $0xffff;
	[tilespmem:s2+$0x3B70] =	vst v6  }
0x4e5: {  	s14 =	simm.s32 $0x70;
	v4 =	vmul.u32 $0x30, v62;
	v62 =	vadd.s32 v23, v52;
	[tilespmem:s0+$0x2720] =	vst v3;
	v1 =	vld.idx.msk [tilespmem:v1+s24+$0x0], $0xffff  }
0x4e6: {  	v54 =	vmov s14;
	v6 =	vadd.s32 v45, v48;
	[tilespmem:s0+$0x2710] =	vst v5;
	v5 =	vld.idx.msk [tilespmem:v7+s23+$0x0], $0xffff  }
0x4e7: {  	[tilespmem:s7+$0x12C0] =	vst v57;
	v3 =	vmul.u32 $0x30, v54  }
0x4e8: {  	[tilespmem:s2+$0x3B60] =	vst v8  }
0x4e9: {  	v46 =	vmov v56;
	v56 =	vadd.s32 v56, v55;
	v53 =	vbroadcast v3, $0x0;
	v3 =	vld.idx.msk [tilespmem:v9+s24+$0x0], $0xffff;
	[tilespmem:s7+$0x12D0] =	vst v2  }
0x4ea: {  	v59 =	vmov v58;
	v58 =	vadd.s32 v23, v51;
	v54 =	vbroadcast v4, $0x0;
	v2 =	vld.idx.msk [tilespmem:v62+s23+$0x0], $0xffff;
	[tilespmem:s2+$0x3D00] =	vst v1  }
0x4eb: {  	v4 =	vld.idx.msk [tilespmem:v6+s23+$0x0], $0xffff;
	v6 =	vadd.s32 v17, v49;
	[tilespmem:s0+$0x28B0] =	vst v5  }
0x4ec: {  	v1 =	vadd.s32 v0, v54;
	v62 =	vld [tilespmem:$0x1FE20]  }
0x4ed: {  	v8 =	vadd.s32 v17, v48  }
0x4ee: {  	v10 =	vadd.s32 v25, v52;
	v7 =	vld.idx.msk [tilespmem:v56+s24+$0x0], $0xffff  }
0x4ef: {  	v9 =	vadd.s32 v0, v53;
	v56 =	vld.idx.msk [tilespmem:v58+s23+$0x0], $0xffff  }
0x4f0: {  	v6 =	vld.idx.msk [tilespmem:v6+s23+$0x0], $0xffff;
	[tilespmem:s0+$0x28A0] =	vst v4;
	v4 =	vadd.s32 v25, v51  }
0x4f1: {  	[tilespmem:s2+$0x3CF0] =	vst v3;
	v1 =	vld.idx.msk [tilespmem:v1+s23+$0x0], $0xffff;
	v5 =	vadd.s32 v62, v55  }
0x4f2: {  	[tilespmem:s7+$0x1460] =	vst v2;
	v3 =	vld.idx.msk [tilespmem:v8+s23+$0x0], $0xffff  }
0x4f3: {  	v46 =	vadd.s32 v46, v50;
	v10 =	vld.idx.msk [tilespmem:v10+s23+$0x0], $0xffff;
	[tilespmem:s2+$0x3E90] =	vst v7  }
0x4f4: {  	v7 =	vld.idx.msk [tilespmem:v9+s23+$0x0], $0xffff;
	v9 =	vadd.s32 v38, v49;
	[tilespmem:s7+$0x1450] =	vst v56  }
0x4f5: {  	v4 =	vld.idx.msk [tilespmem:v4+s23+$0x0], $0xffff  }
0x4f6: {  	v57 =	vadd.s32 v43, v54;
	[tilespmem:s0+$0x2A40] =	vst v6;
	v2 =	vld.idx.msk [tilespmem:v5+s24+$0x0], $0xffff  }
0x4f7: {  	s8 =	simm.s32 $0x19060;
	v5 =	vadd.s32 v43, v53;
	v43 =	vld [tilespmem:$0x1FFB0]  }
0x4f8: {  	v8 =	vld.idx.msk [tilespmem:v46+s24+$0x0], $0xffff;
	v46 =	vadd.s32 v26, v51;
	[tilespmem:s8+$0x0] =	vst v1  }
0x4f9: {  	v1 =	vadd.s32 v26, v52;
	[tilespmem:s0+$0x2A30] =	vst v3;
	v3 =	vld.idx.msk [tilespmem:v9+s23+$0x0], $0xffff  }
0x4fa: {  	[tilespmem:s8+$0x10] =	vst v7;
	v7 =	vadd.s32 v38, v48  }
0x4fb: {  	[tilespmem:s7+$0x15F0] =	vst v10;
	v9 =	vld.idx.msk [tilespmem:v57+s23+$0x0], $0xffff;
	v57 =	vadd.s32 v47, v49  }
0x4fc: {  	[tilespmem:s7+$0x15E0] =	vst v4;
	v6 =	vadd.s32 v43, v55;
	v5 =	vld.idx.msk [tilespmem:v5+s23+$0x0], $0xffff  }
0x4fd: {  	v4 =	vld.idx.msk [tilespmem:v46+s23+$0x0], $0xffff;
	[tilespmem:s2+$0x4020] =	vst v2;
	v2 =	vadd.s32 v12, v54  }
0x4fe: {  	v1 =	vld.idx.msk [tilespmem:v1+s23+$0x0], $0xffff;
	[tilespmem:s0+$0x2BD0] =	vst v3;
	v3 =	vadd.s32 v27, v51  }
0x4ff: {  	v10 =	vadd.s32 v12, v53;
	v7 =	vld.idx.msk [tilespmem:v7+s23+$0x0], $0xffff  }
0x500: {  	v46 =	vadd.s32 v27, v52;
	[tilespmem:s8+$0x190] =	vst v9;
	v9 =	vld.idx.msk [tilespmem:v57+s23+$0x0], $0xffff  }
0x501: {  	v6 =	vld.idx.msk [tilespmem:v6+s24+$0x0], $0xffff;
	[tilespmem:s8+$0x1A0] =	vst v5;
	v5 =	vadd.s32 v47, v48  }
0x502: {  	[tilespmem:s7+$0x1770] =	vst v4;
	v2 =	vld.idx.msk [tilespmem:v2+s23+$0x0], $0xffff  }
0x503: {  	[tilespmem:s2+$0x3E80] =	vst v8;
	v8 =	vadd.s32 v60, v55;
	v3 =	vld.idx.msk [tilespmem:v3+s23+$0x0], $0xffff  }
0x504: {  	[tilespmem:s7+$0x1780] =	vst v1;
	v10 =	vld.idx.msk [tilespmem:v10+s23+$0x0], $0xffff  }
0x505: {  	v57 =	vadd.s32 v40, v49;
	[tilespmem:s0+$0x2BC0] =	vst v7;
	v4 =	vld.idx.msk [tilespmem:v46+s23+$0x0], $0xffff  }
0x506: {  	[tilespmem:s2+$0x41B0] =	vst v6;
	v6 =	vadd.s32 v13, v54;
	v5 =	vld.idx.msk [tilespmem:v5+s23+$0x0], $0xffff  }
0x507: {  	v46 =	vadd.s32 v28, v52;
	v12 =	vld [tilespmem:$0x1FF90]  }
0x508: {  	v1 =	vld.idx.msk [tilespmem:v8+s24+$0x0], $0xffff;
	v8 =	vadd.s32 v13, v53;
	[tilespmem:s0+$0x2D60] =	vst v9  }
0x509: {  	[tilespmem:s8+$0x320] =	vst v2;
	v2 =	vadd.s32 v28, v51  }
0x50a: {  	[tilespmem:s8+$0x330] =	vst v10;
	v9 =	vld.idx.msk [tilespmem:v57+s23+$0x0], $0xffff  }
0x50b: {  	v10 =	vadd.s32 v40, v48;
	[tilespmem:s7+$0x1910] =	vst v4;
	v6 =	vld.idx.msk [tilespmem:v6+s23+$0x0], $0xffff  }
0x50c: {  	[tilespmem:s7+$0x1900] =	vst v3;
	v3 =	vld.idx.msk [tilespmem:v46+s23+$0x0], $0xffff;
	v7 =	vadd.s32 v12, v55  }
0x50d: {  	v57 =	vadd.s32 v41, v49;
	[tilespmem:s0+$0x2D50] =	vst v5;
	v8 =	vld.idx.msk [tilespmem:v8+s23+$0x0], $0xffff  }
0x50e: {  	[tilespmem:s2+$0x4340] =	vst v1;
	v1 =	vadd.s32 v14, v54;
	v2 =	vld.idx.msk [tilespmem:v2+s23+$0x0], $0xffff  }
0x50f: {  	v46 =	vadd.s32 v29, v52;
	v13 =	vld [tilespmem:$0x1FFA0]  }
0x510: {  	v10 =	vld.idx.msk [tilespmem:v10+s23+$0x0], $0xffff;
	[tilespmem:s8+$0x4B0] =	vst v6;
	v6 =	vadd.s32 v29, v51  }
0x511: {  	[tilespmem:s0+$0x2EF0] =	vst v9;
	v4 =	vld.idx.msk [tilespmem:v7+s24+$0x0], $0xffff;
	v7 =	vadd.s32 v14, v53  }
0x512: {  	v9 =	vld.idx.msk [tilespmem:v57+s23+$0x0], $0xffff;
	[tilespmem:s8+$0x4C0] =	vst v8;
	v8 =	vadd.s32 v41, v48  }
0x513: {  	[tilespmem:s7+$0x1AA0] =	vst v3;
	v1 =	vld.idx.msk [tilespmem:v1+s23+$0x0], $0xffff  }
0x514: {  	[tilespmem:s7+$0x1A90] =	vst v2;
	v2 =	vld.idx.msk [tilespmem:v46+s23+$0x0], $0xffff;
	v5 =	vadd.s32 v13, v55  }
0x515: {  	v6 =	vld.idx.msk [tilespmem:v6+s23+$0x0], $0xffff  }
0x516: {  	v57 =	vadd.s32 v42, v49;
	[tilespmem:s0+$0x2EE0] =	vst v10;
	v7 =	vld.idx.msk [tilespmem:v7+s23+$0x0], $0xffff  }
0x517: {  	[tilespmem:s2+$0x44D0] =	vst v4;
	v8 =	vld.idx.msk [tilespmem:v8+s23+$0x0], $0xffff  }
0x518: {  	v56 =	vadd.s32 v30, v52;
	v46 =	vld [tilespmem:$0x1FE30];
	[tilespmem:s0+$0x3080] =	vst v9  }
0x519: {  	v4 =	vadd.s32 v15, v54;
	v3 =	vld.idx.msk [tilespmem:v5+s24+$0x0], $0xffff;
	[tilespmem:s8+$0x640] =	vst v1  }
0x51a: {  	[tilespmem:s7+$0x1C30] =	vst v2  }
0x51b: {  	v5 =	vadd.s32 v15, v53;
	v9 =	vld.idx.msk [tilespmem:v57+s24+$0x0], $0xffff;
	[tilespmem:s7+$0x1C20] =	vst v6  }
0x51c: {  	v57 =	vadd.s32 v22, v49;
	[tilespmem:s8+$0x650] =	vst v7  }
0x51d: {  	v1 =	vadd.s32 v30, v51;
	v6 =	vld.idx.msk [tilespmem:v56+s23+$0x0], $0xffff;
	[tilespmem:s0+$0x3070] =	vst v8  }
0x51e: {  	v4 =	vld.idx.msk [tilespmem:v4+s23+$0x0], $0xffff;
	v10 =	vadd.s32 v46, v55;
	[tilespmem:s2+$0x4660] =	vst v3  }
0x51f: {  	v7 =	vadd.s32 v42, v48;
	v17 =	vld [tilespmem:$0x1FFC0]  }
0x520: {  	v5 =	vld.idx.msk [tilespmem:v5+s23+$0x0], $0xffff;
	v3 =	vadd.s32 v16, v54;
	[tilespmem:s0+$0x3210] =	vst v9  }
0x521: {  	v58 =	vadd.s32 v16, v53;
	v9 =	vld.idx.msk [tilespmem:v57+s24+$0x0], $0xffff  }
0x522: {  	v56 =	vadd.s32 v63, v49;
	v1 =	vld.idx.msk [tilespmem:v1+s23+$0x0], $0xffff  }
0x523: {  	[tilespmem:s8+$0x7D0] =	vst v4;
	v4 =	vadd.s32 v31, v51;
	v2 =	vld.idx.msk [tilespmem:v10+s24+$0x0], $0xffff  }
0x524: {  	[tilespmem:s7+$0x1DC0] =	vst v6;
	v7 =	vld.idx.msk [tilespmem:v7+s24+$0x0], $0xffff;
	v8 =	vadd.s32 v17, v55  }
0x525: {  	v3 =	vld.idx.msk [tilespmem:v3+s23+$0x0], $0xffff;
	[tilespmem:s8+$0x7E0] =	vst v5;
	v55 =	vadd.s32 v31, v52  }
0x526: {  	v5 =	vadd.s32 v22, v48;
	v10 =	vld.idx.msk [tilespmem:v58+s23+$0x0], $0xffff;
	[tilespmem:s0+$0x33A0] =	vst v9  }
0x527: {  	[tilespmem:s7+$0x1DB0] =	vst v1;
	v58 =	vadd.s32 v61, v53;
	v9 =	vld.idx.msk [tilespmem:v56+s24+$0x0], $0xffff  }
0x528: {  	v4 =	vld.idx.msk [tilespmem:v4+s23+$0x0], $0xffff;
	[tilespmem:s2+$0x47F0] =	vst v2;
	v2 =	vadd.s32 v61, v54  }
0x529: {  	v56 =	vadd.s32 v11, v49;
	[tilespmem:s0+$0x3200] =	vst v7;
	v6 =	vld.idx.msk [tilespmem:v8+s24+$0x0], $0xffff  }
0x52a: {  	v61 =	vadd.s32 v62, v50;
	[tilespmem:s8+$0x960] =	vst v3;
	v1 =	vld.idx.msk [tilespmem:v55+s23+$0x0], $0xffff  }
0x52b: {  	v7 =	vadd.s32 v32, v52;
	v5 =	vld.idx.msk [tilespmem:v5+s24+$0x0], $0xffff;
	[tilespmem:s8+$0x970] =	vst v10  }
0x52c: {  	v3 =	vadd.s32 v32, v51;
	v8 =	vld.idx.msk [tilespmem:v58+s23+$0x0], $0xffff;
	[tilespmem:s0+$0x3530] =	vst v9  }
0x52d: {  	v10 =	vadd.s32 v63, v48;
	[tilespmem:s7+$0x1F40] =	vst v4;
	v2 =	vld.idx.msk [tilespmem:v2+s23+$0x0], $0xffff  }
0x52e: {  	v9 =	vld.idx.msk [tilespmem:v56+s24+$0x0], $0xffff;
	[tilespmem:s2+$0x4980] =	vst v6;
	v6 =	vadd.s32 v18, v54  }
0x52f: {  	[tilespmem:s7+$0x1F50] =	vst v1;
	v1 =	vld.idx.msk [tilespmem:v61+s24+$0x0], $0xffff;
	v61 =	vadd.s32 v18, v53  }
0x530: {  	[tilespmem:s0+$0x3390] =	vst v5;
	v4 =	vld.idx.msk [tilespmem:v7+s23+$0x0], $0xffff;
	v7 =	vadd.s32 v43, v50  }
0x531: {  	v3 =	vld.idx.msk [tilespmem:v3+s23+$0x0], $0xffff;
	v18 =	vmov v43;
	[tilespmem:s8+$0xB00] =	vst v8;
	v43 =	vadd.s32 v37, v49  }
0x532: {  	v5 =	vadd.s32 v33, v52;
	v10 =	vld.idx.msk [tilespmem:v10+s24+$0x0], $0xffff;
	[tilespmem:s8+$0xAF0] =	vst v2  }
0x533: {  	v8 =	vadd.s32 v11, v48;
	[tilespmem:s0+$0x36C0] =	vst v9;
	v6 =	vld.idx.msk [tilespmem:v6+s23+$0x0], $0xffff  }
0x534: {  	v2 =	vadd.s32 v33, v51;
	v55 =	vld.idx.msk [tilespmem:v61+s23+$0x0], $0xffff;
	[tilespmem:s2+$0x4010] =	vst v1  }
0x535: {  	v1 =	vadd.s32 v19, v54;
	[tilespmem:s7+$0x20E0] =	vst v4;
	v4 =	vld.idx.msk [tilespmem:v7+s24+$0x0], $0xffff  }
0x536: {  	[tilespmem:s7+$0x20D0] =	vst v3;
	v7 =	vadd.s32 v19, v53;
	v9 =	vld.idx.msk [tilespmem:v43+s24+$0x0], $0xffff  }
0x537: {  	[tilespmem:s0+$0x3520] =	vst v10;
	v3 =	vld.idx.msk [tilespmem:v5+s23+$0x0], $0xffff;
	v5 =	vadd.s32 v60, v50  }
0x538: {  	v8 =	vld.idx.msk [tilespmem:v8+s24+$0x0], $0xffff;
	v43 =	vadd.s32 v24, v49;
	[tilespmem:s8+$0xC80] =	vst v6  }
0x539: {  	v61 =	vadd.s32 v34, v52;
	v2 =	vld.idx.msk [tilespmem:v2+s23+$0x0], $0xffff;
	[tilespmem:s8+$0xC90] =	vst v55  }
0x53a: {  	v6 =	vadd.s32 v34, v51;
	v1 =	vld.idx.msk [tilespmem:v1+s23+$0x0], $0xffff;
	[tilespmem:s2+$0x41A0] =	vst v4  }
0x53b: {  	v55 =	vadd.s32 v37, v48;
	v7 =	vld.idx.msk [tilespmem:v7+s23+$0x0], $0xffff;
	[tilespmem:s0+$0x3850] =	vst v9  }
0x53c: {  	v4 =	vadd.s32 v20, v54;
	[tilespmem:s7+$0x2270] =	vst v3;
	v3 =	vld.idx.msk [tilespmem:v5+s24+$0x0], $0xffff  }
0x53d: {  	[tilespmem:s0+$0x36B0] =	vst v8;
	v5 =	vadd.s32 v20, v53;
	v9 =	vld.idx.msk [tilespmem:v43+s24+$0x0], $0xffff  }
0x53e: {  	[tilespmem:s7+$0x2260] =	vst v2;
	v2 =	vld.idx.msk [tilespmem:v61+s23+$0x0], $0xffff;
	v61 =	vadd.s32 v12, v50  }
0x53f: {  	v8 =	vadd.s32 v35, v52;
	v6 =	vld.idx.msk [tilespmem:v6+s23+$0x0], $0xffff;
	[tilespmem:s8+$0xE10] =	vst v1  }
0x540: {  	v55 =	vld.idx.msk [tilespmem:v55+s24+$0x0], $0xffff;
	v1 =	vadd.s32 v35, v51;
	[tilespmem:s8+$0xE20] =	vst v7  }
0x541: {  	v43 =	vadd.s32 v59, v49;
	v4 =	vld.idx.msk [tilespmem:v4+s23+$0x0], $0xffff;
	[tilespmem:s2+$0x4330] =	vst v3  }
0x542: {  	v7 =	vadd.s32 v24, v48;
	v5 =	vld.idx.msk [tilespmem:v5+s23+$0x0], $0xffff;
	[tilespmem:s0+$0x39E0] =	vst v9  }
0x543: {  	v3 =	vadd.s32 v21, v54;
	[tilespmem:s7+$0x2400] =	vst v2;
	v2 =	vld.idx.msk [tilespmem:v61+s24+$0x0], $0xffff  }
0x544: {  	v61 =	vadd.s32 v21, v53;
	[tilespmem:s7+$0x23F0] =	vst v6;
	v6 =	vld.idx.msk [tilespmem:v8+s23+$0x0], $0xffff  }
0x545: {  	v8 =	vadd.s32 v13, v50;
	[tilespmem:s0+$0x3840] =	vst v55;
	v1 =	vld.idx.msk [tilespmem:v1+s23+$0x0], $0xffff  }
0x546: {  	v9 =	vld.idx.msk [tilespmem:v43+s24+$0x0], $0xffff;
	[tilespmem:s8+$0xFA0] =	vst v4  }
0x547: {  	v55 =	vadd.s32 v36, v52;
	v7 =	vld.idx.msk [tilespmem:v7+s24+$0x0], $0xffff;
	[tilespmem:s8+$0xFB0] =	vst v5  }
0x548: {  	v4 =	vadd.s32 v36, v51;
	v3 =	vld.idx.msk [tilespmem:v3+s23+$0x0], $0xffff;
	[tilespmem:s2+$0x44C0] =	vst v2  }
0x549: {  	v5 =	vadd.s32 v59, v48;
	v10 =	vld.idx.msk [tilespmem:v61+s23+$0x0], $0xffff;
	[tilespmem:s7+$0x2590] =	vst v6  }
0x54a: {  	v16 =	vmov v13;
	v11 =	vadd.s32 v44, v49;
	v13 =	vmov v62;
	v62 =	vld.idx.msk [tilespmem:v8+s24+$0x0], $0xffff;
	[tilespmem:s7+$0x2580] =	vst v1  }
0x54b: {  	v43 =	vadd.s32 v39, v54;
	v2 =	vld [tilespmem:$0x1FE10]  }
0x54c: {  	v1 =	vld.idx.msk [tilespmem:v55+s23+$0x0], $0xffff  }
0x54d: {  	v19 =	vmov v12;
	v12 =	vmov v63;
	v63 =	vld.idx.msk [tilespmem:v4+s23+$0x0], $0xffff;
	[tilespmem:s0+$0x39D0] =	vst v7  }
0x54e: {  	v15 =	vmov v60;
	[tilespmem:s0+$0x3B70] =	vst v9;
	v60 =	vld.idx.msk [tilespmem:v5+s24+$0x0], $0xffff;
	v5 =	vadd.s32 v39, v53  }
0x54f: {  	v14 =	vmov v59;
	[tilespmem:s8+$0x1130] =	vst v3;
	v58 =	vld.idx.msk [tilespmem:v11+s24+$0x0], $0xffff  }
0x550: {  	v22 =	vmovc v46;
	v59 =	vadd.s32 v46, v50;
	v46 =	vmov v44;
	v4 =	vld.idx.msk [tilespmem:v43+s23+$0x0], $0xffff;
	v57 =	vadd.s32 v2, v49  }
0x551: {  	[tilespmem:s8+$0x1140] =	vst v10;
	v55 =	vadd.s32 v2, v52;
	v56 =	vadd.s32 v2, v53;
	v2 =	vadd.s32 v45, v52  }
0x552: {  	s9 =	simm.s32 $0x6;
	s10 =	simm.s32 $0x80;
	v61 =	vadd.s32 v44, v48;
	v44 =	vmovc v12;
	v3 =	vadd.s32 v45, v51;
	v43 =	vmovc v47;
	v47 =	vmov v37;
	v39 =	vld [tilespmem:$0x1FFE0]  }
.LBB2_6:
0x553: {  	v5 =	vld.idx.msk [tilespmem:v5+s23+$0x0], $0xffff  }
0x554: {  	v6 =	vmov s10;
	s12 =	sadd.s32 $0x10, s10;
	v7 =	vadd.s32 v17, v50;
	v50 =	vmovc v48;
	v48 =	vmovc v51;
	v51 =	vmov v54;
	v11 =	vld [tilespmem:$0x1FE10];
	[tilespmem:s2+$0x4650] =	vst v62  }
0x555: {  	v6 =	vmul.u32 $0x30, v6;
	v8 =	vmov s12;
	v9 =	vadd.s32 v23, v51;
	[tilespmem:s7+$0x2720] =	vst v1;
	v1 =	vld.idx.msk [tilespmem:v59+s24+$0x0], $0xffff  }
0x556: {  	v10 =	vadd.s32 v23, v53;
	v8 =	vmul.u32 $0x30, v8;
	[tilespmem:s7+$0x2710] =	vst v63;
	v2 =	vld.idx.msk [tilespmem:v2+s23+$0x0], $0xffff  }
0x557: {  	v54 =	vbroadcast v6, $0x0;
	v3 =	vld.idx.msk [tilespmem:v3+s23+$0x0], $0xffff;
	[tilespmem:s0+$0x3B60] =	vst v60  }
0x558: {  	v6 =	vadd.s32 v39, v52;
	v59 =	vbroadcast v8, $0x0;
	[tilespmem:s0+$0x3D00] =	vst v58;
	v8 =	vld.idx.msk [tilespmem:v61+s24+$0x0], $0xffff  }
0x559: {  	v37 =	vadd.s32 v0, v54;
	[tilespmem:s8+$0x12C0] =	vst v4;
	v4 =	vld.idx.msk [tilespmem:v57+s24+$0x0], $0xffff  }
0x55a: {  	[tilespmem:s8+$0x12D0] =	vst v5;
	v9 =	vld.idx.msk [tilespmem:v9+s23+$0x0], $0xffff  }
0x55b: {  	v10 =	vld.idx.msk [tilespmem:v10+s23+$0x0], $0xffff;
	[tilespmem:s2+$0x47E0] =	vst v1  }
0x55c: {  	[tilespmem:s7+$0x28B0] =	vst v2;
	v2 =	vld.idx.msk [tilespmem:v7+s24+$0x0], $0xffff  }
0x55d: {  	v5 =	vadd.s32 v39, v48;
	[tilespmem:s7+$0x28A0] =	vst v3;
	v3 =	vld.idx.msk [tilespmem:v6+s23+$0x0], $0xffff  }
0x55e: {  	v60 =	vadd.s32 v0, v59;
	v6 =	vld.idx.msk [tilespmem:v37+s23+$0x0], $0xffff  }
0x55f: {  	v1 =	vadd.s32 v13, v49;
	v37 =	vld [tilespmem:$0x1FD50]  }
0x560: {  	v12 =	vld [tilespmem:$0x1FF50];
	v58 =	vadd.s32 v25, v51;
	v7 =	vadd.s32 v25, v53;
	[tilespmem:s0+$0x3CF0] =	vst v8  }
0x561: {  	v57 =	vmovc v55;
	v55 =	vmov v56;
	v56 =	vadd.s32 v11, v59;
	v8 =	vadd.s32 v11, v50;
	[tilespmem:s0+$0x3E90] =	vst v4;
	v11 =	vld [tilespmem:$0x1FD60]  }
0x562: {  	v5 =	vld.idx.msk [tilespmem:v5+s23+$0x0], $0xffff;
	[tilespmem:s8+$0x1450] =	vst v9  }
0x563: {  	v63 =	vadd.s32 v38, v52;
	v60 =	vld.idx.msk [tilespmem:v60+s23+$0x0], $0xffff;
	[tilespmem:s8+$0x1460] =	vst v10  }
0x564: {  	v1 =	vld.idx.msk [tilespmem:v1+s24+$0x0], $0xffff;
	[tilespmem:s2+$0x4970] =	vst v2;
	s2 =	smov.u32 s0;
	s0 =	smov.u32 s7;
	v4 =	vadd.s32 v37, v54;
	v37 =	vadd.s32 v37, v59  }
0x565: {  	v7 =	vld.idx.msk [tilespmem:v7+s23+$0x0], $0xffff;
	s7 =	smov.u32 s8;
	s8 =	sadd.s32 $0x20, s8;
	[tilespmem:s0+$0x2A40] =	vst v3  }
0x566: {  	v2 =	vld.idx.msk [tilespmem:v58+s23+$0x0], $0xffff;
	v3 =	vadd.s32 v18, v49;
	[tilespmem:s8+$0x0] =	vst v6  }
0x567: {  	v6 =	vadd.s32 v26, v53;
	v8 =	vld.idx.msk [tilespmem:v8+s24+$0x0], $0xffff;
	[tilespmem:s0+$0x2A30] =	vst v5  }
0x568: {  	v58 =	vadd.s32 v26, v51;
	v5 =	vld.idx.msk [tilespmem:v63+s23+$0x0], $0xffff;
	[tilespmem:s8+$0x10] =	vst v60  }
0x569: {  	v10 =	vld.idx.msk [tilespmem:v37+s23+$0x0], $0xffff;
	[tilespmem:s2+$0x4020] =	vst v1  }
0x56a: {  	v9 =	vadd.s32 v38, v48;
	v4 =	vld.idx.msk [tilespmem:v4+s23+$0x0], $0xffff;
	[tilespmem:s7+$0x15F0] =	vst v7  }
0x56b: {  	v37 =	vadd.s32 v43, v52;
	v3 =	vld.idx.msk [tilespmem:v3+s24+$0x0], $0xffff  }
0x56c: {  	v1 =	vadd.s32 v11, v59;
	[tilespmem:s7+$0x15E0] =	vst v2;
	v2 =	vld.idx.msk [tilespmem:v6+s23+$0x0], $0xffff  }
0x56d: {  	v60 =	vadd.s32 v11, v54;
	v6 =	vld.idx.msk [tilespmem:v58+s23+$0x0], $0xffff;
	[tilespmem:s2+$0x3E80] =	vst v8  }
0x56e: {  	v7 =	vadd.s32 v15, v49;
	v11 =	vld [tilespmem:$0x1FD70];
	[tilespmem:s0+$0x2BD0] =	vst v5  }
0x56f: {  	v8 =	vadd.s32 v27, v53;
	v9 =	vld.idx.msk [tilespmem:v9+s23+$0x0], $0xffff;
	[tilespmem:s8+$0x190] =	vst v4  }
0x570: {  	v4 =	vadd.s32 v27, v51;
	v5 =	vld.idx.msk [tilespmem:v37+s23+$0x0], $0xffff;
	[tilespmem:s8+$0x1A0] =	vst v10  }
0x571: {  	v1 =	vld.idx.msk [tilespmem:v1+s23+$0x0], $0xffff;
	[tilespmem:s2+$0x41B0] =	vst v3  }
0x572: {  	v10 =	vadd.s32 v43, v48;
	v58 =	vld.idx.msk [tilespmem:v60+s23+$0x0], $0xffff;
	[tilespmem:s7+$0x1780] =	vst v2  }
0x573: {  	v37 =	vadd.s32 v40, v52;
	v2 =	vld.idx.msk [tilespmem:v7+s24+$0x0], $0xffff  }
0x574: {  	v3 =	vadd.s32 v11, v59;
	[tilespmem:s7+$0x1770] =	vst v6;
	v6 =	vld.idx.msk [tilespmem:v8+s23+$0x0], $0xffff  }
0x575: {  	v60 =	vadd.s32 v11, v54;
	v4 =	vld.idx.msk [tilespmem:v4+s23+$0x0], $0xffff;
	[tilespmem:s0+$0x2BC0] =	vst v9  }
0x576: {  	v63 =	vld [tilespmem:$0x1FD80];
	v7 =	vadd.s32 v19, v49;
	[tilespmem:s0+$0x2D60] =	vst v5  }
0x577: {  	v8 =	vadd.s32 v28, v53;
	v9 =	vld.idx.msk [tilespmem:v10+s23+$0x0], $0xffff;
	[tilespmem:s8+$0x320] =	vst v58  }
0x578: {  	v5 =	vadd.s32 v28, v51;
	v10 =	vld.idx.msk [tilespmem:v37+s23+$0x0], $0xffff;
	[tilespmem:s8+$0x330] =	vst v1  }
0x579: {  	v3 =	vld.idx.msk [tilespmem:v3+s23+$0x0], $0xffff;
	[tilespmem:s2+$0x4340] =	vst v2  }
0x57a: {  	v1 =	vadd.s32 v40, v48;
	v58 =	vld.idx.msk [tilespmem:v60+s23+$0x0], $0xffff;
	[tilespmem:s7+$0x1910] =	vst v6  }
0x57b: {  	v37 =	vadd.s32 v41, v52;
	v6 =	vld.idx.msk [tilespmem:v7+s24+$0x0], $0xffff  }
0x57c: {  	v7 =	vadd.s32 v63, v59;
	[tilespmem:s7+$0x1900] =	vst v4;
	v4 =	vld.idx.msk [tilespmem:v8+s23+$0x0], $0xffff  }
0x57d: {  	v2 =	vadd.s32 v63, v54;
	v5 =	vld.idx.msk [tilespmem:v5+s23+$0x0], $0xffff;
	[tilespmem:s0+$0x2D50] =	vst v9  }
0x57e: {  	v62 =	vld [tilespmem:$0x1FD90];
	v8 =	vadd.s32 v16, v49;
	[tilespmem:s0+$0x2EF0] =	vst v10  }
0x57f: {  	v9 =	vadd.s32 v29, v53;
	v1 =	vld.idx.msk [tilespmem:v1+s23+$0x0], $0xffff;
	[tilespmem:s8+$0x4B0] =	vst v58  }
0x580: {  	v10 =	vadd.s32 v29, v51;
	v58 =	vld.idx.msk [tilespmem:v37+s23+$0x0], $0xffff;
	[tilespmem:s8+$0x4C0] =	vst v3  }
0x581: {  	v3 =	vadd.s32 v41, v48;
	v7 =	vld.idx.msk [tilespmem:v7+s23+$0x0], $0xffff;
	[tilespmem:s2+$0x44D0] =	vst v6  }
0x582: {  	v37 =	vadd.s32 v42, v52;
	v2 =	vld.idx.msk [tilespmem:v2+s23+$0x0], $0xffff;
	[tilespmem:s7+$0x1AA0] =	vst v4  }
0x583: {  	v4 =	vld.idx.msk [tilespmem:v8+s24+$0x0], $0xffff  }
0x584: {  	v63 =	vadd.s32 v62, v59;
	[tilespmem:s7+$0x1A90] =	vst v5;
	v5 =	vld.idx.msk [tilespmem:v9+s23+$0x0], $0xffff  }
0x585: {  	v6 =	vadd.s32 v62, v54;
	v9 =	vld.idx.msk [tilespmem:v10+s23+$0x0], $0xffff;
	[tilespmem:s0+$0x2EE0] =	vst v1  }
0x586: {  	v1 =	vadd.s32 v22, v49;
	[tilespmem:s0+$0x3080] =	vst v58;
	v3 =	vld.idx.msk [tilespmem:v3+s23+$0x0], $0xffff  }
0x587: {  	v10 =	vadd.s32 v30, v53;
	[tilespmem:s8+$0x640] =	vst v2;
	v58 =	vld.idx.msk [tilespmem:v37+s24+$0x0], $0xffff  }
0x588: {  	v2 =	vadd.s32 v30, v51;
	[tilespmem:s8+$0x650] =	vst v7;
	v37 =	vld [tilespmem:$0x1FDA0]  }
0x589: {  	v7 =	vadd.s32 v42, v48;
	v8 =	vld.idx.msk [tilespmem:v63+s23+$0x0], $0xffff;
	[tilespmem:s2+$0x4660] =	vst v4  }
0x58a: {  	v60 =	vadd.s32 v12, v52;
	v6 =	vld.idx.msk [tilespmem:v6+s23+$0x0], $0xffff;
	[tilespmem:s7+$0x1C30] =	vst v5  }
0x58b: {  	v1 =	vld.idx.msk [tilespmem:v1+s24+$0x0], $0xffff  }
0x58c: {  	[tilespmem:s7+$0x1C20] =	vst v9;
	v61 =	vld.idx.msk [tilespmem:v10+s23+$0x0], $0xffff  }
0x58d: {  	v5 =	vadd.s32 v37, v59;
	v2 =	vld.idx.msk [tilespmem:v2+s23+$0x0], $0xffff;
	[tilespmem:s0+$0x3070] =	vst v3  }
0x58e: {  	v4 =	vadd.s32 v37, v54;
	[tilespmem:s0+$0x3210] =	vst v58;
	v7 =	vld.idx.msk [tilespmem:v7+s24+$0x0], $0xffff  }
0x58f: {  	v3 =	vadd.s32 v17, v49;
	v49 =	vmov v52;
	v52 =	vmov v53;
	v58 =	vld.idx.msk [tilespmem:v60+s24+$0x0], $0xffff  }
0x590: {  	v62 =	vadd.s32 v31, v52;
	[tilespmem:s8+$0x7D0] =	vst v6;
	v60 =	vld [tilespmem:$0x1FDB0]  }
0x591: {  	v63 =	vadd.s32 v12, v48;
	v12 =	vld [tilespmem:$0x1FF70];
	v6 =	vadd.s32 v31, v51;
	[tilespmem:s8+$0x7E0] =	vst v8  }
0x592: {  	v5 =	vld.idx.msk [tilespmem:v5+s23+$0x0], $0xffff;
	[tilespmem:s2+$0x47F0] =	vst v1  }
0x593: {  	v4 =	vld.idx.msk [tilespmem:v4+s23+$0x0], $0xffff;
	[tilespmem:s7+$0x1DC0] =	vst v61  }
0x594: {  	v37 =	vadd.s32 v44, v49;
	v3 =	vld.idx.msk [tilespmem:v3+s24+$0x0], $0xffff  }
0x595: {  	v53 =	vmov v59;
	[tilespmem:s7+$0x1DB0] =	vst v2;
	v1 =	vadd.s32 v60, v54;
	v2 =	vld.idx.msk [tilespmem:v62+s23+$0x0], $0xffff  }
0x596: {  	v61 =	vadd.s32 v60, v53;
	v6 =	vld.idx.msk [tilespmem:v6+s23+$0x0], $0xffff;
	[tilespmem:s0+$0x3200] =	vst v7  }
0x597: {  	v62 =	vadd.s32 v13, v50;
	v8 =	vld.idx.msk [tilespmem:v63+s24+$0x0], $0xffff  }
0x598: {  	v7 =	vadd.s32 v32, v52;
	[tilespmem:s0+$0x33A0] =	vst v58;
	v63 =	vld [tilespmem:$0x1FDC0]  }
0x599: {  	v58 =	vld.idx.msk [tilespmem:v37+s24+$0x0], $0xffff;
	[tilespmem:s8+$0x960] =	vst v4  }
0x59a: {  	v4 =	vadd.s32 v32, v51;
	[tilespmem:s8+$0x970] =	vst v5;
	v1 =	vld.idx.msk [tilespmem:v1+s23+$0x0], $0xffff  }
0x59b: {  	v59 =	vadd.s32 v12, v49;
	v9 =	vld.idx.msk [tilespmem:v61+s23+$0x0], $0xffff;
	[tilespmem:s2+$0x4980] =	vst v3  }
0x59c: {  	v5 =	vadd.s32 v44, v48;
	[tilespmem:s7+$0x1F50] =	vst v2;
	v2 =	vld.idx.msk [tilespmem:v62+s24+$0x0], $0xffff  }
0x59d: {  	[tilespmem:s7+$0x1F40] =	vst v6;
	v3 =	vadd.s32 v63, v54;
	v6 =	vld.idx.msk [tilespmem:v7+s23+$0x0], $0xffff  }
0x59e: {  	v37 =	vadd.s32 v63, v53;
	v63 =	vld [tilespmem:$0x1FDD0]  }
0x59f: {  	[tilespmem:s0+$0x3530] =	vst v58;
	v4 =	vld.idx.msk [tilespmem:v4+s23+$0x0], $0xffff  }
0x5a0: {  	v10 =	vadd.s32 v18, v50;
	[tilespmem:s0+$0x3390] =	vst v8;
	v8 =	vld.idx.msk [tilespmem:v59+s24+$0x0], $0xffff  }
0x5a1: {  	v7 =	vadd.s32 v33, v52;
	v5 =	vld.idx.msk [tilespmem:v5+s24+$0x0], $0xffff;
	[tilespmem:s8+$0xAF0] =	vst v1  }
0x5a2: {  	v1 =	vadd.s32 v33, v51;
	[tilespmem:s8+$0xB00] =	vst v9;
	v3 =	vld.idx.msk [tilespmem:v3+s23+$0x0], $0xffff  }
0x5a3: {  	v59 =	vadd.s32 v47, v49;
	v58 =	vld.idx.msk [tilespmem:v37+s23+$0x0], $0xffff  }
0x5a4: {  	v9 =	vadd.s32 v12, v48;
	[tilespmem:s2+$0x4010] =	vst v2;
	v2 =	vadd.s32 v63, v54;
	v37 =	vadd.s32 v63, v53;
	v63 =	vld [tilespmem:$0x1FDE0]  }
0x5a5: {  	[tilespmem:s7+$0x20E0] =	vst v6;
	v6 =	vld.idx.msk [tilespmem:v10+s24+$0x0], $0xffff  }
0x5a6: {  	[tilespmem:s7+$0x20D0] =	vst v4;
	v4 =	vld.idx.msk [tilespmem:v7+s23+$0x0], $0xffff  }
0x5a7: {  	v10 =	vadd.s32 v15, v50;
	[tilespmem:s0+$0x36C0] =	vst v8;
	v1 =	vld.idx.msk [tilespmem:v1+s23+$0x0], $0xffff  }
0x5a8: {  	[tilespmem:s0+$0x3520] =	vst v5;
	v5 =	vadd.s32 v34, v52;
	v8 =	vld.idx.msk [tilespmem:v59+s24+$0x0], $0xffff  }
0x5a9: {  	v7 =	vld.idx.msk [tilespmem:v9+s24+$0x0], $0xffff;
	[tilespmem:s8+$0xC80] =	vst v3;
	v3 =	vadd.s32 v34, v51  }
0x5aa: {  	v59 =	vadd.s32 v24, v49;
	[tilespmem:s8+$0xC90] =	vst v58;
	v2 =	vld.idx.msk [tilespmem:v2+s23+$0x0], $0xffff  }
0x5ab: {  	v9 =	vadd.s32 v47, v48;
	v58 =	vld.idx.msk [tilespmem:v37+s23+$0x0], $0xffff;
	[tilespmem:s2+$0x41A0] =	vst v6  }
0x5ac: {  	[tilespmem:s7+$0x2270] =	vst v4;
	v4 =	vld.idx.msk [tilespmem:v10+s24+$0x0], $0xffff  }
0x5ad: {  	v6 =	vadd.s32 v63, v54;
	[tilespmem:s7+$0x2260] =	vst v1;
	v1 =	vld.idx.msk [tilespmem:v5+s23+$0x0], $0xffff  }
0x5ae: {  	v37 =	vadd.s32 v63, v53;
	[tilespmem:s0+$0x3850] =	vst v8;
	v3 =	vld.idx.msk [tilespmem:v3+s23+$0x0], $0xffff  }
0x5af: {  	v10 =	vadd.s32 v19, v50;
	[tilespmem:s0+$0x36B0] =	vst v7;
	v8 =	vld.idx.msk [tilespmem:v59+s24+$0x0], $0xffff  }
0x5b0: {  	v5 =	vadd.s32 v35, v52;
	v7 =	vld.idx.msk [tilespmem:v9+s24+$0x0], $0xffff;
	[tilespmem:s8+$0xE10] =	vst v2  }
0x5b1: {  	v20 =	vmov v0;
	v0 =	vld [tilespmem:$0x1FF80];
	v2 =	vadd.s32 v35, v51;
	[tilespmem:s8+$0xE20] =	vst v58  }
0x5b2: {  	v9 =	vadd.s32 v24, v48;
	v6 =	vld.idx.msk [tilespmem:v6+s23+$0x0], $0xffff;
	[tilespmem:s2+$0x4330] =	vst v4  }
0x5b3: {  	v59 =	vadd.s32 v14, v49;
	v58 =	vld.idx.msk [tilespmem:v37+s23+$0x0], $0xffff;
	[tilespmem:s7+$0x2400] =	vst v1  }
0x5b4: {  	v37 =	vadd.s32 v21, v53;
	v1 =	vld.idx.msk [tilespmem:v10+s24+$0x0], $0xffff;
	[tilespmem:s7+$0x23F0] =	vst v3  }
0x5b5: {  	v4 =	vadd.s32 v21, v54;
	v3 =	vld.idx.msk [tilespmem:v5+s23+$0x0], $0xffff;
	[tilespmem:s0+$0x39E0] =	vst v8  }
0x5b6: {  	v10 =	vadd.s32 v16, v50;
	v2 =	vld.idx.msk [tilespmem:v2+s23+$0x0], $0xffff;
	[tilespmem:s0+$0x3840] =	vst v7  }
0x5b7: {  	v7 =	vadd.s32 v36, v52;
	v9 =	vld.idx.msk [tilespmem:v9+s24+$0x0], $0xffff;
	[tilespmem:s8+$0xFA0] =	vst v6  }
0x5b8: {  	v11 =	vadd.s32 v46, v49;
	v8 =	vld.idx.msk [tilespmem:v59+s24+$0x0], $0xffff;
	v6 =	vadd.s32 v36, v51;
	[tilespmem:s8+$0xFB0] =	vst v58  }
0x5b9: {  	v12 =	vadd.s32 v0, v54;
	v58 =	vadd.s32 v14, v48;
	v61 =	vld.idx.msk [tilespmem:v37+s23+$0x0], $0xffff;
	v37 =	vmovc v36;
	v36 =	vmov v35  }
0x5ba: {  	s9 =	sadd.s32 $0x2, s9;
	v4 =	vld.idx.msk [tilespmem:v4+s23+$0x0], $0xffff;
	v35 =	vmovc v34;
	v34 =	vmovc v33;
	v33 =	vmov v32;
	v32 =	vmov v31;
	v31 =	vmov v30;
	[tilespmem:s2+$0x44C0] =	vst v1  }
0x5bb: {  	p1 =	slt.u32 s9, $0x16;
	v30 =	vmovc v29;
	v29 =	vmovc v28;
	v28 =	vmov v27;
	v27 =	vmov v26;
	v26 =	vmov v25;
	[tilespmem:s7+$0x2590] =	vst v3;
	v62 =	vld.idx.msk [tilespmem:v10+s24+$0x0], $0xffff  }
.Ltmp6:
0x5bc: {  	v5 =	vadd.s32 v0, v53;
	v0 =	vmov v20;
	[tilespmem:s7+$0x2580] =	vst v2;
	v1 =	vld.idx.msk [tilespmem:v7+s23+$0x0], $0xffff;
	(pc) =	sbr.rel @p1 .LBB2_6-.Ltmp6, $4  }
0x5bd: {  	v59 =	vadd.s32 v22, v50;
	v25 =	vmov v26;
	v3 =	vadd.s32 v45, v51;
	v63 =	vld.idx.msk [tilespmem:v6+s23+$0x0], $0xffff;
	[tilespmem:s0+$0x39D0] =	vst v9  }
0x5be: {  	v2 =	vadd.s32 v45, v52;
	[tilespmem:s0+$0x3B70] =	vst v8;
	v26 =	vmovc v27;
	v27 =	vmov v28;
	v28 =	vmov v29;
	v60 =	vld.idx.msk [tilespmem:v58+s24+$0x0], $0xffff  }
0x5bf: {  	v29 =	vmovc v30;
	v30 =	vmovc v31;
	v31 =	vmov v32;
	v32 =	vmov v33;
	v33 =	vmov v34;
	[tilespmem:s8+$0x1130] =	vst v4;
	v58 =	vld.idx.msk [tilespmem:v11+s24+$0x0], $0xffff  }
0x5c0: {  	s10 =	sadd.s32 $0x20, s10;
	v34 =	vmovc v35;
	v35 =	vmov v36;
	v36 =	vmov v37;
	[tilespmem:s8+$0x1140] =	vst v61;
	v61 =	vadd.s32 v46, v48;
	v4 =	vld.idx.msk [tilespmem:v12+s23+$0x0], $0xffff  }
0x5c1: {  	_ =	sdelay $0x3  }
0x5c2: {  	v5 =	vld.idx.msk [tilespmem:v5+s23+$0x0], $0xffff  }
0x5c3: {  	v6 =	vadd.s32 v23, v53;
	_ =	sdelay $0x1  }
0x5c4: {  	v7 =	vadd.s32 v23, v54;
	_ =	sdelay $0x1  }
0x5c5: {  	[tilespmem:s8+$0x12D0] =	vst v5  }
0x5c6: {  	[tilespmem:s8+$0x12C0] =	vst v4;
	v4 =	vld.idx.msk [tilespmem:v6+s23+$0x0], $0xffff  }
0x5c7: {  	v6 =	vadd.s32 v25, v53  }
0x5c8: {  	v5 =	vld.idx.msk [tilespmem:v7+s23+$0x0], $0xffff  }
0x5c9: {  	v7 =	vadd.s32 v25, v54;
	_ =	sdelay $0x1  }
0x5ca: {  	[tilespmem:s8+$0x1460] =	vst v4  }
0x5cb: {  	v4 =	vld.idx.msk [tilespmem:v6+s23+$0x0], $0xffff  }
0x5cc: {  	[tilespmem:s8+$0x1450] =	vst v5;
	v6 =	vadd.s32 v26, v53  }
0x5cd: {  	v5 =	vld.idx.msk [tilespmem:v7+s23+$0x0], $0xffff  }
0x5ce: {  	v7 =	vadd.s32 v26, v54;
	_ =	sdelay $0x1  }
0x5cf: {  	[tilespmem:s8+$0x15F0] =	vst v4  }
0x5d0: {  	v4 =	vld.idx.msk [tilespmem:v6+s23+$0x0], $0xffff  }
0x5d1: {  	[tilespmem:s8+$0x15E0] =	vst v5;
	v6 =	vadd.s32 v27, v53  }
0x5d2: {  	v5 =	vld.idx.msk [tilespmem:v7+s23+$0x0], $0xffff  }
0x5d3: {  	v7 =	vadd.s32 v27, v54;
	_ =	sdelay $0x1  }
0x5d4: {  	[tilespmem:s8+$0x1780] =	vst v4  }
0x5d5: {  	v4 =	vld.idx.msk [tilespmem:v6+s23+$0x0], $0xffff  }
0x5d6: {  	[tilespmem:s8+$0x1770] =	vst v5;
	v6 =	vadd.s32 v28, v53  }
0x5d7: {  	v5 =	vld.idx.msk [tilespmem:v7+s23+$0x0], $0xffff  }
0x5d8: {  	v7 =	vadd.s32 v28, v54;
	_ =	sdelay $0x1  }
0x5d9: {  	[tilespmem:s8+$0x1910] =	vst v4  }
0x5da: {  	v4 =	vld.idx.msk [tilespmem:v6+s23+$0x0], $0xffff  }
0x5db: {  	[tilespmem:s8+$0x1900] =	vst v5;
	v6 =	vadd.s32 v29, v53  }
0x5dc: {  	v5 =	vld.idx.msk [tilespmem:v7+s23+$0x0], $0xffff  }
0x5dd: {  	v7 =	vadd.s32 v29, v54;
	_ =	sdelay $0x1  }
0x5de: {  	[tilespmem:s8+$0x1AA0] =	vst v4  }
0x5df: {  	v4 =	vld.idx.msk [tilespmem:v6+s23+$0x0], $0xffff  }
0x5e0: {  	[tilespmem:s8+$0x1A90] =	vst v5;
	v6 =	vadd.s32 v30, v53  }
0x5e1: {  	v5 =	vld.idx.msk [tilespmem:v7+s23+$0x0], $0xffff  }
0x5e2: {  	v7 =	vadd.s32 v30, v54;
	_ =	sdelay $0x1  }
0x5e3: {  	[tilespmem:s8+$0x1C30] =	vst v4  }
0x5e4: {  	v4 =	vld.idx.msk [tilespmem:v6+s23+$0x0], $0xffff  }
0x5e5: {  	[tilespmem:s8+$0x1C20] =	vst v5;
	v6 =	vadd.s32 v31, v53  }
0x5e6: {  	v5 =	vld.idx.msk [tilespmem:v7+s23+$0x0], $0xffff  }
0x5e7: {  	v7 =	vadd.s32 v31, v54;
	_ =	sdelay $0x1  }
0x5e8: {  	[tilespmem:s8+$0x1DC0] =	vst v4  }
0x5e9: {  	v4 =	vld.idx.msk [tilespmem:v6+s23+$0x0], $0xffff  }
0x5ea: {  	[tilespmem:s8+$0x1DB0] =	vst v5;
	v6 =	vadd.s32 v32, v53  }
0x5eb: {  	v5 =	vld.idx.msk [tilespmem:v7+s23+$0x0], $0xffff  }
0x5ec: {  	v7 =	vadd.s32 v32, v54;
	_ =	sdelay $0x1  }
0x5ed: {  	[tilespmem:s8+$0x1F50] =	vst v4  }
0x5ee: {  	v4 =	vld.idx.msk [tilespmem:v6+s23+$0x0], $0xffff  }
0x5ef: {  	[tilespmem:s8+$0x1F40] =	vst v5;
	v6 =	vadd.s32 v33, v53  }
0x5f0: {  	v5 =	vld.idx.msk [tilespmem:v7+s23+$0x0], $0xffff  }
0x5f1: {  	v7 =	vadd.s32 v33, v54;
	_ =	sdelay $0x1  }
0x5f2: {  	[tilespmem:s8+$0x20E0] =	vst v4  }
0x5f3: {  	v4 =	vld.idx.msk [tilespmem:v6+s23+$0x0], $0xffff  }
0x5f4: {  	[tilespmem:s8+$0x20D0] =	vst v5;
	v6 =	vadd.s32 v34, v53  }
0x5f5: {  	v5 =	vld.idx.msk [tilespmem:v7+s23+$0x0], $0xffff  }
0x5f6: {  	v7 =	vadd.s32 v34, v54;
	_ =	sdelay $0x1  }
0x5f7: {  	[tilespmem:s8+$0x2270] =	vst v4  }
0x5f8: {  	v4 =	vld.idx.msk [tilespmem:v6+s23+$0x0], $0xffff  }
0x5f9: {  	[tilespmem:s8+$0x2260] =	vst v5;
	v6 =	vadd.s32 v35, v53  }
0x5fa: {  	v5 =	vld.idx.msk [tilespmem:v7+s23+$0x0], $0xffff  }
0x5fb: {  	v7 =	vadd.s32 v35, v54;
	_ =	sdelay $0x1  }
0x5fc: {  	[tilespmem:s8+$0x2400] =	vst v4  }
0x5fd: {  	v4 =	vld.idx.msk [tilespmem:v6+s23+$0x0], $0xffff  }
0x5fe: {  	[tilespmem:s8+$0x23F0] =	vst v5;
	v6 =	vadd.s32 v36, v53  }
0x5ff: {  	v5 =	vld.idx.msk [tilespmem:v7+s23+$0x0], $0xffff  }
0x600: {  	v7 =	vadd.s32 v36, v54;
	_ =	sdelay $0x1  }
0x601: {  	[tilespmem:s8+$0x2590] =	vst v4  }
0x602: {  	v4 =	vld.idx.msk [tilespmem:v6+s23+$0x0], $0xffff  }
0x603: {  	[tilespmem:s8+$0x2580] =	vst v5  }
0x604: {  	[tilespmem:s7+$0x2720] =	vst v1;
	v5 =	vld.idx.msk [tilespmem:v7+s23+$0x0], $0xffff;
	v6 =	vadd.s32 v45, v53  }
0x605: {  	[tilespmem:s7+$0x2710] =	vst v63;
	v1 =	vld.idx.msk [tilespmem:v2+s23+$0x0], $0xffff;
	v7 =	vadd.s32 v45, v54  }
0x606: {  	v2 =	vld.idx.msk [tilespmem:v3+s23+$0x0], $0xffff;
	v3 =	vadd.s32 v39, v52  }
0x607: {  	[tilespmem:s8+$0x2720] =	vst v4;
	v4 =	vadd.s32 v39, v51;
	_ =	sdelay $0x1  }
0x608: {  	[tilespmem:s8+$0x2710] =	vst v5;
	v5 =	vld.idx.msk [tilespmem:v6+s23+$0x0], $0xffff  }
0x609: {  	[tilespmem:s7+$0x28B0] =	vst v1;
	v6 =	vld.idx.msk [tilespmem:v7+s23+$0x0], $0xffff;
	v7 =	vadd.s32 v39, v53  }
0x60a: {  	v8 =	vadd.s32 v39, v54;
	[tilespmem:s7+$0x28A0] =	vst v2;
	v1 =	vld.idx.msk [tilespmem:v3+s23+$0x0], $0xffff  }
0x60b: {  	v3 =	vadd.s32 v38, v52;
	v2 =	vld.idx.msk [tilespmem:v4+s23+$0x0], $0xffff  }
0x60c: {  	v4 =	vadd.s32 v38, v51  }
0x60d: {  	[tilespmem:s8+$0x28B0] =	vst v5  }
0x60e: {  	[tilespmem:s8+$0x28A0] =	vst v6;
	v5 =	vld.idx.msk [tilespmem:v7+s23+$0x0], $0xffff  }
0x60f: {  	[tilespmem:s7+$0x2A40] =	vst v1;
	v6 =	vld.idx.msk [tilespmem:v8+s23+$0x0], $0xffff;
	v7 =	vadd.s32 v38, v53  }
0x610: {  	v1 =	vld.idx.msk [tilespmem:v3+s23+$0x0], $0xffff;
	v8 =	vadd.s32 v38, v54;
	[tilespmem:s7+$0x2A30] =	vst v2  }
0x611: {  	v2 =	vadd.s32 v43, v52;
	v3 =	vld.idx.msk [tilespmem:v4+s23+$0x0], $0xffff  }
0x612: {  	v4 =	vadd.s32 v43, v51  }
0x613: {  	[tilespmem:s8+$0x2A40] =	vst v5  }
0x614: {  	[tilespmem:s8+$0x2A30] =	vst v6;
	v5 =	vld.idx.msk [tilespmem:v7+s23+$0x0], $0xffff  }
0x615: {  	[tilespmem:s7+$0x2BD0] =	vst v1;
	v6 =	vadd.s32 v43, v53;
	v7 =	vld.idx.msk [tilespmem:v8+s23+$0x0], $0xffff  }
0x616: {  	v8 =	vadd.s32 v43, v54;
	v1 =	vld.idx.msk [tilespmem:v2+s23+$0x0], $0xffff;
	[tilespmem:s7+$0x2BC0] =	vst v3  }
0x617: {  	v2 =	vadd.s32 v40, v52;
	v3 =	vld.idx.msk [tilespmem:v4+s23+$0x0], $0xffff  }
0x618: {  	v4 =	vadd.s32 v40, v51  }
0x619: {  	[tilespmem:s8+$0x2BD0] =	vst v5  }
0x61a: {  	[tilespmem:s8+$0x2BC0] =	vst v7;
	v5 =	vld.idx.msk [tilespmem:v6+s23+$0x0], $0xffff  }
0x61b: {  	v6 =	vadd.s32 v40, v53;
	v7 =	vld.idx.msk [tilespmem:v8+s23+$0x0], $0xffff;
	[tilespmem:s7+$0x2D60] =	vst v1  }
0x61c: {  	v8 =	vadd.s32 v40, v54;
	v1 =	vld.idx.msk [tilespmem:v2+s23+$0x0], $0xffff;
	[tilespmem:s7+$0x2D50] =	vst v3  }
0x61d: {  	v2 =	vadd.s32 v41, v52;
	v3 =	vld.idx.msk [tilespmem:v4+s23+$0x0], $0xffff  }
0x61e: {  	v4 =	vadd.s32 v41, v51  }
0x61f: {  	[tilespmem:s8+$0x2D60] =	vst v5  }
0x620: {  	[tilespmem:s8+$0x2D50] =	vst v7;
	v5 =	vld.idx.msk [tilespmem:v6+s23+$0x0], $0xffff  }
0x621: {  	v7 =	vld.idx.msk [tilespmem:v8+s23+$0x0], $0xffff;
	[tilespmem:s7+$0x2EF0] =	vst v1  }
0x622: {  	v1 =	vld.idx.msk [tilespmem:v2+s23+$0x0], $0xffff;
	[tilespmem:s7+$0x2EE0] =	vst v3  }
0x623: {  	v3 =	vld.idx.msk [tilespmem:v4+s23+$0x0], $0xffff;
	_ =	sdelay $0x1  }
0x624: {  	[tilespmem:s8+$0x2EF0] =	vst v5  }
0x625: {  	v6 =	vadd.s32 v41, v53;
	[tilespmem:s8+$0x2EE0] =	vst v7  }
0x626: {  	v8 =	vadd.s32 v41, v54;
	[tilespmem:s7+$0x3080] =	vst v1  }
0x627: {  	v2 =	vadd.s32 v42, v52;
	[tilespmem:s7+$0x3070] =	vst v3  }
0x628: {  	v4 =	vadd.s32 v42, v51;
	v63 =	vld [tilespmem:$0x1FF50];
	_ =	sdelay $0x1  }
0x629: {  	v5 =	vld.idx.msk [tilespmem:v6+s23+$0x0], $0xffff  }
0x62a: {  	v6 =	vadd.s32 v42, v53;
	v7 =	vld.idx.msk [tilespmem:v8+s23+$0x0], $0xffff  }
0x62b: {  	v8 =	vadd.s32 v42, v54;
	v1 =	vld.idx.msk [tilespmem:v2+s24+$0x0], $0xffff  }
0x62c: {  	v3 =	vld.idx.msk [tilespmem:v4+s24+$0x0], $0xffff;
	v2 =	vadd.s32 v63, v52  }
0x62d: {  	v4 =	vadd.s32 v63, v51  }
0x62e: {  	[tilespmem:s8+$0x3080] =	vst v5  }
0x62f: {  	[tilespmem:s8+$0x3070] =	vst v7;
	v5 =	vld.idx.msk [tilespmem:v6+s24+$0x0], $0xffff  }
0x630: {  	v7 =	vld.idx.msk [tilespmem:v8+s24+$0x0], $0xffff;
	[tilespmem:s7+$0x3210] =	vst v1  }
0x631: {  	[tilespmem:s7+$0x3200] =	vst v3;
	v1 =	vld.idx.msk [tilespmem:v2+s24+$0x0], $0xffff  }
0x632: {  	v3 =	vld.idx.msk [tilespmem:v4+s24+$0x0], $0xffff;
	_ =	sdelay $0x1  }
0x633: {  	v6 =	vadd.s32 v63, v53;
	[tilespmem:s8+$0x3210] =	vst v5  }
0x634: {  	v8 =	vadd.s32 v63, v54;
	[tilespmem:s8+$0x3200] =	vst v7  }
0x635: {  	[tilespmem:s7+$0x33A0] =	vst v1  }
0x636: {  	v2 =	vadd.s32 v44, v52;
	[tilespmem:s7+$0x3390] =	vst v3  }
0x637: {  	v4 =	vadd.s32 v44, v51;
	v20 =	vld [tilespmem:$0x1FF70]  }
0x638: {  	v5 =	vld.idx.msk [tilespmem:v6+s24+$0x0], $0xffff  }
0x639: {  	v6 =	vadd.s32 v44, v53;
	v7 =	vld.idx.msk [tilespmem:v8+s24+$0x0], $0xffff  }
0x63a: {  	v8 =	vadd.s32 v44, v54  }
0x63b: {  	v1 =	vld.idx.msk [tilespmem:v2+s24+$0x0], $0xffff  }
0x63c: {  	v3 =	vld.idx.msk [tilespmem:v4+s24+$0x0], $0xffff;
	v2 =	vadd.s32 v20, v52  }
0x63d: {  	[tilespmem:s8+$0x33A0] =	vst v5;
	v4 =	vadd.s32 v20, v51  }
0x63e: {  	[tilespmem:s8+$0x3390] =	vst v7;
	v5 =	vld.idx.msk [tilespmem:v6+s24+$0x0], $0xffff  }
0x63f: {  	v7 =	vld.idx.msk [tilespmem:v8+s24+$0x0], $0xffff;
	v6 =	vadd.s32 v20, v53  }
0x640: {  	v8 =	vadd.s32 v20, v54;
	[tilespmem:s7+$0x3530] =	vst v1  }
0x641: {  	[tilespmem:s7+$0x3520] =	vst v3;
	v1 =	vld.idx.msk [tilespmem:v2+s24+$0x0], $0xffff  }
0x642: {  	v2 =	vadd.s32 v47, v52;
	v3 =	vld.idx.msk [tilespmem:v4+s24+$0x0], $0xffff  }
0x643: {  	[tilespmem:s8+$0x3530] =	vst v5;
	v4 =	vadd.s32 v47, v51  }
0x644: {  	[tilespmem:s8+$0x3520] =	vst v7;
	v5 =	vld.idx.msk [tilespmem:v6+s24+$0x0], $0xffff  }
0x645: {  	v6 =	vadd.s32 v47, v53;
	v7 =	vld.idx.msk [tilespmem:v8+s24+$0x0], $0xffff  }
0x646: {  	v8 =	vadd.s32 v47, v54;
	[tilespmem:s7+$0x36C0] =	vst v1  }
0x647: {  	[tilespmem:s7+$0x36B0] =	vst v3;
	v1 =	vld.idx.msk [tilespmem:v2+s24+$0x0], $0xffff  }
0x648: {  	v2 =	vadd.s32 v24, v52;
	v3 =	vld.idx.msk [tilespmem:v4+s24+$0x0], $0xffff  }
0x649: {  	[tilespmem:s8+$0x36C0] =	vst v5;
	v4 =	vadd.s32 v24, v51  }
0x64a: {  	[tilespmem:s8+$0x36B0] =	vst v7;
	v5 =	vld.idx.msk [tilespmem:v6+s24+$0x0], $0xffff  }
0x64b: {  	v6 =	vadd.s32 v24, v53;
	v7 =	vld.idx.msk [tilespmem:v8+s24+$0x0], $0xffff  }
0x64c: {  	v8 =	vadd.s32 v24, v54;
	[tilespmem:s7+$0x3850] =	vst v1  }
0x64d: {  	[tilespmem:s7+$0x3840] =	vst v3;
	v1 =	vld.idx.msk [tilespmem:v2+s24+$0x0], $0xffff  }
0x64e: {  	[tilespmem:s2+$0x4650] =	vst v62;
	v2 =	vadd.s32 v14, v52;
	v3 =	vld.idx.msk [tilespmem:v4+s24+$0x0], $0xffff  }
0x64f: {  	[tilespmem:s8+$0x3850] =	vst v5;
	v4 =	vadd.s32 v14, v51  }
0x650: {  	[tilespmem:s8+$0x3840] =	vst v7;
	v5 =	vld.idx.msk [tilespmem:v6+s24+$0x0], $0xffff  }
0x651: {  	[tilespmem:s0+$0x3B60] =	vst v60;
	v7 =	vld.idx.msk [tilespmem:v8+s24+$0x0], $0xffff  }
0x652: {  	v6 =	vadd.s32 v14, v53;
	[tilespmem:s7+$0x39E0] =	vst v1;
	v1 =	vld.idx.msk [tilespmem:v59+s24+$0x0], $0xffff  }
0x653: {  	[tilespmem:s7+$0x39D0] =	vst v3;
	v2 =	vld.idx.msk [tilespmem:v2+s24+$0x0], $0xffff  }
0x654: {  	[tilespmem:s0+$0x3D00] =	vst v58;
	v8 =	vadd.s32 v14, v54;
	v4 =	vld.idx.msk [tilespmem:v4+s24+$0x0], $0xffff  }
0x655: {  	[tilespmem:s8+$0x39E0] =	vst v5  }
0x656: {  	v3 =	vadd.s32 v46, v52;
	[tilespmem:s8+$0x39D0] =	vst v7  }
0x657: {  	v6 =	vld.idx.msk [tilespmem:v6+s24+$0x0], $0xffff;
	[tilespmem:s2+$0x47E0] =	vst v1  }
0x658: {  	v7 =	vadd.s32 v46, v53;
	[tilespmem:s7+$0x3B70] =	vst v2  }
0x659: {  	v8 =	vld.idx.msk [tilespmem:v8+s24+$0x0], $0xffff;
	[tilespmem:s7+$0x3B60] =	vst v4  }
0x65a: {  	v2 =	vadd.s32 v17, v50;
	v11 =	vld [tilespmem:$0x1FE10]  }
0x65b: {  	v5 =	vadd.s32 v46, v51;
	v3 =	vld.idx.msk [tilespmem:v3+s24+$0x0], $0xffff  }
0x65c: {  	v9 =	vld.idx.msk [tilespmem:v61+s24+$0x0], $0xffff;
	[tilespmem:s8+$0x3B70] =	vst v6  }
0x65d: {  	v1 =	vadd.s32 v46, v54;
	v7 =	vld.idx.msk [tilespmem:v7+s24+$0x0], $0xffff  }
0x65e: {  	v10 =	vld.idx.msk [tilespmem:v57+s24+$0x0], $0xffff  }
0x65f: {  	[tilespmem:s8+$0x3B60] =	vst v8;
	v2 =	vld.idx.msk [tilespmem:v2+s24+$0x0], $0xffff;
	v4 =	vadd.s32 v11, v48  }
0x660: {  	v5 =	vld.idx.msk [tilespmem:v5+s24+$0x0], $0xffff;
	[tilespmem:s7+$0x3D00] =	vst v3;
	v3 =	vadd.s32 v13, v49  }
0x661: {  	[tilespmem:s0+$0x3CF0] =	vst v9;
	v6 =	vadd.s32 v11, v51;
	v9 =	vld.idx.msk [tilespmem:v55+s24+$0x0], $0xffff  }
0x662: {  	v1 =	vld.idx.msk [tilespmem:v1+s24+$0x0], $0xffff;
	[tilespmem:s8+$0x3D00] =	vst v7;
	v7 =	vadd.s32 v13, v52  }
0x663: {  	[tilespmem:s0+$0x3E90] =	vst v10;
	v8 =	vadd.s32 v11, v54;
	v10 =	vld.idx.msk [tilespmem:v56+s24+$0x0], $0xffff  }
0x664: {  	[tilespmem:s2+$0x4970] =	vst v2;
	v2 =	vadd.s32 v13, v53;
	v4 =	vld.idx.msk [tilespmem:v4+s24+$0x0], $0xffff  }
0x665: {  	[tilespmem:s7+$0x3CF0] =	vst v5;
	v5 =	vadd.s32 v13, v48;
	v3 =	vld.idx.msk [tilespmem:v3+s24+$0x0], $0xffff  }
0x666: {  	v6 =	vld.idx.msk [tilespmem:v6+s24+$0x0], $0xffff;
	[tilespmem:s7+$0x3E90] =	vst v9;
	v9 =	vadd.s32 v18, v49  }
0x667: {  	[tilespmem:s8+$0x3CF0] =	vst v1;
	v1 =	vadd.s32 v13, v51;
	v7 =	vld.idx.msk [tilespmem:v7+s24+$0x0], $0xffff  }
0x668: {  	v8 =	vld.idx.msk [tilespmem:v8+s24+$0x0], $0xffff;
	[tilespmem:s8+$0x3E90] =	vst v10;
	v10 =	vadd.s32 v18, v52  }
0x669: {  	v2 =	vld.idx.msk [tilespmem:v2+s24+$0x0], $0xffff;
	[tilespmem:s0+$0x3E80] =	vst v4;
	v4 =	vadd.s32 v13, v54  }
0x66a: {  	[tilespmem:s0+$0x4020] =	vst v3;
	v3 =	vadd.s32 v18, v53;
	v5 =	vld.idx.msk [tilespmem:v5+s24+$0x0], $0xffff  }
0x66b: {  	[tilespmem:s7+$0x3E80] =	vst v6;
	v6 =	vadd.s32 v18, v48;
	v9 =	vld.idx.msk [tilespmem:v9+s24+$0x0], $0xffff  }
0x66c: {  	v1 =	vld.idx.msk [tilespmem:v1+s24+$0x0], $0xffff;
	[tilespmem:s7+$0x4020] =	vst v7;
	v7 =	vadd.s32 v15, v49  }
0x66d: {  	[tilespmem:s8+$0x3E80] =	vst v8;
	v8 =	vadd.s32 v18, v51;
	v10 =	vld.idx.msk [tilespmem:v10+s24+$0x0], $0xffff  }
0x66e: {  	[tilespmem:s8+$0x4020] =	vst v2;
	v2 =	vadd.s32 v15, v52;
	v4 =	vld.idx.msk [tilespmem:v4+s24+$0x0], $0xffff  }
0x66f: {  	v3 =	vld.idx.msk [tilespmem:v3+s24+$0x0], $0xffff;
	[tilespmem:s0+$0x4010] =	vst v5;
	v5 =	vadd.s32 v18, v54  }
0x670: {  	[tilespmem:s0+$0x41B0] =	vst v9;
	v9 =	vadd.s32 v15, v53;
	v6 =	vld.idx.msk [tilespmem:v6+s24+$0x0], $0xffff  }
0x671: {  	[tilespmem:s7+$0x4010] =	vst v1;
	v1 =	vadd.s32 v15, v48;
	v7 =	vld.idx.msk [tilespmem:v7+s24+$0x0], $0xffff  }
0x672: {  	v8 =	vld.idx.msk [tilespmem:v8+s24+$0x0], $0xffff;
	[tilespmem:s7+$0x41B0] =	vst v10;
	v10 =	vadd.s32 v19, v49  }
0x673: {  	v2 =	vld.idx.msk [tilespmem:v2+s24+$0x0], $0xffff;
	[tilespmem:s8+$0x4010] =	vst v4;
	v4 =	vadd.s32 v15, v51  }
0x674: {  	[tilespmem:s8+$0x41B0] =	vst v3;
	v3 =	vadd.s32 v19, v52;
	v5 =	vld.idx.msk [tilespmem:v5+s24+$0x0], $0xffff  }
0x675: {  	v9 =	vld.idx.msk [tilespmem:v9+s24+$0x0], $0xffff;
	[tilespmem:s0+$0x41A0] =	vst v6;
	v6 =	vadd.s32 v15, v54  }
0x676: {  	[tilespmem:s0+$0x4340] =	vst v7;
	v7 =	vadd.s32 v19, v53;
	v1 =	vld.idx.msk [tilespmem:v1+s24+$0x0], $0xffff  }
0x677: {  	[tilespmem:s7+$0x41A0] =	vst v8;
	v8 =	vadd.s32 v19, v48;
	v10 =	vld.idx.msk [tilespmem:v10+s24+$0x0], $0xffff  }
0x678: {  	[tilespmem:s7+$0x4340] =	vst v2;
	v2 =	vadd.s32 v16, v49;
	v4 =	vld.idx.msk [tilespmem:v4+s24+$0x0], $0xffff  }
0x679: {  	v3 =	vld.idx.msk [tilespmem:v3+s24+$0x0], $0xffff;
	[tilespmem:s8+$0x41A0] =	vst v5  }
0x67a: {  	v5 =	vadd.s32 v19, v51;
	[tilespmem:s8+$0x4340] =	vst v9;
	v6 =	vld.idx.msk [tilespmem:v6+s24+$0x0], $0xffff  }
0x67b: {  	v7 =	vld.idx.msk [tilespmem:v7+s24+$0x0], $0xffff;
	[tilespmem:s0+$0x4330] =	vst v1;
	v1 =	vadd.s32 v19, v54  }
0x67c: {  	[tilespmem:s0+$0x44D0] =	vst v10;
	v10 =	vadd.s32 v16, v53;
	v8 =	vld.idx.msk [tilespmem:v8+s24+$0x0], $0xffff  }
0x67d: {  	v2 =	vld.idx.msk [tilespmem:v2+s24+$0x0], $0xffff;
	[tilespmem:s7+$0x4330] =	vst v4;
	v4 =	vadd.s32 v16, v48  }
0x67e: {  	[tilespmem:s7+$0x44D0] =	vst v3;
	v3 =	vadd.s32 v22, v49  }
0x67f: {  	v9 =	vadd.s32 v16, v52;
	v5 =	vld.idx.msk [tilespmem:v5+s24+$0x0], $0xffff;
	[tilespmem:s8+$0x4330] =	vst v6  }
0x680: {  	v6 =	vadd.s32 v16, v51;
	[tilespmem:s8+$0x44D0] =	vst v7;
	v1 =	vld.idx.msk [tilespmem:v1+s24+$0x0], $0xffff  }
0x681: {  	v10 =	vld.idx.msk [tilespmem:v10+s24+$0x0], $0xffff;
	[tilespmem:s0+$0x44C0] =	vst v8;
	v8 =	vadd.s32 v16, v54  }
0x682: {  	[tilespmem:s0+$0x4660] =	vst v2;
	v2 =	vadd.s32 v22, v53;
	v4 =	vld.idx.msk [tilespmem:v4+s24+$0x0], $0xffff  }
0x683: {  	v3 =	vld.idx.msk [tilespmem:v3+s24+$0x0], $0xffff  }
0x684: {  	v9 =	vld.idx.msk [tilespmem:v9+s24+$0x0], $0xffff;
	[tilespmem:s7+$0x44C0] =	vst v5;
	v5 =	vadd.s32 v22, v48  }
0x685: {  	v7 =	vadd.s32 v22, v52;
	v6 =	vld.idx.msk [tilespmem:v6+s24+$0x0], $0xffff;
	[tilespmem:s8+$0x44C0] =	vst v1  }
0x686: {  	v1 =	vadd.s32 v22, v51;
	[tilespmem:s8+$0x4660] =	vst v10;
	v8 =	vld.idx.msk [tilespmem:v8+s24+$0x0], $0xffff  }
0x687: {  	v2 =	vld.idx.msk [tilespmem:v2+s24+$0x0], $0xffff;
	[tilespmem:s0+$0x4650] =	vst v4;
	v4 =	vadd.s32 v22, v54  }
0x688: {  	[tilespmem:s0+$0x47F0] =	vst v3;
	v3 =	vadd.s32 v17, v53  }
0x689: {  	[tilespmem:s7+$0x4660] =	vst v9;
	v9 =	vadd.s32 v17, v49;
	v5 =	vld.idx.msk [tilespmem:v5+s24+$0x0], $0xffff  }
0x68a: {  	v7 =	vld.idx.msk [tilespmem:v7+s24+$0x0], $0xffff;
	[tilespmem:s7+$0x4650] =	vst v6  }
0x68b: {  	v6 =	vadd.s32 v17, v48;
	v1 =	vld.idx.msk [tilespmem:v1+s24+$0x0], $0xffff;
	[tilespmem:s8+$0x4650] =	vst v8  }
0x68c: {  	v10 =	vadd.s32 v17, v52;
	[tilespmem:s8+$0x47F0] =	vst v2;
	v4 =	vld.idx.msk [tilespmem:v4+s24+$0x0], $0xffff  }
0x68d: {  	v8 =	vadd.s32 v17, v51;
	v3 =	vld.idx.msk [tilespmem:v3+s24+$0x0], $0xffff  }
0x68e: {  	[tilespmem:s0+$0x47E0] =	vst v5;
	v5 =	vld.idx.msk [tilespmem:v9+s24+$0x0], $0xffff;
	v9 =	vadd.s32 v17, v54;
	_ =	sdelay $0x1  }
0x68f: {  	[tilespmem:s7+$0x47F0] =	vst v7;
	v6 =	vld.idx.msk [tilespmem:v6+s24+$0x0], $0xffff  }
0x690: {  	[tilespmem:s7+$0x47E0] =	vst v1;
	v1 =	vld.idx.msk [tilespmem:v10+s24+$0x0], $0xffff  }
0x691: {  	v2 =	vld.idx.msk [tilespmem:v8+s24+$0x0], $0xffff;
	[tilespmem:s8+$0x47E0] =	vst v4  }
0x692: {  	[tilespmem:s8+$0x4980] =	vst v3;
	v4 =	vld.idx.msk [tilespmem:v9+s24+$0x0], $0xffff  }
0x693: {  	[tilespmem:s0+$0x4980] =	vst v5  }
0x694: {  	[tilespmem:s0+$0x4970] =	vst v6  }
0x695: {  	[tilespmem:s7+$0x4980] =	vst v1  }
0x696: {  	[tilespmem:s7+$0x4970] =	vst v2  }
0x697: {  	[tilespmem:s8+$0x4970] =	vst v4  }
0x698: {  	v1 =	vld [tilespmem:$0x1FE40];
	_ =	sdelay $0x7  }
0x699: {  	v1 =	vld.idx.msk [tilespmem:v1+s23+$0x0], $0xffff;
	_ =	sdelay $0x4  }
0x69a: {  	[tilespmem:$0x19180] =	vst v1;
	v1 =	vld [tilespmem:$0x1FE50];
	_ =	sdelay $0x7  }
0x69b: {  	v1 =	vld.idx.msk [tilespmem:v1+s23+$0x0], $0xffff;
	_ =	sdelay $0x4  }
0x69c: {  	[tilespmem:$0x19310] =	vst v1;
	v1 =	vld [tilespmem:$0x1FE60];
	_ =	sdelay $0x7  }
0x69d: {  	v1 =	vld.idx.msk [tilespmem:v1+s23+$0x0], $0xffff;
	_ =	sdelay $0x4  }
0x69e: {  	[tilespmem:$0x194A0] =	vst v1;
	v1 =	vld [tilespmem:$0x1FE70];
	_ =	sdelay $0x7  }
0x69f: {  	v1 =	vld.idx.msk [tilespmem:v1+s23+$0x0], $0xffff;
	_ =	sdelay $0x4  }
0x6a0: {  	[tilespmem:$0x19630] =	vst v1;
	v1 =	vld [tilespmem:$0x1FE80];
	_ =	sdelay $0x7  }
0x6a1: {  	v1 =	vld.idx.msk [tilespmem:v1+s23+$0x0], $0xffff;
	_ =	sdelay $0x4  }
0x6a2: {  	[tilespmem:$0x197C0] =	vst v1;
	v1 =	vld [tilespmem:$0x1FE90];
	_ =	sdelay $0x7  }
0x6a3: {  	v1 =	vld.idx.msk [tilespmem:v1+s23+$0x0], $0xffff;
	_ =	sdelay $0x4  }
0x6a4: {  	[tilespmem:$0x19950] =	vst v1;
	v1 =	vld [tilespmem:$0x1FEA0];
	_ =	sdelay $0x7  }
0x6a5: {  	v1 =	vld.idx.msk [tilespmem:v1+s23+$0x0], $0xffff;
	_ =	sdelay $0x4  }
0x6a6: {  	[tilespmem:$0x19AE0] =	vst v1;
	v1 =	vld [tilespmem:$0x1FEB0];
	_ =	sdelay $0x7  }
0x6a7: {  	v1 =	vld.idx.msk [tilespmem:v1+s23+$0x0], $0xffff;
	_ =	sdelay $0x4  }
0x6a8: {  	[tilespmem:$0x19C70] =	vst v1;
	v1 =	vld [tilespmem:$0x1FEC0];
	_ =	sdelay $0x7  }
0x6a9: {  	v1 =	vld.idx.msk [tilespmem:v1+s23+$0x0], $0xffff;
	_ =	sdelay $0x4  }
0x6aa: {  	[tilespmem:$0x19E00] =	vst v1;
	v1 =	vld [tilespmem:$0x1FED0];
	_ =	sdelay $0x7  }
0x6ab: {  	v1 =	vld.idx.msk [tilespmem:v1+s23+$0x0], $0xffff;
	_ =	sdelay $0x4  }
0x6ac: {  	[tilespmem:$0x19F90] =	vst v1;
	v1 =	vld [tilespmem:$0x1FEE0];
	_ =	sdelay $0x7  }
0x6ad: {  	v1 =	vld.idx.msk [tilespmem:v1+s23+$0x0], $0xffff;
	_ =	sdelay $0x4  }
0x6ae: {  	[tilespmem:$0x1A120] =	vst v1;
	v1 =	vld [tilespmem:$0x1FEF0];
	_ =	sdelay $0x7  }
0x6af: {  	v1 =	vld.idx.msk [tilespmem:v1+s23+$0x0], $0xffff;
	_ =	sdelay $0x4  }
0x6b0: {  	[tilespmem:$0x1A2B0] =	vst v1;
	v1 =	vld [tilespmem:$0x1FF00];
	_ =	sdelay $0x7  }
0x6b1: {  	v1 =	vld.idx.msk [tilespmem:v1+s23+$0x0], $0xffff;
	_ =	sdelay $0x4  }
0x6b2: {  	[tilespmem:$0x1A440] =	vst v1;
	v1 =	vld [tilespmem:$0x1FF10];
	_ =	sdelay $0x7  }
0x6b3: {  	v1 =	vld.idx.msk [tilespmem:v1+s23+$0x0], $0xffff;
	_ =	sdelay $0x4  }
0x6b4: {  	[tilespmem:$0x1A5D0] =	vst v1;
	v1 =	vld [tilespmem:$0x1FCB0];
	_ =	sdelay $0x7  }
0x6b5: {  	v1 =	vld.idx.msk [tilespmem:v1+s23+$0x0], $0xffff;
	_ =	sdelay $0x4  }
0x6b6: {  	[tilespmem:$0x1A760] =	vst v1;
	v1 =	vld [tilespmem:$0x1FCA0];
	_ =	sdelay $0x7  }
0x6b7: {  	v1 =	vld.idx.msk [tilespmem:v1+s23+$0x0], $0xffff;
	_ =	sdelay $0x4  }
0x6b8: {  	[tilespmem:$0x1A8F0] =	vst v1;
	v1 =	vld [tilespmem:$0x1FC90];
	_ =	sdelay $0x7  }
0x6b9: {  	v1 =	vld.idx.msk [tilespmem:v1+s23+$0x0], $0xffff;
	_ =	sdelay $0x4  }
0x6ba: {  	[tilespmem:$0x1AA80] =	vst v1;
	v1 =	vld [tilespmem:$0x1FC80];
	_ =	sdelay $0x7  }
0x6bb: {  	v1 =	vld.idx.msk [tilespmem:v1+s23+$0x0], $0xffff;
	_ =	sdelay $0x4  }
0x6bc: {  	[tilespmem:$0x1AC10] =	vst v1;
	v1 =	vld [tilespmem:$0x1FC70];
	_ =	sdelay $0x7  }
0x6bd: {  	v1 =	vld.idx.msk [tilespmem:v1+s23+$0x0], $0xffff;
	_ =	sdelay $0x4  }
0x6be: {  	[tilespmem:$0x1ADA0] =	vst v1;
	v1 =	vld [tilespmem:$0x1FC60];
	_ =	sdelay $0x7  }
0x6bf: {  	v1 =	vld.idx.msk [tilespmem:v1+s23+$0x0], $0xffff;
	_ =	sdelay $0x4  }
0x6c0: {  	[tilespmem:$0x1AF30] =	vst v1;
	v1 =	vld [tilespmem:$0x1FC50];
	_ =	sdelay $0x7  }
0x6c1: {  	v1 =	vld.idx.msk [tilespmem:v1+s23+$0x0], $0xffff;
	_ =	sdelay $0x4  }
0x6c2: {  	[tilespmem:$0x1B0C0] =	vst v1;
	v1 =	vld [tilespmem:$0x1FC40];
	_ =	sdelay $0x7  }
0x6c3: {  	v1 =	vld.idx.msk [tilespmem:v1+s23+$0x0], $0xffff;
	_ =	sdelay $0x4  }
0x6c4: {  	[tilespmem:$0x1B250] =	vst v1;
	v1 =	vld [tilespmem:$0x1FC30];
	_ =	sdelay $0x7  }
0x6c5: {  	v1 =	vld.idx.msk [tilespmem:v1+s23+$0x0], $0xffff;
	_ =	sdelay $0x4  }
0x6c6: {  	[tilespmem:$0x1B3E0] =	vst v1;
	v1 =	vld [tilespmem:$0x1FC20];
	_ =	sdelay $0x7  }
0x6c7: {  	v1 =	vld.idx.msk [tilespmem:v1+s23+$0x0], $0xffff;
	_ =	sdelay $0x4  }
0x6c8: {  	[tilespmem:$0x1B570] =	vst v1;
	v1 =	vld [tilespmem:$0x1FC10];
	_ =	sdelay $0x7  }
0x6c9: {  	v1 =	vld.idx.msk [tilespmem:v1+s23+$0x0], $0xffff;
	_ =	sdelay $0x4  }
0x6ca: {  	[tilespmem:$0x1B700] =	vst v1;
	v1 =	vld [tilespmem:$0x1FC00];
	_ =	sdelay $0x7  }
0x6cb: {  	v1 =	vld.idx.msk [tilespmem:v1+s23+$0x0], $0xffff;
	_ =	sdelay $0x4  }
0x6cc: {  	[tilespmem:$0x1B890] =	vst v1;
	v1 =	vld [tilespmem:$0x1FBF0];
	_ =	sdelay $0x7  }
0x6cd: {  	v1 =	vld.idx.msk [tilespmem:v1+s23+$0x0], $0xffff;
	_ =	sdelay $0x4  }
0x6ce: {  	[tilespmem:$0x1BA20] =	vst v1;
	v1 =	vld [tilespmem:$0x1FBE0];
	_ =	sdelay $0x7  }
0x6cf: {  	v1 =	vld.idx.msk [tilespmem:v1+s23+$0x0], $0xffff;
	_ =	sdelay $0x4  }
0x6d0: {  	[tilespmem:$0x1BBB0] =	vst v1;
	v1 =	vld [tilespmem:$0x1FBD0];
	_ =	sdelay $0x7  }
0x6d1: {  	v1 =	vld.idx.msk [tilespmem:v1+s23+$0x0], $0xffff;
	_ =	sdelay $0x4  }
0x6d2: {  	[tilespmem:$0x1BD40] =	vst v1;
	v1 =	vld [tilespmem:$0x1FBC0];
	_ =	sdelay $0x7  }
0x6d3: {  	v1 =	vld.idx.msk [tilespmem:v1+s23+$0x0], $0xffff;
	_ =	sdelay $0x4  }
0x6d4: {  	[tilespmem:$0x1BED0] =	vst v1;
	v1 =	vld [tilespmem:$0x1FBB0];
	_ =	sdelay $0x7  }
0x6d5: {  	v1 =	vld.idx.msk [tilespmem:v1+s23+$0x0], $0xffff;
	_ =	sdelay $0x4  }
0x6d6: {  	[tilespmem:$0x1C060] =	vst v1;
	v1 =	vld [tilespmem:$0x1FBA0];
	_ =	sdelay $0x7  }
0x6d7: {  	v1 =	vld.idx.msk [tilespmem:v1+s23+$0x0], $0xffff;
	_ =	sdelay $0x4  }
0x6d8: {  	[tilespmem:$0x1C1F0] =	vst v1;
	v1 =	vld [tilespmem:$0x1FB90];
	_ =	sdelay $0x7  }
0x6d9: {  	v1 =	vld.idx.msk [tilespmem:v1+s24+$0x0], $0xffff;
	_ =	sdelay $0x4  }
0x6da: {  	[tilespmem:$0x1C380] =	vst v1;
	v1 =	vld [tilespmem:$0x1FB80];
	_ =	sdelay $0x7  }
0x6db: {  	v1 =	vld.idx.msk [tilespmem:v1+s24+$0x0], $0xffff;
	_ =	sdelay $0x4  }
0x6dc: {  	[tilespmem:$0x1C510] =	vst v1;
	v1 =	vld [tilespmem:$0x1FB70];
	_ =	sdelay $0x7  }
0x6dd: {  	v1 =	vld.idx.msk [tilespmem:v1+s24+$0x0], $0xffff;
	_ =	sdelay $0x4  }
0x6de: {  	[tilespmem:$0x1C6A0] =	vst v1;
	v1 =	vld [tilespmem:$0x1FB60];
	_ =	sdelay $0x7  }
0x6df: {  	v1 =	vld.idx.msk [tilespmem:v1+s24+$0x0], $0xffff;
	_ =	sdelay $0x4  }
0x6e0: {  	[tilespmem:$0x1C830] =	vst v1;
	v1 =	vld [tilespmem:$0x1FB50];
	_ =	sdelay $0x7  }
0x6e1: {  	v1 =	vld.idx.msk [tilespmem:v1+s24+$0x0], $0xffff;
	_ =	sdelay $0x4  }
0x6e2: {  	[tilespmem:$0x1C9C0] =	vst v1;
	v1 =	vld [tilespmem:$0x1FB40];
	_ =	sdelay $0x7  }
0x6e3: {  	v1 =	vld.idx.msk [tilespmem:v1+s24+$0x0], $0xffff;
	_ =	sdelay $0x4  }
0x6e4: {  	[tilespmem:$0x1CB50] =	vst v1;
	v1 =	vld [tilespmem:$0x1FB30];
	_ =	sdelay $0x7  }
0x6e5: {  	v1 =	vld.idx.msk [tilespmem:v1+s24+$0x0], $0xffff;
	_ =	sdelay $0x4  }
0x6e6: {  	[tilespmem:$0x1CCE0] =	vst v1;
	v1 =	vld [tilespmem:$0x1FCC0];
	_ =	sdelay $0x7  }
0x6e7: {  	v1 =	vld.idx.msk [tilespmem:v1+s24+$0x0], $0xffff;
	_ =	sdelay $0x4  }
0x6e8: {  	[tilespmem:$0x1CE70] =	vst v1;
	v1 =	vld [tilespmem:$0x1FCD0];
	_ =	sdelay $0x7  }
0x6e9: {  	v1 =	vld.idx.msk [tilespmem:v1+s24+$0x0], $0xffff;
	_ =	sdelay $0x4  }
0x6ea: {  	[tilespmem:$0x1D000] =	vst v1;
	v1 =	vld [tilespmem:$0x1FCE0];
	_ =	sdelay $0x7  }
0x6eb: {  	v1 =	vld.idx.msk [tilespmem:v1+s24+$0x0], $0xffff;
	_ =	sdelay $0x4  }
0x6ec: {  	[tilespmem:$0x1D190] =	vst v1;
	v1 =	vld [tilespmem:$0x1FCF0];
	_ =	sdelay $0x7  }
0x6ed: {  	v1 =	vld.idx.msk [tilespmem:v1+s24+$0x0], $0xffff;
	_ =	sdelay $0x4  }
0x6ee: {  	[tilespmem:$0x1D320] =	vst v1;
	v1 =	vld [tilespmem:$0x1FD00];
	_ =	sdelay $0x7  }
0x6ef: {  	v1 =	vld.idx.msk [tilespmem:v1+s24+$0x0], $0xffff;
	_ =	sdelay $0x4  }
0x6f0: {  	[tilespmem:$0x1D4B0] =	vst v1;
	v1 =	vld [tilespmem:$0x1FD10];
	_ =	sdelay $0x7  }
0x6f1: {  	v1 =	vld.idx.msk [tilespmem:v1+s24+$0x0], $0xffff;
	_ =	sdelay $0x4  }
0x6f2: {  	[tilespmem:$0x1D640] =	vst v1;
	v1 =	vld [tilespmem:$0x1FD20];
	_ =	sdelay $0x7  }
0x6f3: {  	v1 =	vld.idx.msk [tilespmem:v1+s24+$0x0], $0xffff;
	_ =	sdelay $0x4  }
0x6f4: {  	[tilespmem:$0x1D7D0] =	vst v1;
	v1 =	vld [tilespmem:$0x1FD30];
	_ =	sdelay $0x7  }
0x6f5: {  	v1 =	vld.idx.msk [tilespmem:v1+s24+$0x0], $0xffff;
	_ =	sdelay $0x4  }
0x6f6: {  	[tilespmem:$0x1D960] =	vst v1;
	v1 =	vld [tilespmem:$0x1FD40];
	_ =	sdelay $0x7  }
0x6f7: {  	v1 =	vld.idx.msk [tilespmem:v1+s24+$0x0], $0xffff;
	_ =	sdelay $0x1  }
.Ltmp7:
0x6f8: {  	_ = 	snop;
	(pc) =	sbr.rel .LBB2_8-.Ltmp7, $3  }
0x6f9: {  	s31 =	smul.u32 $0x32, s31;
	_ =	sdelay $0x1  }
0x6fa: {  	v37 =	vmovc v46;
	v40 =	vmovc v18;
	v41 =	vmov v17;
	v42 =	vmov v15;
	v63 =	vmov v47;
	s0 =	sadd.s32 s5, s31;
	[tilespmem:$0x1DAF0] =	vst v1  }
0x6fb: {  	v44 =	vmovc v16;
	v58 =	vmovc v14;
	v20 =	vmov v19;
	v11 =	vmov v39;
	v10 =	vmov v38;
	v6 =	vld [tilespmem:$0x1FF80];
	[hbm4b:s0+s19] =	stream.strided.scatter [tilespmem:s25], [sflag:$0x4], $0x4B00, s20, s19, $0x38  }
.LBB2_10:
0x6fc: {  	_ =	sfence.sel $0x180000  }
0x6fd: {  	[bflag:$0x0] =	sbarrier.arrive $0xFFFF  }
0x6fe: {  	_ =	strace $0x90000047  }
0x6ff: {  	s0 =	stileid.u32;
	[bflag:$0x2] =	sbarrier.arrive $0xFFFF  }
0x700: {  	p0 =	sne.s32 s0, $0x0;
	s0 =	rddreg [dreg:$0x4]  }
0x701: {  	s0 =	sadd.s32 @!p0 $0x100000, s0  }
0x702: {  	[sflag:s0] =	ssyncadd.tile.s32 @!p0 $0x1;
	_ =	shalt  }
.Lfunc_end2:
_tile_overlayer_lowered:
.L_overlay_start_2:
0x703: {  	(tag) =	ssettag $0x2  }
0x704: {  	s0 =	rddreg [dreg:$0x0];
	s2 =	stileid.u32  }
0x705: {  	s1 =	rddreg [dreg:$0x1];
	p0 =	sne.s32 s2, $0x0  }
0x706: {  	s3 =	rddreg [dreg:$0x2];
	[bflag:$0x3] =	sbarrier.arrive $0xFFFF;
	s2 =	simm.s32 @!p0 $0x1C05  }
0x707: {  	[timem:s3], [sflag:s2] =	dma.local @!p0 [hbm:s0], s1  }
0x708: {  	s0 =	simm.s32 @!p0 $0x5  }
0x709: {  	_ =	swait.ge @!p0 [sflag:s0], s1  }
0x70a: {  	s1 =	ssub.s32 @!p0 $0x0, s1;
	[sflag:s0] =	ssyncset.done @!p0 $0x0  }
0x70b: {  	[sflag:s0] =	ssyncadd.s32 @!p0 s1  }
0x70c: {  	[bflag:$0x3] =	sbarrier.arrive $0xFFFF  }
0x70d: {  	_ =	shalt  }

</sc_bundles>
